<compile_context>
chip_gen: v7x
topology: tpu7x:2x2x1
jax: 0.10.2.dev20260603
libtpu: 0.0.44.dev20260713+nightly
codegen_flags: <defaults>
</compile_context>

<pallas_src>
import functools

import jax
import jax.numpy as jnp
from jax import lax
from jax.experimental import pallas as pl
from jax.experimental.pallas import tpu as pltpu
from jax.experimental.pallas import tpu_sc as plsc

N = 10000
E = 320000
D = 128
NC = 2
NS = 16
NW = NC * NS
CHUNK = 80
CPT = E // (NW * CHUNK)
EROWS = E // CHUNK
NPAD = 10240
RPT = NPAD // NS
ZCH = RPT // CHUNK
LANES = 16


def _make_sc_edge_aggr():
    mesh = plsc.VectorSubcoreMesh(core_axis_name="c", subcore_axis_name="s")

    @functools.partial(
        pl.kernel,
        out_type=jax.ShapeDtypeStruct((NC, NPAD, D), jnp.float32),
        mesh=mesh,
        compiler_params=pltpu.CompilerParams(use_tc_tiling_on_sc=False),
        scratch_types=[
            pltpu.VMEM_SHARED((NPAD, D), jnp.float32),
            pltpu.VMEM((2, CHUNK), jnp.int32),
            pltpu.VMEM((2, CHUNK), jnp.int32),
            pltpu.VMEM((CHUNK, D), jnp.float32),
            pltpu.VMEM((CHUNK, D), jnp.float32),
            pltpu.VMEM((CHUNK, D), jnp.float32),
            pltpu.VMEM((CHUNK, D), jnp.float32),
            pltpu.VMEM((CHUNK,), jnp.int32),
            pltpu.VMEM((CHUNK,), jnp.int32),
            pltpu.SemaphoreType.DMA,
            pltpu.SemaphoreType.DMA,
            pltpu.SemaphoreType.DMA,
            pltpu.SemaphoreType.DMA,
            pltpu.SemaphoreType.DMA,
            pltpu.SemaphoreType.DMA,
        ],
    )
    def sc_edge_aggr(h_hbm, e_hbm, ei_hbm, out_hbm,
                     aggr, idxA, idxB, hA, hB, eA, eB, dsA, dsB,
                     isA, isB, gsA, gsB, ssA, ssB):
        cid = lax.axis_index("c")
        sid = lax.axis_index("s")
        wid = cid * NS + sid
        row0 = wid * CPT

        idx = (idxA, idxB)
        hb = (hA, hB)
        eb = (eA, eB)
        dst = (dsA, dsB)
        isem = (isA, isB)
        gsem = (gsA, gsB)
        ssem = (ssA, ssB)

        @plsc.parallel_loop(0, CHUNK, unroll=4)
        def _zrow(r):
            for k in range(D // LANES):
                hA[r, pl.ds(k * LANES, LANES)] = jnp.zeros((LANES,), jnp.float32)
        for z in range(ZCH):
            pltpu.sync_copy(hA, aggr.at[pl.ds(sid * RPT + z * CHUNK, CHUNK), :])
        plsc.subcore_barrier()

        def load_idx(c, b):
            return pltpu.async_copy(ei_hbm.at[:, row0 + c, :], idx[b], isem[b])

        def issue_gather(c, b):
            pltpu.async_copy(h_hbm.at[idx[b].at[0]], hb[b], gsem[b])
            pltpu.async_copy(e_hbm.at[pl.ds((row0 + c) * CHUNK, CHUNK), :],
                             eb[b], gsem[b])

        def wait_idx(b):
            pltpu.make_async_copy(ei_hbm.at[:, 0, :], idx[b], isem[b]).wait()

        def wait_gather(b):
            pltpu.make_async_copy(h_hbm.at[idx[b].at[0]], hb[b], gsem[b]).wait()
            pltpu.make_async_copy(e_hbm.at[pl.ds(0, CHUNK), :], eb[b],
                                  gsem[b]).wait()

        def compute(b):
            @plsc.parallel_loop(0, CHUNK * (D // LANES), unroll=8)
            def _slicefn(s):
                r = s // (D // LANES)
                off = (s % (D // LANES)) * LANES
                sl = pl.ds(off, LANES)
                hb[b][r, sl] = jnp.zeros((LANES,), jnp.float32)
            for j in range(CHUNK // LANES):
                sl = pl.ds(j * LANES, LANES)
                dst[b][sl] = idx[b][1, sl]

        def wait_scatter(b):
            pltpu.make_async_copy(hb[b], aggr.at[dst[b]], ssem[b]).wait()

        load_idx(0, 0).wait()
        load_idx(1, 1)
        issue_gather(0, 0)

        def step(c, cur, nxt):
            wait_idx(nxt)

            @pl.when(c >= 1)
            def _():
                wait_scatter(nxt)
            issue_gather(c + 1, nxt)
            wait_gather(cur)
            compute(cur)
            pltpu.async_copy(hb[cur], aggr.at[dst[cur]], ssem[cur], add=True)

            @pl.when(c + 2 <= CPT - 1)
            def _():
                load_idx(c + 2, cur)

        def pair(i, carry):
            c = 2 * i
            step(c, 0, 1)
            step(c + 1, 1, 0)
            return carry
        lax.fori_loop(0, (CPT - 1) // 2, pair, 0)

        wait_gather(0)
        compute(0)
        pltpu.sync_copy(hb[0], aggr.at[dst[0]], add=True)
        wait_scatter(1)

        plsc.subcore_barrier()
        for z in range(ZCH):
            r0 = sid * RPT + z * CHUNK
            pltpu.sync_copy(aggr.at[pl.ds(r0, CHUNK), :], hA)
            pltpu.sync_copy(hA, out_hbm.at[cid, pl.ds(r0, CHUNK), :])

    return sc_edge_aggr


def _matmul_bias(x, W, b, block):
    M, K = x.shape
    _, Dout = W.shape

    def body(x_ref, w_ref, b_ref, o_ref):
        o_ref[...] = (
            jnp.dot(x_ref[...], w_ref[...], preferred_element_type=jnp.float32)
            + b_ref[...]
        )

    return pl.pallas_call(
        body,
        grid=(M // block,),
        in_specs=[
            pl.BlockSpec((block, K), lambda i: (i, 0)),
            pl.BlockSpec((K, Dout), lambda i: (0, 0)),
            pl.BlockSpec((1, Dout), lambda i: (0, 0)),
        ],
        out_specs=pl.BlockSpec((block, Dout), lambda i: (i, 0)),
        out_shape=jax.ShapeDtypeStruct((M, Dout), jnp.float32),
    )(x, W, b.reshape(1, Dout))


def _post_layer(h, a, W1, b1, W2, b2, g, be, Wo=None, bo=None, block=2000):
    with_head = Wo is not None

    def body(h_ref, a_ref, w1, b1r, w2, b2r, gr, ber, *rest):
        z = h_ref[...] + a_ref[0] + a_ref[1]
        t = jnp.maximum(
            jnp.dot(z, w1[...], preferred_element_type=jnp.float32) + b1r[...], 0.0)
        hn = jnp.dot(t, w2[...], preferred_element_type=jnp.float32) + b2r[...]
        mu = jnp.mean(hn, axis=-1, keepdims=True)
        var = jnp.mean((hn - mu) ** 2, axis=-1, keepdims=True)
        y = jnp.maximum((hn - mu) * lax.rsqrt(var + 1e-5) * gr[...] + ber[...],
                        0.0)
        if with_head:
            wo, bor, o_ref = rest
            o_ref[...] = (
                jnp.dot(y, wo[...], preferred_element_type=jnp.float32) + bor[...])
        else:
            rest[0][...] = y

    full = lambda shape: pl.BlockSpec(shape, lambda i: tuple(0 for _ in shape))
    blk = pl.BlockSpec((block, D), lambda i: (i, 0))
    ablk = pl.BlockSpec((NC, block, D), lambda i: (0, i, 0))
    in_specs = [blk, ablk,
                full((D, D)), full((1, D)), full((D, D)), full((1, D)),
                full((1, D)), full((1, D))]
    args = [h, a, W1, b1.reshape(1, D), W2, b2.reshape(1, D),
            g.reshape(1, D), be.reshape(1, D)]
    if with_head:
        in_specs += [full((D, D)), full((1, D))]
        args += [Wo, bo.reshape(1, D)]

    return pl.pallas_call(
        body,
        grid=(N // block,),
        in_specs=in_specs,
        out_specs=blk,
        out_shape=jax.ShapeDtypeStruct((N, D), jnp.float32),
    )(*args)


def kernel(x, edge_index, edge_attr, W_node, b_node, W_edge, b_edge,
           W1_0, b1_0, W2_0, b2_0, g_0, be_0,
           W1_1, b1_1, W2_1, b2_1, g_1, be_1,
           W_out, b_out):
    ei = edge_index.reshape(2, EROWS, CHUNK)

    h = _matmul_bias(x, W_node, b_node, 2000)
    e = _matmul_bias(edge_attr, W_edge, b_edge, 8000)

    sc_edge_aggr = _make_sc_edge_aggr()

    a = sc_edge_aggr(h, e, ei)
    h = _post_layer(h, a, W1_0, b1_0, W2_0, b2_0, g_0, be_0)
    a = sc_edge_aggr(h, e, ei)
    out = _post_layer(h, a, W1_1, b1_1, W2_1, b2_1, g_1, be_1,
                      W_out, b_out)
    return out

# --- scband reference (transcript-rebuilt; emitter-appended) ---
"""Pipeline reference for scband-homo-gnnedge-model-23888608100659 (READ-ONLY COPY).

The authoritative reference and input builder live on the scoring server;
editing this copy changes nothing except your own understanding.
"""

import jax, jax.numpy as jnp
import numpy as np

N = 10000
E = 320000
D = 128   # dim_inner
DE = 16   # raw edge feature dim
L = 2     # layers_mp


def _layernorm(h, g, b):
    mu = jnp.mean(h, axis=-1, keepdims=True)
    var = jnp.var(h, axis=-1, keepdims=True)
    return (h - mu) / jnp.sqrt(var + 1e-5) * g + b


def setup_inputs(seed: int = 0) -> dict:
    key = jax.random.key(seed)
    ks = jax.random.split(key, 24)
    inp = {}
    inp['x'] = jax.random.normal(ks[0], (N, D), dtype=jnp.float32)
    inp['edge_index'] = jax.random.randint(ks[1], (2, E), 0, N, dtype=jnp.int32)
    inp['edge_attr'] = jax.random.normal(ks[2], (E, DE), dtype=jnp.float32)
    s = 0.02
    # node / edge encoders (FeatureEncoder -> linear encoders to dim_inner)
    inp['W_node'] = jax.random.normal(ks[3], (D, D), dtype=jnp.float32) * s
    inp['b_node'] = jnp.zeros((D,), dtype=jnp.float32)
    inp['W_edge'] = jax.random.normal(ks[4], (DE, D), dtype=jnp.float32) * s
    inp['b_edge'] = jnp.zeros((D,), dtype=jnp.float32)
    # GINE conv layers: msg = relu(h[src] + e); aggr sum; mlp((1+eps)h + aggr); layernorm
    for i in range(L):
        inp[f'W1_{i}'] = jax.random.normal(ks[5 + 4 * i], (D, D), dtype=jnp.float32) * s
        inp[f'b1_{i}'] = jnp.zeros((D,), dtype=jnp.float32)
        inp[f'W2_{i}'] = jax.random.normal(ks[6 + 4 * i], (D, D), dtype=jnp.float32) * s
        inp[f'b2_{i}'] = jnp.zeros((D,), dtype=jnp.float32)
        inp[f'g_{i}'] = jnp.ones((D,), dtype=jnp.float32)
        inp[f'be_{i}'] = jnp.zeros((D,), dtype=jnp.float32)
    # post_mp head
    inp['W_out'] = jax.random.normal(ks[20], (D, D), dtype=jnp.float32) * s
    inp['b_out'] = jnp.zeros((D,), dtype=jnp.float32)
    return inp


def reference(x, edge_index, edge_attr, W_node, b_node, W_edge, b_edge,
              W1_0, b1_0, W2_0, b2_0, g_0, be_0,
              W1_1, b1_1, W2_1, b2_1, g_1, be_1,
              W_out, b_out):
    src = edge_index[0]
    dst = edge_index[1]
    # encoder: node + edge feature encoders
    h = x @ W_node + b_node
    e = edge_attr @ W_edge + b_edge
    layers = [(W1_0, b1_0, W2_0, b2_0, g_0, be_0),
              (W1_1, b1_1, W2_1, b2_1, g_1, be_1)]
    for (W1, b1, W2, b2, g, be) in layers:
        msg = jax.nn.relu(h[src] + e)                      # gather + add edge feats
        aggr = jax.ops.segment_sum(msg, dst, num_segments=N)  # scatter-add
        z = h + aggr                                        # GINE with eps=0
        h_new = jax.nn.relu(z @ W1 + b1) @ W2 + b2          # conv MLP
        h_new = _layernorm(h_new, g, be)
        h = jax.nn.relu(h_new)
    out = h @ W_out + b_out                                 # post_mp head
    return out

if __name__ == "__main__":
    import jax
    _d = setup_inputs()
    print(jax.jit(kernel)(*tuple(_d.values())))

</pallas_src>

<mosaic_0001>
#map = affine_map<(d0, d1) -> (0, 0)>
#map1 = affine_map<(d0, d1) -> (0, 0, 0)>
module attributes {stable_mosaic.version = 14 : i64} {
  func.func @sc_edge_aggr(%arg0: i32, %arg1: i32, %arg2: memref<10000x128xf32, #tpu.memory_space<hbm>>, %arg3: memref<320000x128xf32, #tpu.memory_space<hbm>>, %arg4: memref<2x4000x80xi32, #tpu.memory_space<hbm>>, %arg5: memref<2x10240x128xf32, #tpu.memory_space<hbm>>, %arg6: memref<10240x128xf32, #tpu.memory_space<vmem_shared>>, %arg7: memref<2x80xi32, #tpu.memory_space<vmem>>, %arg8: memref<2x80xi32, #tpu.memory_space<vmem>>, %arg9: memref<80x128xf32, #tpu.memory_space<vmem>>, %arg10: memref<80x128xf32, #tpu.memory_space<vmem>>, %arg11: memref<80x128xf32, #tpu.memory_space<vmem>>, %arg12: memref<80x128xf32, #tpu.memory_space<vmem>>, %arg13: memref<80xi32, #tpu.memory_space<vmem>>, %arg14: memref<80xi32, #tpu.memory_space<vmem>>, %arg15: memref<!tpu.dma_semaphore, #tpu.memory_space<semaphore_mem>>, %arg16: memref<!tpu.dma_semaphore, #tpu.memory_space<semaphore_mem>>, %arg17: memref<!tpu.dma_semaphore, #tpu.memory_space<semaphore_mem>>, %arg18: memref<!tpu.dma_semaphore, #tpu.memory_space<semaphore_mem>>, %arg19: memref<!tpu.dma_semaphore, #tpu.memory_space<semaphore_mem>>, %arg20: memref<!tpu.dma_semaphore, #tpu.memory_space<semaphore_mem>>) attributes {dimension_semantics = [#tpu.dimension_semantics<core_parallel>, #tpu.dimension_semantics<subcore_parallel>], iteration_bounds = array<i64: 2, 16>, scalar_prefetch = 0 : i64, scratch_operands = 15 : i64, tpu.core_type = #tpu.core_type<sc_vector_subcore>, window_params = [{transform_indices = #map}, {transform_indices = #map}, {transform_indices = #map1}, {transform_indices = #map1}]} {
    %mul3A = arith.constant 16 : i32
    %mul3A_0 = arith.muli %arg0, %mul3A : i32
    %add3A = arith.addi %mul3A_0, %arg1 : i32
    %mul3A_1 = arith.constant 125 : i32
    %mul3A_2 = arith.muli %add3A, %mul3A_1 : i32
    %parallel_loop3A = arith.constant 0 : i32
    %parallel_loop3A_3 = arith.constant 80 : i32
    %parallel_loop3A_4 = arith.constant 1 : i32
    scf.for %parallel_loop3A_178 = %parallel_loop3A to %parallel_loop3A_3 step %parallel_loop3A_4  : i32 {
      %parallel_loop3A_179 = arith.constant 0.000000e+00 : f32
      %parallel_loop3A_180 = vector.broadcast %parallel_loop3A_179 : f32 to vector<16xf32>
      %parallel_loop3A_181 = arith.index_cast %parallel_loop3A_178 : i32 to index
      %parallel_loop3A_182 = arith.constant 0 : index
      %parallel_loop3A_183 = tpu.vector_load %arg9[%parallel_loop3A_181, %parallel_loop3A_182] {strides = array<i32>} : memref<80x128xf32, #tpu.memory_space<vmem>>, vector<1x16xf32>,
      %parallel_loop3A_184 = vector.shape_cast %parallel_loop3A_183 : vector<1x16xf32> to vector<16xf32>
      %parallel_loop3A_185 = vector.shape_cast %parallel_loop3A_180 : vector<16xf32> to vector<1x16xf32>
      tpu.vector_store %arg9[%parallel_loop3A_181, %parallel_loop3A_182], %parallel_loop3A_185 {strides = array<i32>} : memref<80x128xf32, #tpu.memory_space<vmem>>, vector<1x16xf32>,
      %parallel_loop3A_186 = arith.constant 0.000000e+00 : f32
      %parallel_loop3A_187 = vector.broadcast %parallel_loop3A_186 : f32 to vector<16xf32>
      %parallel_loop3A_188 = arith.index_cast %parallel_loop3A_178 : i32 to index
      %parallel_loop3A_189 = arith.constant 16 : index
      %parallel_loop3A_190 = tpu.vector_load %arg9[%parallel_loop3A_188, %parallel_loop3A_189] {strides = array<i32>} : memref<80x128xf32, #tpu.memory_space<vmem>>, vector<1x16xf32>,
      %parallel_loop3A_191 = vector.shape_cast %parallel_loop3A_190 : vector<1x16xf32> to vector<16xf32>
      %parallel_loop3A_192 = vector.shape_cast %parallel_loop3A_187 : vector<16xf32> to vector<1x16xf32>
      tpu.vector_store %arg9[%parallel_loop3A_188, %parallel_loop3A_189], %parallel_loop3A_192 {strides = array<i32>} : memref<80x128xf32, #tpu.memory_space<vmem>>, vector<1x16xf32>,
      %parallel_loop3A_193 = arith.constant 0.000000e+00 : f32
      %parallel_loop3A_194 = vector.broadcast %parallel_loop3A_193 : f32 to vector<16xf32>
      %parallel_loop3A_195 = arith.index_cast %parallel_loop3A_178 : i32 to index
      %parallel_loop3A_196 = arith.constant 32 : index
      %parallel_loop3A_197 = tpu.vector_load %arg9[%parallel_loop3A_195, %parallel_loop3A_196] {strides = array<i32>} : memref<80x128xf32, #tpu.memory_space<vmem>>, vector<1x16xf32>,
      %parallel_loop3A_198 = vector.shape_cast %parallel_loop3A_197 : vector<1x16xf32> to vector<16xf32>
      %parallel_loop3A_199 = vector.shape_cast %parallel_loop3A_194 : vector<16xf32> to vector<1x16xf32>
      tpu.vector_store %arg9[%parallel_loop3A_195, %parallel_loop3A_196], %parallel_loop3A_199 {strides = array<i32>} : memref<80x128xf32, #tpu.memory_space<vmem>>, vector<1x16xf32>,
      %parallel_loop3A_200 = arith.constant 0.000000e+00 : f32
      %parallel_loop3A_201 = vector.broadcast %parallel_loop3A_200 : f32 to vector<16xf32>
      %parallel_loop3A_202 = arith.index_cast %parallel_loop3A_178 : i32 to index
      %parallel_loop3A_203 = arith.constant 48 : index
      %parallel_loop3A_204 = tpu.vector_load %arg9[%parallel_loop3A_202, %parallel_loop3A_203] {strides = array<i32>} : memref<80x128xf32, #tpu.memory_space<vmem>>, vector<1x16xf32>,
      %parallel_loop3A_205 = vector.shape_cast %parallel_loop3A_204 : vector<1x16xf32> to vector<16xf32>
      %parallel_loop3A_206 = vector.shape_cast %parallel_loop3A_201 : vector<16xf32> to vector<1x16xf32>
      tpu.vector_store %arg9[%parallel_loop3A_202, %parallel_loop3A_203], %parallel_loop3A_206 {strides = array<i32>} : memref<80x128xf32, #tpu.memory_space<vmem>>, vector<1x16xf32>,
      %parallel_loop3A_207 = arith.constant 0.000000e+00 : f32
      %parallel_loop3A_208 = vector.broadcast %parallel_loop3A_207 : f32 to vector<16xf32>
      %parallel_loop3A_209 = arith.index_cast %parallel_loop3A_178 : i32 to index
      %parallel_loop3A_210 = arith.constant 64 : index
      %parallel_loop3A_211 = tpu.vector_load %arg9[%parallel_loop3A_209, %parallel_loop3A_210] {strides = array<i32>} : memref<80x128xf32, #tpu.memory_space<vmem>>, vector<1x16xf32>,
      %parallel_loop3A_212 = vector.shape_cast %parallel_loop3A_211 : vector<1x16xf32> to vector<16xf32>
      %parallel_loop3A_213 = vector.shape_cast %parallel_loop3A_208 : vector<16xf32> to vector<1x16xf32>
      tpu.vector_store %arg9[%parallel_loop3A_209, %parallel_loop3A_210], %parallel_loop3A_213 {strides = array<i32>} : memref<80x128xf32, #tpu.memory_space<vmem>>, vector<1x16xf32>,
      %parallel_loop3A_214 = arith.constant 0.000000e+00 : f32
      %parallel_loop3A_215 = vector.broadcast %parallel_loop3A_214 : f32 to vector<16xf32>
      %parallel_loop3A_216 = arith.index_cast %parallel_loop3A_178 : i32 to index
      %parallel_loop3A_217 = arith.constant 80 : index
      %parallel_loop3A_218 = tpu.vector_load %arg9[%parallel_loop3A_216, %parallel_loop3A_217] {strides = array<i32>} : memref<80x128xf32, #tpu.memory_space<vmem>>, vector<1x16xf32>,
      %parallel_loop3A_219 = vector.shape_cast %parallel_loop3A_218 : vector<1x16xf32> to vector<16xf32>
      %parallel_loop3A_220 = vector.shape_cast %parallel_loop3A_215 : vector<16xf32> to vector<1x16xf32>
      tpu.vector_store %arg9[%parallel_loop3A_216, %parallel_loop3A_217], %parallel_loop3A_220 {strides = array<i32>} : memref<80x128xf32, #tpu.memory_space<vmem>>, vector<1x16xf32>,
      %parallel_loop3A_221 = arith.constant 0.000000e+00 : f32
      %parallel_loop3A_222 = vector.broadcast %parallel_loop3A_221 : f32 to vector<16xf32>
      %parallel_loop3A_223 = arith.index_cast %parallel_loop3A_178 : i32 to index
      %parallel_loop3A_224 = arith.constant 96 : index
      %parallel_loop3A_225 = tpu.vector_load %arg9[%parallel_loop3A_223, %parallel_loop3A_224] {strides = array<i32>} : memref<80x128xf32, #tpu.memory_space<vmem>>, vector<1x16xf32>,
      %parallel_loop3A_226 = vector.shape_cast %parallel_loop3A_225 : vector<1x16xf32> to vector<16xf32>
      %parallel_loop3A_227 = vector.shape_cast %parallel_loop3A_222 : vector<16xf32> to vector<1x16xf32>
      tpu.vector_store %arg9[%parallel_loop3A_223, %parallel_loop3A_224], %parallel_loop3A_227 {strides = array<i32>} : memref<80x128xf32, #tpu.memory_space<vmem>>, vector<1x16xf32>,
      %parallel_loop3A_228 = arith.constant 0.000000e+00 : f32
      %parallel_loop3A_229 = vector.broadcast %parallel_loop3A_228 : f32 to vector<16xf32>
      %parallel_loop3A_230 = arith.index_cast %parallel_loop3A_178 : i32 to index
      %parallel_loop3A_231 = arith.constant 112 : index
      %parallel_loop3A_232 = tpu.vector_load %arg9[%parallel_loop3A_230, %parallel_loop3A_231] {strides = array<i32>} : memref<80x128xf32, #tpu.memory_space<vmem>>, vector<1x16xf32>,
      %parallel_loop3A_233 = vector.shape_cast %parallel_loop3A_232 : vector<1x16xf32> to vector<16xf32>
      %parallel_loop3A_234 = vector.shape_cast %parallel_loop3A_229 : vector<16xf32> to vector<1x16xf32>
      tpu.vector_store %arg9[%parallel_loop3A_230, %parallel_loop3A_231], %parallel_loop3A_234 {strides = array<i32>} : memref<80x128xf32, #tpu.memory_space<vmem>>, vector<1x16xf32>,
    } {sc.loop_unroll_factor = 4 : i64, sc.parallel_access}
    %mul3A_5 = arith.constant 640 : i32
    %mul3A_6 = arith.muli %arg1, %mul3A_5 : i32
    %add3A_7 = arith.constant 0 : i32
    %add3A_8 = arith.addi %mul3A_6, %add3A_7 : i32
    "tpu.region"() ({
      %run_scoped3A = tpu.sem_alloc : memref<!tpu.dma_semaphore, #tpu.memory_space<semaphore_mem>>
      %dma_start3A_178 = arith.constant 0 : i32
      %dma_start3A_179 = tpu.memref_slice %arg6[%add3A_8, %dma_start3A_178] : memref<10240x128xf32, #tpu.memory_space<vmem_shared>> -> memref<80x128xf32, #tpu.memory_space<vmem_shared>>
      %dma_start3A_180 = arith.constant 0 : i32
      %dma_start3A_181 = tpu.memref_slice %arg6[%add3A_8, %dma_start3A_180] : memref<10240x128xf32, #tpu.memory_space<vmem_shared>> -> memref<80x128xf32, #tpu.memory_space<vmem_shared>>
      tpu.enqueue_dma source(%arg9 : memref<80x128xf32, #tpu.memory_space<vmem>>) target(%dma_start3A_181 : memref<80x128xf32, #tpu.memory_space<vmem_shared>>) target_semaphore(%run_scoped3A : memref<!tpu.dma_semaphore, #tpu.memory_space<semaphore_mem>>)
      %dma_wait3A_182 = arith.constant 0 : i32
      %dma_wait3A_183 = tpu.memref_slice %arg6[%add3A_8, %dma_wait3A_182] : memref<10240x128xf32, #tpu.memory_space<vmem_shared>> -> memref<80x128xf32, #tpu.memory_space<vmem_shared>>
      %dma_wait3A_184 = arith.constant 0 : i32
      %dma_wait3A_185 = tpu.memref_slice %arg6[%add3A_8, %dma_wait3A_184] : memref<10240x128xf32, #tpu.memory_space<vmem_shared>> -> memref<80x128xf32, #tpu.memory_space<vmem_shared>>
      tpu.wait_dma2 semaphore(%run_scoped3A : memref<!tpu.dma_semaphore, #tpu.memory_space<semaphore_mem>>) src(%arg9 : memref<80x128xf32, #tpu.memory_space<vmem>>) dst(%dma_wait3A_185 : memref<80x128xf32, #tpu.memory_space<vmem_shared>>)
      tpu.yield
    }) : () -> ()
    %mul3A_9 = arith.constant 640 : i32
    %mul3A_10 = arith.muli %arg1, %mul3A_9 : i32
    %add3A_11 = arith.constant 80 : i32
    %add3A_12 = arith.addi %mul3A_10, %add3A_11 : i32
    "tpu.region"() ({
      %run_scoped3A = tpu.sem_alloc : memref<!tpu.dma_semaphore, #tpu.memory_space<semaphore_mem>>
      %dma_start3A_178 = arith.constant 0 : i32
      %dma_start3A_179 = tpu.memref_slice %arg6[%add3A_12, %dma_start3A_178] : memref<10240x128xf32, #tpu.memory_space<vmem_shared>> -> memref<80x128xf32, #tpu.memory_space<vmem_shared>>
      %dma_start3A_180 = arith.constant 0 : i32
      %dma_start3A_181 = tpu.memref_slice %arg6[%add3A_12, %dma_start3A_180] : memref<10240x128xf32, #tpu.memory_space<vmem_shared>> -> memref<80x128xf32, #tpu.memory_space<vmem_shared>>
      tpu.enqueue_dma source(%arg9 : memref<80x128xf32, #tpu.memory_space<vmem>>) target(%dma_start3A_181 : memref<80x128xf32, #tpu.memory_space<vmem_shared>>) target_semaphore(%run_scoped3A : memref<!tpu.dma_semaphore, #tpu.memory_space<semaphore_mem>>)
      %dma_wait3A_182 = arith.constant 0 : i32
      %dma_wait3A_183 = tpu.memref_slice %arg6[%add3A_12, %dma_wait3A_182] : memref<10240x128xf32, #tpu.memory_space<vmem_shared>> -> memref<80x128xf32, #tpu.memory_space<vmem_shared>>
      %dma_wait3A_184 = arith.constant 0 : i32
      %dma_wait3A_185 = tpu.memref_slice %arg6[%add3A_12, %dma_wait3A_184] : memref<10240x128xf32, #tpu.memory_space<vmem_shared>> -> memref<80x128xf32, #tpu.memory_space<vmem_shared>>
      tpu.wait_dma2 semaphore(%run_scoped3A : memref<!tpu.dma_semaphore, #tpu.memory_space<semaphore_mem>>) src(%arg9 : memref<80x128xf32, #tpu.memory_space<vmem>>) dst(%dma_wait3A_185 : memref<80x128xf32, #tpu.memory_space<vmem_shared>>)
      tpu.yield
    }) : () -> ()
    %mul3A_13 = arith.constant 640 : i32
    %mul3A_14 = arith.muli %arg1, %mul3A_13 : i32
    %add3A_15 = arith.constant 160 : i32
    %add3A_16 = arith.addi %mul3A_14, %add3A_15 : i32
    "tpu.region"() ({
      %run_scoped3A = tpu.sem_alloc : memref<!tpu.dma_semaphore, #tpu.memory_space<semaphore_mem>>
      %dma_start3A_178 = arith.constant 0 : i32
      %dma_start3A_179 = tpu.memref_slice %arg6[%add3A_16, %dma_start3A_178] : memref<10240x128xf32, #tpu.memory_space<vmem_shared>> -> memref<80x128xf32, #tpu.memory_space<vmem_shared>>
      %dma_start3A_180 = arith.constant 0 : i32
      %dma_start3A_181 = tpu.memref_slice %arg6[%add3A_16, %dma_start3A_180] : memref<10240x128xf32, #tpu.memory_space<vmem_shared>> -> memref<80x128xf32, #tpu.memory_space<vmem_shared>>
      tpu.enqueue_dma source(%arg9 : memref<80x128xf32, #tpu.memory_space<vmem>>) target(%dma_start3A_181 : memref<80x128xf32, #tpu.memory_space<vmem_shared>>) target_semaphore(%run_scoped3A : memref<!tpu.dma_semaphore, #tpu.memory_space<semaphore_mem>>)
      %dma_wait3A_182 = arith.constant 0 : i32
      %dma_wait3A_183 = tpu.memref_slice %arg6[%add3A_16, %dma_wait3A_182] : memref<10240x128xf32, #tpu.memory_space<vmem_shared>> -> memref<80x128xf32, #tpu.memory_space<vmem_shared>>
      %dma_wait3A_184 = arith.constant 0 : i32
      %dma_wait3A_185 = tpu.memref_slice %arg6[%add3A_16, %dma_wait3A_184] : memref<10240x128xf32, #tpu.memory_space<vmem_shared>> -> memref<80x128xf32, #tpu.memory_space<vmem_shared>>
      tpu.wait_dma2 semaphore(%run_scoped3A : memref<!tpu.dma_semaphore, #tpu.memory_space<semaphore_mem>>) src(%arg9 : memref<80x128xf32, #tpu.memory_space<vmem>>) dst(%dma_wait3A_185 : memref<80x128xf32, #tpu.memory_space<vmem_shared>>)
      tpu.yield
    }) : () -> ()
    %mul3A_17 = arith.constant 640 : i32
    %mul3A_18 = arith.muli %arg1, %mul3A_17 : i32
    %add3A_19 = arith.constant 240 : i32
    %add3A_20 = arith.addi %mul3A_18, %add3A_19 : i32
    "tpu.region"() ({
      %run_scoped3A = tpu.sem_alloc : memref<!tpu.dma_semaphore, #tpu.memory_space<semaphore_mem>>
      %dma_start3A_178 = arith.constant 0 : i32
      %dma_start3A_179 = tpu.memref_slice %arg6[%add3A_20, %dma_start3A_178] : memref<10240x128xf32, #tpu.memory_space<vmem_shared>> -> memref<80x128xf32, #tpu.memory_space<vmem_shared>>
      %dma_start3A_180 = arith.constant 0 : i32
      %dma_start3A_181 = tpu.memref_slice %arg6[%add3A_20, %dma_start3A_180] : memref<10240x128xf32, #tpu.memory_space<vmem_shared>> -> memref<80x128xf32, #tpu.memory_space<vmem_shared>>
      tpu.enqueue_dma source(%arg9 : memref<80x128xf32, #tpu.memory_space<vmem>>) target(%dma_start3A_181 : memref<80x128xf32, #tpu.memory_space<vmem_shared>>) target_semaphore(%run_scoped3A : memref<!tpu.dma_semaphore, #tpu.memory_space<semaphore_mem>>)
      %dma_wait3A_182 = arith.constant 0 : i32
      %dma_wait3A_183 = tpu.memref_slice %arg6[%add3A_20, %dma_wait3A_182] : memref<10240x128xf32, #tpu.memory_space<vmem_shared>> -> memref<80x128xf32, #tpu.memory_space<vmem_shared>>
      %dma_wait3A_184 = arith.constant 0 : i32
      %dma_wait3A_185 = tpu.memref_slice %arg6[%add3A_20, %dma_wait3A_184] : memref<10240x128xf32, #tpu.memory_space<vmem_shared>> -> memref<80x128xf32, #tpu.memory_space<vmem_shared>>
      tpu.wait_dma2 semaphore(%run_scoped3A : memref<!tpu.dma_semaphore, #tpu.memory_space<semaphore_mem>>) src(%arg9 : memref<80x128xf32, #tpu.memory_space<vmem>>) dst(%dma_wait3A_185 : memref<80x128xf32, #tpu.memory_space<vmem_shared>>)
      tpu.yield
    }) : () -> ()
    %mul3A_21 = arith.constant 640 : i32
    %mul3A_22 = arith.muli %arg1, %mul3A_21 : i32
    %add3A_23 = arith.constant 320 : i32
    %add3A_24 = arith.addi %mul3A_22, %add3A_23 : i32
    "tpu.region"() ({
      %run_scoped3A = tpu.sem_alloc : memref<!tpu.dma_semaphore, #tpu.memory_space<semaphore_mem>>
      %dma_start3A_178 = arith.constant 0 : i32
      %dma_start3A_179 = tpu.memref_slice %arg6[%add3A_24, %dma_start3A_178] : memref<10240x128xf32, #tpu.memory_space<vmem_shared>> -> memref<80x128xf32, #tpu.memory_space<vmem_shared>>
      %dma_start3A_180 = arith.constant 0 : i32
      %dma_start3A_181 = tpu.memref_slice %arg6[%add3A_24, %dma_start3A_180] : memref<10240x128xf32, #tpu.memory_space<vmem_shared>> -> memref<80x128xf32, #tpu.memory_space<vmem_shared>>
      tpu.enqueue_dma source(%arg9 : memref<80x128xf32, #tpu.memory_space<vmem>>) target(%dma_start3A_181 : memref<80x128xf32, #tpu.memory_space<vmem_shared>>) target_semaphore(%run_scoped3A : memref<!tpu.dma_semaphore, #tpu.memory_space<semaphore_mem>>)
      %dma_wait3A_182 = arith.constant 0 : i32
      %dma_wait3A_183 = tpu.memref_slice %arg6[%add3A_24, %dma_wait3A_182] : memref<10240x128xf32, #tpu.memory_space<vmem_shared>> -> memref<80x128xf32, #tpu.memory_space<vmem_shared>>
      %dma_wait3A_184 = arith.constant 0 : i32
      %dma_wait3A_185 = tpu.memref_slice %arg6[%add3A_24, %dma_wait3A_184] : memref<10240x128xf32, #tpu.memory_space<vmem_shared>> -> memref<80x128xf32, #tpu.memory_space<vmem_shared>>
      tpu.wait_dma2 semaphore(%run_scoped3A : memref<!tpu.dma_semaphore, #tpu.memory_space<semaphore_mem>>) src(%arg9 : memref<80x128xf32, #tpu.memory_space<vmem>>) dst(%dma_wait3A_185 : memref<80x128xf32, #tpu.memory_space<vmem_shared>>)
      tpu.yield
    }) : () -> ()
    %mul3A_25 = arith.constant 640 : i32
    %mul3A_26 = arith.muli %arg1, %mul3A_25 : i32
    %add3A_27 = arith.constant 400 : i32
    %add3A_28 = arith.addi %mul3A_26, %add3A_27 : i32
    "tpu.region"() ({
      %run_scoped3A = tpu.sem_alloc : memref<!tpu.dma_semaphore, #tpu.memory_space<semaphore_mem>>
      %dma_start3A_178 = arith.constant 0 : i32
      %dma_start3A_179 = tpu.memref_slice %arg6[%add3A_28, %dma_start3A_178] : memref<10240x128xf32, #tpu.memory_space<vmem_shared>> -> memref<80x128xf32, #tpu.memory_space<vmem_shared>>
      %dma_start3A_180 = arith.constant 0 : i32
      %dma_start3A_181 = tpu.memref_slice %arg6[%add3A_28, %dma_start3A_180] : memref<10240x128xf32, #tpu.memory_space<vmem_shared>> -> memref<80x128xf32, #tpu.memory_space<vmem_shared>>
      tpu.enqueue_dma source(%arg9 : memref<80x128xf32, #tpu.memory_space<vmem>>) target(%dma_start3A_181 : memref<80x128xf32, #tpu.memory_space<vmem_shared>>) target_semaphore(%run_scoped3A : memref<!tpu.dma_semaphore, #tpu.memory_space<semaphore_mem>>)
      %dma_wait3A_182 = arith.constant 0 : i32
      %dma_wait3A_183 = tpu.memref_slice %arg6[%add3A_28, %dma_wait3A_182] : memref<10240x128xf32, #tpu.memory_space<vmem_shared>> -> memref<80x128xf32, #tpu.memory_space<vmem_shared>>
      %dma_wait3A_184 = arith.constant 0 : i32
      %dma_wait3A_185 = tpu.memref_slice %arg6[%add3A_28, %dma_wait3A_184] : memref<10240x128xf32, #tpu.memory_space<vmem_shared>> -> memref<80x128xf32, #tpu.memory_space<vmem_shared>>
      tpu.wait_dma2 semaphore(%run_scoped3A : memref<!tpu.dma_semaphore, #tpu.memory_space<semaphore_mem>>) src(%arg9 : memref<80x128xf32, #tpu.memory_space<vmem>>) dst(%dma_wait3A_185 : memref<80x128xf32, #tpu.memory_space<vmem_shared>>)
      tpu.yield
    }) : () -> ()
    %mul3A_29 = arith.constant 640 : i32
    %mul3A_30 = arith.muli %arg1, %mul3A_29 : i32
    %add3A_31 = arith.constant 480 : i32
    %add3A_32 = arith.addi %mul3A_30, %add3A_31 : i32
    "tpu.region"() ({
      %run_scoped3A = tpu.sem_alloc : memref<!tpu.dma_semaphore, #tpu.memory_space<semaphore_mem>>
      %dma_start3A_178 = arith.constant 0 : i32
      %dma_start3A_179 = tpu.memref_slice %arg6[%add3A_32, %dma_start3A_178] : memref<10240x128xf32, #tpu.memory_space<vmem_shared>> -> memref<80x128xf32, #tpu.memory_space<vmem_shared>>
      %dma_start3A_180 = arith.constant 0 : i32
      %dma_start3A_181 = tpu.memref_slice %arg6[%add3A_32, %dma_start3A_180] : memref<10240x128xf32, #tpu.memory_space<vmem_shared>> -> memref<80x128xf32, #tpu.memory_space<vmem_shared>>
      tpu.enqueue_dma source(%arg9 : memref<80x128xf32, #tpu.memory_space<vmem>>) target(%dma_start3A_181 : memref<80x128xf32, #tpu.memory_space<vmem_shared>>) target_semaphore(%run_scoped3A : memref<!tpu.dma_semaphore, #tpu.memory_space<semaphore_mem>>)
      %dma_wait3A_182 = arith.constant 0 : i32
      %dma_wait3A_183 = tpu.memref_slice %arg6[%add3A_32, %dma_wait3A_182] : memref<10240x128xf32, #tpu.memory_space<vmem_shared>> -> memref<80x128xf32, #tpu.memory_space<vmem_shared>>
      %dma_wait3A_184 = arith.constant 0 : i32
      %dma_wait3A_185 = tpu.memref_slice %arg6[%add3A_32, %dma_wait3A_184] : memref<10240x128xf32, #tpu.memory_space<vmem_shared>> -> memref<80x128xf32, #tpu.memory_space<vmem_shared>>
      tpu.wait_dma2 semaphore(%run_scoped3A : memref<!tpu.dma_semaphore, #tpu.memory_space<semaphore_mem>>) src(%arg9 : memref<80x128xf32, #tpu.memory_space<vmem>>) dst(%dma_wait3A_185 : memref<80x128xf32, #tpu.memory_space<vmem_shared>>)
      tpu.yield
    }) : () -> ()
    %mul3A_33 = arith.constant 640 : i32
    %mul3A_34 = arith.muli %arg1, %mul3A_33 : i32
    %add3A_35 = arith.constant 560 : i32
    %add3A_36 = arith.addi %mul3A_34, %add3A_35 : i32
    "tpu.region"() ({
      %run_scoped3A = tpu.sem_alloc : memref<!tpu.dma_semaphore, #tpu.memory_space<semaphore_mem>>
      %dma_start3A_178 = arith.constant 0 : i32
      %dma_start3A_179 = tpu.memref_slice %arg6[%add3A_36, %dma_start3A_178] : memref<10240x128xf32, #tpu.memory_space<vmem_shared>> -> memref<80x128xf32, #tpu.memory_space<vmem_shared>>
      %dma_start3A_180 = arith.constant 0 : i32
      %dma_start3A_181 = tpu.memref_slice %arg6[%add3A_36, %dma_start3A_180] : memref<10240x128xf32, #tpu.memory_space<vmem_shared>> -> memref<80x128xf32, #tpu.memory_space<vmem_shared>>
      tpu.enqueue_dma source(%arg9 : memref<80x128xf32, #tpu.memory_space<vmem>>) target(%dma_start3A_181 : memref<80x128xf32, #tpu.memory_space<vmem_shared>>) target_semaphore(%run_scoped3A : memref<!tpu.dma_semaphore, #tpu.memory_space<semaphore_mem>>)
      %dma_wait3A_182 = arith.constant 0 : i32
      %dma_wait3A_183 = tpu.memref_slice %arg6[%add3A_36, %dma_wait3A_182] : memref<10240x128xf32, #tpu.memory_space<vmem_shared>> -> memref<80x128xf32, #tpu.memory_space<vmem_shared>>
      %dma_wait3A_184 = arith.constant 0 : i32
      %dma_wait3A_185 = tpu.memref_slice %arg6[%add3A_36, %dma_wait3A_184] : memref<10240x128xf32, #tpu.memory_space<vmem_shared>> -> memref<80x128xf32, #tpu.memory_space<vmem_shared>>
      tpu.wait_dma2 semaphore(%run_scoped3A : memref<!tpu.dma_semaphore, #tpu.memory_space<semaphore_mem>>) src(%arg9 : memref<80x128xf32, #tpu.memory_space<vmem>>) dst(%dma_wait3A_185 : memref<80x128xf32, #tpu.memory_space<vmem_shared>>)
      tpu.yield
    }) : () -> ()
    %barrier3A = arith.constant 0 : index
    tpu.barrier barrier_id(%barrier3A)
    %add3A_37 = arith.constant 0 : i32
    %add3A_38 = arith.addi %mul3A_2, %add3A_37 : i32
    %dma_start3A = arith.constant 0 : i32
    %dma_start3A_39 = arith.constant 0 : i32
    %dma_start3A_40 = tpu.memref_slice %arg4[%dma_start3A, %add3A_38, %dma_start3A_39] : memref<2x4000x80xi32, #tpu.memory_space<hbm>> -> memref<2x1x80xi32, #tpu.memory_space<hbm>>
    %dma_start3A_41 = tpu.memref_squeeze %dma_start3A_40 : memref<2x1x80xi32, #tpu.memory_space<hbm>> -> memref<2x80xi32, #tpu.memory_space<hbm>>
    %dma_start3A_42 = arith.constant 0 : i32
    %dma_start3A_43 = arith.constant 0 : i32
    %dma_start3A_44 = tpu.memref_slice %arg4[%dma_start3A_42, %add3A_38, %dma_start3A_43] : memref<2x4000x80xi32, #tpu.memory_space<hbm>> -> memref<2x1x80xi32, #tpu.memory_space<hbm>>
    %dma_start3A_45 = tpu.memref_squeeze %dma_start3A_44 : memref<2x1x80xi32, #tpu.memory_space<hbm>> -> memref<2x80xi32, #tpu.memory_space<hbm>>
    tpu.enqueue_dma source(%dma_start3A_45 : memref<2x80xi32, #tpu.memory_space<hbm>>) target(%arg7 : memref<2x80xi32, #tpu.memory_space<vmem>>) target_semaphore(%arg15 : memref<!tpu.dma_semaphore, #tpu.memory_space<semaphore_mem>>)
    %dma_wait3A = arith.constant 0 : i32
    %dma_wait3A_46 = arith.constant 0 : i32
    %dma_wait3A_47 = tpu.memref_slice %arg4[%dma_wait3A, %add3A_38, %dma_wait3A_46] : memref<2x4000x80xi32, #tpu.memory_space<hbm>> -> memref<2x1x80xi32, #tpu.memory_space<hbm>>
    %dma_wait3A_48 = tpu.memref_squeeze %dma_wait3A_47 : memref<2x1x80xi32, #tpu.memory_space<hbm>> -> memref<2x80xi32, #tpu.memory_space<hbm>>
    %dma_wait3A_49 = arith.constant 0 : i32
    %dma_wait3A_50 = arith.constant 0 : i32
    %dma_wait3A_51 = tpu.memref_slice %arg4[%dma_wait3A_49, %add3A_38, %dma_wait3A_50] : memref<2x4000x80xi32, #tpu.memory_space<hbm>> -> memref<2x1x80xi32, #tpu.memory_space<hbm>>
    %dma_wait3A_52 = tpu.memref_squeeze %dma_wait3A_51 : memref<2x1x80xi32, #tpu.memory_space<hbm>> -> memref<2x80xi32, #tpu.memory_space<hbm>>
    tpu.wait_dma2 semaphore(%arg15 : memref<!tpu.dma_semaphore, #tpu.memory_space<semaphore_mem>>) src(%dma_wait3A_52 : memref<2x80xi32, #tpu.memory_space<hbm>>) dst(%arg7 : memref<2x80xi32, #tpu.memory_space<vmem>>)
    %add3A_53 = arith.constant 1 : i32
    %add3A_54 = arith.addi %mul3A_2, %add3A_53 : i32
    %dma_start3A_55 = arith.constant 0 : i32
    %dma_start3A_56 = arith.constant 0 : i32
    %dma_start3A_57 = tpu.memref_slice %arg4[%dma_start3A_55, %add3A_54, %dma_start3A_56] : memref<2x4000x80xi32, #tpu.memory_space<hbm>> -> memref<2x1x80xi32, #tpu.memory_space<hbm>>
    %dma_start3A_58 = tpu.memref_squeeze %dma_start3A_57 : memref<2x1x80xi32, #tpu.memory_space<hbm>> -> memref<2x80xi32, #tpu.memory_space<hbm>>
    %dma_start3A_59 = arith.constant 0 : i32
    %dma_start3A_60 = arith.constant 0 : i32
    %dma_start3A_61 = tpu.memref_slice %arg4[%dma_start3A_59, %add3A_54, %dma_start3A_60] : memref<2x4000x80xi32, #tpu.memory_space<hbm>> -> memref<2x1x80xi32, #tpu.memory_space<hbm>>
    %dma_start3A_62 = tpu.memref_squeeze %dma_start3A_61 : memref<2x1x80xi32, #tpu.memory_space<hbm>> -> memref<2x80xi32, #tpu.memory_space<hbm>>
    tpu.enqueue_dma source(%dma_start3A_62 : memref<2x80xi32, #tpu.memory_space<hbm>>) target(%arg8 : memref<2x80xi32, #tpu.memory_space<vmem>>) target_semaphore(%arg16 : memref<!tpu.dma_semaphore, #tpu.memory_space<semaphore_mem>>)
    %dma_start3A_63 = arith.constant 0 : i32
    %dma_start3A_64 = arith.constant 0 : i32
    %dma_start3A_65 = tpu.memref_slice %arg7[%dma_start3A_63, %dma_start3A_64] : memref<2x80xi32, #tpu.memory_space<vmem>> -> memref<1x80xi32, #tpu.memory_space<vmem>>
    %dma_start3A_66 = tpu.memref_squeeze %dma_start3A_65 : memref<1x80xi32, #tpu.memory_space<vmem>> -> memref<80xi32, #tpu.memory_space<vmem>>
    %dma_start3A_67 = arith.constant 0 : i32
    %dma_start3A_68 = arith.constant 0 : i32
    %dma_start3A_69 = tpu.memref_slice %arg2[%dma_start3A_67, %dma_start3A_68] : memref<10000x128xf32, #tpu.memory_space<hbm>> -> memref<10000x128xf32, #tpu.memory_space<hbm>>
    tpu.enqueue_indirect_dma source(%dma_start3A_69 : memref<10000x128xf32, #tpu.memory_space<hbm>>) target(%arg9 : memref<80x128xf32, #tpu.memory_space<vmem>>) offsets(%dma_start3A_66 : memref<80xi32, #tpu.memory_space<vmem>>) semaphore(%arg17 : memref<!tpu.dma_semaphore, #tpu.memory_space<semaphore_mem>>)
    %add3A_70 = arith.constant 0 : i32
    %add3A_71 = arith.addi %mul3A_2, %add3A_70 : i32
    %mul3A_72 = arith.constant 80 : i32
    %mul3A_73 = arith.muli %add3A_71, %mul3A_72 : i32
    %dma_start3A_74 = arith.constant 0 : i32
    %dma_start3A_75 = tpu.memref_slice %arg3[%mul3A_73, %dma_start3A_74] : memref<320000x128xf32, #tpu.memory_space<hbm>> -> memref<80x128xf32, #tpu.memory_space<hbm>>
    %dma_start3A_76 = arith.constant 0 : i32
    %dma_start3A_77 = tpu.memref_slice %arg3[%mul3A_73, %dma_start3A_76] : memref<320000x128xf32, #tpu.memory_space<hbm>> -> memref<80x128xf32, #tpu.memory_space<hbm>>
    tpu.enqueue_dma source(%dma_start3A_77 : memref<80x128xf32, #tpu.memory_space<hbm>>) target(%arg11 : memref<80x128xf32, #tpu.memory_space<vmem>>) target_semaphore(%arg17 : memref<!tpu.dma_semaphore, #tpu.memory_space<semaphore_mem>>)
    %scan3A = arith.constant 0 : i32
    %scan3A_78 = arith.constant 0 : i32
    %scan3A_79 = arith.constant 62 : i32
    %scan3A_80 = arith.addi %scan3A_78, %scan3A_79 : i32
    %scan3A_81 = arith.constant 1 : i32
    scf.for %scan3A_178 = %scan3A_78 to %scan3A_80 step %scan3A_81  : i32 {
      %mul3A_179 = arith.constant 2 : i32
      %mul3A_180 = arith.muli %mul3A_179, %scan3A_178 : i32
      %dma_wait3A_181 = arith.constant 0 : i32
      %dma_wait3A_182 = arith.constant 0 : i32
      %dma_wait3A_183 = arith.constant 0 : i32
      %dma_wait3A_184 = tpu.memref_slice %arg4[%dma_wait3A_182, %dma_wait3A_181, %dma_wait3A_183] : memref<2x4000x80xi32, #tpu.memory_space<hbm>> -> memref<2x1x80xi32, #tpu.memory_space<hbm>>
      %dma_wait3A_185 = tpu.memref_squeeze %dma_wait3A_184 : memref<2x1x80xi32, #tpu.memory_space<hbm>> -> memref<2x80xi32, #tpu.memory_space<hbm>>
      %dma_wait3A_186 = arith.constant 0 : i32
      %dma_wait3A_187 = arith.constant 0 : i32
      %dma_wait3A_188 = tpu.memref_slice %arg4[%dma_wait3A_186, %dma_wait3A_181, %dma_wait3A_187] : memref<2x4000x80xi32, #tpu.memory_space<hbm>> -> memref<2x1x80xi32, #tpu.memory_space<hbm>>
      %dma_wait3A_189 = tpu.memref_squeeze %dma_wait3A_188 : memref<2x1x80xi32, #tpu.memory_space<hbm>> -> memref<2x80xi32, #tpu.memory_space<hbm>>
      tpu.wait_dma2 semaphore(%arg16 : memref<!tpu.dma_semaphore, #tpu.memory_space<semaphore_mem>>) src(%dma_wait3A_189 : memref<2x80xi32, #tpu.memory_space<hbm>>) dst(%arg8 : memref<2x80xi32, #tpu.memory_space<vmem>>)
      %ge3A = arith.constant 1 : i32
      %ge3A_190 = arith.cmpi sge, %mul3A_180, %ge3A : i32
      %convert_element_type3A = arith.extui %ge3A_190 : i1 to i32
      %cond3A = arith.constant 0 : i32
      %cond3A_191 = arith.cmpi ne, %convert_element_type3A, %cond3A : i32
      scf.if %cond3A_191 {
        %dma_wait3A_381 = arith.constant 0 : i32
        %dma_wait3A_382 = arith.constant 0 : i32
        %dma_wait3A_383 = tpu.memref_slice %arg6[%dma_wait3A_381, %dma_wait3A_382] : memref<10240x128xf32, #tpu.memory_space<vmem_shared>> -> memref<10240x128xf32, #tpu.memory_space<vmem_shared>>
        tpu.wait_indirect_dma semaphore(%arg20 : memref<!tpu.dma_semaphore, #tpu.memory_space<semaphore_mem>>) src(%arg10 : memref<80x128xf32, #tpu.memory_space<vmem>>) dst(%dma_wait3A_383 : memref<10240x128xf32, #tpu.memory_space<vmem_shared>>)
      } else {
      }
      %add3A_192 = arith.constant 1 : i32
      %add3A_193 = arith.addi %mul3A_180, %add3A_192 : i32
      %dma_start3A_194 = arith.constant 0 : i32
      %dma_start3A_195 = arith.constant 0 : i32
      %dma_start3A_196 = tpu.memref_slice %arg8[%dma_start3A_194, %dma_start3A_195] : memref<2x80xi32, #tpu.memory_space<vmem>> -> memref<1x80xi32, #tpu.memory_space<vmem>>
      %dma_start3A_197 = tpu.memref_squeeze %dma_start3A_196 : memref<1x80xi32, #tpu.memory_space<vmem>> -> memref<80xi32, #tpu.memory_space<vmem>>
      %dma_start3A_198 = arith.constant 0 : i32
      %dma_start3A_199 = arith.constant 0 : i32
      %dma_start3A_200 = tpu.memref_slice %arg2[%dma_start3A_198, %dma_start3A_199] : memref<10000x128xf32, #tpu.memory_space<hbm>> -> memref<10000x128xf32, #tpu.memory_space<hbm>>
      tpu.enqueue_indirect_dma source(%dma_start3A_200 : memref<10000x128xf32, #tpu.memory_space<hbm>>) target(%arg10 : memref<80x128xf32, #tpu.memory_space<vmem>>) offsets(%dma_start3A_197 : memref<80xi32, #tpu.memory_space<vmem>>) semaphore(%arg18 : memref<!tpu.dma_semaphore, #tpu.memory_space<semaphore_mem>>)
      %add3A_201 = arith.addi %mul3A_2, %add3A_193 : i32
      %mul3A_202 = arith.constant 80 : i32
      %mul3A_203 = arith.muli %add3A_201, %mul3A_202 : i32
      %dma_start3A_204 = arith.constant 0 : i32
      %dma_start3A_205 = tpu.memref_slice %arg3[%mul3A_203, %dma_start3A_204] : memref<320000x128xf32, #tpu.memory_space<hbm>> -> memref<80x128xf32, #tpu.memory_space<hbm>>
      %dma_start3A_206 = arith.constant 0 : i32
      %dma_start3A_207 = tpu.memref_slice %arg3[%mul3A_203, %dma_start3A_206] : memref<320000x128xf32, #tpu.memory_space<hbm>> -> memref<80x128xf32, #tpu.memory_space<hbm>>
      tpu.enqueue_dma source(%dma_start3A_207 : memref<80x128xf32, #tpu.memory_space<hbm>>) target(%arg12 : memref<80x128xf32, #tpu.memory_space<vmem>>) target_semaphore(%arg18 : memref<!tpu.dma_semaphore, #tpu.memory_space<semaphore_mem>>)
      %dma_wait3A_208 = arith.constant 0 : i32
      %dma_wait3A_209 = arith.constant 0 : i32
      %dma_wait3A_210 = tpu.memref_slice %arg7[%dma_wait3A_208, %dma_wait3A_209] : memref<2x80xi32, #tpu.memory_space<vmem>> -> memref<1x80xi32, #tpu.memory_space<vmem>>
      %dma_wait3A_211 = tpu.memref_squeeze %dma_wait3A_210 : memref<1x80xi32, #tpu.memory_space<vmem>> -> memref<80xi32, #tpu.memory_space<vmem>>
      %dma_wait3A_212 = arith.constant 0 : i32
      %dma_wait3A_213 = arith.constant 0 : i32
      %dma_wait3A_214 = tpu.memref_slice %arg2[%dma_wait3A_212, %dma_wait3A_213] : memref<10000x128xf32, #tpu.memory_space<hbm>> -> memref<10000x128xf32, #tpu.memory_space<hbm>>
      tpu.wait_indirect_dma semaphore(%arg17 : memref<!tpu.dma_semaphore, #tpu.memory_space<semaphore_mem>>) src(%dma_wait3A_214 : memref<10000x128xf32, #tpu.memory_space<hbm>>) dst(%arg9 : memref<80x128xf32, #tpu.memory_space<vmem>>)
      %dma_wait3A_215 = arith.constant 0 : i32
      %dma_wait3A_216 = arith.constant 0 : i32
      %dma_wait3A_217 = tpu.memref_slice %arg3[%dma_wait3A_215, %dma_wait3A_216] : memref<320000x128xf32, #tpu.memory_space<hbm>> -> memref<80x128xf32, #tpu.memory_space<hbm>>
      %dma_wait3A_218 = arith.constant 0 : i32
      %dma_wait3A_219 = arith.constant 0 : i32
      %dma_wait3A_220 = tpu.memref_slice %arg3[%dma_wait3A_218, %dma_wait3A_219] : memref<320000x128xf32, #tpu.memory_space<hbm>> -> memref<80x128xf32, #tpu.memory_space<hbm>>
      tpu.wait_dma2 semaphore(%arg17 : memref<!tpu.dma_semaphore, #tpu.memory_space<semaphore_mem>>) src(%dma_wait3A_220 : memref<80x128xf32, #tpu.memory_space<hbm>>) dst(%arg11 : memref<80x128xf32, #tpu.memory_space<vmem>>)
      %parallel_loop3A_221 = arith.constant 0 : i32
      %parallel_loop3A_222 = arith.constant 640 : i32
      %parallel_loop3A_223 = arith.constant 1 : i32
      scf.for %parallel_loop3A_381 = %parallel_loop3A_221 to %parallel_loop3A_222 step %parallel_loop3A_223  : i32 {
        %parallel_loop3A_382 = arith.constant 8 : i32
        %parallel_loop3A_383 = arith.divsi %parallel_loop3A_381, %parallel_loop3A_382 : i32
        %parallel_loop3A_384 = arith.constant 0 : i32
        %parallel_loop3A_385 = arith.cmpi sgt, %parallel_loop3A_381, %parallel_loop3A_384 : i32
        %parallel_loop3A_386 = arith.extui %parallel_loop3A_385 : i1 to i32
        %parallel_loop3A_387 = arith.constant 0 : i32
        %parallel_loop3A_388 = arith.cmpi slt, %parallel_loop3A_381, %parallel_loop3A_387 : i32
        %parallel_loop3A_389 = arith.extui %parallel_loop3A_388 : i1 to i32
        %parallel_loop3A_390 = arith.subi %parallel_loop3A_386, %parallel_loop3A_389 : i32
        %parallel_loop3A_391 = arith.constant 0 : i32
        %parallel_loop3A_392 = arith.cmpi sgt, %parallel_loop3A_382, %parallel_loop3A_391 : i32
        %parallel_loop3A_393 = arith.extui %parallel_loop3A_392 : i1 to i32
        %parallel_loop3A_394 = arith.constant 0 : i32
        %parallel_loop3A_395 = arith.cmpi slt, %parallel_loop3A_382, %parallel_loop3A_394 : i32
        %parallel_loop3A_396 = arith.extui %parallel_loop3A_395 : i1 to i32
        %parallel_loop3A_397 = arith.subi %parallel_loop3A_393, %parallel_loop3A_396 : i32
        %parallel_loop3A_398 = arith.cmpi ne, %parallel_loop3A_390, %parallel_loop3A_397 : i32
        %parallel_loop3A_399 = arith.remsi %parallel_loop3A_381, %parallel_loop3A_382 : i32
        %parallel_loop3A_400 = arith.constant 0 : i32
        %parallel_loop3A_401 = arith.cmpi ne, %parallel_loop3A_399, %parallel_loop3A_400 : i32
        %parallel_loop3A_402 = arith.andi %parallel_loop3A_398, %parallel_loop3A_401 : i1
        %parallel_loop3A_403 = arith.constant 1 : i32
        %parallel_loop3A_404 = arith.subi %parallel_loop3A_383, %parallel_loop3A_403 : i32
        %parallel_loop3A_405 = arith.select %parallel_loop3A_402, %parallel_loop3A_404, %parallel_loop3A_383 : i32
        %parallel_loop3A_406 = arith.constant 8 : i32
        %parallel_loop3A_407 = arith.constant 0 : i32
        %parallel_loop3A_408 = arith.cmpi eq, %parallel_loop3A_406, %parallel_loop3A_407 : i32
        %parallel_loop3A_409 = arith.constant 1 : i32
        %parallel_loop3A_410 = arith.select %parallel_loop3A_408, %parallel_loop3A_409, %parallel_loop3A_406 : i32
        %parallel_loop3A_411 = arith.remsi %parallel_loop3A_381, %parallel_loop3A_410 : i32
        %parallel_loop3A_412 = arith.constant 0 : i32
        %parallel_loop3A_413 = arith.cmpi ne, %parallel_loop3A_411, %parallel_loop3A_412 : i32
        %parallel_loop3A_414 = arith.constant 0 : i32
        %parallel_loop3A_415 = arith.cmpi slt, %parallel_loop3A_411, %parallel_loop3A_414 : i32
        %parallel_loop3A_416 = arith.constant 0 : i32
        %parallel_loop3A_417 = arith.cmpi slt, %parallel_loop3A_410, %parallel_loop3A_416 : i32
        %parallel_loop3A_418 = arith.xori %parallel_loop3A_415, %parallel_loop3A_417 : i1
        %parallel_loop3A_419 = arith.andi %parallel_loop3A_418, %parallel_loop3A_413 : i1
        %parallel_loop3A_420 = arith.addi %parallel_loop3A_411, %parallel_loop3A_410 : i32
        %parallel_loop3A_421 = arith.select %parallel_loop3A_419, %parallel_loop3A_420, %parallel_loop3A_411 : i32
        %parallel_loop3A_422 = arith.constant 16 : i32
        %parallel_loop3A_423 = arith.muli %parallel_loop3A_421, %parallel_loop3A_422 : i32
        %parallel_loop3A_424 = arith.constant 0.000000e+00 : f32
        %parallel_loop3A_425 = vector.broadcast %parallel_loop3A_424 : f32 to vector<16xf32>
        %parallel_loop3A_426 = arith.index_cast %parallel_loop3A_405 : i32 to index
        %parallel_loop3A_427 = arith.index_cast %parallel_loop3A_423 : i32 to index
        %parallel_loop3A_428 = tpu.vector_load %arg9[%parallel_loop3A_426, %parallel_loop3A_427] {strides = array<i32>} : memref<80x128xf32, #tpu.memory_space<vmem>>, vector<1x16xf32>,
        %parallel_loop3A_429 = vector.shape_cast %parallel_loop3A_428 : vector<1x16xf32> to vector<16xf32>
        %parallel_loop3A_430 = vector.shape_cast %parallel_loop3A_425 : vector<16xf32> to vector<1x16xf32>
        tpu.vector_store %arg9[%parallel_loop3A_426, %parallel_loop3A_427], %parallel_loop3A_430 {strides = array<i32>} : memref<80x128xf32, #tpu.memory_space<vmem>>, vector<1x16xf32>,
      } {sc.loop_unroll_factor = 8 : i64, sc.parallel_access}
      %get3A_224 = arith.constant 1 : i32
      %get3A_225 = arith.index_cast %get3A_224 : i32 to index
      %get3A_226 = arith.constant 0 : index
      %get3A_227 = tpu.vector_load %arg7[%get3A_225, %get3A_226] {strides = array<i32>} : memref<2x80xi32, #tpu.memory_space<vmem>>, vector<1x16xi32>,
      %get3A_228 = vector.shape_cast %get3A_227 : vector<1x16xi32> to vector<16xi32>
      %swap3A_229 = arith.constant 0 : index
      %swap3A_230 = tpu.vector_load %arg13[%swap3A_229] {strides = array<i32>} : memref<80xi32, #tpu.memory_space<vmem>>, vector<16xi32>,
      %swap3A_231 = vector.shape_cast %swap3A_230 : vector<16xi32> to vector<16xi32>
      %swap3A_232 = vector.shape_cast %get3A_228 : vector<16xi32> to vector<16xi32>
      tpu.vector_store %arg13[%swap3A_229], %swap3A_232 {strides = array<i32>} : memref<80xi32, #tpu.memory_space<vmem>>, vector<16xi32>,
      %get3A_233 = arith.constant 1 : i32
      %get3A_234 = arith.index_cast %get3A_233 : i32 to index
      %get3A_235 = arith.constant 16 : index
      %get3A_236 = tpu.vector_load %arg7[%get3A_234, %get3A_235] {strides = array<i32>} : memref<2x80xi32, #tpu.memory_space<vmem>>, vector<1x16xi32>,
      %get3A_237 = vector.shape_cast %get3A_236 : vector<1x16xi32> to vector<16xi32>
      %swap3A_238 = arith.constant 16 : index
      %swap3A_239 = tpu.vector_load %arg13[%swap3A_238] {strides = array<i32>} : memref<80xi32, #tpu.memory_space<vmem>>, vector<16xi32>,
      %swap3A_240 = vector.shape_cast %swap3A_239 : vector<16xi32> to vector<16xi32>
      %swap3A_241 = vector.shape_cast %get3A_237 : vector<16xi32> to vector<16xi32>
      tpu.vector_store %arg13[%swap3A_238], %swap3A_241 {strides = array<i32>} : memref<80xi32, #tpu.memory_space<vmem>>, vector<16xi32>,
      %get3A_242 = arith.constant 1 : i32
      %get3A_243 = arith.index_cast %get3A_242 : i32 to index
      %get3A_244 = arith.constant 32 : index
      %get3A_245 = tpu.vector_load %arg7[%get3A_243, %get3A_244] {strides = array<i32>} : memref<2x80xi32, #tpu.memory_space<vmem>>, vector<1x16xi32>,
      %get3A_246 = vector.shape_cast %get3A_245 : vector<1x16xi32> to vector<16xi32>
      %swap3A_247 = arith.constant 32 : index
      %swap3A_248 = tpu.vector_load %arg13[%swap3A_247] {strides = array<i32>} : memref<80xi32, #tpu.memory_space<vmem>>, vector<16xi32>,
      %swap3A_249 = vector.shape_cast %swap3A_248 : vector<16xi32> to vector<16xi32>
      %swap3A_250 = vector.shape_cast %get3A_246 : vector<16xi32> to vector<16xi32>
      tpu.vector_store %arg13[%swap3A_247], %swap3A_250 {strides = array<i32>} : memref<80xi32, #tpu.memory_space<vmem>>, vector<16xi32>,
      %get3A_251 = arith.constant 1 : i32
      %get3A_252 = arith.index_cast %get3A_251 : i32 to index
      %get3A_253 = arith.constant 48 : index
      %get3A_254 = tpu.vector_load %arg7[%get3A_252, %get3A_253] {strides = array<i32>} : memref<2x80xi32, #tpu.memory_space<vmem>>, vector<1x16xi32>,
      %get3A_255 = vector.shape_cast %get3A_254 : vector<1x16xi32> to vector<16xi32>
      %swap3A_256 = arith.constant 48 : index
      %swap3A_257 = tpu.vector_load %arg13[%swap3A_256] {strides = array<i32>} : memref<80xi32, #tpu.memory_space<vmem>>, vector<16xi32>,
      %swap3A_258 = vector.shape_cast %swap3A_257 : vector<16xi32> to vector<16xi32>
      %swap3A_259 = vector.shape_cast %get3A_255 : vector<16xi32> to vector<16xi32>
      tpu.vector_store %arg13[%swap3A_256], %swap3A_259 {strides = array<i32>} : memref<80xi32, #tpu.memory_space<vmem>>, vector<16xi32>,
      %get3A_260 = arith.constant 1 : i32
      %get3A_261 = arith.index_cast %get3A_260 : i32 to index
      %get3A_262 = arith.constant 64 : index
      %get3A_263 = tpu.vector_load %arg7[%get3A_261, %get3A_262] {strides = array<i32>} : memref<2x80xi32, #tpu.memory_space<vmem>>, vector<1x16xi32>,
      %get3A_264 = vector.shape_cast %get3A_263 : vector<1x16xi32> to vector<16xi32>
      %swap3A_265 = arith.constant 64 : index
      %swap3A_266 = tpu.vector_load %arg13[%swap3A_265] {strides = array<i32>} : memref<80xi32, #tpu.memory_space<vmem>>, vector<16xi32>,
      %swap3A_267 = vector.shape_cast %swap3A_266 : vector<16xi32> to vector<16xi32>
      %swap3A_268 = vector.shape_cast %get3A_264 : vector<16xi32> to vector<16xi32>
      tpu.vector_store %arg13[%swap3A_265], %swap3A_268 {strides = array<i32>} : memref<80xi32, #tpu.memory_space<vmem>>, vector<16xi32>,
      %dma_start3A_269 = arith.constant 0 : i32
      %dma_start3A_270 = arith.constant 0 : i32
      %dma_start3A_271 = tpu.memref_slice %arg6[%dma_start3A_269, %dma_start3A_270] : memref<10240x128xf32, #tpu.memory_space<vmem_shared>> -> memref<10240x128xf32, #tpu.memory_space<vmem_shared>>
      tpu.enqueue_indirect_dma source(%arg9 : memref<80x128xf32, #tpu.memory_space<vmem>>) target(%dma_start3A_271 : memref<10240x128xf32, #tpu.memory_space<vmem_shared>>) offsets(%arg13 : memref<80xi32, #tpu.memory_space<vmem>>) semaphore(%arg19 : memref<!tpu.dma_semaphore, #tpu.memory_space<semaphore_mem>>) {add = true}
      %add3A_272 = arith.constant 2 : i32
      %add3A_273 = arith.addi %mul3A_180, %add3A_272 : i32
      %le3A = arith.constant 124 : i32
      %le3A_274 = arith.cmpi sle, %add3A_273, %le3A : i32
      %convert_element_type3A_275 = arith.extui %le3A_274 : i1 to i32
      %cond3A_276 = arith.constant 0 : i32
      %cond3A_277 = arith.cmpi ne, %convert_element_type3A_275, %cond3A_276 : i32
      scf.if %cond3A_277 {
        %add3A_381 = arith.constant 2 : i32
        %add3A_382 = arith.addi %mul3A_180, %add3A_381 : i32
        %add3A_383 = arith.addi %mul3A_2, %add3A_382 : i32
        %dma_start3A_384 = arith.constant 0 : i32
        %dma_start3A_385 = arith.constant 0 : i32
        %dma_start3A_386 = tpu.memref_slice %arg4[%dma_start3A_384, %add3A_383, %dma_start3A_385] : memref<2x4000x80xi32, #tpu.memory_space<hbm>> -> memref<2x1x80xi32, #tpu.memory_space<hbm>>
        %dma_start3A_387 = tpu.memref_squeeze %dma_start3A_386 : memref<2x1x80xi32, #tpu.memory_space<hbm>> -> memref<2x80xi32, #tpu.memory_space<hbm>>
        %dma_start3A_388 = arith.constant 0 : i32
        %dma_start3A_389 = arith.constant 0 : i32
        %dma_start3A_390 = tpu.memref_slice %arg4[%dma_start3A_388, %add3A_383, %dma_start3A_389] : memref<2x4000x80xi32, #tpu.memory_space<hbm>> -> memref<2x1x80xi32, #tpu.memory_space<hbm>>
        %dma_start3A_391 = tpu.memref_squeeze %dma_start3A_390 : memref<2x1x80xi32, #tpu.memory_space<hbm>> -> memref<2x80xi32, #tpu.memory_space<hbm>>
        tpu.enqueue_dma source(%dma_start3A_391 : memref<2x80xi32, #tpu.memory_space<hbm>>) target(%arg7 : memref<2x80xi32, #tpu.memory_space<vmem>>) target_semaphore(%arg15 : memref<!tpu.dma_semaphore, #tpu.memory_space<semaphore_mem>>)
      } else {
      }
      %add3A_278 = arith.constant 1 : i32
      %add3A_279 = arith.addi %mul3A_180, %add3A_278 : i32
      %dma_wait3A_280 = arith.constant 0 : i32
      %dma_wait3A_281 = arith.constant 0 : i32
      %dma_wait3A_282 = arith.constant 0 : i32
      %dma_wait3A_283 = tpu.memref_slice %arg4[%dma_wait3A_281, %dma_wait3A_280, %dma_wait3A_282] : memref<2x4000x80xi32, #tpu.memory_space<hbm>> -> memref<2x1x80xi32, #tpu.memory_space<hbm>>
      %dma_wait3A_284 = tpu.memref_squeeze %dma_wait3A_283 : memref<2x1x80xi32, #tpu.memory_space<hbm>> -> memref<2x80xi32, #tpu.memory_space<hbm>>
      %dma_wait3A_285 = arith.constant 0 : i32
      %dma_wait3A_286 = arith.constant 0 : i32
      %dma_wait3A_287 = tpu.memref_slice %arg4[%dma_wait3A_285, %dma_wait3A_280, %dma_wait3A_286] : memref<2x4000x80xi32, #tpu.memory_space<hbm>> -> memref<2x1x80xi32, #tpu.memory_space<hbm>>
      %dma_wait3A_288 = tpu.memref_squeeze %dma_wait3A_287 : memref<2x1x80xi32, #tpu.memory_space<hbm>> -> memref<2x80xi32, #tpu.memory_space<hbm>>
      tpu.wait_dma2 semaphore(%arg15 : memref<!tpu.dma_semaphore, #tpu.memory_space<semaphore_mem>>) src(%dma_wait3A_288 : memref<2x80xi32, #tpu.memory_space<hbm>>) dst(%arg7 : memref<2x80xi32, #tpu.memory_space<vmem>>)
      %ge3A_289 = arith.constant 1 : i32
      %ge3A_290 = arith.cmpi sge, %add3A_279, %ge3A_289 : i32
      %convert_element_type3A_291 = arith.extui %ge3A_290 : i1 to i32
      %cond3A_292 = arith.constant 0 : i32
      %cond3A_293 = arith.cmpi ne, %convert_element_type3A_291, %cond3A_292 : i32
      scf.if %cond3A_293 {
        %dma_wait3A_381 = arith.constant 0 : i32
        %dma_wait3A_382 = arith.constant 0 : i32
        %dma_wait3A_383 = tpu.memref_slice %arg6[%dma_wait3A_381, %dma_wait3A_382] : memref<10240x128xf32, #tpu.memory_space<vmem_shared>> -> memref<10240x128xf32, #tpu.memory_space<vmem_shared>>
        tpu.wait_indirect_dma semaphore(%arg19 : memref<!tpu.dma_semaphore, #tpu.memory_space<semaphore_mem>>) src(%arg9 : memref<80x128xf32, #tpu.memory_space<vmem>>) dst(%dma_wait3A_383 : memref<10240x128xf32, #tpu.memory_space<vmem_shared>>)
      } else {
      }
      %add3A_294 = arith.constant 1 : i32
      %add3A_295 = arith.addi %add3A_279, %add3A_294 : i32
      %dma_start3A_296 = arith.constant 0 : i32
      %dma_start3A_297 = arith.constant 0 : i32
      %dma_start3A_298 = tpu.memref_slice %arg7[%dma_start3A_296, %dma_start3A_297] : memref<2x80xi32, #tpu.memory_space<vmem>> -> memref<1x80xi32, #tpu.memory_space<vmem>>
      %dma_start3A_299 = tpu.memref_squeeze %dma_start3A_298 : memref<1x80xi32, #tpu.memory_space<vmem>> -> memref<80xi32, #tpu.memory_space<vmem>>
      %dma_start3A_300 = arith.constant 0 : i32
      %dma_start3A_301 = arith.constant 0 : i32
      %dma_start3A_302 = tpu.memref_slice %arg2[%dma_start3A_300, %dma_start3A_301] : memref<10000x128xf32, #tpu.memory_space<hbm>> -> memref<10000x128xf32, #tpu.memory_space<hbm>>
      tpu.enqueue_indirect_dma source(%dma_start3A_302 : memref<10000x128xf32, #tpu.memory_space<hbm>>) target(%arg9 : memref<80x128xf32, #tpu.memory_space<vmem>>) offsets(%dma_start3A_299 : memref<80xi32, #tpu.memory_space<vmem>>) semaphore(%arg17 : memref<!tpu.dma_semaphore, #tpu.memory_space<semaphore_mem>>)
      %add3A_303 = arith.addi %mul3A_2, %add3A_295 : i32
      %mul3A_304 = arith.constant 80 : i32
      %mul3A_305 = arith.muli %add3A_303, %mul3A_304 : i32
      %dma_start3A_306 = arith.constant 0 : i32
      %dma_start3A_307 = tpu.memref_slice %arg3[%mul3A_305, %dma_start3A_306] : memref<320000x128xf32, #tpu.memory_space<hbm>> -> memref<80x128xf32, #tpu.memory_space<hbm>>
      %dma_start3A_308 = arith.constant 0 : i32
      %dma_start3A_309 = tpu.memref_slice %arg3[%mul3A_305, %dma_start3A_308] : memref<320000x128xf32, #tpu.memory_space<hbm>> -> memref<80x128xf32, #tpu.memory_space<hbm>>
      tpu.enqueue_dma source(%dma_start3A_309 : memref<80x128xf32, #tpu.memory_space<hbm>>) target(%arg11 : memref<80x128xf32, #tpu.memory_space<vmem>>) target_semaphore(%arg17 : memref<!tpu.dma_semaphore, #tpu.memory_space<semaphore_mem>>)
      %dma_wait3A_310 = arith.constant 0 : i32
      %dma_wait3A_311 = arith.constant 0 : i32
      %dma_wait3A_312 = tpu.memref_slice %arg8[%dma_wait3A_310, %dma_wait3A_311] : memref<2x80xi32, #tpu.memory_space<vmem>> -> memref<1x80xi32, #tpu.memory_space<vmem>>
      %dma_wait3A_313 = tpu.memref_squeeze %dma_wait3A_312 : memref<1x80xi32, #tpu.memory_space<vmem>> -> memref<80xi32, #tpu.memory_space<vmem>>
      %dma_wait3A_314 = arith.constant 0 : i32
      %dma_wait3A_315 = arith.constant 0 : i32
      %dma_wait3A_316 = tpu.memref_slice %arg2[%dma_wait3A_314, %dma_wait3A_315] : memref<10000x128xf32, #tpu.memory_space<hbm>> -> memref<10000x128xf32, #tpu.memory_space<hbm>>
      tpu.wait_indirect_dma semaphore(%arg18 : memref<!tpu.dma_semaphore, #tpu.memory_space<semaphore_mem>>) src(%dma_wait3A_316 : memref<10000x128xf32, #tpu.memory_space<hbm>>) dst(%arg10 : memref<80x128xf32, #tpu.memory_space<vmem>>)
      %dma_wait3A_317 = arith.constant 0 : i32
      %dma_wait3A_318 = arith.constant 0 : i32
      %dma_wait3A_319 = tpu.memref_slice %arg3[%dma_wait3A_317, %dma_wait3A_318] : memref<320000x128xf32, #tpu.memory_space<hbm>> -> memref<80x128xf32, #tpu.memory_space<hbm>>
      %dma_wait3A_320 = arith.constant 0 : i32
      %dma_wait3A_321 = arith.constant 0 : i32
      %dma_wait3A_322 = tpu.memref_slice %arg3[%dma_wait3A_320, %dma_wait3A_321] : memref<320000x128xf32, #tpu.memory_space<hbm>> -> memref<80x128xf32, #tpu.memory_space<hbm>>
      tpu.wait_dma2 semaphore(%arg18 : memref<!tpu.dma_semaphore, #tpu.memory_space<semaphore_mem>>) src(%dma_wait3A_322 : memref<80x128xf32, #tpu.memory_space<hbm>>) dst(%arg12 : memref<80x128xf32, #tpu.memory_space<vmem>>)
      %parallel_loop3A_323 = arith.constant 0 : i32
      %parallel_loop3A_324 = arith.constant 640 : i32
      %parallel_loop3A_325 = arith.constant 1 : i32
      scf.for %parallel_loop3A_381 = %parallel_loop3A_323 to %parallel_loop3A_324 step %parallel_loop3A_325  : i32 {
        %parallel_loop3A_382 = arith.constant 8 : i32
        %parallel_loop3A_383 = arith.divsi %parallel_loop3A_381, %parallel_loop3A_382 : i32
        %parallel_loop3A_384 = arith.constant 0 : i32
        %parallel_loop3A_385 = arith.cmpi sgt, %parallel_loop3A_381, %parallel_loop3A_384 : i32
        %parallel_loop3A_386 = arith.extui %parallel_loop3A_385 : i1 to i32
        %parallel_loop3A_387 = arith.constant 0 : i32
        %parallel_loop3A_388 = arith.cmpi slt, %parallel_loop3A_381, %parallel_loop3A_387 : i32
        %parallel_loop3A_389 = arith.extui %parallel_loop3A_388 : i1 to i32
        %parallel_loop3A_390 = arith.subi %parallel_loop3A_386, %parallel_loop3A_389 : i32
        %parallel_loop3A_391 = arith.constant 0 : i32
        %parallel_loop3A_392 = arith.cmpi sgt, %parallel_loop3A_382, %parallel_loop3A_391 : i32
        %parallel_loop3A_393 = arith.extui %parallel_loop3A_392 : i1 to i32
        %parallel_loop3A_394 = arith.constant 0 : i32
        %parallel_loop3A_395 = arith.cmpi slt, %parallel_loop3A_382, %parallel_loop3A_394 : i32
        %parallel_loop3A_396 = arith.extui %parallel_loop3A_395 : i1 to i32
        %parallel_loop3A_397 = arith.subi %parallel_loop3A_393, %parallel_loop3A_396 : i32
        %parallel_loop3A_398 = arith.cmpi ne, %parallel_loop3A_390, %parallel_loop3A_397 : i32
        %parallel_loop3A_399 = arith.remsi %parallel_loop3A_381, %parallel_loop3A_382 : i32
        %parallel_loop3A_400 = arith.constant 0 : i32
        %parallel_loop3A_401 = arith.cmpi ne, %parallel_loop3A_399, %parallel_loop3A_400 : i32
        %parallel_loop3A_402 = arith.andi %parallel_loop3A_398, %parallel_loop3A_401 : i1
        %parallel_loop3A_403 = arith.constant 1 : i32
        %parallel_loop3A_404 = arith.subi %parallel_loop3A_383, %parallel_loop3A_403 : i32
        %parallel_loop3A_405 = arith.select %parallel_loop3A_402, %parallel_loop3A_404, %parallel_loop3A_383 : i32
        %parallel_loop3A_406 = arith.constant 8 : i32
        %parallel_loop3A_407 = arith.constant 0 : i32
        %parallel_loop3A_408 = arith.cmpi eq, %parallel_loop3A_406, %parallel_loop3A_407 : i32
        %parallel_loop3A_409 = arith.constant 1 : i32
        %parallel_loop3A_410 = arith.select %parallel_loop3A_408, %parallel_loop3A_409, %parallel_loop3A_406 : i32
        %parallel_loop3A_411 = arith.remsi %parallel_loop3A_381, %parallel_loop3A_410 : i32
        %parallel_loop3A_412 = arith.constant 0 : i32
        %parallel_loop3A_413 = arith.cmpi ne, %parallel_loop3A_411, %parallel_loop3A_412 : i32
        %parallel_loop3A_414 = arith.constant 0 : i32
        %parallel_loop3A_415 = arith.cmpi slt, %parallel_loop3A_411, %parallel_loop3A_414 : i32
        %parallel_loop3A_416 = arith.constant 0 : i32
        %parallel_loop3A_417 = arith.cmpi slt, %parallel_loop3A_410, %parallel_loop3A_416 : i32
        %parallel_loop3A_418 = arith.xori %parallel_loop3A_415, %parallel_loop3A_417 : i1
        %parallel_loop3A_419 = arith.andi %parallel_loop3A_418, %parallel_loop3A_413 : i1
        %parallel_loop3A_420 = arith.addi %parallel_loop3A_411, %parallel_loop3A_410 : i32
        %parallel_loop3A_421 = arith.select %parallel_loop3A_419, %parallel_loop3A_420, %parallel_loop3A_411 : i32
        %parallel_loop3A_422 = arith.constant 16 : i32
        %parallel_loop3A_423 = arith.muli %parallel_loop3A_421, %parallel_loop3A_422 : i32
        %parallel_loop3A_424 = arith.constant 0.000000e+00 : f32
        %parallel_loop3A_425 = vector.broadcast %parallel_loop3A_424 : f32 to vector<16xf32>
        %parallel_loop3A_426 = arith.index_cast %parallel_loop3A_405 : i32 to index
        %parallel_loop3A_427 = arith.index_cast %parallel_loop3A_423 : i32 to index
        %parallel_loop3A_428 = tpu.vector_load %arg10[%parallel_loop3A_426, %parallel_loop3A_427] {strides = array<i32>} : memref<80x128xf32, #tpu.memory_space<vmem>>, vector<1x16xf32>,
        %parallel_loop3A_429 = vector.shape_cast %parallel_loop3A_428 : vector<1x16xf32> to vector<16xf32>
        %parallel_loop3A_430 = vector.shape_cast %parallel_loop3A_425 : vector<16xf32> to vector<1x16xf32>
        tpu.vector_store %arg10[%parallel_loop3A_426, %parallel_loop3A_427], %parallel_loop3A_430 {strides = array<i32>} : memref<80x128xf32, #tpu.memory_space<vmem>>, vector<1x16xf32>,
      } {sc.loop_unroll_factor = 8 : i64, sc.parallel_access}
      %get3A_326 = arith.constant 1 : i32
      %get3A_327 = arith.index_cast %get3A_326 : i32 to index
      %get3A_328 = arith.constant 0 : index
      %get3A_329 = tpu.vector_load %arg8[%get3A_327, %get3A_328] {strides = array<i32>} : memref<2x80xi32, #tpu.memory_space<vmem>>, vector<1x16xi32>,
      %get3A_330 = vector.shape_cast %get3A_329 : vector<1x16xi32> to vector<16xi32>
      %swap3A_331 = arith.constant 0 : index
      %swap3A_332 = tpu.vector_load %arg14[%swap3A_331] {strides = array<i32>} : memref<80xi32, #tpu.memory_space<vmem>>, vector<16xi32>,
      %swap3A_333 = vector.shape_cast %swap3A_332 : vector<16xi32> to vector<16xi32>
      %swap3A_334 = vector.shape_cast %get3A_330 : vector<16xi32> to vector<16xi32>
      tpu.vector_store %arg14[%swap3A_331], %swap3A_334 {strides = array<i32>} : memref<80xi32, #tpu.memory_space<vmem>>, vector<16xi32>,
      %get3A_335 = arith.constant 1 : i32
      %get3A_336 = arith.index_cast %get3A_335 : i32 to index
      %get3A_337 = arith.constant 16 : index
      %get3A_338 = tpu.vector_load %arg8[%get3A_336, %get3A_337] {strides = array<i32>} : memref<2x80xi32, #tpu.memory_space<vmem>>, vector<1x16xi32>,
      %get3A_339 = vector.shape_cast %get3A_338 : vector<1x16xi32> to vector<16xi32>
      %swap3A_340 = arith.constant 16 : index
      %swap3A_341 = tpu.vector_load %arg14[%swap3A_340] {strides = array<i32>} : memref<80xi32, #tpu.memory_space<vmem>>, vector<16xi32>,
      %swap3A_342 = vector.shape_cast %swap3A_341 : vector<16xi32> to vector<16xi32>
      %swap3A_343 = vector.shape_cast %get3A_339 : vector<16xi32> to vector<16xi32>
      tpu.vector_store %arg14[%swap3A_340], %swap3A_343 {strides = array<i32>} : memref<80xi32, #tpu.memory_space<vmem>>, vector<16xi32>,
      %get3A_344 = arith.constant 1 : i32
      %get3A_345 = arith.index_cast %get3A_344 : i32 to index
      %get3A_346 = arith.constant 32 : index
      %get3A_347 = tpu.vector_load %arg8[%get3A_345, %get3A_346] {strides = array<i32>} : memref<2x80xi32, #tpu.memory_space<vmem>>, vector<1x16xi32>,
      %get3A_348 = vector.shape_cast %get3A_347 : vector<1x16xi32> to vector<16xi32>
      %swap3A_349 = arith.constant 32 : index
      %swap3A_350 = tpu.vector_load %arg14[%swap3A_349] {strides = array<i32>} : memref<80xi32, #tpu.memory_space<vmem>>, vector<16xi32>,
      %swap3A_351 = vector.shape_cast %swap3A_350 : vector<16xi32> to vector<16xi32>
      %swap3A_352 = vector.shape_cast %get3A_348 : vector<16xi32> to vector<16xi32>
      tpu.vector_store %arg14[%swap3A_349], %swap3A_352 {strides = array<i32>} : memref<80xi32, #tpu.memory_space<vmem>>, vector<16xi32>,
      %get3A_353 = arith.constant 1 : i32
      %get3A_354 = arith.index_cast %get3A_353 : i32 to index
      %get3A_355 = arith.constant 48 : index
      %get3A_356 = tpu.vector_load %arg8[%get3A_354, %get3A_355] {strides = array<i32>} : memref<2x80xi32, #tpu.memory_space<vmem>>, vector<1x16xi32>,
      %get3A_357 = vector.shape_cast %get3A_356 : vector<1x16xi32> to vector<16xi32>
      %swap3A_358 = arith.constant 48 : index
      %swap3A_359 = tpu.vector_load %arg14[%swap3A_358] {strides = array<i32>} : memref<80xi32, #tpu.memory_space<vmem>>, vector<16xi32>,
      %swap3A_360 = vector.shape_cast %swap3A_359 : vector<16xi32> to vector<16xi32>
      %swap3A_361 = vector.shape_cast %get3A_357 : vector<16xi32> to vector<16xi32>
      tpu.vector_store %arg14[%swap3A_358], %swap3A_361 {strides = array<i32>} : memref<80xi32, #tpu.memory_space<vmem>>, vector<16xi32>,
      %get3A_362 = arith.constant 1 : i32
      %get3A_363 = arith.index_cast %get3A_362 : i32 to index
      %get3A_364 = arith.constant 64 : index
      %get3A_365 = tpu.vector_load %arg8[%get3A_363, %get3A_364] {strides = array<i32>} : memref<2x80xi32, #tpu.memory_space<vmem>>, vector<1x16xi32>,
      %get3A_366 = vector.shape_cast %get3A_365 : vector<1x16xi32> to vector<16xi32>
      %swap3A_367 = arith.constant 64 : index
      %swap3A_368 = tpu.vector_load %arg14[%swap3A_367] {strides = array<i32>} : memref<80xi32, #tpu.memory_space<vmem>>, vector<16xi32>,
      %swap3A_369 = vector.shape_cast %swap3A_368 : vector<16xi32> to vector<16xi32>
      %swap3A_370 = vector.shape_cast %get3A_366 : vector<16xi32> to vector<16xi32>
      tpu.vector_store %arg14[%swap3A_367], %swap3A_370 {strides = array<i32>} : memref<80xi32, #tpu.memory_space<vmem>>, vector<16xi32>,
      %dma_start3A_371 = arith.constant 0 : i32
      %dma_start3A_372 = arith.constant 0 : i32
      %dma_start3A_373 = tpu.memref_slice %arg6[%dma_start3A_371, %dma_start3A_372] : memref<10240x128xf32, #tpu.memory_space<vmem_shared>> -> memref<10240x128xf32, #tpu.memory_space<vmem_shared>>
      tpu.enqueue_indirect_dma source(%arg10 : memref<80x128xf32, #tpu.memory_space<vmem>>) target(%dma_start3A_373 : memref<10240x128xf32, #tpu.memory_space<vmem_shared>>) offsets(%arg14 : memref<80xi32, #tpu.memory_space<vmem>>) semaphore(%arg20 : memref<!tpu.dma_semaphore, #tpu.memory_space<semaphore_mem>>) {add = true}
      %add3A_374 = arith.constant 2 : i32
      %add3A_375 = arith.addi %add3A_279, %add3A_374 : i32
      %le3A_376 = arith.constant 124 : i32
      %le3A_377 = arith.cmpi sle, %add3A_375, %le3A_376 : i32
      %convert_element_type3A_378 = arith.extui %le3A_377 : i1 to i32
      %cond3A_379 = arith.constant 0 : i32
      %cond3A_380 = arith.cmpi ne, %convert_element_type3A_378, %cond3A_379 : i32
      scf.if %cond3A_380 {
        %add3A_381 = arith.constant 2 : i32
        %add3A_382 = arith.addi %add3A_279, %add3A_381 : i32
        %add3A_383 = arith.addi %mul3A_2, %add3A_382 : i32
        %dma_start3A_384 = arith.constant 0 : i32
        %dma_start3A_385 = arith.constant 0 : i32
        %dma_start3A_386 = tpu.memref_slice %arg4[%dma_start3A_384, %add3A_383, %dma_start3A_385] : memref<2x4000x80xi32, #tpu.memory_space<hbm>> -> memref<2x1x80xi32, #tpu.memory_space<hbm>>
        %dma_start3A_387 = tpu.memref_squeeze %dma_start3A_386 : memref<2x1x80xi32, #tpu.memory_space<hbm>> -> memref<2x80xi32, #tpu.memory_space<hbm>>
        %dma_start3A_388 = arith.constant 0 : i32
        %dma_start3A_389 = arith.constant 0 : i32
        %dma_start3A_390 = tpu.memref_slice %arg4[%dma_start3A_388, %add3A_383, %dma_start3A_389] : memref<2x4000x80xi32, #tpu.memory_space<hbm>> -> memref<2x1x80xi32, #tpu.memory_space<hbm>>
        %dma_start3A_391 = tpu.memref_squeeze %dma_start3A_390 : memref<2x1x80xi32, #tpu.memory_space<hbm>> -> memref<2x80xi32, #tpu.memory_space<hbm>>
        tpu.enqueue_dma source(%dma_start3A_391 : memref<2x80xi32, #tpu.memory_space<hbm>>) target(%arg8 : memref<2x80xi32, #tpu.memory_space<vmem>>) target_semaphore(%arg16 : memref<!tpu.dma_semaphore, #tpu.memory_space<semaphore_mem>>)
      } else {
      }
    }
    %scan3A_82 = arith.constant 62 : i32
    %dma_wait3A_83 = arith.constant 0 : i32
    %dma_wait3A_84 = arith.constant 0 : i32
    %dma_wait3A_85 = tpu.memref_slice %arg7[%dma_wait3A_83, %dma_wait3A_84] : memref<2x80xi32, #tpu.memory_space<vmem>> -> memref<1x80xi32, #tpu.memory_space<vmem>>
    %dma_wait3A_86 = tpu.memref_squeeze %dma_wait3A_85 : memref<1x80xi32, #tpu.memory_space<vmem>> -> memref<80xi32, #tpu.memory_space<vmem>>
    %dma_wait3A_87 = arith.constant 0 : i32
    %dma_wait3A_88 = arith.constant 0 : i32
    %dma_wait3A_89 = tpu.memref_slice %arg2[%dma_wait3A_87, %dma_wait3A_88] : memref<10000x128xf32, #tpu.memory_space<hbm>> -> memref<10000x128xf32, #tpu.memory_space<hbm>>
    tpu.wait_indirect_dma semaphore(%arg17 : memref<!tpu.dma_semaphore, #tpu.memory_space<semaphore_mem>>) src(%dma_wait3A_89 : memref<10000x128xf32, #tpu.memory_space<hbm>>) dst(%arg9 : memref<80x128xf32, #tpu.memory_space<vmem>>)
    %dma_wait3A_90 = arith.constant 0 : i32
    %dma_wait3A_91 = arith.constant 0 : i32
    %dma_wait3A_92 = tpu.memref_slice %arg3[%dma_wait3A_90, %dma_wait3A_91] : memref<320000x128xf32, #tpu.memory_space<hbm>> -> memref<80x128xf32, #tpu.memory_space<hbm>>
    %dma_wait3A_93 = arith.constant 0 : i32
    %dma_wait3A_94 = arith.constant 0 : i32
    %dma_wait3A_95 = tpu.memref_slice %arg3[%dma_wait3A_93, %dma_wait3A_94] : memref<320000x128xf32, #tpu.memory_space<hbm>> -> memref<80x128xf32, #tpu.memory_space<hbm>>
    tpu.wait_dma2 semaphore(%arg17 : memref<!tpu.dma_semaphore, #tpu.memory_space<semaphore_mem>>) src(%dma_wait3A_95 : memref<80x128xf32, #tpu.memory_space<hbm>>) dst(%arg11 : memref<80x128xf32, #tpu.memory_space<vmem>>)
    %parallel_loop3A_96 = arith.constant 0 : i32
    %parallel_loop3A_97 = arith.constant 640 : i32
    %parallel_loop3A_98 = arith.constant 1 : i32
    scf.for %parallel_loop3A_178 = %parallel_loop3A_96 to %parallel_loop3A_97 step %parallel_loop3A_98  : i32 {
      %parallel_loop3A_179 = arith.constant 8 : i32
      %parallel_loop3A_180 = arith.divsi %parallel_loop3A_178, %parallel_loop3A_179 : i32
      %parallel_loop3A_181 = arith.constant 0 : i32
      %parallel_loop3A_182 = arith.cmpi sgt, %parallel_loop3A_178, %parallel_loop3A_181 : i32
      %parallel_loop3A_183 = arith.extui %parallel_loop3A_182 : i1 to i32
      %parallel_loop3A_184 = arith.constant 0 : i32
      %parallel_loop3A_185 = arith.cmpi slt, %parallel_loop3A_178, %parallel_loop3A_184 : i32
      %parallel_loop3A_186 = arith.extui %parallel_loop3A_185 : i1 to i32
      %parallel_loop3A_187 = arith.subi %parallel_loop3A_183, %parallel_loop3A_186 : i32
      %parallel_loop3A_188 = arith.constant 0 : i32
      %parallel_loop3A_189 = arith.cmpi sgt, %parallel_loop3A_179, %parallel_loop3A_188 : i32
      %parallel_loop3A_190 = arith.extui %parallel_loop3A_189 : i1 to i32
      %parallel_loop3A_191 = arith.constant 0 : i32
      %parallel_loop3A_192 = arith.cmpi slt, %parallel_loop3A_179, %parallel_loop3A_191 : i32
      %parallel_loop3A_193 = arith.extui %parallel_loop3A_192 : i1 to i32
      %parallel_loop3A_194 = arith.subi %parallel_loop3A_190, %parallel_loop3A_193 : i32
      %parallel_loop3A_195 = arith.cmpi ne, %parallel_loop3A_187, %parallel_loop3A_194 : i32
      %parallel_loop3A_196 = arith.remsi %parallel_loop3A_178, %parallel_loop3A_179 : i32
      %parallel_loop3A_197 = arith.constant 0 : i32
      %parallel_loop3A_198 = arith.cmpi ne, %parallel_loop3A_196, %parallel_loop3A_197 : i32
      %parallel_loop3A_199 = arith.andi %parallel_loop3A_195, %parallel_loop3A_198 : i1
      %parallel_loop3A_200 = arith.constant 1 : i32
      %parallel_loop3A_201 = arith.subi %parallel_loop3A_180, %parallel_loop3A_200 : i32
      %parallel_loop3A_202 = arith.select %parallel_loop3A_199, %parallel_loop3A_201, %parallel_loop3A_180 : i32
      %parallel_loop3A_203 = arith.constant 8 : i32
      %parallel_loop3A_204 = arith.constant 0 : i32
      %parallel_loop3A_205 = arith.cmpi eq, %parallel_loop3A_203, %parallel_loop3A_204 : i32
      %parallel_loop3A_206 = arith.constant 1 : i32
      %parallel_loop3A_207 = arith.select %parallel_loop3A_205, %parallel_loop3A_206, %parallel_loop3A_203 : i32
      %parallel_loop3A_208 = arith.remsi %parallel_loop3A_178, %parallel_loop3A_207 : i32
      %parallel_loop3A_209 = arith.constant 0 : i32
      %parallel_loop3A_210 = arith.cmpi ne, %parallel_loop3A_208, %parallel_loop3A_209 : i32
      %parallel_loop3A_211 = arith.constant 0 : i32
      %parallel_loop3A_212 = arith.cmpi slt, %parallel_loop3A_208, %parallel_loop3A_211 : i32
      %parallel_loop3A_213 = arith.constant 0 : i32
      %parallel_loop3A_214 = arith.cmpi slt, %parallel_loop3A_207, %parallel_loop3A_213 : i32
      %parallel_loop3A_215 = arith.xori %parallel_loop3A_212, %parallel_loop3A_214 : i1
      %parallel_loop3A_216 = arith.andi %parallel_loop3A_215, %parallel_loop3A_210 : i1
      %parallel_loop3A_217 = arith.addi %parallel_loop3A_208, %parallel_loop3A_207 : i32
      %parallel_loop3A_218 = arith.select %parallel_loop3A_216, %parallel_loop3A_217, %parallel_loop3A_208 : i32
      %parallel_loop3A_219 = arith.constant 16 : i32
      %parallel_loop3A_220 = arith.muli %parallel_loop3A_218, %parallel_loop3A_219 : i32
      %parallel_loop3A_221 = arith.constant 0.000000e+00 : f32
      %parallel_loop3A_222 = vector.broadcast %parallel_loop3A_221 : f32 to vector<16xf32>
      %parallel_loop3A_223 = arith.index_cast %parallel_loop3A_202 : i32 to index
      %parallel_loop3A_224 = arith.index_cast %parallel_loop3A_220 : i32 to index
      %parallel_loop3A_225 = tpu.vector_load %arg9[%parallel_loop3A_223, %parallel_loop3A_224] {strides = array<i32>} : memref<80x128xf32, #tpu.memory_space<vmem>>, vector<1x16xf32>,
      %parallel_loop3A_226 = vector.shape_cast %parallel_loop3A_225 : vector<1x16xf32> to vector<16xf32>
      %parallel_loop3A_227 = vector.shape_cast %parallel_loop3A_222 : vector<16xf32> to vector<1x16xf32>
      tpu.vector_store %arg9[%parallel_loop3A_223, %parallel_loop3A_224], %parallel_loop3A_227 {strides = array<i32>} : memref<80x128xf32, #tpu.memory_space<vmem>>, vector<1x16xf32>,
    } {sc.loop_unroll_factor = 8 : i64, sc.parallel_access}
    %get3A = arith.constant 1 : i32
    %get3A_99 = arith.index_cast %get3A : i32 to index
    %get3A_100 = arith.constant 0 : index
    %get3A_101 = tpu.vector_load %arg7[%get3A_99, %get3A_100] {strides = array<i32>} : memref<2x80xi32, #tpu.memory_space<vmem>>, vector<1x16xi32>,
    %get3A_102 = vector.shape_cast %get3A_101 : vector<1x16xi32> to vector<16xi32>
    %swap3A = arith.constant 0 : index
    %swap3A_103 = tpu.vector_load %arg13[%swap3A] {strides = array<i32>} : memref<80xi32, #tpu.memory_space<vmem>>, vector<16xi32>,
    %swap3A_104 = vector.shape_cast %swap3A_103 : vector<16xi32> to vector<16xi32>
    %swap3A_105 = vector.shape_cast %get3A_102 : vector<16xi32> to vector<16xi32>
    tpu.vector_store %arg13[%swap3A], %swap3A_105 {strides = array<i32>} : memref<80xi32, #tpu.memory_space<vmem>>, vector<16xi32>,
    %get3A_106 = arith.constant 1 : i32
    %get3A_107 = arith.index_cast %get3A_106 : i32 to index
    %get3A_108 = arith.constant 16 : index
    %get3A_109 = tpu.vector_load %arg7[%get3A_107, %get3A_108] {strides = array<i32>} : memref<2x80xi32, #tpu.memory_space<vmem>>, vector<1x16xi32>,
    %get3A_110 = vector.shape_cast %get3A_109 : vector<1x16xi32> to vector<16xi32>
    %swap3A_111 = arith.constant 16 : index
    %swap3A_112 = tpu.vector_load %arg13[%swap3A_111] {strides = array<i32>} : memref<80xi32, #tpu.memory_space<vmem>>, vector<16xi32>,
    %swap3A_113 = vector.shape_cast %swap3A_112 : vector<16xi32> to vector<16xi32>
    %swap3A_114 = vector.shape_cast %get3A_110 : vector<16xi32> to vector<16xi32>
    tpu.vector_store %arg13[%swap3A_111], %swap3A_114 {strides = array<i32>} : memref<80xi32, #tpu.memory_space<vmem>>, vector<16xi32>,
    %get3A_115 = arith.constant 1 : i32
    %get3A_116 = arith.index_cast %get3A_115 : i32 to index
    %get3A_117 = arith.constant 32 : index
    %get3A_118 = tpu.vector_load %arg7[%get3A_116, %get3A_117] {strides = array<i32>} : memref<2x80xi32, #tpu.memory_space<vmem>>, vector<1x16xi32>,
    %get3A_119 = vector.shape_cast %get3A_118 : vector<1x16xi32> to vector<16xi32>
    %swap3A_120 = arith.constant 32 : index
    %swap3A_121 = tpu.vector_load %arg13[%swap3A_120] {strides = array<i32>} : memref<80xi32, #tpu.memory_space<vmem>>, vector<16xi32>,
    %swap3A_122 = vector.shape_cast %swap3A_121 : vector<16xi32> to vector<16xi32>
    %swap3A_123 = vector.shape_cast %get3A_119 : vector<16xi32> to vector<16xi32>
    tpu.vector_store %arg13[%swap3A_120], %swap3A_123 {strides = array<i32>} : memref<80xi32, #tpu.memory_space<vmem>>, vector<16xi32>,
    %get3A_124 = arith.constant 1 : i32
    %get3A_125 = arith.index_cast %get3A_124 : i32 to index
    %get3A_126 = arith.constant 48 : index
    %get3A_127 = tpu.vector_load %arg7[%get3A_125, %get3A_126] {strides = array<i32>} : memref<2x80xi32, #tpu.memory_space<vmem>>, vector<1x16xi32>,
    %get3A_128 = vector.shape_cast %get3A_127 : vector<1x16xi32> to vector<16xi32>
    %swap3A_129 = arith.constant 48 : index
    %swap3A_130 = tpu.vector_load %arg13[%swap3A_129] {strides = array<i32>} : memref<80xi32, #tpu.memory_space<vmem>>, vector<16xi32>,
    %swap3A_131 = vector.shape_cast %swap3A_130 : vector<16xi32> to vector<16xi32>
    %swap3A_132 = vector.shape_cast %get3A_128 : vector<16xi32> to vector<16xi32>
    tpu.vector_store %arg13[%swap3A_129], %swap3A_132 {strides = array<i32>} : memref<80xi32, #tpu.memory_space<vmem>>, vector<16xi32>,
    %get3A_133 = arith.constant 1 : i32
    %get3A_134 = arith.index_cast %get3A_133 : i32 to index
    %get3A_135 = arith.constant 64 : index
    %get3A_136 = tpu.vector_load %arg7[%get3A_134, %get3A_135] {strides = array<i32>} : memref<2x80xi32, #tpu.memory_space<vmem>>, vector<1x16xi32>,
    %get3A_137 = vector.shape_cast %get3A_136 : vector<1x16xi32> to vector<16xi32>
    %swap3A_138 = arith.constant 64 : index
    %swap3A_139 = tpu.vector_load %arg13[%swap3A_138] {strides = array<i32>} : memref<80xi32, #tpu.memory_space<vmem>>, vector<16xi32>,
    %swap3A_140 = vector.shape_cast %swap3A_139 : vector<16xi32> to vector<16xi32>
    %swap3A_141 = vector.shape_cast %get3A_137 : vector<16xi32> to vector<16xi32>
    tpu.vector_store %arg13[%swap3A_138], %swap3A_141 {strides = array<i32>} : memref<80xi32, #tpu.memory_space<vmem>>, vector<16xi32>,
    "tpu.region"() ({
      %run_scoped3A = tpu.sem_alloc : memref<!tpu.dma_semaphore, #tpu.memory_space<semaphore_mem>>
      %dma_start3A_178 = arith.constant 0 : i32
      %dma_start3A_179 = arith.constant 0 : i32
      %dma_start3A_180 = tpu.memref_slice %arg6[%dma_start3A_178, %dma_start3A_179] : memref<10240x128xf32, #tpu.memory_space<vmem_shared>> -> memref<10240x128xf32, #tpu.memory_space<vmem_shared>>
      tpu.enqueue_indirect_dma source(%arg9 : memref<80x128xf32, #tpu.memory_space<vmem>>) target(%dma_start3A_180 : memref<10240x128xf32, #tpu.memory_space<vmem_shared>>) offsets(%arg13 : memref<80xi32, #tpu.memory_space<vmem>>) semaphore(%run_scoped3A : memref<!tpu.dma_semaphore, #tpu.memory_space<semaphore_mem>>) {add = true}
      %dma_wait3A_181 = arith.constant 0 : i32
      %dma_wait3A_182 = arith.constant 0 : i32
      %dma_wait3A_183 = tpu.memref_slice %arg6[%dma_wait3A_181, %dma_wait3A_182] : memref<10240x128xf32, #tpu.memory_space<vmem_shared>> -> memref<10240x128xf32, #tpu.memory_space<vmem_shared>>
      tpu.wait_indirect_dma semaphore(%run_scoped3A : memref<!tpu.dma_semaphore, #tpu.memory_space<semaphore_mem>>) src(%arg9 : memref<80x128xf32, #tpu.memory_space<vmem>>) dst(%dma_wait3A_183 : memref<10240x128xf32, #tpu.memory_space<vmem_shared>>)
      tpu.yield
    }) : () -> ()
    %dma_wait3A_142 = arith.constant 0 : i32
    %dma_wait3A_143 = arith.constant 0 : i32
    %dma_wait3A_144 = tpu.memref_slice %arg6[%dma_wait3A_142, %dma_wait3A_143] : memref<10240x128xf32, #tpu.memory_space<vmem_shared>> -> memref<10240x128xf32, #tpu.memory_space<vmem_shared>>
    tpu.wait_indirect_dma semaphore(%arg20 : memref<!tpu.dma_semaphore, #tpu.memory_space<semaphore_mem>>) src(%arg10 : memref<80x128xf32, #tpu.memory_space<vmem>>) dst(%dma_wait3A_144 : memref<10240x128xf32, #tpu.memory_space<vmem_shared>>)
    %barrier3A_145 = arith.constant 0 : index
    tpu.barrier barrier_id(%barrier3A_145)
    %mul3A_146 = arith.constant 640 : i32
    %mul3A_147 = arith.muli %arg1, %mul3A_146 : i32
    %add3A_148 = arith.constant 0 : i32
    %add3A_149 = arith.addi %mul3A_147, %add3A_148 : i32
    "tpu.region"() ({
      %run_scoped3A = tpu.sem_alloc : memref<!tpu.dma_semaphore, #tpu.memory_space<semaphore_mem>>
      %dma_start3A_178 = arith.constant 0 : i32
      %dma_start3A_179 = tpu.memref_slice %arg6[%add3A_149, %dma_start3A_178] : memref<10240x128xf32, #tpu.memory_space<vmem_shared>> -> memref<80x128xf32, #tpu.memory_space<vmem_shared>>
      %dma_start3A_180 = arith.constant 0 : i32
      %dma_start3A_181 = tpu.memref_slice %arg6[%add3A_149, %dma_start3A_180] : memref<10240x128xf32, #tpu.memory_space<vmem_shared>> -> memref<80x128xf32, #tpu.memory_space<vmem_shared>>
      tpu.enqueue_dma source(%dma_start3A_181 : memref<80x128xf32, #tpu.memory_space<vmem_shared>>) target(%arg9 : memref<80x128xf32, #tpu.memory_space<vmem>>) target_semaphore(%run_scoped3A : memref<!tpu.dma_semaphore, #tpu.memory_space<semaphore_mem>>)
      %dma_wait3A_182 = arith.constant 0 : i32
      %dma_wait3A_183 = tpu.memref_slice %arg6[%add3A_149, %dma_wait3A_182] : memref<10240x128xf32, #tpu.memory_space<vmem_shared>> -> memref<80x128xf32, #tpu.memory_space<vmem_shared>>
      %dma_wait3A_184 = arith.constant 0 : i32
      %dma_wait3A_185 = tpu.memref_slice %arg6[%add3A_149, %dma_wait3A_184] : memref<10240x128xf32, #tpu.memory_space<vmem_shared>> -> memref<80x128xf32, #tpu.memory_space<vmem_shared>>
      tpu.wait_dma2 semaphore(%run_scoped3A : memref<!tpu.dma_semaphore, #tpu.memory_space<semaphore_mem>>) src(%dma_wait3A_185 : memref<80x128xf32, #tpu.memory_space<vmem_shared>>) dst(%arg9 : memref<80x128xf32, #tpu.memory_space<vmem>>)
      tpu.yield
    }) : () -> ()
    "tpu.region"() ({
      %run_scoped3A = tpu.sem_alloc : memref<!tpu.dma_semaphore, #tpu.memory_space<semaphore_mem>>
      %dma_start3A_178 = arith.constant 0 : i32
      %dma_start3A_179 = tpu.memref_slice %arg5[%arg0, %add3A_149, %dma_start3A_178] : memref<2x10240x128xf32, #tpu.memory_space<hbm>> -> memref<1x80x128xf32, #tpu.memory_space<hbm>>
      %dma_start3A_180 = tpu.memref_squeeze %dma_start3A_179 : memref<1x80x128xf32, #tpu.memory_space<hbm>> -> memref<80x128xf32, #tpu.memory_space<hbm>>
      %dma_start3A_181 = arith.constant 0 : i32
      %dma_start3A_182 = tpu.memref_slice %arg5[%arg0, %add3A_149, %dma_start3A_181] : memref<2x10240x128xf32, #tpu.memory_space<hbm>> -> memref<1x80x128xf32, #tpu.memory_space<hbm>>
      %dma_start3A_183 = tpu.memref_squeeze %dma_start3A_182 : memref<1x80x128xf32, #tpu.memory_space<hbm>> -> memref<80x128xf32, #tpu.memory_space<hbm>>
      tpu.enqueue_dma source(%arg9 : memref<80x128xf32, #tpu.memory_space<vmem>>) target(%dma_start3A_183 : memref<80x128xf32, #tpu.memory_space<hbm>>) target_semaphore(%run_scoped3A : memref<!tpu.dma_semaphore, #tpu.memory_space<semaphore_mem>>)
      %dma_wait3A_184 = arith.constant 0 : i32
      %dma_wait3A_185 = tpu.memref_slice %arg5[%arg0, %add3A_149, %dma_wait3A_184] : memref<2x10240x128xf32, #tpu.memory_space<hbm>> -> memref<1x80x128xf32, #tpu.memory_space<hbm>>
      %dma_wait3A_186 = tpu.memref_squeeze %dma_wait3A_185 : memref<1x80x128xf32, #tpu.memory_space<hbm>> -> memref<80x128xf32, #tpu.memory_space<hbm>>
      %dma_wait3A_187 = arith.constant 0 : i32
      %dma_wait3A_188 = tpu.memref_slice %arg5[%arg0, %add3A_149, %dma_wait3A_187] : memref<2x10240x128xf32, #tpu.memory_space<hbm>> -> memref<1x80x128xf32, #tpu.memory_space<hbm>>
      %dma_wait3A_189 = tpu.memref_squeeze %dma_wait3A_188 : memref<1x80x128xf32, #tpu.memory_space<hbm>> -> memref<80x128xf32, #tpu.memory_space<hbm>>
      tpu.wait_dma2 semaphore(%run_scoped3A : memref<!tpu.dma_semaphore, #tpu.memory_space<semaphore_mem>>) src(%arg9 : memref<80x128xf32, #tpu.memory_space<vmem>>) dst(%dma_wait3A_189 : memref<80x128xf32, #tpu.memory_space<hbm>>)
      tpu.yield
    }) : () -> ()
    %mul3A_150 = arith.constant 640 : i32
    %mul3A_151 = arith.muli %arg1, %mul3A_150 : i32
    %add3A_152 = arith.constant 80 : i32
    %add3A_153 = arith.addi %mul3A_151, %add3A_152 : i32
    "tpu.region"() ({
      %run_scoped3A = tpu.sem_alloc : memref<!tpu.dma_semaphore, #tpu.memory_space<semaphore_mem>>
      %dma_start3A_178 = arith.constant 0 : i32
      %dma_start3A_179 = tpu.memref_slice %arg6[%add3A_153, %dma_start3A_178] : memref<10240x128xf32, #tpu.memory_space<vmem_shared>> -> memref<80x128xf32, #tpu.memory_space<vmem_shared>>
      %dma_start3A_180 = arith.constant 0 : i32
      %dma_start3A_181 = tpu.memref_slice %arg6[%add3A_153, %dma_start3A_180] : memref<10240x128xf32, #tpu.memory_space<vmem_shared>> -> memref<80x128xf32, #tpu.memory_space<vmem_shared>>
      tpu.enqueue_dma source(%dma_start3A_181 : memref<80x128xf32, #tpu.memory_space<vmem_shared>>) target(%arg9 : memref<80x128xf32, #tpu.memory_space<vmem>>) target_semaphore(%run_scoped3A : memref<!tpu.dma_semaphore, #tpu.memory_space<semaphore_mem>>)
      %dma_wait3A_182 = arith.constant 0 : i32
      %dma_wait3A_183 = tpu.memref_slice %arg6[%add3A_153, %dma_wait3A_182] : memref<10240x128xf32, #tpu.memory_space<vmem_shared>> -> memref<80x128xf32, #tpu.memory_space<vmem_shared>>
      %dma_wait3A_184 = arith.constant 0 : i32
      %dma_wait3A_185 = tpu.memref_slice %arg6[%add3A_153, %dma_wait3A_184] : memref<10240x128xf32, #tpu.memory_space<vmem_shared>> -> memref<80x128xf32, #tpu.memory_space<vmem_shared>>
      tpu.wait_dma2 semaphore(%run_scoped3A : memref<!tpu.dma_semaphore, #tpu.memory_space<semaphore_mem>>) src(%dma_wait3A_185 : memref<80x128xf32, #tpu.memory_space<vmem_shared>>) dst(%arg9 : memref<80x128xf32, #tpu.memory_space<vmem>>)
      tpu.yield
    }) : () -> ()
    "tpu.region"() ({
      %run_scoped3A = tpu.sem_alloc : memref<!tpu.dma_semaphore, #tpu.memory_space<semaphore_mem>>
      %dma_start3A_178 = arith.constant 0 : i32
      %dma_start3A_179 = tpu.memref_slice %arg5[%arg0, %add3A_153, %dma_start3A_178] : memref<2x10240x128xf32, #tpu.memory_space<hbm>> -> memref<1x80x128xf32, #tpu.memory_space<hbm>>
      %dma_start3A_180 = tpu.memref_squeeze %dma_start3A_179 : memref<1x80x128xf32, #tpu.memory_space<hbm>> -> memref<80x128xf32, #tpu.memory_space<hbm>>
      %dma_start3A_181 = arith.constant 0 : i32
      %dma_start3A_182 = tpu.memref_slice %arg5[%arg0, %add3A_153, %dma_start3A_181] : memref<2x10240x128xf32, #tpu.memory_space<hbm>> -> memref<1x80x128xf32, #tpu.memory_space<hbm>>
      %dma_start3A_183 = tpu.memref_squeeze %dma_start3A_182 : memref<1x80x128xf32, #tpu.memory_space<hbm>> -> memref<80x128xf32, #tpu.memory_space<hbm>>
      tpu.enqueue_dma source(%arg9 : memref<80x128xf32, #tpu.memory_space<vmem>>) target(%dma_start3A_183 : memref<80x128xf32, #tpu.memory_space<hbm>>) target_semaphore(%run_scoped3A : memref<!tpu.dma_semaphore, #tpu.memory_space<semaphore_mem>>)
      %dma_wait3A_184 = arith.constant 0 : i32
      %dma_wait3A_185 = tpu.memref_slice %arg5[%arg0, %add3A_153, %dma_wait3A_184] : memref<2x10240x128xf32, #tpu.memory_space<hbm>> -> memref<1x80x128xf32, #tpu.memory_space<hbm>>
      %dma_wait3A_186 = tpu.memref_squeeze %dma_wait3A_185 : memref<1x80x128xf32, #tpu.memory_space<hbm>> -> memref<80x128xf32, #tpu.memory_space<hbm>>
      %dma_wait3A_187 = arith.constant 0 : i32
      %dma_wait3A_188 = tpu.memref_slice %arg5[%arg0, %add3A_153, %dma_wait3A_187] : memref<2x10240x128xf32, #tpu.memory_space<hbm>> -> memref<1x80x128xf32, #tpu.memory_space<hbm>>
      %dma_wait3A_189 = tpu.memref_squeeze %dma_wait3A_188 : memref<1x80x128xf32, #tpu.memory_space<hbm>> -> memref<80x128xf32, #tpu.memory_space<hbm>>
      tpu.wait_dma2 semaphore(%run_scoped3A : memref<!tpu.dma_semaphore, #tpu.memory_space<semaphore_mem>>) src(%arg9 : memref<80x128xf32, #tpu.memory_space<vmem>>) dst(%dma_wait3A_189 : memref<80x128xf32, #tpu.memory_space<hbm>>)
      tpu.yield
    }) : () -> ()
    %mul3A_154 = arith.constant 640 : i32
    %mul3A_155 = arith.muli %arg1, %mul3A_154 : i32
    %add3A_156 = arith.constant 160 : i32
    %add3A_157 = arith.addi %mul3A_155, %add3A_156 : i32
    "tpu.region"() ({
      %run_scoped3A = tpu.sem_alloc : memref<!tpu.dma_semaphore, #tpu.memory_space<semaphore_mem>>
      %dma_start3A_178 = arith.constant 0 : i32
      %dma_start3A_179 = tpu.memref_slice %arg6[%add3A_157, %dma_start3A_178] : memref<10240x128xf32, #tpu.memory_space<vmem_shared>> -> memref<80x128xf32, #tpu.memory_space<vmem_shared>>
      %dma_start3A_180 = arith.constant 0 : i32
      %dma_start3A_181 = tpu.memref_slice %arg6[%add3A_157, %dma_start3A_180] : memref<10240x128xf32, #tpu.memory_space<vmem_shared>> -> memref<80x128xf32, #tpu.memory_space<vmem_shared>>
      tpu.enqueue_dma source(%dma_start3A_181 : memref<80x128xf32, #tpu.memory_space<vmem_shared>>) target(%arg9 : memref<80x128xf32, #tpu.memory_space<vmem>>) target_semaphore(%run_scoped3A : memref<!tpu.dma_semaphore, #tpu.memory_space<semaphore_mem>>)
      %dma_wait3A_182 = arith.constant 0 : i32
      %dma_wait3A_183 = tpu.memref_slice %arg6[%add3A_157, %dma_wait3A_182] : memref<10240x128xf32, #tpu.memory_space<vmem_shared>> -> memref<80x128xf32, #tpu.memory_space<vmem_shared>>
      %dma_wait3A_184 = arith.constant 0 : i32
      %dma_wait3A_185 = tpu.memref_slice %arg6[%add3A_157, %dma_wait3A_184] : memref<10240x128xf32, #tpu.memory_space<vmem_shared>> -> memref<80x128xf32, #tpu.memory_space<vmem_shared>>
      tpu.wait_dma2 semaphore(%run_scoped3A : memref<!tpu.dma_semaphore, #tpu.memory_space<semaphore_mem>>) src(%dma_wait3A_185 : memref<80x128xf32, #tpu.memory_space<vmem_shared>>) dst(%arg9 : memref<80x128xf32, #tpu.memory_space<vmem>>)
      tpu.yield
    }) : () -> ()
    "tpu.region"() ({
      %run_scoped3A = tpu.sem_alloc : memref<!tpu.dma_semaphore, #tpu.memory_space<semaphore_mem>>
      %dma_start3A_178 = arith.constant 0 : i32
      %dma_start3A_179 = tpu.memref_slice %arg5[%arg0, %add3A_157, %dma_start3A_178] : memref<2x10240x128xf32, #tpu.memory_space<hbm>> -> memref<1x80x128xf32, #tpu.memory_space<hbm>>
      %dma_start3A_180 = tpu.memref_squeeze %dma_start3A_179 : memref<1x80x128xf32, #tpu.memory_space<hbm>> -> memref<80x128xf32, #tpu.memory_space<hbm>>
      %dma_start3A_181 = arith.constant 0 : i32
      %dma_start3A_182 = tpu.memref_slice %arg5[%arg0, %add3A_157, %dma_start3A_181] : memref<2x10240x128xf32, #tpu.memory_space<hbm>> -> memref<1x80x128xf32, #tpu.memory_space<hbm>>
      %dma_start3A_183 = tpu.memref_squeeze %dma_start3A_182 : memref<1x80x128xf32, #tpu.memory_space<hbm>> -> memref<80x128xf32, #tpu.memory_space<hbm>>
      tpu.enqueue_dma source(%arg9 : memref<80x128xf32, #tpu.memory_space<vmem>>) target(%dma_start3A_183 : memref<80x128xf32, #tpu.memory_space<hbm>>) target_semaphore(%run_scoped3A : memref<!tpu.dma_semaphore, #tpu.memory_space<semaphore_mem>>)
      %dma_wait3A_184 = arith.constant 0 : i32
      %dma_wait3A_185 = tpu.memref_slice %arg5[%arg0, %add3A_157, %dma_wait3A_184] : memref<2x10240x128xf32, #tpu.memory_space<hbm>> -> memref<1x80x128xf32, #tpu.memory_space<hbm>>
      %dma_wait3A_186 = tpu.memref_squeeze %dma_wait3A_185 : memref<1x80x128xf32, #tpu.memory_space<hbm>> -> memref<80x128xf32, #tpu.memory_space<hbm>>
      %dma_wait3A_187 = arith.constant 0 : i32
      %dma_wait3A_188 = tpu.memref_slice %arg5[%arg0, %add3A_157, %dma_wait3A_187] : memref<2x10240x128xf32, #tpu.memory_space<hbm>> -> memref<1x80x128xf32, #tpu.memory_space<hbm>>
      %dma_wait3A_189 = tpu.memref_squeeze %dma_wait3A_188 : memref<1x80x128xf32, #tpu.memory_space<hbm>> -> memref<80x128xf32, #tpu.memory_space<hbm>>
      tpu.wait_dma2 semaphore(%run_scoped3A : memref<!tpu.dma_semaphore, #tpu.memory_space<semaphore_mem>>) src(%arg9 : memref<80x128xf32, #tpu.memory_space<vmem>>) dst(%dma_wait3A_189 : memref<80x128xf32, #tpu.memory_space<hbm>>)
      tpu.yield
    }) : () -> ()
    %mul3A_158 = arith.constant 640 : i32
    %mul3A_159 = arith.muli %arg1, %mul3A_158 : i32
    %add3A_160 = arith.constant 240 : i32
    %add3A_161 = arith.addi %mul3A_159, %add3A_160 : i32
    "tpu.region"() ({
      %run_scoped3A = tpu.sem_alloc : memref<!tpu.dma_semaphore, #tpu.memory_space<semaphore_mem>>
      %dma_start3A_178 = arith.constant 0 : i32
      %dma_start3A_179 = tpu.memref_slice %arg6[%add3A_161, %dma_start3A_178] : memref<10240x128xf32, #tpu.memory_space<vmem_shared>> -> memref<80x128xf32, #tpu.memory_space<vmem_shared>>
      %dma_start3A_180 = arith.constant 0 : i32
      %dma_start3A_181 = tpu.memref_slice %arg6[%add3A_161, %dma_start3A_180] : memref<10240x128xf32, #tpu.memory_space<vmem_shared>> -> memref<80x128xf32, #tpu.memory_space<vmem_shared>>
      tpu.enqueue_dma source(%dma_start3A_181 : memref<80x128xf32, #tpu.memory_space<vmem_shared>>) target(%arg9 : memref<80x128xf32, #tpu.memory_space<vmem>>) target_semaphore(%run_scoped3A : memref<!tpu.dma_semaphore, #tpu.memory_space<semaphore_mem>>)
      %dma_wait3A_182 = arith.constant 0 : i32
      %dma_wait3A_183 = tpu.memref_slice %arg6[%add3A_161, %dma_wait3A_182] : memref<10240x128xf32, #tpu.memory_space<vmem_shared>> -> memref<80x128xf32, #tpu.memory_space<vmem_shared>>
      %dma_wait3A_184 = arith.constant 0 : i32
      %dma_wait3A_185 = tpu.memref_slice %arg6[%add3A_161, %dma_wait3A_184] : memref<10240x128xf32, #tpu.memory_space<vmem_shared>> -> memref<80x128xf32, #tpu.memory_space<vmem_shared>>
      tpu.wait_dma2 semaphore(%run_scoped3A : memref<!tpu.dma_semaphore, #tpu.memory_space<semaphore_mem>>) src(%dma_wait3A_185 : memref<80x128xf32, #tpu.memory_space<vmem_shared>>) dst(%arg9 : memref<80x128xf32, #tpu.memory_space<vmem>>)
      tpu.yield
    }) : () -> ()
    "tpu.region"() ({
      %run_scoped3A = tpu.sem_alloc : memref<!tpu.dma_semaphore, #tpu.memory_space<semaphore_mem>>
      %dma_start3A_178 = arith.constant 0 : i32
      %dma_start3A_179 = tpu.memref_slice %arg5[%arg0, %add3A_161, %dma_start3A_178] : memref<2x10240x128xf32, #tpu.memory_space<hbm>> -> memref<1x80x128xf32, #tpu.memory_space<hbm>>
      %dma_start3A_180 = tpu.memref_squeeze %dma_start3A_179 : memref<1x80x128xf32, #tpu.memory_space<hbm>> -> memref<80x128xf32, #tpu.memory_space<hbm>>
      %dma_start3A_181 = arith.constant 0 : i32
      %dma_start3A_182 = tpu.memref_slice %arg5[%arg0, %add3A_161, %dma_start3A_181] : memref<2x10240x128xf32, #tpu.memory_space<hbm>> -> memref<1x80x128xf32, #tpu.memory_space<hbm>>
      %dma_start3A_183 = tpu.memref_squeeze %dma_start3A_182 : memref<1x80x128xf32, #tpu.memory_space<hbm>> -> memref<80x128xf32, #tpu.memory_space<hbm>>
      tpu.enqueue_dma source(%arg9 : memref<80x128xf32, #tpu.memory_space<vmem>>) target(%dma_start3A_183 : memref<80x128xf32, #tpu.memory_space<hbm>>) target_semaphore(%run_scoped3A : memref<!tpu.dma_semaphore, #tpu.memory_space<semaphore_mem>>)
      %dma_wait3A_184 = arith.constant 0 : i32
      %dma_wait3A_185 = tpu.memref_slice %arg5[%arg0, %add3A_161, %dma_wait3A_184] : memref<2x10240x128xf32, #tpu.memory_space<hbm>> -> memref<1x80x128xf32, #tpu.memory_space<hbm>>
      %dma_wait3A_186 = tpu.memref_squeeze %dma_wait3A_185 : memref<1x80x128xf32, #tpu.memory_space<hbm>> -> memref<80x128xf32, #tpu.memory_space<hbm>>
      %dma_wait3A_187 = arith.constant 0 : i32
      %dma_wait3A_188 = tpu.memref_slice %arg5[%arg0, %add3A_161, %dma_wait3A_187] : memref<2x10240x128xf32, #tpu.memory_space<hbm>> -> memref<1x80x128xf32, #tpu.memory_space<hbm>>
      %dma_wait3A_189 = tpu.memref_squeeze %dma_wait3A_188 : memref<1x80x128xf32, #tpu.memory_space<hbm>> -> memref<80x128xf32, #tpu.memory_space<hbm>>
      tpu.wait_dma2 semaphore(%run_scoped3A : memref<!tpu.dma_semaphore, #tpu.memory_space<semaphore_mem>>) src(%arg9 : memref<80x128xf32, #tpu.memory_space<vmem>>) dst(%dma_wait3A_189 : memref<80x128xf32, #tpu.memory_space<hbm>>)
      tpu.yield
    }) : () -> ()
    %mul3A_162 = arith.constant 640 : i32
    %mul3A_163 = arith.muli %arg1, %mul3A_162 : i32
    %add3A_164 = arith.constant 320 : i32
    %add3A_165 = arith.addi %mul3A_163, %add3A_164 : i32
    "tpu.region"() ({
      %run_scoped3A = tpu.sem_alloc : memref<!tpu.dma_semaphore, #tpu.memory_space<semaphore_mem>>
      %dma_start3A_178 = arith.constant 0 : i32
      %dma_start3A_179 = tpu.memref_slice %arg6[%add3A_165, %dma_start3A_178] : memref<10240x128xf32, #tpu.memory_space<vmem_shared>> -> memref<80x128xf32, #tpu.memory_space<vmem_shared>>
      %dma_start3A_180 = arith.constant 0 : i32
      %dma_start3A_181 = tpu.memref_slice %arg6[%add3A_165, %dma_start3A_180] : memref<10240x128xf32, #tpu.memory_space<vmem_shared>> -> memref<80x128xf32, #tpu.memory_space<vmem_shared>>
      tpu.enqueue_dma source(%dma_start3A_181 : memref<80x128xf32, #tpu.memory_space<vmem_shared>>) target(%arg9 : memref<80x128xf32, #tpu.memory_space<vmem>>) target_semaphore(%run_scoped3A : memref<!tpu.dma_semaphore, #tpu.memory_space<semaphore_mem>>)
      %dma_wait3A_182 = arith.constant 0 : i32
      %dma_wait3A_183 = tpu.memref_slice %arg6[%add3A_165, %dma_wait3A_182] : memref<10240x128xf32, #tpu.memory_space<vmem_shared>> -> memref<80x128xf32, #tpu.memory_space<vmem_shared>>
      %dma_wait3A_184 = arith.constant 0 : i32
      %dma_wait3A_185 = tpu.memref_slice %arg6[%add3A_165, %dma_wait3A_184] : memref<10240x128xf32, #tpu.memory_space<vmem_shared>> -> memref<80x128xf32, #tpu.memory_space<vmem_shared>>
      tpu.wait_dma2 semaphore(%run_scoped3A : memref<!tpu.dma_semaphore, #tpu.memory_space<semaphore_mem>>) src(%dma_wait3A_185 : memref<80x128xf32, #tpu.memory_space<vmem_shared>>) dst(%arg9 : memref<80x128xf32, #tpu.memory_space<vmem>>)
      tpu.yield
    }) : () -> ()
    "tpu.region"() ({
      %run_scoped3A = tpu.sem_alloc : memref<!tpu.dma_semaphore, #tpu.memory_space<semaphore_mem>>
      %dma_start3A_178 = arith.constant 0 : i32
      %dma_start3A_179 = tpu.memref_slice %arg5[%arg0, %add3A_165, %dma_start3A_178] : memref<2x10240x128xf32, #tpu.memory_space<hbm>> -> memref<1x80x128xf32, #tpu.memory_space<hbm>>
      %dma_start3A_180 = tpu.memref_squeeze %dma_start3A_179 : memref<1x80x128xf32, #tpu.memory_space<hbm>> -> memref<80x128xf32, #tpu.memory_space<hbm>>
      %dma_start3A_181 = arith.constant 0 : i32
      %dma_start3A_182 = tpu.memref_slice %arg5[%arg0, %add3A_165, %dma_start3A_181] : memref<2x10240x128xf32, #tpu.memory_space<hbm>> -> memref<1x80x128xf32, #tpu.memory_space<hbm>>
      %dma_start3A_183 = tpu.memref_squeeze %dma_start3A_182 : memref<1x80x128xf32, #tpu.memory_space<hbm>> -> memref<80x128xf32, #tpu.memory_space<hbm>>
      tpu.enqueue_dma source(%arg9 : memref<80x128xf32, #tpu.memory_space<vmem>>) target(%dma_start3A_183 : memref<80x128xf32, #tpu.memory_space<hbm>>) target_semaphore(%run_scoped3A : memref<!tpu.dma_semaphore, #tpu.memory_space<semaphore_mem>>)
      %dma_wait3A_184 = arith.constant 0 : i32
      %dma_wait3A_185 = tpu.memref_slice %arg5[%arg0, %add3A_165, %dma_wait3A_184] : memref<2x10240x128xf32, #tpu.memory_space<hbm>> -> memref<1x80x128xf32, #tpu.memory_space<hbm>>
      %dma_wait3A_186 = tpu.memref_squeeze %dma_wait3A_185 : memref<1x80x128xf32, #tpu.memory_space<hbm>> -> memref<80x128xf32, #tpu.memory_space<hbm>>
      %dma_wait3A_187 = arith.constant 0 : i32
      %dma_wait3A_188 = tpu.memref_slice %arg5[%arg0, %add3A_165, %dma_wait3A_187] : memref<2x10240x128xf32, #tpu.memory_space<hbm>> -> memref<1x80x128xf32, #tpu.memory_space<hbm>>
      %dma_wait3A_189 = tpu.memref_squeeze %dma_wait3A_188 : memref<1x80x128xf32, #tpu.memory_space<hbm>> -> memref<80x128xf32, #tpu.memory_space<hbm>>
      tpu.wait_dma2 semaphore(%run_scoped3A : memref<!tpu.dma_semaphore, #tpu.memory_space<semaphore_mem>>) src(%arg9 : memref<80x128xf32, #tpu.memory_space<vmem>>) dst(%dma_wait3A_189 : memref<80x128xf32, #tpu.memory_space<hbm>>)
      tpu.yield
    }) : () -> ()
    %mul3A_166 = arith.constant 640 : i32
    %mul3A_167 = arith.muli %arg1, %mul3A_166 : i32
    %add3A_168 = arith.constant 400 : i32
    %add3A_169 = arith.addi %mul3A_167, %add3A_168 : i32
    "tpu.region"() ({
      %run_scoped3A = tpu.sem_alloc : memref<!tpu.dma_semaphore, #tpu.memory_space<semaphore_mem>>
      %dma_start3A_178 = arith.constant 0 : i32
      %dma_start3A_179 = tpu.memref_slice %arg6[%add3A_169, %dma_start3A_178] : memref<10240x128xf32, #tpu.memory_space<vmem_shared>> -> memref<80x128xf32, #tpu.memory_space<vmem_shared>>
      %dma_start3A_180 = arith.constant 0 : i32
      %dma_start3A_181 = tpu.memref_slice %arg6[%add3A_169, %dma_start3A_180] : memref<10240x128xf32, #tpu.memory_space<vmem_shared>> -> memref<80x128xf32, #tpu.memory_space<vmem_shared>>
      tpu.enqueue_dma source(%dma_start3A_181 : memref<80x128xf32, #tpu.memory_space<vmem_shared>>) target(%arg9 : memref<80x128xf32, #tpu.memory_space<vmem>>) target_semaphore(%run_scoped3A : memref<!tpu.dma_semaphore, #tpu.memory_space<semaphore_mem>>)
      %dma_wait3A_182 = arith.constant 0 : i32
      %dma_wait3A_183 = tpu.memref_slice %arg6[%add3A_169, %dma_wait3A_182] : memref<10240x128xf32, #tpu.memory_space<vmem_shared>> -> memref<80x128xf32, #tpu.memory_space<vmem_shared>>
      %dma_wait3A_184 = arith.constant 0 : i32
      %dma_wait3A_185 = tpu.memref_slice %arg6[%add3A_169, %dma_wait3A_184] : memref<10240x128xf32, #tpu.memory_space<vmem_shared>> -> memref<80x128xf32, #tpu.memory_space<vmem_shared>>
      tpu.wait_dma2 semaphore(%run_scoped3A : memref<!tpu.dma_semaphore, #tpu.memory_space<semaphore_mem>>) src(%dma_wait3A_185 : memref<80x128xf32, #tpu.memory_space<vmem_shared>>) dst(%arg9 : memref<80x128xf32, #tpu.memory_space<vmem>>)
      tpu.yield
    }) : () -> ()
    "tpu.region"() ({
      %run_scoped3A = tpu.sem_alloc : memref<!tpu.dma_semaphore, #tpu.memory_space<semaphore_mem>>
      %dma_start3A_178 = arith.constant 0 : i32
      %dma_start3A_179 = tpu.memref_slice %arg5[%arg0, %add3A_169, %dma_start3A_178] : memref<2x10240x128xf32, #tpu.memory_space<hbm>> -> memref<1x80x128xf32, #tpu.memory_space<hbm>>
      %dma_start3A_180 = tpu.memref_squeeze %dma_start3A_179 : memref<1x80x128xf32, #tpu.memory_space<hbm>> -> memref<80x128xf32, #tpu.memory_space<hbm>>
      %dma_start3A_181 = arith.constant 0 : i32
      %dma_start3A_182 = tpu.memref_slice %arg5[%arg0, %add3A_169, %dma_start3A_181] : memref<2x10240x128xf32, #tpu.memory_space<hbm>> -> memref<1x80x128xf32, #tpu.memory_space<hbm>>
      %dma_start3A_183 = tpu.memref_squeeze %dma_start3A_182 : memref<1x80x128xf32, #tpu.memory_space<hbm>> -> memref<80x128xf32, #tpu.memory_space<hbm>>
      tpu.enqueue_dma source(%arg9 : memref<80x128xf32, #tpu.memory_space<vmem>>) target(%dma_start3A_183 : memref<80x128xf32, #tpu.memory_space<hbm>>) target_semaphore(%run_scoped3A : memref<!tpu.dma_semaphore, #tpu.memory_space<semaphore_mem>>)
      %dma_wait3A_184 = arith.constant 0 : i32
      %dma_wait3A_185 = tpu.memref_slice %arg5[%arg0, %add3A_169, %dma_wait3A_184] : memref<2x10240x128xf32, #tpu.memory_space<hbm>> -> memref<1x80x128xf32, #tpu.memory_space<hbm>>
      %dma_wait3A_186 = tpu.memref_squeeze %dma_wait3A_185 : memref<1x80x128xf32, #tpu.memory_space<hbm>> -> memref<80x128xf32, #tpu.memory_space<hbm>>
      %dma_wait3A_187 = arith.constant 0 : i32
      %dma_wait3A_188 = tpu.memref_slice %arg5[%arg0, %add3A_169, %dma_wait3A_187] : memref<2x10240x128xf32, #tpu.memory_space<hbm>> -> memref<1x80x128xf32, #tpu.memory_space<hbm>>
      %dma_wait3A_189 = tpu.memref_squeeze %dma_wait3A_188 : memref<1x80x128xf32, #tpu.memory_space<hbm>> -> memref<80x128xf32, #tpu.memory_space<hbm>>
      tpu.wait_dma2 semaphore(%run_scoped3A : memref<!tpu.dma_semaphore, #tpu.memory_space<semaphore_mem>>) src(%arg9 : memref<80x128xf32, #tpu.memory_space<vmem>>) dst(%dma_wait3A_189 : memref<80x128xf32, #tpu.memory_space<hbm>>)
      tpu.yield
    }) : () -> ()
    %mul3A_170 = arith.constant 640 : i32
    %mul3A_171 = arith.muli %arg1, %mul3A_170 : i32
    %add3A_172 = arith.constant 480 : i32
    %add3A_173 = arith.addi %mul3A_171, %add3A_172 : i32
    "tpu.region"() ({
      %run_scoped3A = tpu.sem_alloc : memref<!tpu.dma_semaphore, #tpu.memory_space<semaphore_mem>>
      %dma_start3A_178 = arith.constant 0 : i32
      %dma_start3A_179 = tpu.memref_slice %arg6[%add3A_173, %dma_start3A_178] : memref<10240x128xf32, #tpu.memory_space<vmem_shared>> -> memref<80x128xf32, #tpu.memory_space<vmem_shared>>
      %dma_start3A_180 = arith.constant 0 : i32
      %dma_start3A_181 = tpu.memref_slice %arg6[%add3A_173, %dma_start3A_180] : memref<10240x128xf32, #tpu.memory_space<vmem_shared>> -> memref<80x128xf32, #tpu.memory_space<vmem_shared>>
      tpu.enqueue_dma source(%dma_start3A_181 : memref<80x128xf32, #tpu.memory_space<vmem_shared>>) target(%arg9 : memref<80x128xf32, #tpu.memory_space<vmem>>) target_semaphore(%run_scoped3A : memref<!tpu.dma_semaphore, #tpu.memory_space<semaphore_mem>>)
      %dma_wait3A_182 = arith.constant 0 : i32
      %dma_wait3A_183 = tpu.memref_slice %arg6[%add3A_173, %dma_wait3A_182] : memref<10240x128xf32, #tpu.memory_space<vmem_shared>> -> memref<80x128xf32, #tpu.memory_space<vmem_shared>>
      %dma_wait3A_184 = arith.constant 0 : i32
      %dma_wait3A_185 = tpu.memref_slice %arg6[%add3A_173, %dma_wait3A_184] : memref<10240x128xf32, #tpu.memory_space<vmem_shared>> -> memref<80x128xf32, #tpu.memory_space<vmem_shared>>
      tpu.wait_dma2 semaphore(%run_scoped3A : memref<!tpu.dma_semaphore, #tpu.memory_space<semaphore_mem>>) src(%dma_wait3A_185 : memref<80x128xf32, #tpu.memory_space<vmem_shared>>) dst(%arg9 : memref<80x128xf32, #tpu.memory_space<vmem>>)
      tpu.yield
    }) : () -> ()
    "tpu.region"() ({
      %run_scoped3A = tpu.sem_alloc : memref<!tpu.dma_semaphore, #tpu.memory_space<semaphore_mem>>
      %dma_start3A_178 = arith.constant 0 : i32
      %dma_start3A_179 = tpu.memref_slice %arg5[%arg0, %add3A_173, %dma_start3A_178] : memref<2x10240x128xf32, #tpu.memory_space<hbm>> -> memref<1x80x128xf32, #tpu.memory_space<hbm>>
      %dma_start3A_180 = tpu.memref_squeeze %dma_start3A_179 : memref<1x80x128xf32, #tpu.memory_space<hbm>> -> memref<80x128xf32, #tpu.memory_space<hbm>>
      %dma_start3A_181 = arith.constant 0 : i32
      %dma_start3A_182 = tpu.memref_slice %arg5[%arg0, %add3A_173, %dma_start3A_181] : memref<2x10240x128xf32, #tpu.memory_space<hbm>> -> memref<1x80x128xf32, #tpu.memory_space<hbm>>
      %dma_start3A_183 = tpu.memref_squeeze %dma_start3A_182 : memref<1x80x128xf32, #tpu.memory_space<hbm>> -> memref<80x128xf32, #tpu.memory_space<hbm>>
      tpu.enqueue_dma source(%arg9 : memref<80x128xf32, #tpu.memory_space<vmem>>) target(%dma_start3A_183 : memref<80x128xf32, #tpu.memory_space<hbm>>) target_semaphore(%run_scoped3A : memref<!tpu.dma_semaphore, #tpu.memory_space<semaphore_mem>>)
      %dma_wait3A_184 = arith.constant 0 : i32
      %dma_wait3A_185 = tpu.memref_slice %arg5[%arg0, %add3A_173, %dma_wait3A_184] : memref<2x10240x128xf32, #tpu.memory_space<hbm>> -> memref<1x80x128xf32, #tpu.memory_space<hbm>>
      %dma_wait3A_186 = tpu.memref_squeeze %dma_wait3A_185 : memref<1x80x128xf32, #tpu.memory_space<hbm>> -> memref<80x128xf32, #tpu.memory_space<hbm>>
      %dma_wait3A_187 = arith.constant 0 : i32
      %dma_wait3A_188 = tpu.memref_slice %arg5[%arg0, %add3A_173, %dma_wait3A_187] : memref<2x10240x128xf32, #tpu.memory_space<hbm>> -> memref<1x80x128xf32, #tpu.memory_space<hbm>>
      %dma_wait3A_189 = tpu.memref_squeeze %dma_wait3A_188 : memref<1x80x128xf32, #tpu.memory_space<hbm>> -> memref<80x128xf32, #tpu.memory_space<hbm>>
      tpu.wait_dma2 semaphore(%run_scoped3A : memref<!tpu.dma_semaphore, #tpu.memory_space<semaphore_mem>>) src(%arg9 : memref<80x128xf32, #tpu.memory_space<vmem>>) dst(%dma_wait3A_189 : memref<80x128xf32, #tpu.memory_space<hbm>>)
      tpu.yield
    }) : () -> ()
    %mul3A_174 = arith.constant 640 : i32
    %mul3A_175 = arith.muli %arg1, %mul3A_174 : i32
    %add3A_176 = arith.constant 560 : i32
    %add3A_177 = arith.addi %mul3A_175, %add3A_176 : i32
    "tpu.region"() ({
      %run_scoped3A = tpu.sem_alloc : memref<!tpu.dma_semaphore, #tpu.memory_space<semaphore_mem>>
      %dma_start3A_178 = arith.constant 0 : i32
      %dma_start3A_179 = tpu.memref_slice %arg6[%add3A_177, %dma_start3A_178] : memref<10240x128xf32, #tpu.memory_space<vmem_shared>> -> memref<80x128xf32, #tpu.memory_space<vmem_shared>>
      %dma_start3A_180 = arith.constant 0 : i32
      %dma_start3A_181 = tpu.memref_slice %arg6[%add3A_177, %dma_start3A_180] : memref<10240x128xf32, #tpu.memory_space<vmem_shared>> -> memref<80x128xf32, #tpu.memory_space<vmem_shared>>
      tpu.enqueue_dma source(%dma_start3A_181 : memref<80x128xf32, #tpu.memory_space<vmem_shared>>) target(%arg9 : memref<80x128xf32, #tpu.memory_space<vmem>>) target_semaphore(%run_scoped3A : memref<!tpu.dma_semaphore, #tpu.memory_space<semaphore_mem>>)
      %dma_wait3A_182 = arith.constant 0 : i32
      %dma_wait3A_183 = tpu.memref_slice %arg6[%add3A_177, %dma_wait3A_182] : memref<10240x128xf32, #tpu.memory_space<vmem_shared>> -> memref<80x128xf32, #tpu.memory_space<vmem_shared>>
      %dma_wait3A_184 = arith.constant 0 : i32
      %dma_wait3A_185 = tpu.memref_slice %arg6[%add3A_177, %dma_wait3A_184] : memref<10240x128xf32, #tpu.memory_space<vmem_shared>> -> memref<80x128xf32, #tpu.memory_space<vmem_shared>>
      tpu.wait_dma2 semaphore(%run_scoped3A : memref<!tpu.dma_semaphore, #tpu.memory_space<semaphore_mem>>) src(%dma_wait3A_185 : memref<80x128xf32, #tpu.memory_space<vmem_shared>>) dst(%arg9 : memref<80x128xf32, #tpu.memory_space<vmem>>)
      tpu.yield
    }) : () -> ()
    "tpu.region"() ({
      %run_scoped3A = tpu.sem_alloc : memref<!tpu.dma_semaphore, #tpu.memory_space<semaphore_mem>>
      %dma_start3A_178 = arith.constant 0 : i32
      %dma_start3A_179 = tpu.memref_slice %arg5[%arg0, %add3A_177, %dma_start3A_178] : memref<2x10240x128xf32, #tpu.memory_space<hbm>> -> memref<1x80x128xf32, #tpu.memory_space<hbm>>
      %dma_start3A_180 = tpu.memref_squeeze %dma_start3A_179 : memref<1x80x128xf32, #tpu.memory_space<hbm>> -> memref<80x128xf32, #tpu.memory_space<hbm>>
      %dma_start3A_181 = arith.constant 0 : i32
      %dma_start3A_182 = tpu.memref_slice %arg5[%arg0, %add3A_177, %dma_start3A_181] : memref<2x10240x128xf32, #tpu.memory_space<hbm>> -> memref<1x80x128xf32, #tpu.memory_space<hbm>>
      %dma_start3A_183 = tpu.memref_squeeze %dma_start3A_182 : memref<1x80x128xf32, #tpu.memory_space<hbm>> -> memref<80x128xf32, #tpu.memory_space<hbm>>
      tpu.enqueue_dma source(%arg9 : memref<80x128xf32, #tpu.memory_space<vmem>>) target(%dma_start3A_183 : memref<80x128xf32, #tpu.memory_space<hbm>>) target_semaphore(%run_scoped3A : memref<!tpu.dma_semaphore, #tpu.memory_space<semaphore_mem>>)
      %dma_wait3A_184 = arith.constant 0 : i32
      %dma_wait3A_185 = tpu.memref_slice %arg5[%arg0, %add3A_177, %dma_wait3A_184] : memref<2x10240x128xf32, #tpu.memory_space<hbm>> -> memref<1x80x128xf32, #tpu.memory_space<hbm>>
      %dma_wait3A_186 = tpu.memref_squeeze %dma_wait3A_185 : memref<1x80x128xf32, #tpu.memory_space<hbm>> -> memref<80x128xf32, #tpu.memory_space<hbm>>
      %dma_wait3A_187 = arith.constant 0 : i32
      %dma_wait3A_188 = tpu.memref_slice %arg5[%arg0, %add3A_177, %dma_wait3A_187] : memref<2x10240x128xf32, #tpu.memory_space<hbm>> -> memref<1x80x128xf32, #tpu.memory_space<hbm>>
      %dma_wait3A_189 = tpu.memref_squeeze %dma_wait3A_188 : memref<1x80x128xf32, #tpu.memory_space<hbm>> -> memref<80x128xf32, #tpu.memory_space<hbm>>
      tpu.wait_dma2 semaphore(%run_scoped3A : memref<!tpu.dma_semaphore, #tpu.memory_space<semaphore_mem>>) src(%arg9 : memref<80x128xf32, #tpu.memory_space<vmem>>) dst(%dma_wait3A_189 : memref<80x128xf32, #tpu.memory_space<hbm>>)
      tpu.yield
    }) : () -> ()
    return
  }
}

#map = affine_map<(d0, d1) -> (0, 0)>
#map1 = affine_map<(d0, d1) -> (0, 0, 0)>
module attributes {stable_mosaic.version = 14 : i64} {
  func.func @sc_edge_aggr(%arg0: i32, %arg1: i32, %arg2: memref<10000x128xf32, #tpu.memory_space<hbm>>, %arg3: memref<320000x128xf32, #tpu.memory_space<hbm>>, %arg4: memref<2x4000x80xi32, #tpu.memory_space<hbm>>, %arg5: memref<2x10240x128xf32, #tpu.memory_space<hbm>>, %arg6: memref<10240x128xf32, #tpu.memory_space<vmem_shared>>, %arg7: memref<2x80xi32, #tpu.memory_space<vmem>>, %arg8: memref<2x80xi32, #tpu.memory_space<vmem>>, %arg9: memref<80x128xf32, #tpu.memory_space<vmem>>, %arg10: memref<80x128xf32, #tpu.memory_space<vmem>>, %arg11: memref<80x128xf32, #tpu.memory_space<vmem>>, %arg12: memref<80x128xf32, #tpu.memory_space<vmem>>, %arg13: memref<80xi32, #tpu.memory_space<vmem>>, %arg14: memref<80xi32, #tpu.memory_space<vmem>>, %arg15: memref<!tpu.dma_semaphore, #tpu.memory_space<semaphore_mem>>, %arg16: memref<!tpu.dma_semaphore, #tpu.memory_space<semaphore_mem>>, %arg17: memref<!tpu.dma_semaphore, #tpu.memory_space<semaphore_mem>>, %arg18: memref<!tpu.dma_semaphore, #tpu.memory_space<semaphore_mem>>, %arg19: memref<!tpu.dma_semaphore, #tpu.memory_space<semaphore_mem>>, %arg20: memref<!tpu.dma_semaphore, #tpu.memory_space<semaphore_mem>>) attributes {dimension_semantics = [#tpu.dimension_semantics<core_parallel>, #tpu.dimension_semantics<subcore_parallel>], iteration_bounds = array<i64: 2, 16>, scalar_prefetch = 0 : i64, scratch_operands = 15 : i64, tpu.core_type = #tpu.core_type<sc_vector_subcore>, window_params = [{transform_indices = #map}, {transform_indices = #map}, {transform_indices = #map1}, {transform_indices = #map1}]} {
    %mul3A = arith.constant 16 : i32
    %mul3A_0 = arith.muli %arg0, %mul3A : i32
    %add3A = arith.addi %mul3A_0, %arg1 : i32
    %mul3A_1 = arith.constant 125 : i32
    %mul3A_2 = arith.muli %add3A, %mul3A_1 : i32
    %parallel_loop3A = arith.constant 0 : i32
    %parallel_loop3A_3 = arith.constant 80 : i32
    %parallel_loop3A_4 = arith.constant 1 : i32
    scf.for %parallel_loop3A_178 = %parallel_loop3A to %parallel_loop3A_3 step %parallel_loop3A_4  : i32 {
      %parallel_loop3A_179 = arith.constant 0.000000e+00 : f32
      %parallel_loop3A_180 = vector.broadcast %parallel_loop3A_179 : f32 to vector<16xf32>
      %parallel_loop3A_181 = arith.index_cast %parallel_loop3A_178 : i32 to index
      %parallel_loop3A_182 = arith.constant 0 : index
      %parallel_loop3A_183 = tpu.vector_load %arg9[%parallel_loop3A_181, %parallel_loop3A_182] {strides = array<i32>} : memref<80x128xf32, #tpu.memory_space<vmem>>, vector<1x16xf32>,
      %parallel_loop3A_184 = vector.shape_cast %parallel_loop3A_183 : vector<1x16xf32> to vector<16xf32>
      %parallel_loop3A_185 = vector.shape_cast %parallel_loop3A_180 : vector<16xf32> to vector<1x16xf32>
      tpu.vector_store %arg9[%parallel_loop3A_181, %parallel_loop3A_182], %parallel_loop3A_185 {strides = array<i32>} : memref<80x128xf32, #tpu.memory_space<vmem>>, vector<1x16xf32>,
      %parallel_loop3A_186 = arith.constant 0.000000e+00 : f32
      %parallel_loop3A_187 = vector.broadcast %parallel_loop3A_186 : f32 to vector<16xf32>
      %parallel_loop3A_188 = arith.index_cast %parallel_loop3A_178 : i32 to index
      %parallel_loop3A_189 = arith.constant 16 : index
      %parallel_loop3A_190 = tpu.vector_load %arg9[%parallel_loop3A_188, %parallel_loop3A_189] {strides = array<i32>} : memref<80x128xf32, #tpu.memory_space<vmem>>, vector<1x16xf32>,
      %parallel_loop3A_191 = vector.shape_cast %parallel_loop3A_190 : vector<1x16xf32> to vector<16xf32>
      %parallel_loop3A_192 = vector.shape_cast %parallel_loop3A_187 : vector<16xf32> to vector<1x16xf32>
      tpu.vector_store %arg9[%parallel_loop3A_188, %parallel_loop3A_189], %parallel_loop3A_192 {strides = array<i32>} : memref<80x128xf32, #tpu.memory_space<vmem>>, vector<1x16xf32>,
      %parallel_loop3A_193 = arith.constant 0.000000e+00 : f32
      %parallel_loop3A_194 = vector.broadcast %parallel_loop3A_193 : f32 to vector<16xf32>
      %parallel_loop3A_195 = arith.index_cast %parallel_loop3A_178 : i32 to index
      %parallel_loop3A_196 = arith.constant 32 : index
      %parallel_loop3A_197 = tpu.vector_load %arg9[%parallel_loop3A_195, %parallel_loop3A_196] {strides = array<i32>} : memref<80x128xf32, #tpu.memory_space<vmem>>, vector<1x16xf32>,
      %parallel_loop3A_198 = vector.shape_cast %parallel_loop3A_197 : vector<1x16xf32> to vector<16xf32>
      %parallel_loop3A_199 = vector.shape_cast %parallel_loop3A_194 : vector<16xf32> to vector<1x16xf32>
      tpu.vector_store %arg9[%parallel_loop3A_195, %parallel_loop3A_196], %parallel_loop3A_199 {strides = array<i32>} : memref<80x128xf32, #tpu.memory_space<vmem>>, vector<1x16xf32>,
      %parallel_loop3A_200 = arith.constant 0.000000e+00 : f32
      %parallel_loop3A_201 = vector.broadcast %parallel_loop3A_200 : f32 to vector<16xf32>
      %parallel_loop3A_202 = arith.index_cast %parallel_loop3A_178 : i32 to index
      %parallel_loop3A_203 = arith.constant 48 : index
      %parallel_loop3A_204 = tpu.vector_load %arg9[%parallel_loop3A_202, %parallel_loop3A_203] {strides = array<i32>} : memref<80x128xf32, #tpu.memory_space<vmem>>, vector<1x16xf32>,
      %parallel_loop3A_205 = vector.shape_cast %parallel_loop3A_204 : vector<1x16xf32> to vector<16xf32>
      %parallel_loop3A_206 = vector.shape_cast %parallel_loop3A_201 : vector<16xf32> to vector<1x16xf32>
      tpu.vector_store %arg9[%parallel_loop3A_202, %parallel_loop3A_203], %parallel_loop3A_206 {strides = array<i32>} : memref<80x128xf32, #tpu.memory_space<vmem>>, vector<1x16xf32>,
      %parallel_loop3A_207 = arith.constant 0.000000e+00 : f32
      %parallel_loop3A_208 = vector.broadcast %parallel_loop3A_207 : f32 to vector<16xf32>
      %parallel_loop3A_209 = arith.index_cast %parallel_loop3A_178 : i32 to index
      %parallel_loop3A_210 = arith.constant 64 : index
      %parallel_loop3A_211 = tpu.vector_load %arg9[%parallel_loop3A_209, %parallel_loop3A_210] {strides = array<i32>} : memref<80x128xf32, #tpu.memory_space<vmem>>, vector<1x16xf32>,
      %parallel_loop3A_212 = vector.shape_cast %parallel_loop3A_211 : vector<1x16xf32> to vector<16xf32>
      %parallel_loop3A_213 = vector.shape_cast %parallel_loop3A_208 : vector<16xf32> to vector<1x16xf32>
      tpu.vector_store %arg9[%parallel_loop3A_209, %parallel_loop3A_210], %parallel_loop3A_213 {strides = array<i32>} : memref<80x128xf32, #tpu.memory_space<vmem>>, vector<1x16xf32>,
      %parallel_loop3A_214 = arith.constant 0.000000e+00 : f32
      %parallel_loop3A_215 = vector.broadcast %parallel_loop3A_214 : f32 to vector<16xf32>
      %parallel_loop3A_216 = arith.index_cast %parallel_loop3A_178 : i32 to index
      %parallel_loop3A_217 = arith.constant 80 : index
      %parallel_loop3A_218 = tpu.vector_load %arg9[%parallel_loop3A_216, %parallel_loop3A_217] {strides = array<i32>} : memref<80x128xf32, #tpu.memory_space<vmem>>, vector<1x16xf32>,
      %parallel_loop3A_219 = vector.shape_cast %parallel_loop3A_218 : vector<1x16xf32> to vector<16xf32>
      %parallel_loop3A_220 = vector.shape_cast %parallel_loop3A_215 : vector<16xf32> to vector<1x16xf32>
      tpu.vector_store %arg9[%parallel_loop3A_216, %parallel_loop3A_217], %parallel_loop3A_220 {strides = array<i32>} : memref<80x128xf32, #tpu.memory_space<vmem>>, vector<1x16xf32>,
      %parallel_loop3A_221 = arith.constant 0.000000e+00 : f32
      %parallel_loop3A_222 = vector.broadcast %parallel_loop3A_221 : f32 to vector<16xf32>
      %parallel_loop3A_223 = arith.index_cast %parallel_loop3A_178 : i32 to index
      %parallel_loop3A_224 = arith.constant 96 : index
      %parallel_loop3A_225 = tpu.vector_load %arg9[%parallel_loop3A_223, %parallel_loop3A_224] {strides = array<i32>} : memref<80x128xf32, #tpu.memory_space<vmem>>, vector<1x16xf32>,
      %parallel_loop3A_226 = vector.shape_cast %parallel_loop3A_225 : vector<1x16xf32> to vector<16xf32>
      %parallel_loop3A_227 = vector.shape_cast %parallel_loop3A_222 : vector<16xf32> to vector<1x16xf32>
      tpu.vector_store %arg9[%parallel_loop3A_223, %parallel_loop3A_224], %parallel_loop3A_227 {strides = array<i32>} : memref<80x128xf32, #tpu.memory_space<vmem>>, vector<1x16xf32>,
      %parallel_loop3A_228 = arith.constant 0.000000e+00 : f32
      %parallel_loop3A_229 = vector.broadcast %parallel_loop3A_228 : f32 to vector<16xf32>
      %parallel_loop3A_230 = arith.index_cast %parallel_loop3A_178 : i32 to index
      %parallel_loop3A_231 = arith.constant 112 : index
      %parallel_loop3A_232 = tpu.vector_load %arg9[%parallel_loop3A_230, %parallel_loop3A_231] {strides = array<i32>} : memref<80x128xf32, #tpu.memory_space<vmem>>, vector<1x16xf32>,
      %parallel_loop3A_233 = vector.shape_cast %parallel_loop3A_232 : vector<1x16xf32> to vector<16xf32>
      %parallel_loop3A_234 = vector.shape_cast %parallel_loop3A_229 : vector<16xf32> to vector<1x16xf32>
      tpu.vector_store %arg9[%parallel_loop3A_230, %parallel_loop3A_231], %parallel_loop3A_234 {strides = array<i32>} : memref<80x128xf32, #tpu.memory_space<vmem>>, vector<1x16xf32>,
    } {sc.loop_unroll_factor = 4 : i64, sc.parallel_access}
    %mul3A_5 = arith.constant 640 : i32
    %mul3A_6 = arith.muli %arg1, %mul3A_5 : i32
    %add3A_7 = arith.constant 0 : i32
    %add3A_8 = arith.addi %mul3A_6, %add3A_7 : i32
    "tpu.region"() ({
      %run_scoped3A = tpu.sem_alloc : memref<!tpu.dma_semaphore, #tpu.memory_space<semaphore_mem>>
      %dma_start3A_178 = arith.constant 0 : i32
      %dma_start3A_179 = tpu.memref_slice %arg6[%add3A_8, %dma_start3A_178] : memref<10240x128xf32, #tpu.memory_space<vmem_shared>> -> memref<80x128xf32, #tpu.memory_space<vmem_shared>>
      %dma_start3A_180 = arith.constant 0 : i32
      %dma_start3A_181 = tpu.memref_slice %arg6[%add3A_8, %dma_start3A_180] : memref<10240x128xf32, #tpu.memory_space<vmem_shared>> -> memref<80x128xf32, #tpu.memory_space<vmem_shared>>
      tpu.enqueue_dma source(%arg9 : memref<80x128xf32, #tpu.memory_space<vmem>>) target(%dma_start3A_181 : memref<80x128xf32, #tpu.memory_space<vmem_shared>>) target_semaphore(%run_scoped3A : memref<!tpu.dma_semaphore, #tpu.memory_space<semaphore_mem>>)
      %dma_wait3A_182 = arith.constant 0 : i32
      %dma_wait3A_183 = tpu.memref_slice %arg6[%add3A_8, %dma_wait3A_182] : memref<10240x128xf32, #tpu.memory_space<vmem_shared>> -> memref<80x128xf32, #tpu.memory_space<vmem_shared>>
      %dma_wait3A_184 = arith.constant 0 : i32
      %dma_wait3A_185 = tpu.memref_slice %arg6[%add3A_8, %dma_wait3A_184] : memref<10240x128xf32, #tpu.memory_space<vmem_shared>> -> memref<80x128xf32, #tpu.memory_space<vmem_shared>>
      tpu.wait_dma2 semaphore(%run_scoped3A : memref<!tpu.dma_semaphore, #tpu.memory_space<semaphore_mem>>) src(%arg9 : memref<80x128xf32, #tpu.memory_space<vmem>>) dst(%dma_wait3A_185 : memref<80x128xf32, #tpu.memory_space<vmem_shared>>)
      tpu.yield
    }) : () -> ()
    %mul3A_9 = arith.constant 640 : i32
    %mul3A_10 = arith.muli %arg1, %mul3A_9 : i32
    %add3A_11 = arith.constant 80 : i32
    %add3A_12 = arith.addi %mul3A_10, %add3A_11 : i32
    "tpu.region"() ({
      %run_scoped3A = tpu.sem_alloc : memref<!tpu.dma_semaphore, #tpu.memory_space<semaphore_mem>>
      %dma_start3A_178 = arith.constant 0 : i32
      %dma_start3A_179 = tpu.memref_slice %arg6[%add3A_12, %dma_start3A_178] : memref<10240x128xf32, #tpu.memory_space<vmem_shared>> -> memref<80x128xf32, #tpu.memory_space<vmem_shared>>
      %dma_start3A_180 = arith.constant 0 : i32
      %dma_start3A_181 = tpu.memref_slice %arg6[%add3A_12, %dma_start3A_180] : memref<10240x128xf32, #tpu.memory_space<vmem_shared>> -> memref<80x128xf32, #tpu.memory_space<vmem_shared>>
      tpu.enqueue_dma source(%arg9 : memref<80x128xf32, #tpu.memory_space<vmem>>) target(%dma_start3A_181 : memref<80x128xf32, #tpu.memory_space<vmem_shared>>) target_semaphore(%run_scoped3A : memref<!tpu.dma_semaphore, #tpu.memory_space<semaphore_mem>>)
      %dma_wait3A_182 = arith.constant 0 : i32
      %dma_wait3A_183 = tpu.memref_slice %arg6[%add3A_12, %dma_wait3A_182] : memref<10240x128xf32, #tpu.memory_space<vmem_shared>> -> memref<80x128xf32, #tpu.memory_space<vmem_shared>>
      %dma_wait3A_184 = arith.constant 0 : i32
      %dma_wait3A_185 = tpu.memref_slice %arg6[%add3A_12, %dma_wait3A_184] : memref<10240x128xf32, #tpu.memory_space<vmem_shared>> -> memref<80x128xf32, #tpu.memory_space<vmem_shared>>
      tpu.wait_dma2 semaphore(%run_scoped3A : memref<!tpu.dma_semaphore, #tpu.memory_space<semaphore_mem>>) src(%arg9 : memref<80x128xf32, #tpu.memory_space<vmem>>) dst(%dma_wait3A_185 : memref<80x128xf32, #tpu.memory_space<vmem_shared>>)
      tpu.yield
    }) : () -> ()
    %mul3A_13 = arith.constant 640 : i32
    %mul3A_14 = arith.muli %arg1, %mul3A_13 : i32
    %add3A_15 = arith.constant 160 : i32
    %add3A_16 = arith.addi %mul3A_14, %add3A_15 : i32
    "tpu.region"() ({
      %run_scoped3A = tpu.sem_alloc : memref<!tpu.dma_semaphore, #tpu.memory_space<semaphore_mem>>
      %dma_start3A_178 = arith.constant 0 : i32
      %dma_start3A_179 = tpu.memref_slice %arg6[%add3A_16, %dma_start3A_178] : memref<10240x128xf32, #tpu.memory_space<vmem_shared>> -> memref<80x128xf32, #tpu.memory_space<vmem_shared>>
      %dma_start3A_180 = arith.constant 0 : i32
      %dma_start3A_181 = tpu.memref_slice %arg6[%add3A_16, %dma_start3A_180] : memref<10240x128xf32, #tpu.memory_space<vmem_shared>> -> memref<80x128xf32, #tpu.memory_space<vmem_shared>>
      tpu.enqueue_dma source(%arg9 : memref<80x128xf32, #tpu.memory_space<vmem>>) target(%dma_start3A_181 : memref<80x128xf32, #tpu.memory_space<vmem_shared>>) target_semaphore(%run_scoped3A : memref<!tpu.dma_semaphore, #tpu.memory_space<semaphore_mem>>)
      %dma_wait3A_182 = arith.constant 0 : i32
      %dma_wait3A_183 = tpu.memref_slice %arg6[%add3A_16, %dma_wait3A_182] : memref<10240x128xf32, #tpu.memory_space<vmem_shared>> -> memref<80x128xf32, #tpu.memory_space<vmem_shared>>
      %dma_wait3A_184 = arith.constant 0 : i32
      %dma_wait3A_185 = tpu.memref_slice %arg6[%add3A_16, %dma_wait3A_184] : memref<10240x128xf32, #tpu.memory_space<vmem_shared>> -> memref<80x128xf32, #tpu.memory_space<vmem_shared>>
      tpu.wait_dma2 semaphore(%run_scoped3A : memref<!tpu.dma_semaphore, #tpu.memory_space<semaphore_mem>>) src(%arg9 : memref<80x128xf32, #tpu.memory_space<vmem>>) dst(%dma_wait3A_185 : memref<80x128xf32, #tpu.memory_space<vmem_shared>>)
      tpu.yield
    }) : () -> ()
    %mul3A_17 = arith.constant 640 : i32
    %mul3A_18 = arith.muli %arg1, %mul3A_17 : i32
    %add3A_19 = arith.constant 240 : i32
    %add3A_20 = arith.addi %mul3A_18, %add3A_19 : i32
    "tpu.region"() ({
      %run_scoped3A = tpu.sem_alloc : memref<!tpu.dma_semaphore, #tpu.memory_space<semaphore_mem>>
      %dma_start3A_178 = arith.constant 0 : i32
      %dma_start3A_179 = tpu.memref_slice %arg6[%add3A_20, %dma_start3A_178] : memref<10240x128xf32, #tpu.memory_space<vmem_shared>> -> memref<80x128xf32, #tpu.memory_space<vmem_shared>>
      %dma_start3A_180 = arith.constant 0 : i32
      %dma_start3A_181 = tpu.memref_slice %arg6[%add3A_20, %dma_start3A_180] : memref<10240x128xf32, #tpu.memory_space<vmem_shared>> -> memref<80x128xf32, #tpu.memory_space<vmem_shared>>
      tpu.enqueue_dma source(%arg9 : memref<80x128xf32, #tpu.memory_space<vmem>>) target(%dma_start3A_181 : memref<80x128xf32, #tpu.memory_space<vmem_shared>>) target_semaphore(%run_scoped3A : memref<!tpu.dma_semaphore, #tpu.memory_space<semaphore_mem>>)
      %dma_wait3A_182 = arith.constant 0 : i32
      %dma_wait3A_183 = tpu.memref_slice %arg6[%add3A_20, %dma_wait3A_182] : memref<10240x128xf32, #tpu.memory_space<vmem_shared>> -> memref<80x128xf32, #tpu.memory_space<vmem_shared>>
      %dma_wait3A_184 = arith.constant 0 : i32
      %dma_wait3A_185 = tpu.memref_slice %arg6[%add3A_20, %dma_wait3A_184] : memref<10240x128xf32, #tpu.memory_space<vmem_shared>> -> memref<80x128xf32, #tpu.memory_space<vmem_shared>>
      tpu.wait_dma2 semaphore(%run_scoped3A : memref<!tpu.dma_semaphore, #tpu.memory_space<semaphore_mem>>) src(%arg9 : memref<80x128xf32, #tpu.memory_space<vmem>>) dst(%dma_wait3A_185 : memref<80x128xf32, #tpu.memory_space<vmem_shared>>)
      tpu.yield
    }) : () -> ()
    %mul3A_21 = arith.constant 640 : i32
    %mul3A_22 = arith.muli %arg1, %mul3A_21 : i32
    %add3A_23 = arith.constant 320 : i32
    %add3A_24 = arith.addi %mul3A_22, %add3A_23 : i32
    "tpu.region"() ({
      %run_scoped3A = tpu.sem_alloc : memref<!tpu.dma_semaphore, #tpu.memory_space<semaphore_mem>>
      %dma_start3A_178 = arith.constant 0 : i32
      %dma_start3A_179 = tpu.memref_slice %arg6[%add3A_24, %dma_start3A_178] : memref<10240x128xf32, #tpu.memory_space<vmem_shared>> -> memref<80x128xf32, #tpu.memory_space<vmem_shared>>
      %dma_start3A_180 = arith.constant 0 : i32
      %dma_start3A_181 = tpu.memref_slice %arg6[%add3A_24, %dma_start3A_180] : memref<10240x128xf32, #tpu.memory_space<vmem_shared>> -> memref<80x128xf32, #tpu.memory_space<vmem_shared>>
      tpu.enqueue_dma source(%arg9 : memref<80x128xf32, #tpu.memory_space<vmem>>) target(%dma_start3A_181 : memref<80x128xf32, #tpu.memory_space<vmem_shared>>) target_semaphore(%run_scoped3A : memref<!tpu.dma_semaphore, #tpu.memory_space<semaphore_mem>>)
      %dma_wait3A_182 = arith.constant 0 : i32
      %dma_wait3A_183 = tpu.memref_slice %arg6[%add3A_24, %dma_wait3A_182] : memref<10240x128xf32, #tpu.memory_space<vmem_shared>> -> memref<80x128xf32, #tpu.memory_space<vmem_shared>>
      %dma_wait3A_184 = arith.constant 0 : i32
      %dma_wait3A_185 = tpu.memref_slice %arg6[%add3A_24, %dma_wait3A_184] : memref<10240x128xf32, #tpu.memory_space<vmem_shared>> -> memref<80x128xf32, #tpu.memory_space<vmem_shared>>
      tpu.wait_dma2 semaphore(%run_scoped3A : memref<!tpu.dma_semaphore, #tpu.memory_space<semaphore_mem>>) src(%arg9 : memref<80x128xf32, #tpu.memory_space<vmem>>) dst(%dma_wait3A_185 : memref<80x128xf32, #tpu.memory_space<vmem_shared>>)
      tpu.yield
    }) : () -> ()
    %mul3A_25 = arith.constant 640 : i32
    %mul3A_26 = arith.muli %arg1, %mul3A_25 : i32
    %add3A_27 = arith.constant 400 : i32
    %add3A_28 = arith.addi %mul3A_26, %add3A_27 : i32
    "tpu.region"() ({
      %run_scoped3A = tpu.sem_alloc : memref<!tpu.dma_semaphore, #tpu.memory_space<semaphore_mem>>
      %dma_start3A_178 = arith.constant 0 : i32
      %dma_start3A_179 = tpu.memref_slice %arg6[%add3A_28, %dma_start3A_178] : memref<10240x128xf32, #tpu.memory_space<vmem_shared>> -> memref<80x128xf32, #tpu.memory_space<vmem_shared>>
      %dma_start3A_180 = arith.constant 0 : i32
      %dma_start3A_181 = tpu.memref_slice %arg6[%add3A_28, %dma_start3A_180] : memref<10240x128xf32, #tpu.memory_space<vmem_shared>> -> memref<80x128xf32, #tpu.memory_space<vmem_shared>>
      tpu.enqueue_dma source(%arg9 : memref<80x128xf32, #tpu.memory_space<vmem>>) target(%dma_start3A_181 : memref<80x128xf32, #tpu.memory_space<vmem_shared>>) target_semaphore(%run_scoped3A : memref<!tpu.dma_semaphore, #tpu.memory_space<semaphore_mem>>)
      %dma_wait3A_182 = arith.constant 0 : i32
      %dma_wait3A_183 = tpu.memref_slice %arg6[%add3A_28, %dma_wait3A_182] : memref<10240x128xf32, #tpu.memory_space<vmem_shared>> -> memref<80x128xf32, #tpu.memory_space<vmem_shared>>
      %dma_wait3A_184 = arith.constant 0 : i32
      %dma_wait3A_185 = tpu.memref_slice %arg6[%add3A_28, %dma_wait3A_184] : memref<10240x128xf32, #tpu.memory_space<vmem_shared>> -> memref<80x128xf32, #tpu.memory_space<vmem_shared>>
      tpu.wait_dma2 semaphore(%run_scoped3A : memref<!tpu.dma_semaphore, #tpu.memory_space<semaphore_mem>>) src(%arg9 : memref<80x128xf32, #tpu.memory_space<vmem>>) dst(%dma_wait3A_185 : memref<80x128xf32, #tpu.memory_space<vmem_shared>>)
      tpu.yield
    }) : () -> ()
    %mul3A_29 = arith.constant 640 : i32
    %mul3A_30 = arith.muli %arg1, %mul3A_29 : i32
    %add3A_31 = arith.constant 480 : i32
    %add3A_32 = arith.addi %mul3A_30, %add3A_31 : i32
    "tpu.region"() ({
      %run_scoped3A = tpu.sem_alloc : memref<!tpu.dma_semaphore, #tpu.memory_space<semaphore_mem>>
      %dma_start3A_178 = arith.constant 0 : i32
      %dma_start3A_179 = tpu.memref_slice %arg6[%add3A_32, %dma_start3A_178] : memref<10240x128xf32, #tpu.memory_space<vmem_shared>> -> memref<80x128xf32, #tpu.memory_space<vmem_shared>>
      %dma_start3A_180 = arith.constant 0 : i32
      %dma_start3A_181 = tpu.memref_slice %arg6[%add3A_32, %dma_start3A_180] : memref<10240x128xf32, #tpu.memory_space<vmem_shared>> -> memref<80x128xf32, #tpu.memory_space<vmem_shared>>
      tpu.enqueue_dma source(%arg9 : memref<80x128xf32, #tpu.memory_space<vmem>>) target(%dma_start3A_181 : memref<80x128xf32, #tpu.memory_space<vmem_shared>>) target_semaphore(%run_scoped3A : memref<!tpu.dma_semaphore, #tpu.memory_space<semaphore_mem>>)
      %dma_wait3A_182 = arith.constant 0 : i32
      %dma_wait3A_183 = tpu.memref_slice %arg6[%add3A_32, %dma_wait3A_182] : memref<10240x128xf32, #tpu.memory_space<vmem_shared>> -> memref<80x128xf32, #tpu.memory_space<vmem_shared>>
      %dma_wait3A_184 = arith.constant 0 : i32
      %dma_wait3A_185 = tpu.memref_slice %arg6[%add3A_32, %dma_wait3A_184] : memref<10240x128xf32, #tpu.memory_space<vmem_shared>> -> memref<80x128xf32, #tpu.memory_space<vmem_shared>>
      tpu.wait_dma2 semaphore(%run_scoped3A : memref<!tpu.dma_semaphore, #tpu.memory_space<semaphore_mem>>) src(%arg9 : memref<80x128xf32, #tpu.memory_space<vmem>>) dst(%dma_wait3A_185 : memref<80x128xf32, #tpu.memory_space<vmem_shared>>)
      tpu.yield
    }) : () -> ()
    %mul3A_33 = arith.constant 640 : i32
    %mul3A_34 = arith.muli %arg1, %mul3A_33 : i32
    %add3A_35 = arith.constant 560 : i32
    %add3A_36 = arith.addi %mul3A_34, %add3A_35 : i32
    "tpu.region"() ({
      %run_scoped3A = tpu.sem_alloc : memref<!tpu.dma_semaphore, #tpu.memory_space<semaphore_mem>>
      %dma_start3A_178 = arith.constant 0 : i32
      %dma_start3A_179 = tpu.memref_slice %arg6[%add3A_36, %dma_start3A_178] : memref<10240x128xf32, #tpu.memory_space<vmem_shared>> -> memref<80x128xf32, #tpu.memory_space<vmem_shared>>
      %dma_start3A_180 = arith.constant 0 : i32
      %dma_start3A_181 = tpu.memref_slice %arg6[%add3A_36, %dma_start3A_180] : memref<10240x128xf32, #tpu.memory_space<vmem_shared>> -> memref<80x128xf32, #tpu.memory_space<vmem_shared>>
      tpu.enqueue_dma source(%arg9 : memref<80x128xf32, #tpu.memory_space<vmem>>) target(%dma_start3A_181 : memref<80x128xf32, #tpu.memory_space<vmem_shared>>) target_semaphore(%run_scoped3A : memref<!tpu.dma_semaphore, #tpu.memory_space<semaphore_mem>>)
      %dma_wait3A_182 = arith.constant 0 : i32
      %dma_wait3A_183 = tpu.memref_slice %arg6[%add3A_36, %dma_wait3A_182] : memref<10240x128xf32, #tpu.memory_space<vmem_shared>> -> memref<80x128xf32, #tpu.memory_space<vmem_shared>>
      %dma_wait3A_184 = arith.constant 0 : i32
      %dma_wait3A_185 = tpu.memref_slice %arg6[%add3A_36, %dma_wait3A_184] : memref<10240x128xf32, #tpu.memory_space<vmem_shared>> -> memref<80x128xf32, #tpu.memory_space<vmem_shared>>
      tpu.wait_dma2 semaphore(%run_scoped3A : memref<!tpu.dma_semaphore, #tpu.memory_space<semaphore_mem>>) src(%arg9 : memref<80x128xf32, #tpu.memory_space<vmem>>) dst(%dma_wait3A_185 : memref<80x128xf32, #tpu.memory_space<vmem_shared>>)
      tpu.yield
    }) : () -> ()
    %barrier3A = arith.constant 0 : index
    tpu.barrier barrier_id(%barrier3A)
    %add3A_37 = arith.constant 0 : i32
    %add3A_38 = arith.addi %mul3A_2, %add3A_37 : i32
    %dma_start3A = arith.constant 0 : i32
    %dma_start3A_39 = arith.constant 0 : i32
    %dma_start3A_40 = tpu.memref_slice %arg4[%dma_start3A, %add3A_38, %dma_start3A_39] : memref<2x4000x80xi32, #tpu.memory_space<hbm>> -> memref<2x1x80xi32, #tpu.memory_space<hbm>>
    %dma_start3A_41 = tpu.memref_squeeze %dma_start3A_40 : memref<2x1x80xi32, #tpu.memory_space<hbm>> -> memref<2x80xi32, #tpu.memory_space<hbm>>
    %dma_start3A_42 = arith.constant 0 : i32
    %dma_start3A_43 = arith.constant 0 : i32
    %dma_start3A_44 = tpu.memref_slice %arg4[%dma_start3A_42, %add3A_38, %dma_start3A_43] : memref<2x4000x80xi32, #tpu.memory_space<hbm>> -> memref<2x1x80xi32, #tpu.memory_space<hbm>>
    %dma_start3A_45 = tpu.memref_squeeze %dma_start3A_44 : memref<2x1x80xi32, #tpu.memory_space<hbm>> -> memref<2x80xi32, #tpu.memory_space<hbm>>
    tpu.enqueue_dma source(%dma_start3A_45 : memref<2x80xi32, #tpu.memory_space<hbm>>) target(%arg7 : memref<2x80xi32, #tpu.memory_space<vmem>>) target_semaphore(%arg15 : memref<!tpu.dma_semaphore, #tpu.memory_space<semaphore_mem>>)
    %dma_wait3A = arith.constant 0 : i32
    %dma_wait3A_46 = arith.constant 0 : i32
    %dma_wait3A_47 = tpu.memref_slice %arg4[%dma_wait3A, %add3A_38, %dma_wait3A_46] : memref<2x4000x80xi32, #tpu.memory_space<hbm>> -> memref<2x1x80xi32, #tpu.memory_space<hbm>>
    %dma_wait3A_48 = tpu.memref_squeeze %dma_wait3A_47 : memref<2x1x80xi32, #tpu.memory_space<hbm>> -> memref<2x80xi32, #tpu.memory_space<hbm>>
    %dma_wait3A_49 = arith.constant 0 : i32
    %dma_wait3A_50 = arith.constant 0 : i32
    %dma_wait3A_51 = tpu.memref_slice %arg4[%dma_wait3A_49, %add3A_38, %dma_wait3A_50] : memref<2x4000x80xi32, #tpu.memory_space<hbm>> -> memref<2x1x80xi32, #tpu.memory_space<hbm>>
    %dma_wait3A_52 = tpu.memref_squeeze %dma_wait3A_51 : memref<2x1x80xi32, #tpu.memory_space<hbm>> -> memref<2x80xi32, #tpu.memory_space<hbm>>
    tpu.wait_dma2 semaphore(%arg15 : memref<!tpu.dma_semaphore, #tpu.memory_space<semaphore_mem>>) src(%dma_wait3A_52 : memref<2x80xi32, #tpu.memory_space<hbm>>) dst(%arg7 : memref<2x80xi32, #tpu.memory_space<vmem>>)
    %add3A_53 = arith.constant 1 : i32
    %add3A_54 = arith.addi %mul3A_2, %add3A_53 : i32
    %dma_start3A_55 = arith.constant 0 : i32
    %dma_start3A_56 = arith.constant 0 : i32
    %dma_start3A_57 = tpu.memref_slice %arg4[%dma_start3A_55, %add3A_54, %dma_start3A_56] : memref<2x4000x80xi32, #tpu.memory_space<hbm>> -> memref<2x1x80xi32, #tpu.memory_space<hbm>>
    %dma_start3A_58 = tpu.memref_squeeze %dma_start3A_57 : memref<2x1x80xi32, #tpu.memory_space<hbm>> -> memref<2x80xi32, #tpu.memory_space<hbm>>
    %dma_start3A_59 = arith.constant 0 : i32
    %dma_start3A_60 = arith.constant 0 : i32
    %dma_start3A_61 = tpu.memref_slice %arg4[%dma_start3A_59, %add3A_54, %dma_start3A_60] : memref<2x4000x80xi32, #tpu.memory_space<hbm>> -> memref<2x1x80xi32, #tpu.memory_space<hbm>>
    %dma_start3A_62 = tpu.memref_squeeze %dma_start3A_61 : memref<2x1x80xi32, #tpu.memory_space<hbm>> -> memref<2x80xi32, #tpu.memory_space<hbm>>
    tpu.enqueue_dma source(%dma_start3A_62 : memref<2x80xi32, #tpu.memory_space<hbm>>) target(%arg8 : memref<2x80xi32, #tpu.memory_space<vmem>>) target_semaphore(%arg16 : memref<!tpu.dma_semaphore, #tpu.memory_space<semaphore_mem>>)
    %dma_start3A_63 = arith.constant 0 : i32
    %dma_start3A_64 = arith.constant 0 : i32
    %dma_start3A_65 = tpu.memref_slice %arg7[%dma_start3A_63, %dma_start3A_64] : memref<2x80xi32, #tpu.memory_space<vmem>> -> memref<1x80xi32, #tpu.memory_space<vmem>>
    %dma_start3A_66 = tpu.memref_squeeze %dma_start3A_65 : memref<1x80xi32, #tpu.memory_space<vmem>> -> memref<80xi32, #tpu.memory_space<vmem>>
    %dma_start3A_67 = arith.constant 0 : i32
    %dma_start3A_68 = arith.constant 0 : i32
    %dma_start3A_69 = tpu.memref_slice %arg2[%dma_start3A_67, %dma_start3A_68] : memref<10000x128xf32, #tpu.memory_space<hbm>> -> memref<10000x128xf32, #tpu.memory_space<hbm>>
    tpu.enqueue_indirect_dma source(%dma_start3A_69 : memref<10000x128xf32, #tpu.memory_space<hbm>>) target(%arg9 : memref<80x128xf32, #tpu.memory_space<vmem>>) offsets(%dma_start3A_66 : memref<80xi32, #tpu.memory_space<vmem>>) semaphore(%arg17 : memref<!tpu.dma_semaphore, #tpu.memory_space<semaphore_mem>>)
    %add3A_70 = arith.constant 0 : i32
    %add3A_71 = arith.addi %mul3A_2, %add3A_70 : i32
    %mul3A_72 = arith.constant 80 : i32
    %mul3A_73 = arith.muli %add3A_71, %mul3A_72 : i32
    %dma_start3A_74 = arith.constant 0 : i32
    %dma_start3A_75 = tpu.memref_slice %arg3[%mul3A_73, %dma_start3A_74] : memref<320000x128xf32, #tpu.memory_space<hbm>> -> memref<80x128xf32, #tpu.memory_space<hbm>>
    %dma_start3A_76 = arith.constant 0 : i32
    %dma_start3A_77 = tpu.memref_slice %arg3[%mul3A_73, %dma_start3A_76] : memref<320000x128xf32, #tpu.memory_space<hbm>> -> memref<80x128xf32, #tpu.memory_space<hbm>>
    tpu.enqueue_dma source(%dma_start3A_77 : memref<80x128xf32, #tpu.memory_space<hbm>>) target(%arg11 : memref<80x128xf32, #tpu.memory_space<vmem>>) target_semaphore(%arg17 : memref<!tpu.dma_semaphore, #tpu.memory_space<semaphore_mem>>)
    %scan3A = arith.constant 0 : i32
    %scan3A_78 = arith.constant 0 : i32
    %scan3A_79 = arith.constant 62 : i32
    %scan3A_80 = arith.addi %scan3A_78, %scan3A_79 : i32
    %scan3A_81 = arith.constant 1 : i32
    scf.for %scan3A_178 = %scan3A_78 to %scan3A_80 step %scan3A_81  : i32 {
      %mul3A_179 = arith.constant 2 : i32
      %mul3A_180 = arith.muli %mul3A_179, %scan3A_178 : i32
      %dma_wait3A_181 = arith.constant 0 : i32
      %dma_wait3A_182 = arith.constant 0 : i32
      %dma_wait3A_183 = arith.constant 0 : i32
      %dma_wait3A_184 = tpu.memref_slice %arg4[%dma_wait3A_182, %dma_wait3A_181, %dma_wait3A_183] : memref<2x4000x80xi32, #tpu.memory_space<hbm>> -> memref<2x1x80xi32, #tpu.memory_space<hbm>>
      %dma_wait3A_185 = tpu.memref_squeeze %dma_wait3A_184 : memref<2x1x80xi32, #tpu.memory_space<hbm>> -> memref<2x80xi32, #tpu.memory_space<hbm>>
      %dma_wait3A_186 = arith.constant 0 : i32
      %dma_wait3A_187 = arith.constant 0 : i32
      %dma_wait3A_188 = tpu.memref_slice %arg4[%dma_wait3A_186, %dma_wait3A_181, %dma_wait3A_187] : memref<2x4000x80xi32, #tpu.memory_space<hbm>> -> memref<2x1x80xi32, #tpu.memory_space<hbm>>
      %dma_wait3A_189 = tpu.memref_squeeze %dma_wait3A_188 : memref<2x1x80xi32, #tpu.memory_space<hbm>> -> memref<2x80xi32, #tpu.memory_space<hbm>>
      tpu.wait_dma2 semaphore(%arg16 : memref<!tpu.dma_semaphore, #tpu.memory_space<semaphore_mem>>) src(%dma_wait3A_189 : memref<2x80xi32, #tpu.memory_space<hbm>>) dst(%arg8 : memref<2x80xi32, #tpu.memory_space<vmem>>)
      %ge3A = arith.constant 1 : i32
      %ge3A_190 = arith.cmpi sge, %mul3A_180, %ge3A : i32
      %convert_element_type3A = arith.extui %ge3A_190 : i1 to i32
      %cond3A = arith.constant 0 : i32
      %cond3A_191 = arith.cmpi ne, %convert_element_type3A, %cond3A : i32
      scf.if %cond3A_191 {
        %dma_wait3A_381 = arith.constant 0 : i32
        %dma_wait3A_382 = arith.constant 0 : i32
        %dma_wait3A_383 = tpu.memref_slice %arg6[%dma_wait3A_381, %dma_wait3A_382] : memref<10240x128xf32, #tpu.memory_space<vmem_shared>> -> memref<10240x128xf32, #tpu.memory_space<vmem_shared>>
        tpu.wait_indirect_dma semaphore(%arg20 : memref<!tpu.dma_semaphore, #tpu.memory_space<semaphore_mem>>) src(%arg10 : memref<80x128xf32, #tpu.memory_space<vmem>>) dst(%dma_wait3A_383 : memref<10240x128xf32, #tpu.memory_space<vmem_shared>>)
      } else {
      }
      %add3A_192 = arith.constant 1 : i32
      %add3A_193 = arith.addi %mul3A_180, %add3A_192 : i32
      %dma_start3A_194 = arith.constant 0 : i32
      %dma_start3A_195 = arith.constant 0 : i32
      %dma_start3A_196 = tpu.memref_slice %arg8[%dma_start3A_194, %dma_start3A_195] : memref<2x80xi32, #tpu.memory_space<vmem>> -> memref<1x80xi32, #tpu.memory_space<vmem>>
      %dma_start3A_197 = tpu.memref_squeeze %dma_start3A_196 : memref<1x80xi32, #tpu.memory_space<vmem>> -> memref<80xi32, #tpu.memory_space<vmem>>
      %dma_start3A_198 = arith.constant 0 : i32
      %dma_start3A_199 = arith.constant 0 : i32
      %dma_start3A_200 = tpu.memref_slice %arg2[%dma_start3A_198, %dma_start3A_199] : memref<10000x128xf32, #tpu.memory_space<hbm>> -> memref<10000x128xf32, #tpu.memory_space<hbm>>
      tpu.enqueue_indirect_dma source(%dma_start3A_200 : memref<10000x128xf32, #tpu.memory_space<hbm>>) target(%arg10 : memref<80x128xf32, #tpu.memory_space<vmem>>) offsets(%dma_start3A_197 : memref<80xi32, #tpu.memory_space<vmem>>) semaphore(%arg18 : memref<!tpu.dma_semaphore, #tpu.memory_space<semaphore_mem>>)
      %add3A_201 = arith.addi %mul3A_2, %add3A_193 : i32
      %mul3A_202 = arith.constant 80 : i32
      %mul3A_203 = arith.muli %add3A_201, %mul3A_202 : i32
      %dma_start3A_204 = arith.constant 0 : i32
      %dma_start3A_205 = tpu.memref_slice %arg3[%mul3A_203, %dma_start3A_204] : memref<320000x128xf32, #tpu.memory_space<hbm>> -> memref<80x128xf32, #tpu.memory_space<hbm>>
      %dma_start3A_206 = arith.constant 0 : i32
      %dma_start3A_207 = tpu.memref_slice %arg3[%mul3A_203, %dma_start3A_206] : memref<320000x128xf32, #tpu.memory_space<hbm>> -> memref<80x128xf32, #tpu.memory_space<hbm>>
      tpu.enqueue_dma source(%dma_start3A_207 : memref<80x128xf32, #tpu.memory_space<hbm>>) target(%arg12 : memref<80x128xf32, #tpu.memory_space<vmem>>) target_semaphore(%arg18 : memref<!tpu.dma_semaphore, #tpu.memory_space<semaphore_mem>>)
      %dma_wait3A_208 = arith.constant 0 : i32
      %dma_wait3A_209 = arith.constant 0 : i32
      %dma_wait3A_210 = tpu.memref_slice %arg7[%dma_wait3A_208, %dma_wait3A_209] : memref<2x80xi32, #tpu.memory_space<vmem>> -> memref<1x80xi32, #tpu.memory_space<vmem>>
      %dma_wait3A_211 = tpu.memref_squeeze %dma_wait3A_210 : memref<1x80xi32, #tpu.memory_space<vmem>> -> memref<80xi32, #tpu.memory_space<vmem>>
      %dma_wait3A_212 = arith.constant 0 : i32
      %dma_wait3A_213 = arith.constant 0 : i32
      %dma_wait3A_214 = tpu.memref_slice %arg2[%dma_wait3A_212, %dma_wait3A_213] : memref<10000x128xf32, #tpu.memory_space<hbm>> -> memref<10000x128xf32, #tpu.memory_space<hbm>>
      tpu.wait_indirect_dma semaphore(%arg17 : memref<!tpu.dma_semaphore, #tpu.memory_space<semaphore_mem>>) src(%dma_wait3A_214 : memref<10000x128xf32, #tpu.memory_space<hbm>>) dst(%arg9 : memref<80x128xf32, #tpu.memory_space<vmem>>)
      %dma_wait3A_215 = arith.constant 0 : i32
      %dma_wait3A_216 = arith.constant 0 : i32
      %dma_wait3A_217 = tpu.memref_slice %arg3[%dma_wait3A_215, %dma_wait3A_216] : memref<320000x128xf32, #tpu.memory_space<hbm>> -> memref<80x128xf32, #tpu.memory_space<hbm>>
      %dma_wait3A_218 = arith.constant 0 : i32
      %dma_wait3A_219 = arith.constant 0 : i32
      %dma_wait3A_220 = tpu.memref_slice %arg3[%dma_wait3A_218, %dma_wait3A_219] : memref<320000x128xf32, #tpu.memory_space<hbm>> -> memref<80x128xf32, #tpu.memory_space<hbm>>
      tpu.wait_dma2 semaphore(%arg17 : memref<!tpu.dma_semaphore, #tpu.memory_space<semaphore_mem>>) src(%dma_wait3A_220 : memref<80x128xf32, #tpu.memory_space<hbm>>) dst(%arg11 : memref<80x128xf32, #tpu.memory_space<vmem>>)
      %parallel_loop3A_221 = arith.constant 0 : i32
      %parallel_loop3A_222 = arith.constant 640 : i32
      %parallel_loop3A_223 = arith.constant 1 : i32
      scf.for %parallel_loop3A_381 = %parallel_loop3A_221 to %parallel_loop3A_222 step %parallel_loop3A_223  : i32 {
        %parallel_loop3A_382 = arith.constant 8 : i32
        %parallel_loop3A_383 = arith.divsi %parallel_loop3A_381, %parallel_loop3A_382 : i32
        %parallel_loop3A_384 = arith.constant 0 : i32
        %parallel_loop3A_385 = arith.cmpi sgt, %parallel_loop3A_381, %parallel_loop3A_384 : i32
        %parallel_loop3A_386 = arith.extui %parallel_loop3A_385 : i1 to i32
        %parallel_loop3A_387 = arith.constant 0 : i32
        %parallel_loop3A_388 = arith.cmpi slt, %parallel_loop3A_381, %parallel_loop3A_387 : i32
        %parallel_loop3A_389 = arith.extui %parallel_loop3A_388 : i1 to i32
        %parallel_loop3A_390 = arith.subi %parallel_loop3A_386, %parallel_loop3A_389 : i32
        %parallel_loop3A_391 = arith.constant 0 : i32
        %parallel_loop3A_392 = arith.cmpi sgt, %parallel_loop3A_382, %parallel_loop3A_391 : i32
        %parallel_loop3A_393 = arith.extui %parallel_loop3A_392 : i1 to i32
        %parallel_loop3A_394 = arith.constant 0 : i32
        %parallel_loop3A_395 = arith.cmpi slt, %parallel_loop3A_382, %parallel_loop3A_394 : i32
        %parallel_loop3A_396 = arith.extui %parallel_loop3A_395 : i1 to i32
        %parallel_loop3A_397 = arith.subi %parallel_loop3A_393, %parallel_loop3A_396 : i32
        %parallel_loop3A_398 = arith.cmpi ne, %parallel_loop3A_390, %parallel_loop3A_397 : i32
        %parallel_loop3A_399 = arith.remsi %parallel_loop3A_381, %parallel_loop3A_382 : i32
        %parallel_loop3A_400 = arith.constant 0 : i32
        %parallel_loop3A_401 = arith.cmpi ne, %parallel_loop3A_399, %parallel_loop3A_400 : i32
        %parallel_loop3A_402 = arith.andi %parallel_loop3A_398, %parallel_loop3A_401 : i1
        %parallel_loop3A_403 = arith.constant 1 : i32
        %parallel_loop3A_404 = arith.subi %parallel_loop3A_383, %parallel_loop3A_403 : i32
        %parallel_loop3A_405 = arith.select %parallel_loop3A_402, %parallel_loop3A_404, %parallel_loop3A_383 : i32
        %parallel_loop3A_406 = arith.constant 8 : i32
        %parallel_loop3A_407 = arith.constant 0 : i32
        %parallel_loop3A_408 = arith.cmpi eq, %parallel_loop3A_406, %parallel_loop3A_407 : i32
        %parallel_loop3A_409 = arith.constant 1 : i32
        %parallel_loop3A_410 = arith.select %parallel_loop3A_408, %parallel_loop3A_409, %parallel_loop3A_406 : i32
        %parallel_loop3A_411 = arith.remsi %parallel_loop3A_381, %parallel_loop3A_410 : i32
        %parallel_loop3A_412 = arith.constant 0 : i32
        %parallel_loop3A_413 = arith.cmpi ne, %parallel_loop3A_411, %parallel_loop3A_412 : i32
        %parallel_loop3A_414 = arith.constant 0 : i32
        %parallel_loop3A_415 = arith.cmpi slt, %parallel_loop3A_411, %parallel_loop3A_414 : i32
        %parallel_loop3A_416 = arith.constant 0 : i32
        %parallel_loop3A_417 = arith.cmpi slt, %parallel_loop3A_410, %parallel_loop3A_416 : i32
        %parallel_loop3A_418 = arith.xori %parallel_loop3A_415, %parallel_loop3A_417 : i1
        %parallel_loop3A_419 = arith.andi %parallel_loop3A_418, %parallel_loop3A_413 : i1
        %parallel_loop3A_420 = arith.addi %parallel_loop3A_411, %parallel_loop3A_410 : i32
        %parallel_loop3A_421 = arith.select %parallel_loop3A_419, %parallel_loop3A_420, %parallel_loop3A_411 : i32
        %parallel_loop3A_422 = arith.constant 16 : i32
        %parallel_loop3A_423 = arith.muli %parallel_loop3A_421, %parallel_loop3A_422 : i32
        %parallel_loop3A_424 = arith.constant 0.000000e+00 : f32
        %parallel_loop3A_425 = vector.broadcast %parallel_loop3A_424 : f32 to vector<16xf32>
        %parallel_loop3A_426 = arith.index_cast %parallel_loop3A_405 : i32 to index
        %parallel_loop3A_427 = arith.index_cast %parallel_loop3A_423 : i32 to index
        %parallel_loop3A_428 = tpu.vector_load %arg9[%parallel_loop3A_426, %parallel_loop3A_427] {strides = array<i32>} : memref<80x128xf32, #tpu.memory_space<vmem>>, vector<1x16xf32>,
        %parallel_loop3A_429 = vector.shape_cast %parallel_loop3A_428 : vector<1x16xf32> to vector<16xf32>
        %parallel_loop3A_430 = vector.shape_cast %parallel_loop3A_425 : vector<16xf32> to vector<1x16xf32>
        tpu.vector_store %arg9[%parallel_loop3A_426, %parallel_loop3A_427], %parallel_loop3A_430 {strides = array<i32>} : memref<80x128xf32, #tpu.memory_space<vmem>>, vector<1x16xf32>,
      } {sc.loop_unroll_factor = 8 : i64, sc.parallel_access}
      %get3A_224 = arith.constant 1 : i32
      %get3A_225 = arith.index_cast %get3A_224 : i32 to index
      %get3A_226 = arith.constant 0 : index
      %get3A_227 = tpu.vector_load %arg7[%get3A_225, %get3A_226] {strides = array<i32>} : memref<2x80xi32, #tpu.memory_space<vmem>>, vector<1x16xi32>,
      %get3A_228 = vector.shape_cast %get3A_227 : vector<1x16xi32> to vector<16xi32>
      %swap3A_229 = arith.constant 0 : index
      %swap3A_230 = tpu.vector_load %arg13[%swap3A_229] {strides = array<i32>} : memref<80xi32, #tpu.memory_space<vmem>>, vector<16xi32>,
      %swap3A_231 = vector.shape_cast %swap3A_230 : vector<16xi32> to vector<16xi32>
      %swap3A_232 = vector.shape_cast %get3A_228 : vector<16xi32> to vector<16xi32>
      tpu.vector_store %arg13[%swap3A_229], %swap3A_232 {strides = array<i32>} : memref<80xi32, #tpu.memory_space<vmem>>, vector<16xi32>,
      %get3A_233 = arith.constant 1 : i32
      %get3A_234 = arith.index_cast %get3A_233 : i32 to index
      %get3A_235 = arith.constant 16 : index
      %get3A_236 = tpu.vector_load %arg7[%get3A_234, %get3A_235] {strides = array<i32>} : memref<2x80xi32, #tpu.memory_space<vmem>>, vector<1x16xi32>,
      %get3A_237 = vector.shape_cast %get3A_236 : vector<1x16xi32> to vector<16xi32>
      %swap3A_238 = arith.constant 16 : index
      %swap3A_239 = tpu.vector_load %arg13[%swap3A_238] {strides = array<i32>} : memref<80xi32, #tpu.memory_space<vmem>>, vector<16xi32>,
      %swap3A_240 = vector.shape_cast %swap3A_239 : vector<16xi32> to vector<16xi32>
      %swap3A_241 = vector.shape_cast %get3A_237 : vector<16xi32> to vector<16xi32>
      tpu.vector_store %arg13[%swap3A_238], %swap3A_241 {strides = array<i32>} : memref<80xi32, #tpu.memory_space<vmem>>, vector<16xi32>,
      %get3A_242 = arith.constant 1 : i32
      %get3A_243 = arith.index_cast %get3A_242 : i32 to index
      %get3A_244 = arith.constant 32 : index
      %get3A_245 = tpu.vector_load %arg7[%get3A_243, %get3A_244] {strides = array<i32>} : memref<2x80xi32, #tpu.memory_space<vmem>>, vector<1x16xi32>,
      %get3A_246 = vector.shape_cast %get3A_245 : vector<1x16xi32> to vector<16xi32>
      %swap3A_247 = arith.constant 32 : index
      %swap3A_248 = tpu.vector_load %arg13[%swap3A_247] {strides = array<i32>} : memref<80xi32, #tpu.memory_space<vmem>>, vector<16xi32>,
      %swap3A_249 = vector.shape_cast %swap3A_248 : vector<16xi32> to vector<16xi32>
      %swap3A_250 = vector.shape_cast %get3A_246 : vector<16xi32> to vector<16xi32>
      tpu.vector_store %arg13[%swap3A_247], %swap3A_250 {strides = array<i32>} : memref<80xi32, #tpu.memory_space<vmem>>, vector<16xi32>,
      %get3A_251 = arith.constant 1 : i32
      %get3A_252 = arith.index_cast %get3A_251 : i32 to index
      %get3A_253 = arith.constant 48 : index
      %get3A_254 = tpu.vector_load %arg7[%get3A_252, %get3A_253] {strides = array<i32>} : memref<2x80xi32, #tpu.memory_space<vmem>>, vector<1x16xi32>,
      %get3A_255 = vector.shape_cast %get3A_254 : vector<1x16xi32> to vector<16xi32>
      %swap3A_256 = arith.constant 48 : index
      %swap3A_257 = tpu.vector_load %arg13[%swap3A_256] {strides = array<i32>} : memref<80xi32, #tpu.memory_space<vmem>>, vector<16xi32>,
      %swap3A_258 = vector.shape_cast %swap3A_257 : vector<16xi32> to vector<16xi32>
      %swap3A_259 = vector.shape_cast %get3A_255 : vector<16xi32> to vector<16xi32>
      tpu.vector_store %arg13[%swap3A_256], %swap3A_259 {strides = array<i32>} : memref<80xi32, #tpu.memory_space<vmem>>, vector<16xi32>,
      %get3A_260 = arith.constant 1 : i32
      %get3A_261 = arith.index_cast %get3A_260 : i32 to index
      %get3A_262 = arith.constant 64 : index
      %get3A_263 = tpu.vector_load %arg7[%get3A_261, %get3A_262] {strides = array<i32>} : memref<2x80xi32, #tpu.memory_space<vmem>>, vector<1x16xi32>,
      %get3A_264 = vector.shape_cast %get3A_263 : vector<1x16xi32> to vector<16xi32>
      %swap3A_265 = arith.constant 64 : index
      %swap3A_266 = tpu.vector_load %arg13[%swap3A_265] {strides = array<i32>} : memref<80xi32, #tpu.memory_space<vmem>>, vector<16xi32>,
      %swap3A_267 = vector.shape_cast %swap3A_266 : vector<16xi32> to vector<16xi32>
      %swap3A_268 = vector.shape_cast %get3A_264 : vector<16xi32> to vector<16xi32>
      tpu.vector_store %arg13[%swap3A_265], %swap3A_268 {strides = array<i32>} : memref<80xi32, #tpu.memory_space<vmem>>, vector<16xi32>,
      %dma_start3A_269 = arith.constant 0 : i32
      %dma_start3A_270 = arith.constant 0 : i32
      %dma_start3A_271 = tpu.memref_slice %arg6[%dma_start3A_269, %dma_start3A_270] : memref<10240x128xf32, #tpu.memory_space<vmem_shared>> -> memref<10240x128xf32, #tpu.memory_space<vmem_shared>>
      tpu.enqueue_indirect_dma source(%arg9 : memref<80x128xf32, #tpu.memory_space<vmem>>) target(%dma_start3A_271 : memref<10240x128xf32, #tpu.memory_space<vmem_shared>>) offsets(%arg13 : memref<80xi32, #tpu.memory_space<vmem>>) semaphore(%arg19 : memref<!tpu.dma_semaphore, #tpu.memory_space<semaphore_mem>>) {add = true}
      %add3A_272 = arith.constant 2 : i32
      %add3A_273 = arith.addi %mul3A_180, %add3A_272 : i32
      %le3A = arith.constant 124 : i32
      %le3A_274 = arith.cmpi sle, %add3A_273, %le3A : i32
      %convert_element_type3A_275 = arith.extui %le3A_274 : i1 to i32
      %cond3A_276 = arith.constant 0 : i32
      %cond3A_277 = arith.cmpi ne, %convert_element_type3A_275, %cond3A_276 : i32
      scf.if %cond3A_277 {
        %add3A_381 = arith.constant 2 : i32
        %add3A_382 = arith.addi %mul3A_180, %add3A_381 : i32
        %add3A_383 = arith.addi %mul3A_2, %add3A_382 : i32
        %dma_start3A_384 = arith.constant 0 : i32
        %dma_start3A_385 = arith.constant 0 : i32
        %dma_start3A_386 = tpu.memref_slice %arg4[%dma_start3A_384, %add3A_383, %dma_start3A_385] : memref<2x4000x80xi32, #tpu.memory_space<hbm>> -> memref<2x1x80xi32, #tpu.memory_space<hbm>>
        %dma_start3A_387 = tpu.memref_squeeze %dma_start3A_386 : memref<2x1x80xi32, #tpu.memory_space<hbm>> -> memref<2x80xi32, #tpu.memory_space<hbm>>
        %dma_start3A_388 = arith.constant 0 : i32
        %dma_start3A_389 = arith.constant 0 : i32
        %dma_start3A_390 = tpu.memref_slice %arg4[%dma_start3A_388, %add3A_383, %dma_start3A_389] : memref<2x4000x80xi32, #tpu.memory_space<hbm>> -> memref<2x1x80xi32, #tpu.memory_space<hbm>>
        %dma_start3A_391 = tpu.memref_squeeze %dma_start3A_390 : memref<2x1x80xi32, #tpu.memory_space<hbm>> -> memref<2x80xi32, #tpu.memory_space<hbm>>
        tpu.enqueue_dma source(%dma_start3A_391 : memref<2x80xi32, #tpu.memory_space<hbm>>) target(%arg7 : memref<2x80xi32, #tpu.memory_space<vmem>>) target_semaphore(%arg15 : memref<!tpu.dma_semaphore, #tpu.memory_space<semaphore_mem>>)
      } else {
      }
      %add3A_278 = arith.constant 1 : i32
      %add3A_279 = arith.addi %mul3A_180, %add3A_278 : i32
      %dma_wait3A_280 = arith.constant 0 : i32
      %dma_wait3A_281 = arith.constant 0 : i32
      %dma_wait3A_282 = arith.constant 0 : i32
      %dma_wait3A_283 = tpu.memref_slice %arg4[%dma_wait3A_281, %dma_wait3A_280, %dma_wait3A_282] : memref<2x4000x80xi32, #tpu.memory_space<hbm>> -> memref<2x1x80xi32, #tpu.memory_space<hbm>>
      %dma_wait3A_284 = tpu.memref_squeeze %dma_wait3A_283 : memref<2x1x80xi32, #tpu.memory_space<hbm>> -> memref<2x80xi32, #tpu.memory_space<hbm>>
      %dma_wait3A_285 = arith.constant 0 : i32
      %dma_wait3A_286 = arith.constant 0 : i32
      %dma_wait3A_287 = tpu.memref_slice %arg4[%dma_wait3A_285, %dma_wait3A_280, %dma_wait3A_286] : memref<2x4000x80xi32, #tpu.memory_space<hbm>> -> memref<2x1x80xi32, #tpu.memory_space<hbm>>
      %dma_wait3A_288 = tpu.memref_squeeze %dma_wait3A_287 : memref<2x1x80xi32, #tpu.memory_space<hbm>> -> memref<2x80xi32, #tpu.memory_space<hbm>>
      tpu.wait_dma2 semaphore(%arg15 : memref<!tpu.dma_semaphore, #tpu.memory_space<semaphore_mem>>) src(%dma_wait3A_288 : memref<2x80xi32, #tpu.memory_space<hbm>>) dst(%arg7 : memref<2x80xi32, #tpu.memory_space<vmem>>)
      %ge3A_289 = arith.constant 1 : i32
      %ge3A_290 = arith.cmpi sge, %add3A_279, %ge3A_289 : i32
      %convert_element_type3A_291 = arith.extui %ge3A_290 : i1 to i32
      %cond3A_292 = arith.constant 0 : i32
      %cond3A_293 = arith.cmpi ne, %convert_element_type3A_291, %cond3A_292 : i32
      scf.if %cond3A_293 {
        %dma_wait3A_381 = arith.constant 0 : i32
        %dma_wait3A_382 = arith.constant 0 : i32
        %dma_wait3A_383 = tpu.memref_slice %arg6[%dma_wait3A_381, %dma_wait3A_382] : memref<10240x128xf32, #tpu.memory_space<vmem_shared>> -> memref<10240x128xf32, #tpu.memory_space<vmem_shared>>
        tpu.wait_indirect_dma semaphore(%arg19 : memref<!tpu.dma_semaphore, #tpu.memory_space<semaphore_mem>>) src(%arg9 : memref<80x128xf32, #tpu.memory_space<vmem>>) dst(%dma_wait3A_383 : memref<10240x128xf32, #tpu.memory_space<vmem_shared>>)
      } else {
      }
      %add3A_294 = arith.constant 1 : i32
      %add3A_295 = arith.addi %add3A_279, %add3A_294 : i32
      %dma_start3A_296 = arith.constant 0 : i32
      %dma_start3A_297 = arith.constant 0 : i32
      %dma_start3A_298 = tpu.memref_slice %arg7[%dma_start3A_296, %dma_start3A_297] : memref<2x80xi32, #tpu.memory_space<vmem>> -> memref<1x80xi32, #tpu.memory_space<vmem>>
      %dma_start3A_299 = tpu.memref_squeeze %dma_start3A_298 : memref<1x80xi32, #tpu.memory_space<vmem>> -> memref<80xi32, #tpu.memory_space<vmem>>
      %dma_start3A_300 = arith.constant 0 : i32
      %dma_start3A_301 = arith.constant 0 : i32
      %dma_start3A_302 = tpu.memref_slice %arg2[%dma_start3A_300, %dma_start3A_301] : memref<10000x128xf32, #tpu.memory_space<hbm>> -> memref<10000x128xf32, #tpu.memory_space<hbm>>
      tpu.enqueue_indirect_dma source(%dma_start3A_302 : memref<10000x128xf32, #tpu.memory_space<hbm>>) target(%arg9 : memref<80x128xf32, #tpu.memory_space<vmem>>) offsets(%dma_start3A_299 : memref<80xi32, #tpu.memory_space<vmem>>) semaphore(%arg17 : memref<!tpu.dma_semaphore, #tpu.memory_space<semaphore_mem>>)
      %add3A_303 = arith.addi %mul3A_2, %add3A_295 : i32
      %mul3A_304 = arith.constant 80 : i32
      %mul3A_305 = arith.muli %add3A_303, %mul3A_304 : i32
      %dma_start3A_306 = arith.constant 0 : i32
      %dma_start3A_307 = tpu.memref_slice %arg3[%mul3A_305, %dma_start3A_306] : memref<320000x128xf32, #tpu.memory_space<hbm>> -> memref<80x128xf32, #tpu.memory_space<hbm>>
      %dma_start3A_308 = arith.constant 0 : i32
      %dma_start3A_309 = tpu.memref_slice %arg3[%mul3A_305, %dma_start3A_308] : memref<320000x128xf32, #tpu.memory_space<hbm>> -> memref<80x128xf32, #tpu.memory_space<hbm>>
      tpu.enqueue_dma source(%dma_start3A_309 : memref<80x128xf32, #tpu.memory_space<hbm>>) target(%arg11 : memref<80x128xf32, #tpu.memory_space<vmem>>) target_semaphore(%arg17 : memref<!tpu.dma_semaphore, #tpu.memory_space<semaphore_mem>>)
      %dma_wait3A_310 = arith.constant 0 : i32
      %dma_wait3A_311 = arith.constant 0 : i32
      %dma_wait3A_312 = tpu.memref_slice %arg8[%dma_wait3A_310, %dma_wait3A_311] : memref<2x80xi32, #tpu.memory_space<vmem>> -> memref<1x80xi32, #tpu.memory_space<vmem>>
      %dma_wait3A_313 = tpu.memref_squeeze %dma_wait3A_312 : memref<1x80xi32, #tpu.memory_space<vmem>> -> memref<80xi32, #tpu.memory_space<vmem>>
      %dma_wait3A_314 = arith.constant 0 : i32
      %dma_wait3A_315 = arith.constant 0 : i32
      %dma_wait3A_316 = tpu.memref_slice %arg2[%dma_wait3A_314, %dma_wait3A_315] : memref<10000x128xf32, #tpu.memory_space<hbm>> -> memref<10000x128xf32, #tpu.memory_space<hbm>>
      tpu.wait_indirect_dma semaphore(%arg18 : memref<!tpu.dma_semaphore, #tpu.memory_space<semaphore_mem>>) src(%dma_wait3A_316 : memref<10000x128xf32, #tpu.memory_space<hbm>>) dst(%arg10 : memref<80x128xf32, #tpu.memory_space<vmem>>)
      %dma_wait3A_317 = arith.constant 0 : i32
      %dma_wait3A_318 = arith.constant 0 : i32
      %dma_wait3A_319 = tpu.memref_slice %arg3[%dma_wait3A_317, %dma_wait3A_318] : memref<320000x128xf32, #tpu.memory_space<hbm>> -> memref<80x128xf32, #tpu.memory_space<hbm>>
      %dma_wait3A_320 = arith.constant 0 : i32
      %dma_wait3A_321 = arith.constant 0 : i32
      %dma_wait3A_322 = tpu.memref_slice %arg3[%dma_wait3A_320, %dma_wait3A_321] : memref<320000x128xf32, #tpu.memory_space<hbm>> -> memref<80x128xf32, #tpu.memory_space<hbm>>
      tpu.wait_dma2 semaphore(%arg18 : memref<!tpu.dma_semaphore, #tpu.memory_space<semaphore_mem>>) src(%dma_wait3A_322 : memref<80x128xf32, #tpu.memory_space<hbm>>) dst(%arg12 : memref<80x128xf32, #tpu.memory_space<vmem>>)
      %parallel_loop3A_323 = arith.constant 0 : i32
      %parallel_loop3A_324 = arith.constant 640 : i32
      %parallel_loop3A_325 = arith.constant 1 : i32
      scf.for %parallel_loop3A_381 = %parallel_loop3A_323 to %parallel_loop3A_324 step %parallel_loop3A_325  : i32 {
        %parallel_loop3A_382 = arith.constant 8 : i32
        %parallel_loop3A_383 = arith.divsi %parallel_loop3A_381, %parallel_loop3A_382 : i32
        %parallel_loop3A_384 = arith.constant 0 : i32
        %parallel_loop3A_385 = arith.cmpi sgt, %parallel_loop3A_381, %parallel_loop3A_384 : i32
        %parallel_loop3A_386 = arith.extui %parallel_loop3A_385 : i1 to i32
        %parallel_loop3A_387 = arith.constant 0 : i32
        %parallel_loop3A_388 = arith.cmpi slt, %parallel_loop3A_381, %parallel_loop3A_387 : i32
        %parallel_loop3A_389 = arith.extui %parallel_loop3A_388 : i1 to i32
        %parallel_loop3A_390 = arith.subi %parallel_loop3A_386, %parallel_loop3A_389 : i32
        %parallel_loop3A_391 = arith.constant 0 : i32
        %parallel_loop3A_392 = arith.cmpi sgt, %parallel_loop3A_382, %parallel_loop3A_391 : i32
        %parallel_loop3A_393 = arith.extui %parallel_loop3A_392 : i1 to i32
        %parallel_loop3A_394 = arith.constant 0 : i32
        %parallel_loop3A_395 = arith.cmpi slt, %parallel_loop3A_382, %parallel_loop3A_394 : i32
        %parallel_loop3A_396 = arith.extui %parallel_loop3A_395 : i1 to i32
        %parallel_loop3A_397 = arith.subi %parallel_loop3A_393, %parallel_loop3A_396 : i32
        %parallel_loop3A_398 = arith.cmpi ne, %parallel_loop3A_390, %parallel_loop3A_397 : i32
        %parallel_loop3A_399 = arith.remsi %parallel_loop3A_381, %parallel_loop3A_382 : i32
        %parallel_loop3A_400 = arith.constant 0 : i32
        %parallel_loop3A_401 = arith.cmpi ne, %parallel_loop3A_399, %parallel_loop3A_400 : i32
        %parallel_loop3A_402 = arith.andi %parallel_loop3A_398, %parallel_loop3A_401 : i1
        %parallel_loop3A_403 = arith.constant 1 : i32
        %parallel_loop3A_404 = arith.subi %parallel_loop3A_383, %parallel_loop3A_403 : i32
        %parallel_loop3A_405 = arith.select %parallel_loop3A_402, %parallel_loop3A_404, %parallel_loop3A_383 : i32
        %parallel_loop3A_406 = arith.constant 8 : i32
        %parallel_loop3A_407 = arith.constant 0 : i32
        %parallel_loop3A_408 = arith.cmpi eq, %parallel_loop3A_406, %parallel_loop3A_407 : i32
        %parallel_loop3A_409 = arith.constant 1 : i32
        %parallel_loop3A_410 = arith.select %parallel_loop3A_408, %parallel_loop3A_409, %parallel_loop3A_406 : i32
        %parallel_loop3A_411 = arith.remsi %parallel_loop3A_381, %parallel_loop3A_410 : i32
        %parallel_loop3A_412 = arith.constant 0 : i32
        %parallel_loop3A_413 = arith.cmpi ne, %parallel_loop3A_411, %parallel_loop3A_412 : i32
        %parallel_loop3A_414 = arith.constant 0 : i32
        %parallel_loop3A_415 = arith.cmpi slt, %parallel_loop3A_411, %parallel_loop3A_414 : i32
        %parallel_loop3A_416 = arith.constant 0 : i32
        %parallel_loop3A_417 = arith.cmpi slt, %parallel_loop3A_410, %parallel_loop3A_416 : i32
        %parallel_loop3A_418 = arith.xori %parallel_loop3A_415, %parallel_loop3A_417 : i1
        %parallel_loop3A_419 = arith.andi %parallel_loop3A_418, %parallel_loop3A_413 : i1
        %parallel_loop3A_420 = arith.addi %parallel_loop3A_411, %parallel_loop3A_410 : i32
        %parallel_loop3A_421 = arith.select %parallel_loop3A_419, %parallel_loop3A_420, %parallel_loop3A_411 : i32
        %parallel_loop3A_422 = arith.constant 16 : i32
        %parallel_loop3A_423 = arith.muli %parallel_loop3A_421, %parallel_loop3A_422 : i32
        %parallel_loop3A_424 = arith.constant 0.000000e+00 : f32
        %parallel_loop3A_425 = vector.broadcast %parallel_loop3A_424 : f32 to vector<16xf32>
        %parallel_loop3A_426 = arith.index_cast %parallel_loop3A_405 : i32 to index
        %parallel_loop3A_427 = arith.index_cast %parallel_loop3A_423 : i32 to index
        %parallel_loop3A_428 = tpu.vector_load %arg10[%parallel_loop3A_426, %parallel_loop3A_427] {strides = array<i32>} : memref<80x128xf32, #tpu.memory_space<vmem>>, vector<1x16xf32>,
        %parallel_loop3A_429 = vector.shape_cast %parallel_loop3A_428 : vector<1x16xf32> to vector<16xf32>
        %parallel_loop3A_430 = vector.shape_cast %parallel_loop3A_425 : vector<16xf32> to vector<1x16xf32>
        tpu.vector_store %arg10[%parallel_loop3A_426, %parallel_loop3A_427], %parallel_loop3A_430 {strides = array<i32>} : memref<80x128xf32, #tpu.memory_space<vmem>>, vector<1x16xf32>,
      } {sc.loop_unroll_factor = 8 : i64, sc.parallel_access}
      %get3A_326 = arith.constant 1 : i32
      %get3A_327 = arith.index_cast %get3A_326 : i32 to index
      %get3A_328 = arith.constant 0 : index
      %get3A_329 = tpu.vector_load %arg8[%get3A_327, %get3A_328] {strides = array<i32>} : memref<2x80xi32, #tpu.memory_space<vmem>>, vector<1x16xi32>,
      %get3A_330 = vector.shape_cast %get3A_329 : vector<1x16xi32> to vector<16xi32>
      %swap3A_331 = arith.constant 0 : index
      %swap3A_332 = tpu.vector_load %arg14[%swap3A_331] {strides = array<i32>} : memref<80xi32, #tpu.memory_space<vmem>>, vector<16xi32>,
      %swap3A_333 = vector.shape_cast %swap3A_332 : vector<16xi32> to vector<16xi32>
      %swap3A_334 = vector.shape_cast %get3A_330 : vector<16xi32> to vector<16xi32>
      tpu.vector_store %arg14[%swap3A_331], %swap3A_334 {strides = array<i32>} : memref<80xi32, #tpu.memory_space<vmem>>, vector<16xi32>,
      %get3A_335 = arith.constant 1 : i32
      %get3A_336 = arith.index_cast %get3A_335 : i32 to index
      %get3A_337 = arith.constant 16 : index
      %get3A_338 = tpu.vector_load %arg8[%get3A_336, %get3A_337] {strides = array<i32>} : memref<2x80xi32, #tpu.memory_space<vmem>>, vector<1x16xi32>,
      %get3A_339 = vector.shape_cast %get3A_338 : vector<1x16xi32> to vector<16xi32>
      %swap3A_340 = arith.constant 16 : index
      %swap3A_341 = tpu.vector_load %arg14[%swap3A_340] {strides = array<i32>} : memref<80xi32, #tpu.memory_space<vmem>>, vector<16xi32>,
      %swap3A_342 = vector.shape_cast %swap3A_341 : vector<16xi32> to vector<16xi32>
      %swap3A_343 = vector.shape_cast %get3A_339 : vector<16xi32> to vector<16xi32>
      tpu.vector_store %arg14[%swap3A_340], %swap3A_343 {strides = array<i32>} : memref<80xi32, #tpu.memory_space<vmem>>, vector<16xi32>,
      %get3A_344 = arith.constant 1 : i32
      %get3A_345 = arith.index_cast %get3A_344 : i32 to index
      %get3A_346 = arith.constant 32 : index
      %get3A_347 = tpu.vector_load %arg8[%get3A_345, %get3A_346] {strides = array<i32>} : memref<2x80xi32, #tpu.memory_space<vmem>>, vector<1x16xi32>,
      %get3A_348 = vector.shape_cast %get3A_347 : vector<1x16xi32> to vector<16xi32>
      %swap3A_349 = arith.constant 32 : index
      %swap3A_350 = tpu.vector_load %arg14[%swap3A_349] {strides = array<i32>} : memref<80xi32, #tpu.memory_space<vmem>>, vector<16xi32>,
      %swap3A_351 = vector.shape_cast %swap3A_350 : vector<16xi32> to vector<16xi32>
      %swap3A_352 = vector.shape_cast %get3A_348 : vector<16xi32> to vector<16xi32>
      tpu.vector_store %arg14[%swap3A_349], %swap3A_352 {strides = array<i32>} : memref<80xi32, #tpu.memory_space<vmem>>, vector<16xi32>,
      %get3A_353 = arith.constant 1 : i32
      %get3A_354 = arith.index_cast %get3A_353 : i32 to index
      %get3A_355 = arith.constant 48 : index
      %get3A_356 = tpu.vector_load %arg8[%get3A_354, %get3A_355] {strides = array<i32>} : memref<2x80xi32, #tpu.memory_space<vmem>>, vector<1x16xi32>,
      %get3A_357 = vector.shape_cast %get3A_356 : vector<1x16xi32> to vector<16xi32>
      %swap3A_358 = arith.constant 48 : index
      %swap3A_359 = tpu.vector_load %arg14[%swap3A_358] {strides = array<i32>} : memref<80xi32, #tpu.memory_space<vmem>>, vector<16xi32>,
      %swap3A_360 = vector.shape_cast %swap3A_359 : vector<16xi32> to vector<16xi32>
      %swap3A_361 = vector.shape_cast %get3A_357 : vector<16xi32> to vector<16xi32>
      tpu.vector_store %arg14[%swap3A_358], %swap3A_361 {strides = array<i32>} : memref<80xi32, #tpu.memory_space<vmem>>, vector<16xi32>,
      %get3A_362 = arith.constant 1 : i32
      %get3A_363 = arith.index_cast %get3A_362 : i32 to index
      %get3A_364 = arith.constant 64 : index
      %get3A_365 = tpu.vector_load %arg8[%get3A_363, %get3A_364] {strides = array<i32>} : memref<2x80xi32, #tpu.memory_space<vmem>>, vector<1x16xi32>,
      %get3A_366 = vector.shape_cast %get3A_365 : vector<1x16xi32> to vector<16xi32>
      %swap3A_367 = arith.constant 64 : index
      %swap3A_368 = tpu.vector_load %arg14[%swap3A_367] {strides = array<i32>} : memref<80xi32, #tpu.memory_space<vmem>>, vector<16xi32>,
      %swap3A_369 = vector.shape_cast %swap3A_368 : vector<16xi32> to vector<16xi32>
      %swap3A_370 = vector.shape_cast %get3A_366 : vector<16xi32> to vector<16xi32>
      tpu.vector_store %arg14[%swap3A_367], %swap3A_370 {strides = array<i32>} : memref<80xi32, #tpu.memory_space<vmem>>, vector<16xi32>,
      %dma_start3A_371 = arith.constant 0 : i32
      %dma_start3A_372 = arith.constant 0 : i32
      %dma_start3A_373 = tpu.memref_slice %arg6[%dma_start3A_371, %dma_start3A_372] : memref<10240x128xf32, #tpu.memory_space<vmem_shared>> -> memref<10240x128xf32, #tpu.memory_space<vmem_shared>>
      tpu.enqueue_indirect_dma source(%arg10 : memref<80x128xf32, #tpu.memory_space<vmem>>) target(%dma_start3A_373 : memref<10240x128xf32, #tpu.memory_space<vmem_shared>>) offsets(%arg14 : memref<80xi32, #tpu.memory_space<vmem>>) semaphore(%arg20 : memref<!tpu.dma_semaphore, #tpu.memory_space<semaphore_mem>>) {add = true}
      %add3A_374 = arith.constant 2 : i32
      %add3A_375 = arith.addi %add3A_279, %add3A_374 : i32
      %le3A_376 = arith.constant 124 : i32
      %le3A_377 = arith.cmpi sle, %add3A_375, %le3A_376 : i32
      %convert_element_type3A_378 = arith.extui %le3A_377 : i1 to i32
      %cond3A_379 = arith.constant 0 : i32
      %cond3A_380 = arith.cmpi ne, %convert_element_type3A_378, %cond3A_379 : i32
      scf.if %cond3A_380 {
        %add3A_381 = arith.constant 2 : i32
        %add3A_382 = arith.addi %add3A_279, %add3A_381 : i32
        %add3A_383 = arith.addi %mul3A_2, %add3A_382 : i32
        %dma_start3A_384 = arith.constant 0 : i32
        %dma_start3A_385 = arith.constant 0 : i32
        %dma_start3A_386 = tpu.memref_slice %arg4[%dma_start3A_384, %add3A_383, %dma_start3A_385] : memref<2x4000x80xi32, #tpu.memory_space<hbm>> -> memref<2x1x80xi32, #tpu.memory_space<hbm>>
        %dma_start3A_387 = tpu.memref_squeeze %dma_start3A_386 : memref<2x1x80xi32, #tpu.memory_space<hbm>> -> memref<2x80xi32, #tpu.memory_space<hbm>>
        %dma_start3A_388 = arith.constant 0 : i32
        %dma_start3A_389 = arith.constant 0 : i32
        %dma_start3A_390 = tpu.memref_slice %arg4[%dma_start3A_388, %add3A_383, %dma_start3A_389] : memref<2x4000x80xi32, #tpu.memory_space<hbm>> -> memref<2x1x80xi32, #tpu.memory_space<hbm>>
        %dma_start3A_391 = tpu.memref_squeeze %dma_start3A_390 : memref<2x1x80xi32, #tpu.memory_space<hbm>> -> memref<2x80xi32, #tpu.memory_space<hbm>>
        tpu.enqueue_dma source(%dma_start3A_391 : memref<2x80xi32, #tpu.memory_space<hbm>>) target(%arg8 : memref<2x80xi32, #tpu.memory_space<vmem>>) target_semaphore(%arg16 : memref<!tpu.dma_semaphore, #tpu.memory_space<semaphore_mem>>)
      } else {
      }
    }
    %scan3A_82 = arith.constant 62 : i32
    %dma_wait3A_83 = arith.constant 0 : i32
    %dma_wait3A_84 = arith.constant 0 : i32
    %dma_wait3A_85 = tpu.memref_slice %arg7[%dma_wait3A_83, %dma_wait3A_84] : memref<2x80xi32, #tpu.memory_space<vmem>> -> memref<1x80xi32, #tpu.memory_space<vmem>>
    %dma_wait3A_86 = tpu.memref_squeeze %dma_wait3A_85 : memref<1x80xi32, #tpu.memory_space<vmem>> -> memref<80xi32, #tpu.memory_space<vmem>>
    %dma_wait3A_87 = arith.constant 0 : i32
    %dma_wait3A_88 = arith.constant 0 : i32
    %dma_wait3A_89 = tpu.memref_slice %arg2[%dma_wait3A_87, %dma_wait3A_88] : memref<10000x128xf32, #tpu.memory_space<hbm>> -> memref<10000x128xf32, #tpu.memory_space<hbm>>
    tpu.wait_indirect_dma semaphore(%arg17 : memref<!tpu.dma_semaphore, #tpu.memory_space<semaphore_mem>>) src(%dma_wait3A_89 : memref<10000x128xf32, #tpu.memory_space<hbm>>) dst(%arg9 : memref<80x128xf32, #tpu.memory_space<vmem>>)
    %dma_wait3A_90 = arith.constant 0 : i32
    %dma_wait3A_91 = arith.constant 0 : i32
    %dma_wait3A_92 = tpu.memref_slice %arg3[%dma_wait3A_90, %dma_wait3A_91] : memref<320000x128xf32, #tpu.memory_space<hbm>> -> memref<80x128xf32, #tpu.memory_space<hbm>>
    %dma_wait3A_93 = arith.constant 0 : i32
    %dma_wait3A_94 = arith.constant 0 : i32
    %dma_wait3A_95 = tpu.memref_slice %arg3[%dma_wait3A_93, %dma_wait3A_94] : memref<320000x128xf32, #tpu.memory_space<hbm>> -> memref<80x128xf32, #tpu.memory_space<hbm>>
    tpu.wait_dma2 semaphore(%arg17 : memref<!tpu.dma_semaphore, #tpu.memory_space<semaphore_mem>>) src(%dma_wait3A_95 : memref<80x128xf32, #tpu.memory_space<hbm>>) dst(%arg11 : memref<80x128xf32, #tpu.memory_space<vmem>>)
    %parallel_loop3A_96 = arith.constant 0 : i32
    %parallel_loop3A_97 = arith.constant 640 : i32
    %parallel_loop3A_98 = arith.constant 1 : i32
    scf.for %parallel_loop3A_178 = %parallel_loop3A_96 to %parallel_loop3A_97 step %parallel_loop3A_98  : i32 {
      %parallel_loop3A_179 = arith.constant 8 : i32
      %parallel_loop3A_180 = arith.divsi %parallel_loop3A_178, %parallel_loop3A_179 : i32
      %parallel_loop3A_181 = arith.constant 0 : i32
      %parallel_loop3A_182 = arith.cmpi sgt, %parallel_loop3A_178, %parallel_loop3A_181 : i32
      %parallel_loop3A_183 = arith.extui %parallel_loop3A_182 : i1 to i32
      %parallel_loop3A_184 = arith.constant 0 : i32
      %parallel_loop3A_185 = arith.cmpi slt, %parallel_loop3A_178, %parallel_loop3A_184 : i32
      %parallel_loop3A_186 = arith.extui %parallel_loop3A_185 : i1 to i32
      %parallel_loop3A_187 = arith.subi %parallel_loop3A_183, %parallel_loop3A_186 : i32
      %parallel_loop3A_188 = arith.constant 0 : i32
      %parallel_loop3A_189 = arith.cmpi sgt, %parallel_loop3A_179, %parallel_loop3A_188 : i32
      %parallel_loop3A_190 = arith.extui %parallel_loop3A_189 : i1 to i32
      %parallel_loop3A_191 = arith.constant 0 : i32
      %parallel_loop3A_192 = arith.cmpi slt, %parallel_loop3A_179, %parallel_loop3A_191 : i32
      %parallel_loop3A_193 = arith.extui %parallel_loop3A_192 : i1 to i32
      %parallel_loop3A_194 = arith.subi %parallel_loop3A_190, %parallel_loop3A_193 : i32
      %parallel_loop3A_195 = arith.cmpi ne, %parallel_loop3A_187, %parallel_loop3A_194 : i32
      %parallel_loop3A_196 = arith.remsi %parallel_loop3A_178, %parallel_loop3A_179 : i32
      %parallel_loop3A_197 = arith.constant 0 : i32
      %parallel_loop3A_198 = arith.cmpi ne, %parallel_loop3A_196, %parallel_loop3A_197 : i32
      %parallel_loop3A_199 = arith.andi %parallel_loop3A_195, %parallel_loop3A_198 : i1
      %parallel_loop3A_200 = arith.constant 1 : i32
      %parallel_loop3A_201 = arith.subi %parallel_loop3A_180, %parallel_loop3A_200 : i32
      %parallel_loop3A_202 = arith.select %parallel_loop3A_199, %parallel_loop3A_201, %parallel_loop3A_180 : i32
      %parallel_loop3A_203 = arith.constant 8 : i32
      %parallel_loop3A_204 = arith.constant 0 : i32
      %parallel_loop3A_205 = arith.cmpi eq, %parallel_loop3A_203, %parallel_loop3A_204 : i32
      %parallel_loop3A_206 = arith.constant 1 : i32
      %parallel_loop3A_207 = arith.select %parallel_loop3A_205, %parallel_loop3A_206, %parallel_loop3A_203 : i32
      %parallel_loop3A_208 = arith.remsi %parallel_loop3A_178, %parallel_loop3A_207 : i32
      %parallel_loop3A_209 = arith.constant 0 : i32
      %parallel_loop3A_210 = arith.cmpi ne, %parallel_loop3A_208, %parallel_loop3A_209 : i32
      %parallel_loop3A_211 = arith.constant 0 : i32
      %parallel_loop3A_212 = arith.cmpi slt, %parallel_loop3A_208, %parallel_loop3A_211 : i32
      %parallel_loop3A_213 = arith.constant 0 : i32
      %parallel_loop3A_214 = arith.cmpi slt, %parallel_loop3A_207, %parallel_loop3A_213 : i32
      %parallel_loop3A_215 = arith.xori %parallel_loop3A_212, %parallel_loop3A_214 : i1
      %parallel_loop3A_216 = arith.andi %parallel_loop3A_215, %parallel_loop3A_210 : i1
      %parallel_loop3A_217 = arith.addi %parallel_loop3A_208, %parallel_loop3A_207 : i32
      %parallel_loop3A_218 = arith.select %parallel_loop3A_216, %parallel_loop3A_217, %parallel_loop3A_208 : i32
      %parallel_loop3A_219 = arith.constant 16 : i32
      %parallel_loop3A_220 = arith.muli %parallel_loop3A_218, %parallel_loop3A_219 : i32
      %parallel_loop3A_221 = arith.constant 0.000000e+00 : f32
      %parallel_loop3A_222 = vector.broadcast %parallel_loop3A_221 : f32 to vector<16xf32>
      %parallel_loop3A_223 = arith.index_cast %parallel_loop3A_202 : i32 to index
      %parallel_loop3A_224 = arith.index_cast %parallel_loop3A_220 : i32 to index
      %parallel_loop3A_225 = tpu.vector_load %arg9[%parallel_loop3A_223, %parallel_loop3A_224] {strides = array<i32>} : memref<80x128xf32, #tpu.memory_space<vmem>>, vector<1x16xf32>,
      %parallel_loop3A_226 = vector.shape_cast %parallel_loop3A_225 : vector<1x16xf32> to vector<16xf32>
      %parallel_loop3A_227 = vector.shape_cast %parallel_loop3A_222 : vector<16xf32> to vector<1x16xf32>
      tpu.vector_store %arg9[%parallel_loop3A_223, %parallel_loop3A_224], %parallel_loop3A_227 {strides = array<i32>} : memref<80x128xf32, #tpu.memory_space<vmem>>, vector<1x16xf32>,
    } {sc.loop_unroll_factor = 8 : i64, sc.parallel_access}
    %get3A = arith.constant 1 : i32
    %get3A_99 = arith.index_cast %get3A : i32 to index
    %get3A_100 = arith.constant 0 : index
    %get3A_101 = tpu.vector_load %arg7[%get3A_99, %get3A_100] {strides = array<i32>} : memref<2x80xi32, #tpu.memory_space<vmem>>, vector<1x16xi32>,
    %get3A_102 = vector.shape_cast %get3A_101 : vector<1x16xi32> to vector<16xi32>
    %swap3A = arith.constant 0 : index
    %swap3A_103 = tpu.vector_load %arg13[%swap3A] {strides = array<i32>} : memref<80xi32, #tpu.memory_space<vmem>>, vector<16xi32>,
    %swap3A_104 = vector.shape_cast %swap3A_103 : vector<16xi32> to vector<16xi32>
    %swap3A_105 = vector.shape_cast %get3A_102 : vector<16xi32> to vector<16xi32>
    tpu.vector_store %arg13[%swap3A], %swap3A_105 {strides = array<i32>} : memref<80xi32, #tpu.memory_space<vmem>>, vector<16xi32>,
    %get3A_106 = arith.constant 1 : i32
    %get3A_107 = arith.index_cast %get3A_106 : i32 to index
    %get3A_108 = arith.constant 16 : index
    %get3A_109 = tpu.vector_load %arg7[%get3A_107, %get3A_108] {strides = array<i32>} : memref<2x80xi32, #tpu.memory_space<vmem>>, vector<1x16xi32>,
    %get3A_110 = vector.shape_cast %get3A_109 : vector<1x16xi32> to vector<16xi32>
    %swap3A_111 = arith.constant 16 : index
    %swap3A_112 = tpu.vector_load %arg13[%swap3A_111] {strides = array<i32>} : memref<80xi32, #tpu.memory_space<vmem>>, vector<16xi32>,
    %swap3A_113 = vector.shape_cast %swap3A_112 : vector<16xi32> to vector<16xi32>
    %swap3A_114 = vector.shape_cast %get3A_110 : vector<16xi32> to vector<16xi32>
    tpu.vector_store %arg13[%swap3A_111], %swap3A_114 {strides = array<i32>} : memref<80xi32, #tpu.memory_space<vmem>>, vector<16xi32>,
    %get3A_115 = arith.constant 1 : i32
    %get3A_116 = arith.index_cast %get3A_115 : i32 to index
    %get3A_117 = arith.constant 32 : index
    %get3A_118 = tpu.vector_load %arg7[%get3A_116, %get3A_117] {strides = array<i32>} : memref<2x80xi32, #tpu.memory_space<vmem>>, vector<1x16xi32>,
    %get3A_119 = vector.shape_cast %get3A_118 : vector<1x16xi32> to vector<16xi32>
    %swap3A_120 = arith.constant 32 : index
    %swap3A_121 = tpu.vector_load %arg13[%swap3A_120] {strides = array<i32>} : memref<80xi32, #tpu.memory_space<vmem>>, vector<16xi32>,
    %swap3A_122 = vector.shape_cast %swap3A_121 : vector<16xi32> to vector<16xi32>
    %swap3A_123 = vector.shape_cast %get3A_119 : vector<16xi32> to vector<16xi32>
    tpu.vector_store %arg13[%swap3A_120], %swap3A_123 {strides = array<i32>} : memref<80xi32, #tpu.memory_space<vmem>>, vector<16xi32>,
    %get3A_124 = arith.constant 1 : i32
    %get3A_125 = arith.index_cast %get3A_124 : i32 to index
    %get3A_126 = arith.constant 48 : index
    %get3A_127 = tpu.vector_load %arg7[%get3A_125, %get3A_126] {strides = array<i32>} : memref<2x80xi32, #tpu.memory_space<vmem>>, vector<1x16xi32>,
    %get3A_128 = vector.shape_cast %get3A_127 : vector<1x16xi32> to vector<16xi32>
    %swap3A_129 = arith.constant 48 : index
    %swap3A_130 = tpu.vector_load %arg13[%swap3A_129] {strides = array<i32>} : memref<80xi32, #tpu.memory_space<vmem>>, vector<16xi32>,
    %swap3A_131 = vector.shape_cast %swap3A_130 : vector<16xi32> to vector<16xi32>
    %swap3A_132 = vector.shape_cast %get3A_128 : vector<16xi32> to vector<16xi32>
    tpu.vector_store %arg13[%swap3A_129], %swap3A_132 {strides = array<i32>} : memref<80xi32, #tpu.memory_space<vmem>>, vector<16xi32>,
    %get3A_133 = arith.constant 1 : i32
    %get3A_134 = arith.index_cast %get3A_133 : i32 to index
    %get3A_135 = arith.constant 64 : index
    %get3A_136 = tpu.vector_load %arg7[%get3A_134, %get3A_135] {strides = array<i32>} : memref<2x80xi32, #tpu.memory_space<vmem>>, vector<1x16xi32>,
    %get3A_137 = vector.shape_cast %get3A_136 : vector<1x16xi32> to vector<16xi32>
    %swap3A_138 = arith.constant 64 : index
    %swap3A_139 = tpu.vector_load %arg13[%swap3A_138] {strides = array<i32>} : memref<80xi32, #tpu.memory_space<vmem>>, vector<16xi32>,
    %swap3A_140 = vector.shape_cast %swap3A_139 : vector<16xi32> to vector<16xi32>
    %swap3A_141 = vector.shape_cast %get3A_137 : vector<16xi32> to vector<16xi32>
    tpu.vector_store %arg13[%swap3A_138], %swap3A_141 {strides = array<i32>} : memref<80xi32, #tpu.memory_space<vmem>>, vector<16xi32>,
    "tpu.region"() ({
      %run_scoped3A = tpu.sem_alloc : memref<!tpu.dma_semaphore, #tpu.memory_space<semaphore_mem>>
      %dma_start3A_178 = arith.constant 0 : i32
      %dma_start3A_179 = arith.constant 0 : i32
      %dma_start3A_180 = tpu.memref_slice %arg6[%dma_start3A_178, %dma_start3A_179] : memref<10240x128xf32, #tpu.memory_space<vmem_shared>> -> memref<10240x128xf32, #tpu.memory_space<vmem_shared>>
      tpu.enqueue_indirect_dma source(%arg9 : memref<80x128xf32, #tpu.memory_space<vmem>>) target(%dma_start3A_180 : memref<10240x128xf32, #tpu.memory_space<vmem_shared>>) offsets(%arg13 : memref<80xi32, #tpu.memory_space<vmem>>) semaphore(%run_scoped3A : memref<!tpu.dma_semaphore, #tpu.memory_space<semaphore_mem>>) {add = true}
      %dma_wait3A_181 = arith.constant 0 : i32
      %dma_wait3A_182 = arith.constant 0 : i32
      %dma_wait3A_183 = tpu.memref_slice %arg6[%dma_wait3A_181, %dma_wait3A_182] : memref<10240x128xf32, #tpu.memory_space<vmem_shared>> -> memref<10240x128xf32, #tpu.memory_space<vmem_shared>>
      tpu.wait_indirect_dma semaphore(%run_scoped3A : memref<!tpu.dma_semaphore, #tpu.memory_space<semaphore_mem>>) src(%arg9 : memref<80x128xf32, #tpu.memory_space<vmem>>) dst(%dma_wait3A_183 : memref<10240x128xf32, #tpu.memory_space<vmem_shared>>)
      tpu.yield
    }) : () -> ()
    %dma_wait3A_142 = arith.constant 0 : i32
    %dma_wait3A_143 = arith.constant 0 : i32
    %dma_wait3A_144 = tpu.memref_slice %arg6[%dma_wait3A_142, %dma_wait3A_143] : memref<10240x128xf32, #tpu.memory_space<vmem_shared>> -> memref<10240x128xf32, #tpu.memory_space<vmem_shared>>
    tpu.wait_indirect_dma semaphore(%arg20 : memref<!tpu.dma_semaphore, #tpu.memory_space<semaphore_mem>>) src(%arg10 : memref<80x128xf32, #tpu.memory_space<vmem>>) dst(%dma_wait3A_144 : memref<10240x128xf32, #tpu.memory_space<vmem_shared>>)
    %barrier3A_145 = arith.constant 0 : index
    tpu.barrier barrier_id(%barrier3A_145)
    %mul3A_146 = arith.constant 640 : i32
    %mul3A_147 = arith.muli %arg1, %mul3A_146 : i32
    %add3A_148 = arith.constant 0 : i32
    %add3A_149 = arith.addi %mul3A_147, %add3A_148 : i32
    "tpu.region"() ({
      %run_scoped3A = tpu.sem_alloc : memref<!tpu.dma_semaphore, #tpu.memory_space<semaphore_mem>>
      %dma_start3A_178 = arith.constant 0 : i32
      %dma_start3A_179 = tpu.memref_slice %arg6[%add3A_149, %dma_start3A_178] : memref<10240x128xf32, #tpu.memory_space<vmem_shared>> -> memref<80x128xf32, #tpu.memory_space<vmem_shared>>
      %dma_start3A_180 = arith.constant 0 : i32
      %dma_start3A_181 = tpu.memref_slice %arg6[%add3A_149, %dma_start3A_180] : memref<10240x128xf32, #tpu.memory_space<vmem_shared>> -> memref<80x128xf32, #tpu.memory_space<vmem_shared>>
      tpu.enqueue_dma source(%dma_start3A_181 : memref<80x128xf32, #tpu.memory_space<vmem_shared>>) target(%arg9 : memref<80x128xf32, #tpu.memory_space<vmem>>) target_semaphore(%run_scoped3A : memref<!tpu.dma_semaphore, #tpu.memory_space<semaphore_mem>>)
      %dma_wait3A_182 = arith.constant 0 : i32
      %dma_wait3A_183 = tpu.memref_slice %arg6[%add3A_149, %dma_wait3A_182] : memref<10240x128xf32, #tpu.memory_space<vmem_shared>> -> memref<80x128xf32, #tpu.memory_space<vmem_shared>>
      %dma_wait3A_184 = arith.constant 0 : i32
      %dma_wait3A_185 = tpu.memref_slice %arg6[%add3A_149, %dma_wait3A_184] : memref<10240x128xf32, #tpu.memory_space<vmem_shared>> -> memref<80x128xf32, #tpu.memory_space<vmem_shared>>
      tpu.wait_dma2 semaphore(%run_scoped3A : memref<!tpu.dma_semaphore, #tpu.memory_space<semaphore_mem>>) src(%dma_wait3A_185 : memref<80x128xf32, #tpu.memory_space<vmem_shared>>) dst(%arg9 : memref<80x128xf32, #tpu.memory_space<vmem>>)
      tpu.yield
    }) : () -> ()
    "tpu.region"() ({
      %run_scoped3A = tpu.sem_alloc : memref<!tpu.dma_semaphore, #tpu.memory_space<semaphore_mem>>
      %dma_start3A_178 = arith.constant 0 : i32
      %dma_start3A_179 = tpu.memref_slice %arg5[%arg0, %add3A_149, %dma_start3A_178] : memref<2x10240x128xf32, #tpu.memory_space<hbm>> -> memref<1x80x128xf32, #tpu.memory_space<hbm>>
      %dma_start3A_180 = tpu.memref_squeeze %dma_start3A_179 : memref<1x80x128xf32, #tpu.memory_space<hbm>> -> memref<80x128xf32, #tpu.memory_space<hbm>>
      %dma_start3A_181 = arith.constant 0 : i32
      %dma_start3A_182 = tpu.memref_slice %arg5[%arg0, %add3A_149, %dma_start3A_181] : memref<2x10240x128xf32, #tpu.memory_space<hbm>> -> memref<1x80x128xf32, #tpu.memory_space<hbm>>
      %dma_start3A_183 = tpu.memref_squeeze %dma_start3A_182 : memref<1x80x128xf32, #tpu.memory_space<hbm>> -> memref<80x128xf32, #tpu.memory_space<hbm>>
      tpu.enqueue_dma source(%arg9 : memref<80x128xf32, #tpu.memory_space<vmem>>) target(%dma_start3A_183 : memref<80x128xf32, #tpu.memory_space<hbm>>) target_semaphore(%run_scoped3A : memref<!tpu.dma_semaphore, #tpu.memory_space<semaphore_mem>>)
      %dma_wait3A_184 = arith.constant 0 : i32
      %dma_wait3A_185 = tpu.memref_slice %arg5[%arg0, %add3A_149, %dma_wait3A_184] : memref<2x10240x128xf32, #tpu.memory_space<hbm>> -> memref<1x80x128xf32, #tpu.memory_space<hbm>>
      %dma_wait3A_186 = tpu.memref_squeeze %dma_wait3A_185 : memref<1x80x128xf32, #tpu.memory_space<hbm>> -> memref<80x128xf32, #tpu.memory_space<hbm>>
      %dma_wait3A_187 = arith.constant 0 : i32
      %dma_wait3A_188 = tpu.memref_slice %arg5[%arg0, %add3A_149, %dma_wait3A_187] : memref<2x10240x128xf32, #tpu.memory_space<hbm>> -> memref<1x80x128xf32, #tpu.memory_space<hbm>>
      %dma_wait3A_189 = tpu.memref_squeeze %dma_wait3A_188 : memref<1x80x128xf32, #tpu.memory_space<hbm>> -> memref<80x128xf32, #tpu.memory_space<hbm>>
      tpu.wait_dma2 semaphore(%run_scoped3A : memref<!tpu.dma_semaphore, #tpu.memory_space<semaphore_mem>>) src(%arg9 : memref<80x128xf32, #tpu.memory_space<vmem>>) dst(%dma_wait3A_189 : memref<80x128xf32, #tpu.memory_space<hbm>>)
      tpu.yield
    }) : () -> ()
    %mul3A_150 = arith.constant 640 : i32
    %mul3A_151 = arith.muli %arg1, %mul3A_150 : i32
    %add3A_152 = arith.constant 80 : i32
    %add3A_153 = arith.addi %mul3A_151, %add3A_152 : i32
    "tpu.region"() ({
      %run_scoped3A = tpu.sem_alloc : memref<!tpu.dma_semaphore, #tpu.memory_space<semaphore_mem>>
      %dma_start3A_178 = arith.constant 0 : i32
      %dma_start3A_179 = tpu.memref_slice %arg6[%add3A_153, %dma_start3A_178] : memref<10240x128xf32, #tpu.memory_space<vmem_shared>> -> memref<80x128xf32, #tpu.memory_space<vmem_shared>>
      %dma_start3A_180 = arith.constant 0 : i32
      %dma_start3A_181 = tpu.memref_slice %arg6[%add3A_153, %dma_start3A_180] : memref<10240x128xf32, #tpu.memory_space<vmem_shared>> -> memref<80x128xf32, #tpu.memory_space<vmem_shared>>
      tpu.enqueue_dma source(%dma_start3A_181 : memref<80x128xf32, #tpu.memory_space<vmem_shared>>) target(%arg9 : memref<80x128xf32, #tpu.memory_space<vmem>>) target_semaphore(%run_scoped3A : memref<!tpu.dma_semaphore, #tpu.memory_space<semaphore_mem>>)
      %dma_wait3A_182 = arith.constant 0 : i32
      %dma_wait3A_183 = tpu.memref_slice %arg6[%add3A_153, %dma_wait3A_182] : memref<10240x128xf32, #tpu.memory_space<vmem_shared>> -> memref<80x128xf32, #tpu.memory_space<vmem_shared>>
      %dma_wait3A_184 = arith.constant 0 : i32
      %dma_wait3A_185 = tpu.memref_slice %arg6[%add3A_153, %dma_wait3A_184] : memref<10240x128xf32, #tpu.memory_space<vmem_shared>> -> memref<80x128xf32, #tpu.memory_space<vmem_shared>>
      tpu.wait_dma2 semaphore(%run_scoped3A : memref<!tpu.dma_semaphore, #tpu.memory_space<semaphore_mem>>) src(%dma_wait3A_185 : memref<80x128xf32, #tpu.memory_space<vmem_shared>>) dst(%arg9 : memref<80x128xf32, #tpu.memory_space<vmem>>)
      tpu.yield
    }) : () -> ()
    "tpu.region"() ({
      %run_scoped3A = tpu.sem_alloc : memref<!tpu.dma_semaphore, #tpu.memory_space<semaphore_mem>>
      %dma_start3A_178 = arith.constant 0 : i32
      %dma_start3A_179 = tpu.memref_slice %arg5[%arg0, %add3A_153, %dma_start3A_178] : memref<2x10240x128xf32, #tpu.memory_space<hbm>> -> memref<1x80x128xf32, #tpu.memory_space<hbm>>
      %dma_start3A_180 = tpu.memref_squeeze %dma_start3A_179 : memref<1x80x128xf32, #tpu.memory_space<hbm>> -> memref<80x128xf32, #tpu.memory_space<hbm>>
      %dma_start3A_181 = arith.constant 0 : i32
      %dma_start3A_182 = tpu.memref_slice %arg5[%arg0, %add3A_153, %dma_start3A_181] : memref<2x10240x128xf32, #tpu.memory_space<hbm>> -> memref<1x80x128xf32, #tpu.memory_space<hbm>>
      %dma_start3A_183 = tpu.memref_squeeze %dma_start3A_182 : memref<1x80x128xf32, #tpu.memory_space<hbm>> -> memref<80x128xf32, #tpu.memory_space<hbm>>
      tpu.enqueue_dma source(%arg9 : memref<80x128xf32, #tpu.memory_space<vmem>>) target(%dma_start3A_183 : memref<80x128xf32, #tpu.memory_space<hbm>>) target_semaphore(%run_scoped3A : memref<!tpu.dma_semaphore, #tpu.memory_space<semaphore_mem>>)
      %dma_wait3A_184 = arith.constant 0 : i32
      %dma_wait3A_185 = tpu.memref_slice %arg5[%arg0, %add3A_153, %dma_wait3A_184] : memref<2x10240x128xf32, #tpu.memory_space<hbm>> -> memref<1x80x128xf32, #tpu.memory_space<hbm>>
      %dma_wait3A_186 = tpu.memref_squeeze %dma_wait3A_185 : memref<1x80x128xf32, #tpu.memory_space<hbm>> -> memref<80x128xf32, #tpu.memory_space<hbm>>
      %dma_wait3A_187 = arith.constant 0 : i32
      %dma_wait3A_188 = tpu.memref_slice %arg5[%arg0, %add3A_153, %dma_wait3A_187] : memref<2x10240x128xf32, #tpu.memory_space<hbm>> -> memref<1x80x128xf32, #tpu.memory_space<hbm>>
      %dma_wait3A_189 = tpu.memref_squeeze %dma_wait3A_188 : memref<1x80x128xf32, #tpu.memory_space<hbm>> -> memref<80x128xf32, #tpu.memory_space<hbm>>
      tpu.wait_dma2 semaphore(%run_scoped3A : memref<!tpu.dma_semaphore, #tpu.memory_space<semaphore_mem>>) src(%arg9 : memref<80x128xf32, #tpu.memory_space<vmem>>) dst(%dma_wait3A_189 : memref<80x128xf32, #tpu.memory_space<hbm>>)
      tpu.yield
    }) : () -> ()
    %mul3A_154 = arith.constant 640 : i32
    %mul3A_155 = arith.muli %arg1, %mul3A_154 : i32
    %add3A_156 = arith.constant 160 : i32
    %add3A_157 = arith.addi %mul3A_155, %add3A_156 : i32
    "tpu.region"() ({
      %run_scoped3A = tpu.sem_alloc : memref<!tpu.dma_semaphore, #tpu.memory_space<semaphore_mem>>
      %dma_start3A_178 = arith.constant 0 : i32
      %dma_start3A_179 = tpu.memref_slice %arg6[%add3A_157, %dma_start3A_178] : memref<10240x128xf32, #tpu.memory_space<vmem_shared>> -> memref<80x128xf32, #tpu.memory_space<vmem_shared>>
      %dma_start3A_180 = arith.constant 0 : i32
      %dma_start3A_181 = tpu.memref_slice %arg6[%add3A_157, %dma_start3A_180] : memref<10240x128xf32, #tpu.memory_space<vmem_shared>> -> memref<80x128xf32, #tpu.memory_space<vmem_shared>>
      tpu.enqueue_dma source(%dma_start3A_181 : memref<80x128xf32, #tpu.memory_space<vmem_shared>>) target(%arg9 : memref<80x128xf32, #tpu.memory_space<vmem>>) target_semaphore(%run_scoped3A : memref<!tpu.dma_semaphore, #tpu.memory_space<semaphore_mem>>)
      %dma_wait3A_182 = arith.constant 0 : i32
      %dma_wait3A_183 = tpu.memref_slice %arg6[%add3A_157, %dma_wait3A_182] : memref<10240x128xf32, #tpu.memory_space<vmem_shared>> -> memref<80x128xf32, #tpu.memory_space<vmem_shared>>
      %dma_wait3A_184 = arith.constant 0 : i32
      %dma_wait3A_185 = tpu.memref_slice %arg6[%add3A_157, %dma_wait3A_184] : memref<10240x128xf32, #tpu.memory_space<vmem_shared>> -> memref<80x128xf32, #tpu.memory_space<vmem_shared>>
      tpu.wait_dma2 semaphore(%run_scoped3A : memref<!tpu.dma_semaphore, #tpu.memory_space<semaphore_mem>>) src(%dma_wait3A_185 : memref<80x128xf32, #tpu.memory_space<vmem_shared>>) dst(%arg9 : memref<80x128xf32, #tpu.memory_space<vmem>>)
      tpu.yield
    }) : () -> ()
    "tpu.region"() ({
      %run_scoped3A = tpu.sem_alloc : memref<!tpu.dma_semaphore, #tpu.memory_space<semaphore_mem>>
      %dma_start3A_178 = arith.constant 0 : i32
      %dma_start3A_179 = tpu.memref_slice %arg5[%arg0, %add3A_157, %dma_start3A_178] : memref<2x10240x128xf32, #tpu.memory_space<hbm>> -> memref<1x80x128xf32, #tpu.memory_space<hbm>>
      %dma_start3A_180 = tpu.memref_squeeze %dma_start3A_179 : memref<1x80x128xf32, #tpu.memory_space<hbm>> -> memref<80x128xf32, #tpu.memory_space<hbm>>
      %dma_start3A_181 = arith.constant 0 : i32
      %dma_start3A_182 = tpu.memref_slice %arg5[%arg0, %add3A_157, %dma_start3A_181] : memref<2x10240x128xf32, #tpu.memory_space<hbm>> -> memref<1x80x128xf32, #tpu.memory_space<hbm>>
      %dma_start3A_183 = tpu.memref_squeeze %dma_start3A_182 : memref<1x80x128xf32, #tpu.memory_space<hbm>> -> memref<80x128xf32, #tpu.memory_space<hbm>>
      tpu.enqueue_dma source(%arg9 : memref<80x128xf32, #tpu.memory_space<vmem>>) target(%dma_start3A_183 : memref<80x128xf32, #tpu.memory_space<hbm>>) target_semaphore(%run_scoped3A : memref<!tpu.dma_semaphore, #tpu.memory_space<semaphore_mem>>)
      %dma_wait3A_184 = arith.constant 0 : i32
      %dma_wait3A_185 = tpu.memref_slice %arg5[%arg0, %add3A_157, %dma_wait3A_184] : memref<2x10240x128xf32, #tpu.memory_space<hbm>> -> memref<1x80x128xf32, #tpu.memory_space<hbm>>
      %dma_wait3A_186 = tpu.memref_squeeze %dma_wait3A_185 : memref<1x80x128xf32, #tpu.memory_space<hbm>> -> memref<80x128xf32, #tpu.memory_space<hbm>>
      %dma_wait3A_187 = arith.constant 0 : i32
      %dma_wait3A_188 = tpu.memref_slice %arg5[%arg0, %add3A_157, %dma_wait3A_187] : memref<2x10240x128xf32, #tpu.memory_space<hbm>> -> memref<1x80x128xf32, #tpu.memory_space<hbm>>
      %dma_wait3A_189 = tpu.memref_squeeze %dma_wait3A_188 : memref<1x80x128xf32, #tpu.memory_space<hbm>> -> memref<80x128xf32, #tpu.memory_space<hbm>>
      tpu.wait_dma2 semaphore(%run_scoped3A : memref<!tpu.dma_semaphore, #tpu.memory_space<semaphore_mem>>) src(%arg9 : memref<80x128xf32, #tpu.memory_space<vmem>>) dst(%dma_wait3A_189 : memref<80x128xf32, #tpu.memory_space<hbm>>)
      tpu.yield
    }) : () -> ()
    %mul3A_158 = arith.constant 640 : i32
    %mul3A_159 = arith.muli %arg1, %mul3A_158 : i32
    %add3A_160 = arith.constant 240 : i32
    %add3A_161 = arith.addi %mul3A_159, %add3A_160 : i32
    "tpu.region"() ({
      %run_scoped3A = tpu.sem_alloc : memref<!tpu.dma_semaphore, #tpu.memory_space<semaphore_mem>>
      %dma_start3A_178 = arith.constant 0 : i32
      %dma_start3A_179 = tpu.memref_slice %arg6[%add3A_161, %dma_start3A_178] : memref<10240x128xf32, #tpu.memory_space<vmem_shared>> -> memref<80x128xf32, #tpu.memory_space<vmem_shared>>
      %dma_start3A_180 = arith.constant 0 : i32
      %dma_start3A_181 = tpu.memref_slice %arg6[%add3A_161, %dma_start3A_180] : memref<10240x128xf32, #tpu.memory_space<vmem_shared>> -> memref<80x128xf32, #tpu.memory_space<vmem_shared>>
      tpu.enqueue_dma source(%dma_start3A_181 : memref<80x128xf32, #tpu.memory_space<vmem_shared>>) target(%arg9 : memref<80x128xf32, #tpu.memory_space<vmem>>) target_semaphore(%run_scoped3A : memref<!tpu.dma_semaphore, #tpu.memory_space<semaphore_mem>>)
      %dma_wait3A_182 = arith.constant 0 : i32
      %dma_wait3A_183 = tpu.memref_slice %arg6[%add3A_161, %dma_wait3A_182] : memref<10240x128xf32, #tpu.memory_space<vmem_shared>> -> memref<80x128xf32, #tpu.memory_space<vmem_shared>>
      %dma_wait3A_184 = arith.constant 0 : i32
      %dma_wait3A_185 = tpu.memref_slice %arg6[%add3A_161, %dma_wait3A_184] : memref<10240x128xf32, #tpu.memory_space<vmem_shared>> -> memref<80x128xf32, #tpu.memory_space<vmem_shared>>
      tpu.wait_dma2 semaphore(%run_scoped3A : memref<!tpu.dma_semaphore, #tpu.memory_space<semaphore_mem>>) src(%dma_wait3A_185 : memref<80x128xf32, #tpu.memory_space<vmem_shared>>) dst(%arg9 : memref<80x128xf32, #tpu.memory_space<vmem>>)
      tpu.yield
    }) : () -> ()
    "tpu.region"() ({
      %run_scoped3A = tpu.sem_alloc : memref<!tpu.dma_semaphore, #tpu.memory_space<semaphore_mem>>
      %dma_start3A_178 = arith.constant 0 : i32
      %dma_start3A_179 = tpu.memref_slice %arg5[%arg0, %add3A_161, %dma_start3A_178] : memref<2x10240x128xf32, #tpu.memory_space<hbm>> -> memref<1x80x128xf32, #tpu.memory_space<hbm>>
      %dma_start3A_180 = tpu.memref_squeeze %dma_start3A_179 : memref<1x80x128xf32, #tpu.memory_space<hbm>> -> memref<80x128xf32, #tpu.memory_space<hbm>>
      %dma_start3A_181 = arith.constant 0 : i32
      %dma_start3A_182 = tpu.memref_slice %arg5[%arg0, %add3A_161, %dma_start3A_181] : memref<2x10240x128xf32, #tpu.memory_space<hbm>> -> memref<1x80x128xf32, #tpu.memory_space<hbm>>
      %dma_start3A_183 = tpu.memref_squeeze %dma_start3A_182 : memref<1x80x128xf32, #tpu.memory_space<hbm>> -> memref<80x128xf32, #tpu.memory_space<hbm>>
      tpu.enqueue_dma source(%arg9 : memref<80x128xf32, #tpu.memory_space<vmem>>) target(%dma_start3A_183 : memref<80x128xf32, #tpu.memory_space<hbm>>) target_semaphore(%run_scoped3A : memref<!tpu.dma_semaphore, #tpu.memory_space<semaphore_mem>>)
      %dma_wait3A_184 = arith.constant 0 : i32
      %dma_wait3A_185 = tpu.memref_slice %arg5[%arg0, %add3A_161, %dma_wait3A_184] : memref<2x10240x128xf32, #tpu.memory_space<hbm>> -> memref<1x80x128xf32, #tpu.memory_space<hbm>>
      %dma_wait3A_186 = tpu.memref_squeeze %dma_wait3A_185 : memref<1x80x128xf32, #tpu.memory_space<hbm>> -> memref<80x128xf32, #tpu.memory_space<hbm>>
      %dma_wait3A_187 = arith.constant 0 : i32
      %dma_wait3A_188 = tpu.memref_slice %arg5[%arg0, %add3A_161, %dma_wait3A_187] : memref<2x10240x128xf32, #tpu.memory_space<hbm>> -> memref<1x80x128xf32, #tpu.memory_space<hbm>>
      %dma_wait3A_189 = tpu.memref_squeeze %dma_wait3A_188 : memref<1x80x128xf32, #tpu.memory_space<hbm>> -> memref<80x128xf32, #tpu.memory_space<hbm>>
      tpu.wait_dma2 semaphore(%run_scoped3A : memref<!tpu.dma_semaphore, #tpu.memory_space<semaphore_mem>>) src(%arg9 : memref<80x128xf32, #tpu.memory_space<vmem>>) dst(%dma_wait3A_189 : memref<80x128xf32, #tpu.memory_space<hbm>>)
      tpu.yield
    }) : () -> ()
    %mul3A_162 = arith.constant 640 : i32
    %mul3A_163 = arith.muli %arg1, %mul3A_162 : i32
    %add3A_164 = arith.constant 320 : i32
    %add3A_165 = arith.addi %mul3A_163, %add3A_164 : i32
    "tpu.region"() ({
      %run_scoped3A = tpu.sem_alloc : memref<!tpu.dma_semaphore, #tpu.memory_space<semaphore_mem>>
      %dma_start3A_178 = arith.constant 0 : i32
      %dma_start3A_179 = tpu.memref_slice %arg6[%add3A_165, %dma_start3A_178] : memref<10240x128xf32, #tpu.memory_space<vmem_shared>> -> memref<80x128xf32, #tpu.memory_space<vmem_shared>>
      %dma_start3A_180 = arith.constant 0 : i32
      %dma_start3A_181 = tpu.memref_slice %arg6[%add3A_165, %dma_start3A_180] : memref<10240x128xf32, #tpu.memory_space<vmem_shared>> -> memref<80x128xf32, #tpu.memory_space<vmem_shared>>
      tpu.enqueue_dma source(%dma_start3A_181 : memref<80x128xf32, #tpu.memory_space<vmem_shared>>) target(%arg9 : memref<80x128xf32, #tpu.memory_space<vmem>>) target_semaphore(%run_scoped3A : memref<!tpu.dma_semaphore, #tpu.memory_space<semaphore_mem>>)
      %dma_wait3A_182 = arith.constant 0 : i32
      %dma_wait3A_183 = tpu.memref_slice %arg6[%add3A_165, %dma_wait3A_182] : memref<10240x128xf32, #tpu.memory_space<vmem_shared>> -> memref<80x128xf32, #tpu.memory_space<vmem_shared>>
      %dma_wait3A_184 = arith.constant 0 : i32
      %dma_wait3A_185 = tpu.memref_slice %arg6[%add3A_165, %dma_wait3A_184] : memref<10240x128xf32, #tpu.memory_space<vmem_shared>> -> memref<80x128xf32, #tpu.memory_space<vmem_shared>>
      tpu.wait_dma2 semaphore(%run_scoped3A : memref<!tpu.dma_semaphore, #tpu.memory_space<semaphore_mem>>) src(%dma_wait3A_185 : memref<80x128xf32, #tpu.memory_space<vmem_shared>>) dst(%arg9 : memref<80x128xf32, #tpu.memory_space<vmem>>)
      tpu.yield
    }) : () -> ()
    "tpu.region"() ({
      %run_scoped3A = tpu.sem_alloc : memref<!tpu.dma_semaphore, #tpu.memory_space<semaphore_mem>>
      %dma_start3A_178 = arith.constant 0 : i32
      %dma_start3A_179 = tpu.memref_slice %arg5[%arg0, %add3A_165, %dma_start3A_178] : memref<2x10240x128xf32, #tpu.memory_space<hbm>> -> memref<1x80x128xf32, #tpu.memory_space<hbm>>
      %dma_start3A_180 = tpu.memref_squeeze %dma_start3A_179 : memref<1x80x128xf32, #tpu.memory_space<hbm>> -> memref<80x128xf32, #tpu.memory_space<hbm>>
      %dma_start3A_181 = arith.constant 0 : i32
      %dma_start3A_182 = tpu.memref_slice %arg5[%arg0, %add3A_165, %dma_start3A_181] : memref<2x10240x128xf32, #tpu.memory_space<hbm>> -> memref<1x80x128xf32, #tpu.memory_space<hbm>>
      %dma_start3A_183 = tpu.memref_squeeze %dma_start3A_182 : memref<1x80x128xf32, #tpu.memory_space<hbm>> -> memref<80x128xf32, #tpu.memory_space<hbm>>
      tpu.enqueue_dma source(%arg9 : memref<80x128xf32, #tpu.memory_space<vmem>>) target(%dma_start3A_183 : memref<80x128xf32, #tpu.memory_space<hbm>>) target_semaphore(%run_scoped3A : memref<!tpu.dma_semaphore, #tpu.memory_space<semaphore_mem>>)
      %dma_wait3A_184 = arith.constant 0 : i32
      %dma_wait3A_185 = tpu.memref_slice %arg5[%arg0, %add3A_165, %dma_wait3A_184] : memref<2x10240x128xf32, #tpu.memory_space<hbm>> -> memref<1x80x128xf32, #tpu.memory_space<hbm>>
      %dma_wait3A_186 = tpu.memref_squeeze %dma_wait3A_185 : memref<1x80x128xf32, #tpu.memory_space<hbm>> -> memref<80x128xf32, #tpu.memory_space<hbm>>
      %dma_wait3A_187 = arith.constant 0 : i32
      %dma_wait3A_188 = tpu.memref_slice %arg5[%arg0, %add3A_165, %dma_wait3A_187] : memref<2x10240x128xf32, #tpu.memory_space<hbm>> -> memref<1x80x128xf32, #tpu.memory_space<hbm>>
      %dma_wait3A_189 = tpu.memref_squeeze %dma_wait3A_188 : memref<1x80x128xf32, #tpu.memory_space<hbm>> -> memref<80x128xf32, #tpu.memory_space<hbm>>
      tpu.wait_dma2 semaphore(%run_scoped3A : memref<!tpu.dma_semaphore, #tpu.memory_space<semaphore_mem>>) src(%arg9 : memref<80x128xf32, #tpu.memory_space<vmem>>) dst(%dma_wait3A_189 : memref<80x128xf32, #tpu.memory_space<hbm>>)
      tpu.yield
    }) : () -> ()
    %mul3A_166 = arith.constant 640 : i32
    %mul3A_167 = arith.muli %arg1, %mul3A_166 : i32
    %add3A_168 = arith.constant 400 : i32
    %add3A_169 = arith.addi %mul3A_167, %add3A_168 : i32
    "tpu.region"() ({
      %run_scoped3A = tpu.sem_alloc : memref<!tpu.dma_semaphore, #tpu.memory_space<semaphore_mem>>
      %dma_start3A_178 = arith.constant 0 : i32
      %dma_start3A_179 = tpu.memref_slice %arg6[%add3A_169, %dma_start3A_178] : memref<10240x128xf32, #tpu.memory_space<vmem_shared>> -> memref<80x128xf32, #tpu.memory_space<vmem_shared>>
      %dma_start3A_180 = arith.constant 0 : i32
      %dma_start3A_181 = tpu.memref_slice %arg6[%add3A_169, %dma_start3A_180] : memref<10240x128xf32, #tpu.memory_space<vmem_shared>> -> memref<80x128xf32, #tpu.memory_space<vmem_shared>>
      tpu.enqueue_dma source(%dma_start3A_181 : memref<80x128xf32, #tpu.memory_space<vmem_shared>>) target(%arg9 : memref<80x128xf32, #tpu.memory_space<vmem>>) target_semaphore(%run_scoped3A : memref<!tpu.dma_semaphore, #tpu.memory_space<semaphore_mem>>)
      %dma_wait3A_182 = arith.constant 0 : i32
      %dma_wait3A_183 = tpu.memref_slice %arg6[%add3A_169, %dma_wait3A_182] : memref<10240x128xf32, #tpu.memory_space<vmem_shared>> -> memref<80x128xf32, #tpu.memory_space<vmem_shared>>
      %dma_wait3A_184 = arith.constant 0 : i32
      %dma_wait3A_185 = tpu.memref_slice %arg6[%add3A_169, %dma_wait3A_184] : memref<10240x128xf32, #tpu.memory_space<vmem_shared>> -> memref<80x128xf32, #tpu.memory_space<vmem_shared>>
      tpu.wait_dma2 semaphore(%run_scoped3A : memref<!tpu.dma_semaphore, #tpu.memory_space<semaphore_mem>>) src(%dma_wait3A_185 : memref<80x128xf32, #tpu.memory_space<vmem_shared>>) dst(%arg9 : memref<80x128xf32, #tpu.memory_space<vmem>>)
      tpu.yield
    }) : () -> ()
    "tpu.region"() ({
      %run_scoped3A = tpu.sem_alloc : memref<!tpu.dma_semaphore, #tpu.memory_space<semaphore_mem>>
      %dma_start3A_178 = arith.constant 0 : i32
      %dma_start3A_179 = tpu.memref_slice %arg5[%arg0, %add3A_169, %dma_start3A_178] : memref<2x10240x128xf32, #tpu.memory_space<hbm>> -> memref<1x80x128xf32, #tpu.memory_space<hbm>>
      %dma_start3A_180 = tpu.memref_squeeze %dma_start3A_179 : memref<1x80x128xf32, #tpu.memory_space<hbm>> -> memref<80x128xf32, #tpu.memory_space<hbm>>
      %dma_start3A_181 = arith.constant 0 : i32
      %dma_start3A_182 = tpu.memref_slice %arg5[%arg0, %add3A_169, %dma_start3A_181] : memref<2x10240x128xf32, #tpu.memory_space<hbm>> -> memref<1x80x128xf32, #tpu.memory_space<hbm>>
      %dma_start3A_183 = tpu.memref_squeeze %dma_start3A_182 : memref<1x80x128xf32, #tpu.memory_space<hbm>> -> memref<80x128xf32, #tpu.memory_space<hbm>>
      tpu.enqueue_dma source(%arg9 : memref<80x128xf32, #tpu.memory_space<vmem>>) target(%dma_start3A_183 : memref<80x128xf32, #tpu.memory_space<hbm>>) target_semaphore(%run_scoped3A : memref<!tpu.dma_semaphore, #tpu.memory_space<semaphore_mem>>)
      %dma_wait3A_184 = arith.constant 0 : i32
      %dma_wait3A_185 = tpu.memref_slice %arg5[%arg0, %add3A_169, %dma_wait3A_184] : memref<2x10240x128xf32, #tpu.memory_space<hbm>> -> memref<1x80x128xf32, #tpu.memory_space<hbm>>
      %dma_wait3A_186 = tpu.memref_squeeze %dma_wait3A_185 : memref<1x80x128xf32, #tpu.memory_space<hbm>> -> memref<80x128xf32, #tpu.memory_space<hbm>>
      %dma_wait3A_187 = arith.constant 0 : i32
      %dma_wait3A_188 = tpu.memref_slice %arg5[%arg0, %add3A_169, %dma_wait3A_187] : memref<2x10240x128xf32, #tpu.memory_space<hbm>> -> memref<1x80x128xf32, #tpu.memory_space<hbm>>
      %dma_wait3A_189 = tpu.memref_squeeze %dma_wait3A_188 : memref<1x80x128xf32, #tpu.memory_space<hbm>> -> memref<80x128xf32, #tpu.memory_space<hbm>>
      tpu.wait_dma2 semaphore(%run_scoped3A : memref<!tpu.dma_semaphore, #tpu.memory_space<semaphore_mem>>) src(%arg9 : memref<80x128xf32, #tpu.memory_space<vmem>>) dst(%dma_wait3A_189 : memref<80x128xf32, #tpu.memory_space<hbm>>)
      tpu.yield
    }) : () -> ()
    %mul3A_170 = arith.constant 640 : i32
    %mul3A_171 = arith.muli %arg1, %mul3A_170 : i32
    %add3A_172 = arith.constant 480 : i32
    %add3A_173 = arith.addi %mul3A_171, %add3A_172 : i32
    "tpu.region"() ({
      %run_scoped3A = tpu.sem_alloc : memref<!tpu.dma_semaphore, #tpu.memory_space<semaphore_mem>>
      %dma_start3A_178 = arith.constant 0 : i32
      %dma_start3A_179 = tpu.memref_slice %arg6[%add3A_173, %dma_start3A_178] : memref<10240x128xf32, #tpu.memory_space<vmem_shared>> -> memref<80x128xf32, #tpu.memory_space<vmem_shared>>
      %dma_start3A_180 = arith.constant 0 : i32
      %dma_start3A_181 = tpu.memref_slice %arg6[%add3A_173, %dma_start3A_180] : memref<10240x128xf32, #tpu.memory_space<vmem_shared>> -> memref<80x128xf32, #tpu.memory_space<vmem_shared>>
      tpu.enqueue_dma source(%dma_start3A_181 : memref<80x128xf32, #tpu.memory_space<vmem_shared>>) target(%arg9 : memref<80x128xf32, #tpu.memory_space<vmem>>) target_semaphore(%run_scoped3A : memref<!tpu.dma_semaphore, #tpu.memory_space<semaphore_mem>>)
      %dma_wait3A_182 = arith.constant 0 : i32
      %dma_wait3A_183 = tpu.memref_slice %arg6[%add3A_173, %dma_wait3A_182] : memref<10240x128xf32, #tpu.memory_space<vmem_shared>> -> memref<80x128xf32, #tpu.memory_space<vmem_shared>>
      %dma_wait3A_184 = arith.constant 0 : i32
      %dma_wait3A_185 = tpu.memref_slice %arg6[%add3A_173, %dma_wait3A_184] : memref<10240x128xf32, #tpu.memory_space<vmem_shared>> -> memref<80x128xf32, #tpu.memory_space<vmem_shared>>
      tpu.wait_dma2 semaphore(%run_scoped3A : memref<!tpu.dma_semaphore, #tpu.memory_space<semaphore_mem>>) src(%dma_wait3A_185 : memref<80x128xf32, #tpu.memory_space<vmem_shared>>) dst(%arg9 : memref<80x128xf32, #tpu.memory_space<vmem>>)
      tpu.yield
    }) : () -> ()
    "tpu.region"() ({
      %run_scoped3A = tpu.sem_alloc : memref<!tpu.dma_semaphore, #tpu.memory_space<semaphore_mem>>
      %dma_start3A_178 = arith.constant 0 : i32
      %dma_start3A_179 = tpu.memref_slice %arg5[%arg0, %add3A_173, %dma_start3A_178] : memref<2x10240x128xf32, #tpu.memory_space<hbm>> -> memref<1x80x128xf32, #tpu.memory_space<hbm>>
      %dma_start3A_180 = tpu.memref_squeeze %dma_start3A_179 : memref<1x80x128xf32, #tpu.memory_space<hbm>> -> memref<80x128xf32, #tpu.memory_space<hbm>>
      %dma_start3A_181 = arith.constant 0 : i32
      %dma_start3A_182 = tpu.memref_slice %arg5[%arg0, %add3A_173, %dma_start3A_181] : memref<2x10240x128xf32, #tpu.memory_space<hbm>> -> memref<1x80x128xf32, #tpu.memory_space<hbm>>
      %dma_start3A_183 = tpu.memref_squeeze %dma_start3A_182 : memref<1x80x128xf32, #tpu.memory_space<hbm>> -> memref<80x128xf32, #tpu.memory_space<hbm>>
      tpu.enqueue_dma source(%arg9 : memref<80x128xf32, #tpu.memory_space<vmem>>) target(%dma_start3A_183 : memref<80x128xf32, #tpu.memory_space<hbm>>) target_semaphore(%run_scoped3A : memref<!tpu.dma_semaphore, #tpu.memory_space<semaphore_mem>>)
      %dma_wait3A_184 = arith.constant 0 : i32
      %dma_wait3A_185 = tpu.memref_slice %arg5[%arg0, %add3A_173, %dma_wait3A_184] : memref<2x10240x128xf32, #tpu.memory_space<hbm>> -> memref<1x80x128xf32, #tpu.memory_space<hbm>>
      %dma_wait3A_186 = tpu.memref_squeeze %dma_wait3A_185 : memref<1x80x128xf32, #tpu.memory_space<hbm>> -> memref<80x128xf32, #tpu.memory_space<hbm>>
      %dma_wait3A_187 = arith.constant 0 : i32
      %dma_wait3A_188 = tpu.memref_slice %arg5[%arg0, %add3A_173, %dma_wait3A_187] : memref<2x10240x128xf32, #tpu.memory_space<hbm>> -> memref<1x80x128xf32, #tpu.memory_space<hbm>>
      %dma_wait3A_189 = tpu.memref_squeeze %dma_wait3A_188 : memref<1x80x128xf32, #tpu.memory_space<hbm>> -> memref<80x128xf32, #tpu.memory_space<hbm>>
      tpu.wait_dma2 semaphore(%run_scoped3A : memref<!tpu.dma_semaphore, #tpu.memory_space<semaphore_mem>>) src(%arg9 : memref<80x128xf32, #tpu.memory_space<vmem>>) dst(%dma_wait3A_189 : memref<80x128xf32, #tpu.memory_space<hbm>>)
      tpu.yield
    }) : () -> ()
    %mul3A_174 = arith.constant 640 : i32
    %mul3A_175 = arith.muli %arg1, %mul3A_174 : i32
    %add3A_176 = arith.constant 560 : i32
    %add3A_177 = arith.addi %mul3A_175, %add3A_176 : i32
    "tpu.region"() ({
      %run_scoped3A = tpu.sem_alloc : memref<!tpu.dma_semaphore, #tpu.memory_space<semaphore_mem>>
      %dma_start3A_178 = arith.constant 0 : i32
      %dma_start3A_179 = tpu.memref_slice %arg6[%add3A_177, %dma_start3A_178] : memref<10240x128xf32, #tpu.memory_space<vmem_shared>> -> memref<80x128xf32, #tpu.memory_space<vmem_shared>>
      %dma_start3A_180 = arith.constant 0 : i32
      %dma_start3A_181 = tpu.memref_slice %arg6[%add3A_177, %dma_start3A_180] : memref<10240x128xf32, #tpu.memory_space<vmem_shared>> -> memref<80x128xf32, #tpu.memory_space<vmem_shared>>
      tpu.enqueue_dma source(%dma_start3A_181 : memref<80x128xf32, #tpu.memory_space<vmem_shared>>) target(%arg9 : memref<80x128xf32, #tpu.memory_space<vmem>>) target_semaphore(%run_scoped3A : memref<!tpu.dma_semaphore, #tpu.memory_space<semaphore_mem>>)
      %dma_wait3A_182 = arith.constant 0 : i32
      %dma_wait3A_183 = tpu.memref_slice %arg6[%add3A_177, %dma_wait3A_182] : memref<10240x128xf32, #tpu.memory_space<vmem_shared>> -> memref<80x128xf32, #tpu.memory_space<vmem_shared>>
      %dma_wait3A_184 = arith.constant 0 : i32
      %dma_wait3A_185 = tpu.memref_slice %arg6[%add3A_177, %dma_wait3A_184] : memref<10240x128xf32, #tpu.memory_space<vmem_shared>> -> memref<80x128xf32, #tpu.memory_space<vmem_shared>>
      tpu.wait_dma2 semaphore(%run_scoped3A : memref<!tpu.dma_semaphore, #tpu.memory_space<semaphore_mem>>) src(%dma_wait3A_185 : memref<80x128xf32, #tpu.memory_space<vmem_shared>>) dst(%arg9 : memref<80x128xf32, #tpu.memory_space<vmem>>)
      tpu.yield
    }) : () -> ()
    "tpu.region"() ({
      %run_scoped3A = tpu.sem_alloc : memref<!tpu.dma_semaphore, #tpu.memory_space<semaphore_mem>>
      %dma_start3A_178 = arith.constant 0 : i32
      %dma_start3A_179 = tpu.memref_slice %arg5[%arg0, %add3A_177, %dma_start3A_178] : memref<2x10240x128xf32, #tpu.memory_space<hbm>> -> memref<1x80x128xf32, #tpu.memory_space<hbm>>
      %dma_start3A_180 = tpu.memref_squeeze %dma_start3A_179 : memref<1x80x128xf32, #tpu.memory_space<hbm>> -> memref<80x128xf32, #tpu.memory_space<hbm>>
      %dma_start3A_181 = arith.constant 0 : i32
      %dma_start3A_182 = tpu.memref_slice %arg5[%arg0, %add3A_177, %dma_start3A_181] : memref<2x10240x128xf32, #tpu.memory_space<hbm>> -> memref<1x80x128xf32, #tpu.memory_space<hbm>>
      %dma_start3A_183 = tpu.memref_squeeze %dma_start3A_182 : memref<1x80x128xf32, #tpu.memory_space<hbm>> -> memref<80x128xf32, #tpu.memory_space<hbm>>
      tpu.enqueue_dma source(%arg9 : memref<80x128xf32, #tpu.memory_space<vmem>>) target(%dma_start3A_183 : memref<80x128xf32, #tpu.memory_space<hbm>>) target_semaphore(%run_scoped3A : memref<!tpu.dma_semaphore, #tpu.memory_space<semaphore_mem>>)
      %dma_wait3A_184 = arith.constant 0 : i32
      %dma_wait3A_185 = tpu.memref_slice %arg5[%arg0, %add3A_177, %dma_wait3A_184] : memref<2x10240x128xf32, #tpu.memory_space<hbm>> -> memref<1x80x128xf32, #tpu.memory_space<hbm>>
      %dma_wait3A_186 = tpu.memref_squeeze %dma_wait3A_185 : memref<1x80x128xf32, #tpu.memory_space<hbm>> -> memref<80x128xf32, #tpu.memory_space<hbm>>
      %dma_wait3A_187 = arith.constant 0 : i32
      %dma_wait3A_188 = tpu.memref_slice %arg5[%arg0, %add3A_177, %dma_wait3A_187] : memref<2x10240x128xf32, #tpu.memory_space<hbm>> -> memref<1x80x128xf32, #tpu.memory_space<hbm>>
      %dma_wait3A_189 = tpu.memref_squeeze %dma_wait3A_188 : memref<1x80x128xf32, #tpu.memory_space<hbm>> -> memref<80x128xf32, #tpu.memory_space<hbm>>
      tpu.wait_dma2 semaphore(%run_scoped3A : memref<!tpu.dma_semaphore, #tpu.memory_space<semaphore_mem>>) src(%arg9 : memref<80x128xf32, #tpu.memory_space<vmem>>) dst(%dma_wait3A_189 : memref<80x128xf32, #tpu.memory_space<hbm>>)
      tpu.yield
    }) : () -> ()
    return
  }
}

module attributes {stable_mosaic.version = 14 : i64} {
  func.func @body(%arg0: i32, %arg1: memref<8000x16xf32, #tpu.memory_space<vmem>>, %arg2: memref<16x128xf32, #tpu.memory_space<vmem>>, %arg3: memref<1x128xf32, #tpu.memory_space<vmem>>, %arg4: memref<8000x128xf32, #tpu.memory_space<vmem>>) attributes {dimension_semantics = [#tpu.dimension_semantics<arbitrary>], iteration_bounds = array<i64: 40>, scalar_prefetch = 0 : i64, scratch_operands = 0 : i64, tpu.core_type = #tpu.core_type<tc>, window_params = [{transform_indices = @transform_0, window_bounds = array<i64: 8000, 16>}, {pipeline_mode = #tpu.pipeline_mode<synchronous>, transform_indices = @transform_1, window_bounds = array<i64: 16, 128>}, {pipeline_mode = #tpu.pipeline_mode<synchronous>, transform_indices = @transform_2, window_bounds = array<i64: 1, 128>}, {transform_indices = @transform_3, window_bounds = array<i64: 8000, 128>}]} {
    %get3A = arith.constant 0 : index
    %get3A_0 = arith.constant 0 : index
    %get3A_1 = vector.load %arg1[%get3A, %get3A_0] : memref<8000x16xf32, #tpu.memory_space<vmem>>, vector<8000x16xf32>
    %get3A_2 = arith.constant 0 : index
    %get3A_3 = arith.constant 0 : index
    %get3A_4 = vector.load %arg2[%get3A_2, %get3A_3] : memref<16x128xf32, #tpu.memory_space<vmem>>, vector<16x128xf32>
    %dot_general3A = arith.constant dense<0.000000e+00> : vector<8000x128xf32>
    %dot_general3A_5 = tpu.matmul %get3A_1, %get3A_4, %dot_general3A {dimension_numbers = #tpu.dot_dimension_numbers<[1], [0], [0], [1], [0, 0, 1, 1], [], []>, transpose_lhs_hint = false} : vector<8000x16xf32>, vector<16x128xf32>, vector<8000x128xf32> -> vector<8000x128xf32>
    %get3A_6 = arith.constant 0 : index
    %get3A_7 = arith.constant 0 : index
    %get3A_8 = vector.load %arg3[%get3A_6, %get3A_7] : memref<1x128xf32, #tpu.memory_space<vmem>>, vector<1x128xf32>
    %add3A = vector.broadcast %get3A_8 : vector<1x128xf32> to vector<8000x128xf32>
    %add3A_9 = arith.addf %dot_general3A_5, %add3A : vector<8000x128xf32>
    %swap3A = arith.constant 0 : index
    %swap3A_10 = arith.constant 0 : index
    %swap3A_11 = vector.load %arg4[%swap3A, %swap3A_10] : memref<8000x128xf32, #tpu.memory_space<vmem>>, vector<8000x128xf32>
    tpu.vector_store %arg4[%swap3A, %swap3A_10], %add3A_9 {strides = array<i32>} : memref<8000x128xf32, #tpu.memory_space<vmem>>, vector<8000x128xf32>,
    return
  }
  func.func @transform_0(%arg0: i32) -> (i32, i32) {
    %c0_i32 = arith.constant 0 : i32
    %c0_i32_0 = arith.constant 0 : i32
    return %arg0, %c0_i32 : i32, i32
  }
  func.func @transform_1(%arg0: i32) -> (i32, i32) {
    %c0_i32 = arith.constant 0 : i32
    %c0_i32_0 = arith.constant 0 : i32
    %c0_i32_1 = arith.constant 0 : i32
    return %c0_i32, %c0_i32_0 : i32, i32
  }
  func.func @transform_2(%arg0: i32) -> (i32, i32) {
    %c0_i32 = arith.constant 0 : i32
    %c0_i32_0 = arith.constant 0 : i32
    %c0_i32_1 = arith.constant 0 : i32
    return %c0_i32, %c0_i32_0 : i32, i32
  }
  func.func @transform_3(%arg0: i32) -> (i32, i32) {
    %c0_i32 = arith.constant 0 : i32
    %c0_i32_0 = arith.constant 0 : i32
    return %arg0, %c0_i32 : i32, i32
  }
}

module attributes {stable_mosaic.version = 14 : i64} {
  func.func @body(%arg0: i32, %arg1: memref<2000x128xf32, #tpu.memory_space<vmem>>, %arg2: memref<128x128xf32, #tpu.memory_space<vmem>>, %arg3: memref<1x128xf32, #tpu.memory_space<vmem>>, %arg4: memref<2000x128xf32, #tpu.memory_space<vmem>>) attributes {dimension_semantics = [#tpu.dimension_semantics<arbitrary>], iteration_bounds = array<i64: 5>, scalar_prefetch = 0 : i64, scratch_operands = 0 : i64, tpu.core_type = #tpu.core_type<tc>, window_params = [{transform_indices = @transform_0, window_bounds = array<i64: 2000, 128>}, {pipeline_mode = #tpu.pipeline_mode<synchronous>, transform_indices = @transform_1, window_bounds = array<i64: 128, 128>}, {pipeline_mode = #tpu.pipeline_mode<synchronous>, transform_indices = @transform_2, window_bounds = array<i64: 1, 128>}, {transform_indices = @transform_3, window_bounds = array<i64: 2000, 128>}]} {
    %get3A = arith.constant 0 : index
    %get3A_0 = arith.constant 0 : index
    %get3A_1 = vector.load %arg1[%get3A, %get3A_0] : memref<2000x128xf32, #tpu.memory_space<vmem>>, vector<2000x128xf32>
    %get3A_2 = arith.constant 0 : index
    %get3A_3 = arith.constant 0 : index
    %get3A_4 = vector.load %arg2[%get3A_2, %get3A_3] : memref<128x128xf32, #tpu.memory_space<vmem>>, vector<128x128xf32>
    %dot_general3A = arith.constant dense<0.000000e+00> : vector<2000x128xf32>
    %dot_general3A_5 = tpu.matmul %get3A_1, %get3A_4, %dot_general3A {dimension_numbers = #tpu.dot_dimension_numbers<[1], [0], [0], [1], [0, 0, 1, 1], [], []>, transpose_lhs_hint = false} : vector<2000x128xf32>, vector<128x128xf32>, vector<2000x128xf32> -> vector<2000x128xf32>
    %get3A_6 = arith.constant 0 : index
    %get3A_7 = arith.constant 0 : index
    %get3A_8 = vector.load %arg3[%get3A_6, %get3A_7] : memref<1x128xf32, #tpu.memory_space<vmem>>, vector<1x128xf32>
    %add3A = vector.broadcast %get3A_8 : vector<1x128xf32> to vector<2000x128xf32>
    %add3A_9 = arith.addf %dot_general3A_5, %add3A : vector<2000x128xf32>
    %swap3A = arith.constant 0 : index
    %swap3A_10 = arith.constant 0 : index
    %swap3A_11 = vector.load %arg4[%swap3A, %swap3A_10] : memref<2000x128xf32, #tpu.memory_space<vmem>>, vector<2000x128xf32>
    tpu.vector_store %arg4[%swap3A, %swap3A_10], %add3A_9 {strides = array<i32>} : memref<2000x128xf32, #tpu.memory_space<vmem>>, vector<2000x128xf32>,
    return
  }
  func.func @transform_0(%arg0: i32) -> (i32, i32) {
    %c0_i32 = arith.constant 0 : i32
    %c0_i32_0 = arith.constant 0 : i32
    return %arg0, %c0_i32 : i32, i32
  }
  func.func @transform_1(%arg0: i32) -> (i32, i32) {
    %c0_i32 = arith.constant 0 : i32
    %c0_i32_0 = arith.constant 0 : i32
    %c0_i32_1 = arith.constant 0 : i32
    return %c0_i32, %c0_i32_0 : i32, i32
  }
  func.func @transform_2(%arg0: i32) -> (i32, i32) {
    %c0_i32 = arith.constant 0 : i32
    %c0_i32_0 = arith.constant 0 : i32
    %c0_i32_1 = arith.constant 0 : i32
    return %c0_i32, %c0_i32_0 : i32, i32
  }
  func.func @transform_3(%arg0: i32) -> (i32, i32) {
    %c0_i32 = arith.constant 0 : i32
    %c0_i32_0 = arith.constant 0 : i32
    return %arg0, %c0_i32 : i32, i32
  }
}

module attributes {stable_mosaic.version = 14 : i64} {
  func.func @body(%arg0: i32, %arg1: memref<2000x128xf32, #tpu.memory_space<vmem>>, %arg2: memref<2x2000x128xf32, #tpu.memory_space<vmem>>, %arg3: memref<128x128xf32, #tpu.memory_space<vmem>>, %arg4: memref<1x128xf32, #tpu.memory_space<vmem>>, %arg5: memref<128x128xf32, #tpu.memory_space<vmem>>, %arg6: memref<1x128xf32, #tpu.memory_space<vmem>>, %arg7: memref<1x128xf32, #tpu.memory_space<vmem>>, %arg8: memref<1x128xf32, #tpu.memory_space<vmem>>, %arg9: memref<2000x128xf32, #tpu.memory_space<vmem>>) attributes {dimension_semantics = [#tpu.dimension_semantics<arbitrary>], iteration_bounds = array<i64: 5>, scalar_prefetch = 0 : i64, scratch_operands = 0 : i64, tpu.core_type = #tpu.core_type<tc>, window_params = [{transform_indices = @transform_0, window_bounds = array<i64: 2000, 128>}, {transform_indices = @transform_1, window_bounds = array<i64: 2, 2000, 128>}, {pipeline_mode = #tpu.pipeline_mode<synchronous>, transform_indices = @transform_2, window_bounds = array<i64: 128, 128>}, {pipeline_mode = #tpu.pipeline_mode<synchronous>, transform_indices = @transform_3, window_bounds = array<i64: 1, 128>}, {pipeline_mode = #tpu.pipeline_mode<synchronous>, transform_indices = @transform_4, window_bounds = array<i64: 128, 128>}, {pipeline_mode = #tpu.pipeline_mode<synchronous>, transform_indices = @transform_5, window_bounds = array<i64: 1, 128>}, {pipeline_mode = #tpu.pipeline_mode<synchronous>, transform_indices = @transform_6, window_bounds = array<i64: 1, 128>}, {pipeline_mode = #tpu.pipeline_mode<synchronous>, transform_indices = @transform_7, window_bounds = array<i64: 1, 128>}, {transform_indices = @transform_8, window_bounds = array<i64: 2000, 128>}]} {
    %get3A = arith.constant 0 : index
    %get3A_0 = arith.constant 0 : index
    %get3A_1 = vector.load %arg1[%get3A, %get3A_0] : memref<2000x128xf32, #tpu.memory_space<vmem>>, vector<2000x128xf32>
    %get3A_2 = arith.constant 0 : index
    %get3A_3 = arith.constant 0 : index
    %get3A_4 = arith.constant 0 : index
    %get3A_5 = vector.load %arg2[%get3A_2, %get3A_3, %get3A_4] : memref<2x2000x128xf32, #tpu.memory_space<vmem>>, vector<1x2000x128xf32>
    %get3A_6 = vector.shape_cast %get3A_5 : vector<1x2000x128xf32> to vector<2000x128xf32>
    %add3A = arith.addf %get3A_1, %get3A_6 : vector<2000x128xf32>
    %get3A_7 = arith.constant 1 : index
    %get3A_8 = arith.constant 0 : index
    %get3A_9 = arith.constant 0 : index
    %get3A_10 = vector.load %arg2[%get3A_7, %get3A_8, %get3A_9] : memref<2x2000x128xf32, #tpu.memory_space<vmem>>, vector<1x2000x128xf32>
    %get3A_11 = vector.shape_cast %get3A_10 : vector<1x2000x128xf32> to vector<2000x128xf32>
    %add3A_12 = arith.addf %add3A, %get3A_11 : vector<2000x128xf32>
    %get3A_13 = arith.constant 0 : index
    %get3A_14 = arith.constant 0 : index
    %get3A_15 = vector.load %arg3[%get3A_13, %get3A_14] : memref<128x128xf32, #tpu.memory_space<vmem>>, vector<128x128xf32>
    %dot_general3A = arith.constant dense<0.000000e+00> : vector<2000x128xf32>
    %dot_general3A_16 = tpu.matmul %add3A_12, %get3A_15, %dot_general3A {dimension_numbers = #tpu.dot_dimension_numbers<[1], [0], [0], [1], [0, 0, 1, 1], [], []>, transpose_lhs_hint = false} : vector<2000x128xf32>, vector<128x128xf32>, vector<2000x128xf32> -> vector<2000x128xf32>
    %get3A_17 = arith.constant 0 : index
    %get3A_18 = arith.constant 0 : index
    %get3A_19 = vector.load %arg4[%get3A_17, %get3A_18] : memref<1x128xf32, #tpu.memory_space<vmem>>, vector<1x128xf32>
    %add3A_20 = vector.broadcast %get3A_19 : vector<1x128xf32> to vector<2000x128xf32>
    %add3A_21 = arith.addf %dot_general3A_16, %add3A_20 : vector<2000x128xf32>
    %max3A = arith.constant 0.000000e+00 : f32
    %max3A_22 = vector.broadcast %max3A : f32 to vector<2000x128xf32>
    %max3A_23 = arith.maximumf %add3A_21, %max3A_22 : vector<2000x128xf32>
    %get3A_24 = arith.constant 0 : index
    %get3A_25 = arith.constant 0 : index
    %get3A_26 = vector.load %arg5[%get3A_24, %get3A_25] : memref<128x128xf32, #tpu.memory_space<vmem>>, vector<128x128xf32>
    %dot_general3A_27 = arith.constant dense<0.000000e+00> : vector<2000x128xf32>
    %dot_general3A_28 = tpu.matmul %max3A_23, %get3A_26, %dot_general3A_27 {dimension_numbers = #tpu.dot_dimension_numbers<[1], [0], [0], [1], [0, 0, 1, 1], [], []>, transpose_lhs_hint = false} : vector<2000x128xf32>, vector<128x128xf32>, vector<2000x128xf32> -> vector<2000x128xf32>
    %get3A_29 = arith.constant 0 : index
    %get3A_30 = arith.constant 0 : index
    %get3A_31 = vector.load %arg6[%get3A_29, %get3A_30] : memref<1x128xf32, #tpu.memory_space<vmem>>, vector<1x128xf32>
    %add3A_32 = vector.broadcast %get3A_31 : vector<1x128xf32> to vector<2000x128xf32>
    %add3A_33 = arith.addf %dot_general3A_28, %add3A_32 : vector<2000x128xf32>
    %reduce_sum3A = arith.constant dense<0.000000e+00> : vector<2000xf32>
    %reduce_sum3A_34 = vector.multi_reduction <add>, %add3A_33, %reduce_sum3A [1] : vector<2000x128xf32> to vector<2000xf32>
    %broadcast_in_dim3A = vector.shape_cast %reduce_sum3A_34 : vector<2000xf32> to vector<2000x1xf32>
    %div3A = arith.constant 1.280000e+02 : f32
    %div3A_35 = vector.broadcast %div3A : f32 to vector<2000x1xf32>
    %div3A_36 = arith.divf %broadcast_in_dim3A, %div3A_35 : vector<2000x1xf32>
    %sub3A = vector.broadcast %div3A_36 : vector<2000x1xf32> to vector<2000x128xf32>
    %sub3A_37 = arith.subf %add3A_33, %sub3A : vector<2000x128xf32>
    %integer_pow3A = arith.mulf %sub3A_37, %sub3A_37 : vector<2000x128xf32>
    %reduce_sum3A_38 = arith.constant dense<0.000000e+00> : vector<2000xf32>
    %reduce_sum3A_39 = vector.multi_reduction <add>, %integer_pow3A, %reduce_sum3A_38 [1] : vector<2000x128xf32> to vector<2000xf32>
    %broadcast_in_dim3A_40 = vector.shape_cast %reduce_sum3A_39 : vector<2000xf32> to vector<2000x1xf32>
    %div3A_41 = arith.constant 1.280000e+02 : f32
    %div3A_42 = vector.broadcast %div3A_41 : f32 to vector<2000x1xf32>
    %div3A_43 = arith.divf %broadcast_in_dim3A_40, %div3A_42 : vector<2000x1xf32>
    %sub3A_44 = vector.broadcast %div3A_36 : vector<2000x1xf32> to vector<2000x128xf32>
    %sub3A_45 = arith.subf %add3A_33, %sub3A_44 : vector<2000x128xf32>
    %add3A_46 = arith.constant 9.99999974E-6 : f32
    %add3A_47 = vector.broadcast %add3A_46 : f32 to vector<2000x1xf32>
    %add3A_48 = arith.addf %div3A_43, %add3A_47 : vector<2000x1xf32>
    %rsqrt3A = math.rsqrt %add3A_48 : vector<2000x1xf32>
    %mul3A = vector.broadcast %rsqrt3A : vector<2000x1xf32> to vector<2000x128xf32>
    %mul3A_49 = arith.mulf %sub3A_45, %mul3A : vector<2000x128xf32>
    %get3A_50 = arith.constant 0 : index
    %get3A_51 = arith.constant 0 : index
    %get3A_52 = vector.load %arg7[%get3A_50, %get3A_51] : memref<1x128xf32, #tpu.memory_space<vmem>>, vector<1x128xf32>
    %mul3A_53 = vector.broadcast %get3A_52 : vector<1x128xf32> to vector<2000x128xf32>
    %mul3A_54 = arith.mulf %mul3A_49, %mul3A_53 : vector<2000x128xf32>
    %get3A_55 = arith.constant 0 : index
    %get3A_56 = arith.constant 0 : index
    %get3A_57 = vector.load %arg8[%get3A_55, %get3A_56] : memref<1x128xf32, #tpu.memory_space<vmem>>, vector<1x128xf32>
    %add3A_58 = vector.broadcast %get3A_57 : vector<1x128xf32> to vector<2000x128xf32>
    %add3A_59 = arith.addf %mul3A_54, %add3A_58 : vector<2000x128xf32>
    %max3A_60 = arith.constant 0.000000e+00 : f32
    %max3A_61 = vector.broadcast %max3A_60 : f32 to vector<2000x128xf32>
    %max3A_62 = arith.maximumf %add3A_59, %max3A_61 : vector<2000x128xf32>
    %swap3A = arith.constant 0 : index
    %swap3A_63 = arith.constant 0 : index
    %swap3A_64 = vector.load %arg9[%swap3A, %swap3A_63] : memref<2000x128xf32, #tpu.memory_space<vmem>>, vector<2000x128xf32>
    tpu.vector_store %arg9[%swap3A, %swap3A_63], %max3A_62 {strides = array<i32>} : memref<2000x128xf32, #tpu.memory_space<vmem>>, vector<2000x128xf32>,
    return
  }
  func.func @transform_0(%arg0: i32) -> (i32, i32) {
    %c0_i32 = arith.constant 0 : i32
    %c0_i32_0 = arith.constant 0 : i32
    return %arg0, %c0_i32 : i32, i32
  }
  func.func @transform_1(%arg0: i32) -> (i32, i32, i32) {
    %c0_i32 = arith.constant 0 : i32
    %c0_i32_0 = arith.constant 0 : i32
    %c0_i32_1 = arith.constant 0 : i32
    return %c0_i32, %arg0, %c0_i32_0 : i32, i32, i32
  }
  func.func @transform_2(%arg0: i32) -> (i32, i32) {
    %c0_i32 = arith.constant 0 : i32
    %c0_i32_0 = arith.constant 0 : i32
    %c0_i32_1 = arith.constant 0 : i32
    return %c0_i32, %c0_i32_0 : i32, i32
  }
  func.func @transform_3(%arg0: i32) -> (i32, i32) {
    %c0_i32 = arith.constant 0 : i32
    %c0_i32_0 = arith.constant 0 : i32
    %c0_i32_1 = arith.constant 0 : i32
    return %c0_i32, %c0_i32_0 : i32, i32
  }
  func.func @transform_4(%arg0: i32) -> (i32, i32) {
    %c0_i32 = arith.constant 0 : i32
    %c0_i32_0 = arith.constant 0 : i32
    %c0_i32_1 = arith.constant 0 : i32
    return %c0_i32, %c0_i32_0 : i32, i32
  }
  func.func @transform_5(%arg0: i32) -> (i32, i32) {
    %c0_i32 = arith.constant 0 : i32
    %c0_i32_0 = arith.constant 0 : i32
    %c0_i32_1 = arith.constant 0 : i32
    return %c0_i32, %c0_i32_0 : i32, i32
  }
  func.func @transform_6(%arg0: i32) -> (i32, i32) {
    %c0_i32 = arith.constant 0 : i32
    %c0_i32_0 = arith.constant 0 : i32
    %c0_i32_1 = arith.constant 0 : i32
    return %c0_i32, %c0_i32_0 : i32, i32
  }
  func.func @transform_7(%arg0: i32) -> (i32, i32) {
    %c0_i32 = arith.constant 0 : i32
    %c0_i32_0 = arith.constant 0 : i32
    %c0_i32_1 = arith.constant 0 : i32
    return %c0_i32, %c0_i32_0 : i32, i32
  }
  func.func @transform_8(%arg0: i32) -> (i32, i32) {
    %c0_i32 = arith.constant 0 : i32
    %c0_i32_0 = arith.constant 0 : i32
    return %arg0, %c0_i32 : i32, i32
  }
}

module attributes {stable_mosaic.version = 14 : i64} {
  func.func @body(%arg0: i32, %arg1: memref<2000x128xf32, #tpu.memory_space<vmem>>, %arg2: memref<2x2000x128xf32, #tpu.memory_space<vmem>>, %arg3: memref<128x128xf32, #tpu.memory_space<vmem>>, %arg4: memref<1x128xf32, #tpu.memory_space<vmem>>, %arg5: memref<128x128xf32, #tpu.memory_space<vmem>>, %arg6: memref<1x128xf32, #tpu.memory_space<vmem>>, %arg7: memref<1x128xf32, #tpu.memory_space<vmem>>, %arg8: memref<1x128xf32, #tpu.memory_space<vmem>>, %arg9: memref<128x128xf32, #tpu.memory_space<vmem>>, %arg10: memref<1x128xf32, #tpu.memory_space<vmem>>, %arg11: memref<2000x128xf32, #tpu.memory_space<vmem>>) attributes {dimension_semantics = [#tpu.dimension_semantics<arbitrary>], iteration_bounds = array<i64: 5>, scalar_prefetch = 0 : i64, scratch_operands = 0 : i64, tpu.core_type = #tpu.core_type<tc>, window_params = [{transform_indices = @transform_0, window_bounds = array<i64: 2000, 128>}, {transform_indices = @transform_1, window_bounds = array<i64: 2, 2000, 128>}, {pipeline_mode = #tpu.pipeline_mode<synchronous>, transform_indices = @transform_2, window_bounds = array<i64: 128, 128>}, {pipeline_mode = #tpu.pipeline_mode<synchronous>, transform_indices = @transform_3, window_bounds = array<i64: 1, 128>}, {pipeline_mode = #tpu.pipeline_mode<synchronous>, transform_indices = @transform_4, window_bounds = array<i64: 128, 128>}, {pipeline_mode = #tpu.pipeline_mode<synchronous>, transform_indices = @transform_5, window_bounds = array<i64: 1, 128>}, {pipeline_mode = #tpu.pipeline_mode<synchronous>, transform_indices = @transform_6, window_bounds = array<i64: 1, 128>}, {pipeline_mode = #tpu.pipeline_mode<synchronous>, transform_indices = @transform_7, window_bounds = array<i64: 1, 128>}, {pipeline_mode = #tpu.pipeline_mode<synchronous>, transform_indices = @transform_8, window_bounds = array<i64: 128, 128>}, {pipeline_mode = #tpu.pipeline_mode<synchronous>, transform_indices = @transform_9, window_bounds = array<i64: 1, 128>}, {transform_indices = @transform_10, window_bounds = array<i64: 2000, 128>}]} {
    %get3A = arith.constant 0 : index
    %get3A_0 = arith.constant 0 : index
    %get3A_1 = vector.load %arg1[%get3A, %get3A_0] : memref<2000x128xf32, #tpu.memory_space<vmem>>, vector<2000x128xf32>
    %get3A_2 = arith.constant 0 : index
    %get3A_3 = arith.constant 0 : index
    %get3A_4 = arith.constant 0 : index
    %get3A_5 = vector.load %arg2[%get3A_2, %get3A_3, %get3A_4] : memref<2x2000x128xf32, #tpu.memory_space<vmem>>, vector<1x2000x128xf32>
    %get3A_6 = vector.shape_cast %get3A_5 : vector<1x2000x128xf32> to vector<2000x128xf32>
    %add3A = arith.addf %get3A_1, %get3A_6 : vector<2000x128xf32>
    %get3A_7 = arith.constant 1 : index
    %get3A_8 = arith.constant 0 : index
    %get3A_9 = arith.constant 0 : index
    %get3A_10 = vector.load %arg2[%get3A_7, %get3A_8, %get3A_9] : memref<2x2000x128xf32, #tpu.memory_space<vmem>>, vector<1x2000x128xf32>
    %get3A_11 = vector.shape_cast %get3A_10 : vector<1x2000x128xf32> to vector<2000x128xf32>
    %add3A_12 = arith.addf %add3A, %get3A_11 : vector<2000x128xf32>
    %get3A_13 = arith.constant 0 : index
    %get3A_14 = arith.constant 0 : index
    %get3A_15 = vector.load %arg3[%get3A_13, %get3A_14] : memref<128x128xf32, #tpu.memory_space<vmem>>, vector<128x128xf32>
    %dot_general3A = arith.constant dense<0.000000e+00> : vector<2000x128xf32>
    %dot_general3A_16 = tpu.matmul %add3A_12, %get3A_15, %dot_general3A {dimension_numbers = #tpu.dot_dimension_numbers<[1], [0], [0], [1], [0, 0, 1, 1], [], []>, transpose_lhs_hint = false} : vector<2000x128xf32>, vector<128x128xf32>, vector<2000x128xf32> -> vector<2000x128xf32>
    %get3A_17 = arith.constant 0 : index
    %get3A_18 = arith.constant 0 : index
    %get3A_19 = vector.load %arg4[%get3A_17, %get3A_18] : memref<1x128xf32, #tpu.memory_space<vmem>>, vector<1x128xf32>
    %add3A_20 = vector.broadcast %get3A_19 : vector<1x128xf32> to vector<2000x128xf32>
    %add3A_21 = arith.addf %dot_general3A_16, %add3A_20 : vector<2000x128xf32>
    %max3A = arith.constant 0.000000e+00 : f32
    %max3A_22 = vector.broadcast %max3A : f32 to vector<2000x128xf32>
    %max3A_23 = arith.maximumf %add3A_21, %max3A_22 : vector<2000x128xf32>
    %get3A_24 = arith.constant 0 : index
    %get3A_25 = arith.constant 0 : index
    %get3A_26 = vector.load %arg5[%get3A_24, %get3A_25] : memref<128x128xf32, #tpu.memory_space<vmem>>, vector<128x128xf32>
    %dot_general3A_27 = arith.constant dense<0.000000e+00> : vector<2000x128xf32>
    %dot_general3A_28 = tpu.matmul %max3A_23, %get3A_26, %dot_general3A_27 {dimension_numbers = #tpu.dot_dimension_numbers<[1], [0], [0], [1], [0, 0, 1, 1], [], []>, transpose_lhs_hint = false} : vector<2000x128xf32>, vector<128x128xf32>, vector<2000x128xf32> -> vector<2000x128xf32>
    %get3A_29 = arith.constant 0 : index
    %get3A_30 = arith.constant 0 : index
    %get3A_31 = vector.load %arg6[%get3A_29, %get3A_30] : memref<1x128xf32, #tpu.memory_space<vmem>>, vector<1x128xf32>
    %add3A_32 = vector.broadcast %get3A_31 : vector<1x128xf32> to vector<2000x128xf32>
    %add3A_33 = arith.addf %dot_general3A_28, %add3A_32 : vector<2000x128xf32>
    %reduce_sum3A = arith.constant dense<0.000000e+00> : vector<2000xf32>
    %reduce_sum3A_34 = vector.multi_reduction <add>, %add3A_33, %reduce_sum3A [1] : vector<2000x128xf32> to vector<2000xf32>
    %broadcast_in_dim3A = vector.shape_cast %reduce_sum3A_34 : vector<2000xf32> to vector<2000x1xf32>
    %div3A = arith.constant 1.280000e+02 : f32
    %div3A_35 = vector.broadcast %div3A : f32 to vector<2000x1xf32>
    %div3A_36 = arith.divf %broadcast_in_dim3A, %div3A_35 : vector<2000x1xf32>
    %sub3A = vector.broadcast %div3A_36 : vector<2000x1xf32> to vector<2000x128xf32>
    %sub3A_37 = arith.subf %add3A_33, %sub3A : vector<2000x128xf32>
    %integer_pow3A = arith.mulf %sub3A_37, %sub3A_37 : vector<2000x128xf32>
    %reduce_sum3A_38 = arith.constant dense<0.000000e+00> : vector<2000xf32>
    %reduce_sum3A_39 = vector.multi_reduction <add>, %integer_pow3A, %reduce_sum3A_38 [1] : vector<2000x128xf32> to vector<2000xf32>
    %broadcast_in_dim3A_40 = vector.shape_cast %reduce_sum3A_39 : vector<2000xf32> to vector<2000x1xf32>
    %div3A_41 = arith.constant 1.280000e+02 : f32
    %div3A_42 = vector.broadcast %div3A_41 : f32 to vector<2000x1xf32>
    %div3A_43 = arith.divf %broadcast_in_dim3A_40, %div3A_42 : vector<2000x1xf32>
    %sub3A_44 = vector.broadcast %div3A_36 : vector<2000x1xf32> to vector<2000x128xf32>
    %sub3A_45 = arith.subf %add3A_33, %sub3A_44 : vector<2000x128xf32>
    %add3A_46 = arith.constant 9.99999974E-6 : f32
    %add3A_47 = vector.broadcast %add3A_46 : f32 to vector<2000x1xf32>
    %add3A_48 = arith.addf %div3A_43, %add3A_47 : vector<2000x1xf32>
    %rsqrt3A = math.rsqrt %add3A_48 : vector<2000x1xf32>
    %mul3A = vector.broadcast %rsqrt3A : vector<2000x1xf32> to vector<2000x128xf32>
    %mul3A_49 = arith.mulf %sub3A_45, %mul3A : vector<2000x128xf32>
    %get3A_50 = arith.constant 0 : index
    %get3A_51 = arith.constant 0 : index
    %get3A_52 = vector.load %arg7[%get3A_50, %get3A_51] : memref<1x128xf32, #tpu.memory_space<vmem>>, vector<1x128xf32>
    %mul3A_53 = vector.broadcast %get3A_52 : vector<1x128xf32> to vector<2000x128xf32>
    %mul3A_54 = arith.mulf %mul3A_49, %mul3A_53 : vector<2000x128xf32>
    %get3A_55 = arith.constant 0 : index
    %get3A_56 = arith.constant 0 : index
    %get3A_57 = vector.load %arg8[%get3A_55, %get3A_56] : memref<1x128xf32, #tpu.memory_space<vmem>>, vector<1x128xf32>
    %add3A_58 = vector.broadcast %get3A_57 : vector<1x128xf32> to vector<2000x128xf32>
    %add3A_59 = arith.addf %mul3A_54, %add3A_58 : vector<2000x128xf32>
    %max3A_60 = arith.constant 0.000000e+00 : f32
    %max3A_61 = vector.broadcast %max3A_60 : f32 to vector<2000x128xf32>
    %max3A_62 = arith.maximumf %add3A_59, %max3A_61 : vector<2000x128xf32>
    %get3A_63 = arith.constant 0 : index
    %get3A_64 = arith.constant 0 : index
    %get3A_65 = vector.load %arg9[%get3A_63, %get3A_64] : memref<128x128xf32, #tpu.memory_space<vmem>>, vector<128x128xf32>
    %dot_general3A_66 = arith.constant dense<0.000000e+00> : vector<2000x128xf32>
    %dot_general3A_67 = tpu.matmul %max3A_62, %get3A_65, %dot_general3A_66 {dimension_numbers = #tpu.dot_dimension_numbers<[1], [0], [0], [1], [0, 0, 1, 1], [], []>, transpose_lhs_hint = false} : vector<2000x128xf32>, vector<128x128xf32>, vector<2000x128xf32> -> vector<2000x128xf32>
    %get3A_68 = arith.constant 0 : index
    %get3A_69 = arith.constant 0 : index
    %get3A_70 = vector.load %arg10[%get3A_68, %get3A_69] : memref<1x128xf32, #tpu.memory_space<vmem>>, vector<1x128xf32>
    %add3A_71 = vector.broadcast %get3A_70 : vector<1x128xf32> to vector<2000x128xf32>
    %add3A_72 = arith.addf %dot_general3A_67, %add3A_71 : vector<2000x128xf32>
    %swap3A = arith.constant 0 : index
    %swap3A_73 = arith.constant 0 : index
    %swap3A_74 = vector.load %arg11[%swap3A, %swap3A_73] : memref<2000x128xf32, #tpu.memory_space<vmem>>, vector<2000x128xf32>
    tpu.vector_store %arg11[%swap3A, %swap3A_73], %add3A_72 {strides = array<i32>} : memref<2000x128xf32, #tpu.memory_space<vmem>>, vector<2000x128xf32>,
    return
  }
  func.func @transform_0(%arg0: i32) -> (i32, i32) {
    %c0_i32 = arith.constant 0 : i32
    %c0_i32_0 = arith.constant 0 : i32
    return %arg0, %c0_i32 : i32, i32
  }
  func.func @transform_1(%arg0: i32) -> (i32, i32, i32) {
    %c0_i32 = arith.constant 0 : i32
    %c0_i32_0 = arith.constant 0 : i32
    %c0_i32_1 = arith.constant 0 : i32
    return %c0_i32, %arg0, %c0_i32_0 : i32, i32, i32
  }
  func.func @transform_2(%arg0: i32) -> (i32, i32) {
    %c0_i32 = arith.constant 0 : i32
    %c0_i32_0 = arith.constant 0 : i32
    %c0_i32_1 = arith.constant 0 : i32
    return %c0_i32, %c0_i32_0 : i32, i32
  }
  func.func @transform_3(%arg0: i32) -> (i32, i32) {
    %c0_i32 = arith.constant 0 : i32
    %c0_i32_0 = arith.constant 0 : i32
    %c0_i32_1 = arith.constant 0 : i32
    return %c0_i32, %c0_i32_0 : i32, i32
  }
  func.func @transform_4(%arg0: i32) -> (i32, i32) {
    %c0_i32 = arith.constant 0 : i32
    %c0_i32_0 = arith.constant 0 : i32
    %c0_i32_1 = arith.constant 0 : i32
    return %c0_i32, %c0_i32_0 : i32, i32
  }
  func.func @transform_5(%arg0: i32) -> (i32, i32) {
    %c0_i32 = arith.constant 0 : i32
    %c0_i32_0 = arith.constant 0 : i32
    %c0_i32_1 = arith.constant 0 : i32
    return %c0_i32, %c0_i32_0 : i32, i32
  }
  func.func @transform_6(%arg0: i32) -> (i32, i32) {
    %c0_i32 = arith.constant 0 : i32
    %c0_i32_0 = arith.constant 0 : i32
    %c0_i32_1 = arith.constant 0 : i32
    return %c0_i32, %c0_i32_0 : i32, i32
  }
  func.func @transform_7(%arg0: i32) -> (i32, i32) {
    %c0_i32 = arith.constant 0 : i32
    %c0_i32_0 = arith.constant 0 : i32
    %c0_i32_1 = arith.constant 0 : i32
    return %c0_i32, %c0_i32_0 : i32, i32
  }
  func.func @transform_8(%arg0: i32) -> (i32, i32) {
    %c0_i32 = arith.constant 0 : i32
    %c0_i32_0 = arith.constant 0 : i32
    %c0_i32_1 = arith.constant 0 : i32
    return %c0_i32, %c0_i32_0 : i32, i32
  }
  func.func @transform_9(%arg0: i32) -> (i32, i32) {
    %c0_i32 = arith.constant 0 : i32
    %c0_i32_0 = arith.constant 0 : i32
    %c0_i32_1 = arith.constant 0 : i32
    return %c0_i32, %c0_i32_0 : i32, i32
  }
  func.func @transform_10(%arg0: i32) -> (i32, i32) {
    %c0_i32 = arith.constant 0 : i32
    %c0_i32_0 = arith.constant 0 : i32
    return %arg0, %c0_i32 : i32, i32
  }
}

</mosaic_0001>

<sc_bundles>
// kernel: kernel.11.cloned.1.call-start
scs
__scs_entry_jumppad:
0x0: {  	(pc) =	sbr.rel $0x88, $3  }
0x1: {  	(tag) =	ssettag $0x0;
	lr =	simm.s32 $0x1  }
0x2: {  	[smem:$0x3F8C] =	sst lr;
	_ =	strace $0xD0000000  }
0x3: {  	_ = 	snop  }
0x4: {  	_ = 	snop  }
0x5: {  	_ = 	snop  }
0x6: {  	_ = 	snop  }
0x7: {  	_ = 	snop  }
__scs_overlays_trampoline_lowered:
0x8: {  	[smem:$0x3F9B] =	sst s0  }
0x9: {  	[smem:$0x3F9C] =	sst s1  }
0xa: {  	[smem:$0x3F9D] =	sst s2  }
0xb: {  	[smem:$0x3F9E] =	sst s3  }
0xc: {  	[smem:$0x3F9F] =	sst s4  }
0xd: {  	[smem:$0x3FA0] =	sst s5  }
0xe: {  	[smem:$0x3FA1] =	sst s6  }
0xf: {  	[smem:$0x3FA2] =	sst s7  }
0x10: {  	[smem:$0x3FA3] =	sst s8  }
0x11: {  	[smem:$0x3FA4] =	sst s9;
	s0 =	simm.s32 @!p0 $0x0  }
0x12: {  	s1 =	sld [smem:$0x3F8A];
	s0 =	simm.s32 @p0 $0x1  }
0x13: {  	[smem:$0x3FA5] =	sst s0;
	s0 =	simm.s32 @!p1 $0x0  }
0x14: {  	s2 =	sld [smem:$0x3F89];
	s0 =	simm.s32 @p1 $0x1  }
0x15: {  	[smem:$0x3FA6] =	sst s0;
	s0 =	simm.s32 @!p2 $0x0  }
0x16: {  	s3 =	sld [smem:$0x3FDB];
	s0 =	simm.s32 @p2 $0x1  }
0x17: {  	s4 =	simm.s32 $0x1BF5;
	[smem:$0x3FA8] =	sst s0  }
0x18: {  	s0 =	sld [smem:$0x3F8B];
	_ =	swait.ge [sflag:s4], $0x0  }
0x19: {  	s7 =	sld [smem:$0x3F8C]  }
0x1a: {  	s8 =	sadd.s32 $0xFFFFE003, lr  }
0x1b: {  	s9 =	sadd.s32 $0xFFFFFEF7, lr;
	s5 =	simm.s32 $0xFFFFFFFF;
	p2 =	slt.u32 s8, $0xFFFFF086  }
0x1c: {  	p1 =	slt.u32 s9, $0xF7A;
	s5 =	simm.s32 @!p2 $0x0  }
0x1d: {  	s5 =	simm.s32 @p1 $0x1;
	p0 =	seq.s32 s7, s2  }
0x1e: {  	s7 =	smul.u32 @!p0 $0xF7A, s2;
	p2 =	seq.s32 @!p0 s5, $0x0  }
0x1f: {  	s9 =	smul.u32 $0xF7A, s1;
	s8 =	simm.s32 @!p0 $0x1BF5;
	p2 =	por !p2, p0  }
0x20: {  	[sflag:s8] =	ssyncset.s32 @!p0 $0xFFFFF086;
	s6 =	sadd.s32 @!p0 s3, s7;
	s7 =	simm.s32 @!p0 $0x108  }
0x21: {  	s3 =	sadd.s32 s3, s9;
	s6 =	sadd.s32 @!p0 $0x88, s6;
	s7 =	simm.s32 @p2 $0x1082  }
0x22: {  	[simem:s7], [sflag:s8] =	dma.local @!p0 [hbm:s6], $0xF7A  }
0x23: {  	s9 =	sor.u32 $0xD0000000, s2;
	s6 =	simm.s32 $0x108;
	_ =	swait.ge @!p0 [sflag:s8], $0x0  }
0x24: {  	s3 =	sadd.s32 $0x88, s3;
	s6 =	simm.s32 @!p1 $0x1082;
	[sflag:s4] =	ssyncset.s32 $0xFFFFF086  }
0x25: {  	[simem:s6], [sflag:s4] =	dma.local [hbm:s3], $0xF7A  }
0x26: {  	[smem:$0x3F8C] =	sst s1;
	(tag) =	ssettag s2;
	_ =	strace s9  }
0x27: {  	s1 =	sld [smem:$0x3F9C]  }
0x28: {  	s2 =	sld [smem:$0x3F9D]  }
0x29: {  	s4 =	sld [smem:$0x3F9F]  }
0x2a: {  	p0 =	seq.s32 s5, $0x0;
	s5 =	sld [smem:$0x3FA0]  }
0x2b: {  	s6 =	sld [smem:$0x3FA1]  }
0x2c: {  	s7 =	sld [smem:$0x3FA2]  }
0x2d: {  	s3 =	simm.s32 $0x108;
	s8 =	sld [smem:$0x3FA3]  }
0x2e: {  	s3 =	simm.s32 @!p0 $0x1082;
	s9 =	sld [smem:$0x3FA4]  }
0x2f: {  	lr =	sadd.s32 s0, s3;
	s0 =	sld [smem:$0x3F9B]  }
0x30: {  	s3 =	sld [smem:$0x3F9E]  }
0x31: {  	[smem:$0x3FA7] =	sst s10  }
0x32: {  	s10 =	sld [smem:$0x3FA5];
	_ =	sdelay $0x3  }
0x33: {  	p0 =	seq.s32 s10, $0x1;
	s10 =	sld [smem:$0x3FA7];
	_ =	sdelay $0x3  }
0x34: {  	[smem:$0x3FA7] =	sst s10  }
0x35: {  	s10 =	sld [smem:$0x3FA6];
	_ =	sdelay $0x3  }
0x36: {  	p1 =	seq.s32 s10, $0x1;
	s10 =	sld [smem:$0x3FA7];
	_ =	sdelay $0x3  }
0x37: {  	[smem:$0x3FA7] =	sst s10  }
0x38: {  	s10 =	sld [smem:$0x3FA8]  }
0x39: {  	_ = 	snop;
	(pc) =	sbr.ind lr, $3  }
0x3a: {  	_ = 	snop  }
0x3b: {  	_ = 	snop  }
0x3c: {  	p2 =	seq.s32 s10, $0x1;
	s10 =	sld [smem:$0x3FA7]  }
0x3d: {  	_ =	shalt  }
0x3e: {  	_ =	shalt  }
0x3f: {  	_ =	shalt  }
0x40: {  	_ =	shalt  }
0x41: {  	_ =	shalt  }
0x42: {  	_ =	shalt  }
0x43: {  	_ =	shalt  }
0x44: {  	_ =	shalt  }
0x45: {  	_ =	shalt  }
0x46: {  	_ =	shalt  }
0x47: {  	_ =	shalt  }
0x48: {  	_ =	shalt  }
0x49: {  	_ =	shalt  }
0x4a: {  	_ =	shalt  }
0x4b: {  	_ =	shalt  }
0x4c: {  	_ =	shalt  }
0x4d: {  	_ =	shalt  }
0x4e: {  	_ =	shalt  }
0x4f: {  	_ =	shalt  }
0x50: {  	_ =	shalt  }
0x51: {  	_ =	shalt  }
0x52: {  	_ =	shalt  }
0x53: {  	_ =	shalt  }
0x54: {  	_ =	shalt  }
0x55: {  	_ =	shalt  }
0x56: {  	_ =	shalt  }
0x57: {  	_ =	shalt  }
0x58: {  	_ =	shalt  }
0x59: {  	_ =	shalt  }
0x5a: {  	_ =	shalt  }
0x5b: {  	_ =	shalt  }
0x5c: {  	_ =	shalt  }
0x5d: {  	_ =	shalt  }
0x5e: {  	_ =	shalt  }
0x5f: {  	_ =	shalt  }
0x60: {  	_ =	shalt  }
0x61: {  	_ =	shalt  }
0x62: {  	_ =	shalt  }
0x63: {  	_ =	shalt  }
0x64: {  	_ =	shalt  }
0x65: {  	_ =	shalt  }
0x66: {  	_ =	shalt  }
0x67: {  	_ =	shalt  }
0x68: {  	_ =	shalt  }
0x69: {  	_ =	shalt  }
0x6a: {  	_ =	shalt  }
0x6b: {  	_ =	shalt  }
0x6c: {  	_ =	shalt  }
0x6d: {  	_ =	shalt  }
0x6e: {  	_ =	shalt  }
0x6f: {  	_ =	shalt  }
0x70: {  	_ =	shalt  }
0x71: {  	_ =	shalt  }
0x72: {  	_ =	shalt  }
0x73: {  	_ =	shalt  }
0x74: {  	_ =	shalt  }
0x75: {  	_ =	shalt  }
0x76: {  	_ =	shalt  }
0x77: {  	_ =	shalt  }
0x78: {  	_ =	shalt  }
0x79: {  	_ =	shalt  }
0x7a: {  	_ =	shalt  }
0x7b: {  	_ =	shalt  }
0x7c: {  	_ =	shalt  }
0x7d: {  	_ =	shalt  }
0x7e: {  	_ =	shalt  }
0x7f: {  	_ =	shalt  }
0x80: {  	_ =	shalt  }
0x81: {  	_ =	shalt  }
0x82: {  	_ =	shalt  }
0x83: {  	_ =	shalt  }
0x84: {  	_ =	shalt  }
0x85: {  	_ =	shalt  }
0x86: {  	_ =	shalt  }
0x87: {  	_ =	shalt  }
.Lfunc_end0:
.L_simem_size_0:
called_computation.1_lowered:
.L_overlay_start_0:
0x88: {  	s2 =	sld [smem:$0x3FD9]  }
0x89: {  	s3 =	sld [smem:$0x3FFE];
	_ =	sdelay $0x1  }
0x8a: {  	s1 =	srdreg.scid  }
0x8b: {  	s0 =	sand.u32 $0x1, s1  }
0x8c: {  	s17 =	sshll.u32 s0, $0xA;
	s2 =	sadd.s32 s3, s2  }
0x8d: {  	s2 =	sadd.s32 s2, s17  }
0x8e: {  	[smem:$0x3FB3] =	sst s2  }
0x8f: {  	_ = 	snop  }
0x90: {  	s2 =	sld [smem:$0x3FD0];
	(tm) =	ssettm $0x1  }
0x91: {  	s18 =	sld [smem:$0x3FFB];
	_ =	sdelay $0x3  }
0x92: {  	_ =	strace s18  }
0x93: {  	s3 =	sld [smem:$0x3FFC];
	_ =	sdelay $0x3  }
0x94: {  	_ =	strace s3  }
0x95: {  	s3 =	sld [smem:$0x3FFD];
	_ =	sdelay $0x3  }
0x96: {  	_ =	strace s3  }
0x97: {  	_ =	strace $0x8FFFFFFF  }
0x98: {  	s19 =	sld [smem:$0x3FDB];
	_ =	sdelay $0x1  }
0x99: {  	s4 =	simm.s32 $_scs_section_size  }
0x9a: {  	s5 =	simm.s32 $_size__tile_overlayer_lowered;
	s6 =	simm.s32 $_tile_overlayer_lowered  }
0x9b: {  	s22 =	simm.s32 $0x1BFF;
	s21 =	sshll.u32 s6, $0x1;
	s3 =	sadd.s32 s4, s19  }
0x9c: {  	s7 =	simm.s32 $0x0;
	s20 =	sshll.u32 s5, $0x1;
	s5 =	sadd.s32 s21, s3  }
0x9d: {  	[timem:s7], [sflag:s22] =	dma.local [hbm:s5], s20  }
0x9e: {  	_ =	swait.ge [sflag:s22], s20  }
0x9f: {  	s4 =	ssub.s32 $0x0, s20;
	[sflag:s22] =	ssyncset.done $0x0  }
0xa0: {  	[sflag:s22] =	ssyncadd.s32 s4;
	_ =	sdelay $0x1  }
0xa1: {  	s23 =	simm.s32 $0x1B8B  }
0xa2: {  	_ =	swait.ge [sflag:s23], $0x1  }
0xa3: {  	[sflag:s23] =	ssyncset.done $0x0  }
0xa4: {  	s25 =	simm.s32 $0x1B8E;
	s24 =	sld [smem:$0x3FFE];
	[sflag:s23] =	ssyncadd.s32 $0xFFFFFFFF  }
0xa5: {  	s26 =	simm.s32 $execute0_lowered;
	[smem:$0x3FD2] =	sst s25  }
0xa6: {  	s5 =	sshll.u32 s26, $0x1;
	_ =	strace $0x80000049;
	[dreg:$0x1] =	wrdreg $0xFFFFFFFF  }
0xa7: {  	s28 =	simm.s32 $_size_execute0_lowered;
	s3 =	sadd.s32 s3, s5;
	[dreg:$0x0] =	wrdreg $0x0  }
0xa8: {  	s5 =	sshll.u32 s28, $0x1;
	[dreg:$0x2] =	wrdreg s3  }
0xa9: {  	[dreg:$0x3] =	wrdreg s5  }
0xaa: {  	[dreg:$0x4] =	wrdreg $0xC0  }
0xab: {  	_ =	task [dreg:s7], $0x5FFFF  }
0xac: {  	[dreg:$0x1] =	wrdreg $0xFFFFFFFF  }
0xad: {  	[dreg:$0x0] =	wrdreg $0x60  }
0xae: {  	[dreg:$0x2] =	wrdreg s2  }
0xaf: {  	[dreg:$0x3] =	wrdreg s24  }
0xb0: {  	[dreg:$0x4] =	wrdreg $0x0  }
0xb1: {  	[dreg:$0x5] =	wrdreg $0x9  }
0xb2: {  	_ =	task.clear_ibuf [dreg:s7], $0x6FFFF;
	_ =	strace $0x90000049  }
0xb3: {  	s29 =	simm.s32 $0x9;
	_ =	strace $0x8000004B  }
0xb4: {  	_ =	swait.ge [sflag:s29], $0x1  }
0xb5: {  	[sflag:s29] =	ssyncadd.s32 $0xFFFFFFFF  }
0xb6: {  	_ =	strace $0x9000004B  }
0xb7: {  	_ =	sfence  }
0xb8: {  	s30 =	sld [smem:$0x0];
	_ =	sdelay $0x2  }
0xb9: {  	s31 =	sshll.u32 s1, $0xD;
	s1 =	sshrl.u32 s1, $0x2  }
0xba: {  	s3 =	sand.u32 $0x4000, s31;
	s1 =	sadd.s32 s1, s30  }
0xbb: {  	s0 =	sor.u32 s3, s0;
	s1 =	sshll.u32 s1, $0x11  }
0xbc: {  	s0 =	sor.u32 s1, s0  }
0xbd: {  	s0 =	sadd.s32 $0x8F2B, s0  }
0xbe: {  	[sflag:s0] =	ssyncadd.remote.s32 $0x1  }
0xbf: {  	_ =	sfence.sel $0xFFFF  }
0xc0: {  	[dreg:$0x0] =	wrdreg $0xFFFFFFFF;
	(pc) =	sbr.abs _section_cstart, $3  }
0xc1: {  	[dreg:$0x1] =	wrdreg $0xFFFFFFFF  }
0xc2: {  	_ =	task.clear_ibuf [dreg:s7], $0x2FFFF;
	_ =	strace $0x9FFFFFFF  }
0xc3: {  	(tm) =	ssettm $0x7FFFFFFF  }
tec
execute0_lowered:
.L_overlay_start_1:
0x0: {  	(tag) =	ssettag $0x1  }
0x1: {  	s1 =	rddreg [dreg:$0x0]  }
0x2: {  	s0 =	rddreg [dreg:$0x1]  }
0x3: {  	s2 =	rddreg [dreg:$0x2];
	s3 =	simm.s32 $0x0  }
0x4: {  	s4 =	srdreg.scid;
	s10 =	stileid.u32;
	s31 =	simm.s32 $0x14140  }
0x5: {  	s30 =	simm.s32 $0x4;
	[smem:$0x7FF] =	sst s3;
	s5 =	sadd.s32 $0x4F9C00, s0  }
0x6: {  	s4 =	sand.u32 $0x1, s4;
	s6 =	sadd.s32 $0x4E6200, s0;
	s9 =	smul.u32 $0x14000, s10  }
0x7: {  	s0 =	sadd.s32 $0x4200, s0;
	_ =	strace $0x8000004A;
	s7 =	ssub.s32 $0x2, s4  }
0x8: {  	s23 =	sshll.u32 s4, $0x4;
	s4 =	smul.u32 $0x140000, s4;
	s8 =	sshrl.u32 s7, $0x1  }
0x9: {  	s11 =	sadd.s32 $0x5000, s9;
	s12 =	sadd.s32 $0x7800, s9;
	s13 =	sadd.s32 $0xA000, s9  }
0xa: {  	s14 =	sadd.s32 $0xC800, s9;
	s17 =	sadd.s32 $0xF000, s9;
	s18 =	sadd.s32 $0x11800, s9  }
0xb: {  	s7 =	ssub.s32 s7, s8;
	s8 =	sor.u32 s10, s23;
	s10 =	sor.u32 $0x2800, s9  }
0xc: {  	s15 =	sadd.s32 s9, s4;
	s25 =	sadd.s32 s4, s11;
	s26 =	sadd.s32 s4, s12  }
0xd: {  	s19 =	sadd.s32 s4, s13;
	s22 =	sadd.s32 s4, s14;
	s23 =	sadd.s32 s4, s17  }
0xe: {  	s16 =	sadd.s32 s4, s10;
	s15 =	sshrl.u32 s15, $0x3;
	s19 =	sshrl.u32 s19, $0x3  }
0xf: {  	s4 =	sadd.s32 s4, s18;
	s16 =	sshrl.u32 s16, $0x3;
	s15 =	sadd.s32 s0, s15  }
0x10: {  	s21 =	sadd.s32 s0, s19;
	s4 =	sshrl.u32 s4, $0x3;
	s19 =	sadd.s32 s9, s2  }
0x11: {  	[dreg:$0x4] =	wrdreg s15;
	s24 =	sadd.s32 s0, s16;
	s15 =	sshrl.u32 s25, $0x3  }
0x12: {  	s16 =	sshrl.u32 s26, $0x3;
	[dreg:$0x8] =	wrdreg s21;
	s25 =	smul.u32 $0x7D, s8  }
0x13: {  	s21 =	smul.u32 $0x4E2, s8;
	[dreg:$0x5] =	wrdreg s24;
	s15 =	sadd.s32 s0, s15  }
0x14: {  	s20 =	sadd.s32 s0, s16;
	s16 =	sshrl.u32 s23, $0x3;
	[dreg:$0x6] =	wrdreg s15  }
0x15: {  	s23 =	sadd.s32 s18, s2;
	[dreg:$0x7] =	wrdreg s20;
	s15 =	sshrl.u32 s22, $0x3  }
0x16: {  	s24 =	sadd.s32 s0, s16;
	s20 =	sadd.s32 s10, s2;
	s10 =	sadd.s32 s11, s2  }
0x17: {  	s11 =	sadd.s32 s12, s2;
	s12 =	smul.u32 $0x2710, s8;
	[dreg:$0x11] =	wrdreg s23  }
0x18: {  	s16 =	sadd.s32 s14, s2;
	s22 =	sadd.s32 s17, s2;
	[dreg:$0xa] =	wrdreg s24  }
0x19: {  	s8 =	smul.u32 $0x27100, s8;
	s9 =	sadd.s32 s6, s21;
	[dreg:$0xc] =	wrdreg s10  }
0x1a: {  	s26 =	sadd.s32 $0x1, s25;
	s28 =	sadd.s32 $0x2, s25;
	[dreg:$0xd] =	wrdreg s11  }
0x1b: {  	s29 =	sadd.s32 $0x3, s25;
	s25 =	smax.u32 s7, $0x1;
	[dreg:$0xf] =	wrdreg s16  }
0x1c: {  	s7 =	simm.s32 $0x4E200;
	s14 =	simm.s32 $0x1B940;
	[dreg:$0x10] =	wrdreg s22  }
0x1d: {  	s23 =	simm.s32 $0x3;
	s15 =	sadd.s32 s0, s15;
	[dreg:$0x12] =	wrdreg s9  }
0x1e: {  	s0 =	sadd.s32 s0, s4;
	[dreg:$0x15] =	wrdreg s25;
	s9 =	simm.s32 $0x1  }
0x1f: {  	s10 =	simm.s32 $0x140A0;
	s11 =	simm.s32 $0x19140;
	[dreg:$0x9] =	wrdreg s15  }
0x20: {  	s25 =	simm.s32 $0x5;
	s16 =	simm.s32 $0x0;
	[dreg:$0xb] =	wrdreg s0  }
0x21: {  	s15 =	sadd.s32 s13, s2;
	s4 =	sshrl.u32 s12, $0x3;
	s24 =	sadd.s32 s5, s8  }
0x22: {  	s0 =	simm.s32 $0x7;
	s8 =	simm.s32 $0x14000;
	s12 =	simm.s32 $0x2  }
0x23: {  	s13 =	simm.s32 $0x16940;
	[dreg:$0xe] =	wrdreg s15;
	s4 =	sadd.s32 s6, s4  }
0x24: {  	[dreg:$0x14] =	wrdreg s24;
	s24 =	simm.s32 $0x1E140;
	s4 =	sadd.s32 $0xA, s4  }
0x25: {  	v0 =	vimm.f32 $0.0e+00;
	s15 =	simm.s32 $0x1E190;
	[dreg:$0x13] =	wrdreg s4;
	s4 =	simm.s32 $0x50  }
.LBB2_1:
0x26: {  	s17 =	simm.s32 $0x14240  }
0x27: {  	[tilespmem:s17+$0xFFFFFF00] =	vst v0  }
0x28: {  	[tilespmem:s17+$0xF0] =	vst v0  }
0x29: {  	[tilespmem:s17+$0xE0] =	vst v0  }
0x2a: {  	[tilespmem:s17+$0xD0] =	vst v0  }
0x2b: {  	[tilespmem:s17+$0xC0] =	vst v0  }
0x2c: {  	[tilespmem:s17+$0xB0] =	vst v0  }
0x2d: {  	[tilespmem:s17+$0xA0] =	vst v0  }
0x2e: {  	[tilespmem:s17+$0x90] =	vst v0  }
0x2f: {  	[tilespmem:s17+$0x80] =	vst v0  }
0x30: {  	[tilespmem:s17+$0x70] =	vst v0  }
0x31: {  	[tilespmem:s17+$0x60] =	vst v0  }
0x32: {  	[tilespmem:s17+$0x50] =	vst v0  }
0x33: {  	[tilespmem:s17+$0x40] =	vst v0  }
0x34: {  	[tilespmem:s17+$0x30] =	vst v0  }
0x35: {  	[tilespmem:s17+$0x20] =	vst v0  }
0x36: {  	[tilespmem:s17+$0x10] =	vst v0  }
0x37: {  	[tilespmem:s17+$0x0] =	vst v0  }
0x38: {  	[tilespmem:s17+$0xFFFFFFF0] =	vst v0  }
0x39: {  	[tilespmem:s17+$0xFFFFFFE0] =	vst v0  }
0x3a: {  	[tilespmem:s17+$0xFFFFFFD0] =	vst v0  }
0x3b: {  	[tilespmem:s17+$0xFFFFFFC0] =	vst v0  }
0x3c: {  	[tilespmem:s17+$0xFFFFFFB0] =	vst v0  }
0x3d: {  	[tilespmem:s17+$0xFFFFFFA0] =	vst v0  }
0x3e: {  	[tilespmem:s17+$0xFFFFFF90] =	vst v0  }
0x3f: {  	[tilespmem:s17+$0xFFFFFF80] =	vst v0  }
0x40: {  	[tilespmem:s17+$0xFFFFFF70] =	vst v0  }
0x41: {  	[tilespmem:s17+$0xFFFFFF60] =	vst v0  }
0x42: {  	[tilespmem:s17+$0xFFFFFF50] =	vst v0  }
0x43: {  	[tilespmem:s17+$0xFFFFFF40] =	vst v0  }
0x44: {  	[tilespmem:s17+$0xFFFFFF30] =	vst v0  }
0x45: {  	s18 =	simm.s32 $0x0;
	[tilespmem:s17+$0xFFFFFF20] =	vst v0  }
.LBB2_2:
0x46: {  	s18 =	sadd.s32 $0x4, s18;
	[tilespmem:s17+$0xFFFFFF10] =	vst v0;
	s17 =	sadd.s32 $0x200, s17  }
0x47: {  	[tilespmem:s17+$0xFFFFFF00] =	vst v0;
	p0 =	slt.u32 s18, $0x4C  }
0x48: {  	[tilespmem:s17+$0xF0] =	vst v0  }
0x49: {  	[tilespmem:s17+$0xE0] =	vst v0  }
0x4a: {  	[tilespmem:s17+$0xD0] =	vst v0  }
0x4b: {  	[tilespmem:s17+$0xC0] =	vst v0  }
0x4c: {  	[tilespmem:s17+$0xB0] =	vst v0  }
0x4d: {  	[tilespmem:s17+$0xA0] =	vst v0  }
0x4e: {  	[tilespmem:s17+$0x90] =	vst v0  }
0x4f: {  	[tilespmem:s17+$0x80] =	vst v0  }
0x50: {  	[tilespmem:s17+$0x70] =	vst v0  }
0x51: {  	[tilespmem:s17+$0x60] =	vst v0  }
0x52: {  	[tilespmem:s17+$0x50] =	vst v0  }
0x53: {  	[tilespmem:s17+$0x40] =	vst v0  }
0x54: {  	[tilespmem:s17+$0x30] =	vst v0  }
0x55: {  	[tilespmem:s17+$0x20] =	vst v0  }
0x56: {  	[tilespmem:s17+$0x10] =	vst v0  }
0x57: {  	[tilespmem:s17+$0x0] =	vst v0  }
0x58: {  	[tilespmem:s17+$0xFFFFFFF0] =	vst v0  }
0x59: {  	[tilespmem:s17+$0xFFFFFFE0] =	vst v0  }
0x5a: {  	[tilespmem:s17+$0xFFFFFFD0] =	vst v0  }
0x5b: {  	[tilespmem:s17+$0xFFFFFFC0] =	vst v0  }
0x5c: {  	[tilespmem:s17+$0xFFFFFFB0] =	vst v0  }
0x5d: {  	[tilespmem:s17+$0xFFFFFFA0] =	vst v0  }
0x5e: {  	[tilespmem:s17+$0xFFFFFF90] =	vst v0  }
0x5f: {  	[tilespmem:s17+$0xFFFFFF80] =	vst v0  }
0x60: {  	[tilespmem:s17+$0xFFFFFF70] =	vst v0  }
.Ltmp0:
0x61: {  	[tilespmem:s17+$0xFFFFFF60] =	vst v0;
	(pc) =	sbr.rel @p0 .LBB2_2-.Ltmp0, $4  }
0x62: {  	[tilespmem:s17+$0xFFFFFF50] =	vst v0  }
0x63: {  	[tilespmem:s17+$0xFFFFFF40] =	vst v0  }
0x64: {  	[tilespmem:s17+$0xFFFFFF30] =	vst v0  }
0x65: {  	[tilespmem:s17+$0xFFFFFF20] =	vst v0  }
0x66: {  	[tilespmem:s17+$0xFFFFFF10] =	vst v0  }
0x67: {  	[spmem:s19] =	stream.linear.scatter [tilespmem:s31], [sflag:$0x7], $0x2800, $0x38;
	[tilespmem:$0x1E1E0] =	vst v63  }
0x68: {  	_ =	swait.ge [sflag:s0], $0x2800  }
0x69: {  	[sflag:s0] =	ssyncset.done $0x0  }
0x6a: {  	[sflag:s0] =	ssyncadd.s32 $0xFFFFD800  }
0x6b: {  	[spmem:s20] =	stream.linear.scatter [tilespmem:s31], [sflag:$0x7], $0x2800, $0x38;
	[tilespmem:$0x1E1E0] =	vst v63  }
0x6c: {  	_ =	swait.ge [sflag:s0], $0x2800  }
0x6d: {  	[sflag:s0] =	ssyncset.done $0x0  }
0x6e: {  	s21 =	smov.u32 s19;
	s19 =	rddreg [dreg:$0xc];
	[sflag:s0] =	ssyncadd.s32 $0xFFFFD800  }
0x6f: {  	[spmem:s19] =	stream.linear.scatter [tilespmem:s31], [sflag:$0x7], $0x2800, $0x38;
	[tilespmem:$0x1E1E0] =	vst v63  }
0x70: {  	_ =	swait.ge [sflag:s0], $0x2800  }
0x71: {  	[sflag:s0] =	ssyncset.done $0x0  }
0x72: {  	s22 =	smov.u32 s20;
	s20 =	rddreg [dreg:$0xd];
	[sflag:s0] =	ssyncadd.s32 $0xFFFFD800  }
0x73: {  	[spmem:s20] =	stream.linear.scatter [tilespmem:s31], [sflag:$0x7], $0x2800, $0x38;
	[tilespmem:$0x1E1E0] =	vst v63  }
0x74: {  	_ =	swait.ge [sflag:s0], $0x2800  }
0x75: {  	[sflag:s0] =	ssyncset.done $0x0  }
0x76: {  	s18 =	rddreg [dreg:$0xe];
	[sflag:s0] =	ssyncadd.s32 $0xFFFFD800  }
0x77: {  	[spmem:s18] =	stream.linear.scatter [tilespmem:s31], [sflag:$0x7], $0x2800, $0x38;
	[tilespmem:$0x1E1E0] =	vst v63  }
0x78: {  	_ =	swait.ge [sflag:s0], $0x2800  }
0x79: {  	[sflag:s0] =	ssyncset.done $0x0  }
0x7a: {  	s19 =	rddreg [dreg:$0xf];
	[sflag:s0] =	ssyncadd.s32 $0xFFFFD800  }
0x7b: {  	[spmem:s19] =	stream.linear.scatter [tilespmem:s31], [sflag:$0x7], $0x2800, $0x38;
	[tilespmem:$0x1E1E0] =	vst v63  }
0x7c: {  	_ =	swait.ge [sflag:s0], $0x2800  }
0x7d: {  	[sflag:s0] =	ssyncset.done $0x0  }
0x7e: {  	s20 =	rddreg [dreg:$0x10];
	[sflag:s0] =	ssyncadd.s32 $0xFFFFD800  }
0x7f: {  	[spmem:s20] =	stream.linear.scatter [tilespmem:s31], [sflag:$0x7], $0x2800, $0x38;
	[tilespmem:$0x1E1E0] =	vst v63  }
0x80: {  	_ =	swait.ge [sflag:s0], $0x2800  }
0x81: {  	[sflag:s0] =	ssyncset.done $0x0  }
0x82: {  	s18 =	rddreg [dreg:$0x11];
	[sflag:s0] =	ssyncadd.s32 $0xFFFFD800  }
0x83: {  	[spmem:s18] =	stream.linear.scatter [tilespmem:s31], [sflag:$0x7], $0x2800, $0x38;
	[tilespmem:$0x1E1E0] =	vst v63  }
0x84: {  	_ =	swait.ge [sflag:s0], $0x2800  }
0x85: {  	[sflag:s0] =	ssyncset.done $0x0  }
0x86: {  	[sflag:s0] =	ssyncadd.s32 $0xFFFFD800  }
0x87: {  	[bflag:$0x0] =	sbarrier.arrive $0xFFFF  }
0x88: {  	s19 =	rddreg [dreg:$0x12]  }
0x89: {  	[tilespmem:s8], [sflag:$0x1] =	stream.strided.gather [hbm4b:s19+s4], $0xA0, s7, s4, $0x38;
	[tilespmem:$0x1E1E0] =	vst v63  }
0x8a: {  	_ =	swait.ge [sflag:s9], $0xA0  }
0x8b: {  	[sflag:s9] =	ssyncset.done $0x0  }
0x8c: {  	s20 =	rddreg [dreg:$0x13];
	[sflag:s9] =	ssyncadd.s32 $0xFFFFFF60  }
0x8d: {  	[tilespmem:s10], [sflag:$0x2] =	stream.strided.gather [hbm4b:s20+s4], $0xA0, s7, s4, $0x38;
	[tilespmem:$0x1E1E0] =	vst v63  }
0x8e: {  	_ = 	snop  }
0x8f: {  	[tilespmem:s31], [sflag:$0x3] =	stream.indirect.gather [hbm4b:s1+s4], $0x80, s8, s4, $0xb8;
	[tilespmem:$0x1E1E0] =	vst v63  }
0x90: {  	s17 =	simm.s32 $0x0;
	s18 =	rddreg [dreg:$0x14]  }
0x91: {  	[tilespmem:s11], [sflag:$0x3] =	stream.linear.gather [hbm4b:s18+s17], $0x2800, $0x38;
	[tilespmem:$0x1E1E0] =	vst v63  }
.LBB2_4:
0x92: {  	_ =	swait.ge [sflag:s12], $0xA0  }
0x93: {  	p0 =	seq.s32 s17, $0x0;
	[sflag:s12] =	ssyncset.done $0x0  }
0x94: {  	s19 =	simm.s32 @!p0 $0x6;
	[sflag:s12] =	ssyncadd.s32 $0xFFFFFF60  }
0x95: {  	s18 =	sshll.u32 s17, $0x1;
	_ =	swait.ge @!p0 [sflag:s19], $0x2800  }
0x96: {  	s20 =	sadd.s32 s18, s26;
	[sflag:s19] =	ssyncset.done @!p0 $0x0  }
0x97: {  	s20 =	smul.u32 $0x500, s20;
	[sflag:s19] =	ssyncadd.s32 @!p0 $0xFFFFD800  }
0x98: {  	[tilespmem:s13], [sflag:$0x4] =	stream.indirect.gather [hbm4b:s1+s4], $0x80, s10, s4, $0xb8;
	[tilespmem:$0x1E1E0] =	vst v63  }
0x99: {  	s19 =	sadd.s32 s5, s20  }
0x9a: {  	[tilespmem:s14], [sflag:$0x4] =	stream.linear.gather [hbm4b:s19+s3], $0x2800, $0x38;
	[tilespmem:$0x1E1E0] =	vst v63  }
0x9b: {  	_ =	swait.ge [sflag:s23], $0x2800  }
0x9c: {  	[sflag:s23] =	ssyncset.done $0x0  }
0x9d: {  	[sflag:s23] =	ssyncadd.s32 $0xFFFFD800  }
0x9e: {  	_ =	swait.ge [sflag:s23], $0x2800  }
0x9f: {  	[sflag:s23] =	ssyncset.done $0x0  }
0xa0: {  	s19 =	simm.s32 $0x14180;
	[sflag:s23] =	ssyncadd.s32 $0xFFFFD800  }
0xa1: {  	[tilespmem:s19+$0xFFFFFFC0] =	vst v0  }
0xa2: {  	[tilespmem:s19+$0x30] =	vst v0  }
0xa3: {  	[tilespmem:s19+$0x20] =	vst v0  }
0xa4: {  	[tilespmem:s19+$0x10] =	vst v0  }
0xa5: {  	[tilespmem:s19+$0x0] =	vst v0  }
0xa6: {  	[tilespmem:s19+$0xFFFFFFF0] =	vst v0  }
0xa7: {  	s20 =	simm.s32 $0x0;
	[tilespmem:s19+$0xFFFFFFE0] =	vst v0  }
.LBB2_5:
0xa8: {  	s20 =	sadd.s32 $0x8, s20;
	[tilespmem:s19+$0xFFFFFFD0] =	vst v0;
	s19 =	sadd.s32 $0x80, s19  }
0xa9: {  	[tilespmem:s19+$0xFFFFFFC0] =	vst v0;
	p0 =	slt.u32 s20, $0x278  }
0xaa: {  	[tilespmem:s19+$0x30] =	vst v0  }
.Ltmp1:
0xab: {  	[tilespmem:s19+$0x20] =	vst v0;
	(pc) =	sbr.rel @p0 .LBB2_5-.Ltmp1, $4  }
0xac: {  	[tilespmem:s19+$0x10] =	vst v0  }
0xad: {  	[tilespmem:s19+$0x0] =	vst v0  }
0xae: {  	[tilespmem:s19+$0xFFFFFFF0] =	vst v0  }
0xaf: {  	[tilespmem:s19+$0xFFFFFFE0] =	vst v0  }
0xb0: {  	[tilespmem:s19+$0xFFFFFFD0] =	vst v0  }
0xb1: {  	v1 =	vld [tilespmem:$0x14050]  }
0xb2: {  	v2 =	vld [tilespmem:$0x14060]  }
0xb3: {  	v3 =	vld [tilespmem:$0x14070]  }
0xb4: {  	v4 =	vld [tilespmem:$0x14080]  }
0xb5: {  	v5 =	vld [tilespmem:$0x14090]  }
0xb6: {  	[tilespmem:$0x1E140] =	vst v1  }
0xb7: {  	[tilespmem:$0x1E150] =	vst v2  }
0xb8: {  	[tilespmem:$0x1E160] =	vst v3  }
0xb9: {  	s19 =	sadd.s32 s18, s28;
	[tilespmem:$0x1E170] =	vst v4  }
0xba: {  	s20 =	smul.u32 $0xA, s19;
	[tilespmem:$0x1E180] =	vst v5  }
0xbb: {  	[spmem:s2] =	stream.indirect.scatter.add.f32 [tilespmem:s31], [sflag:$0x5], $0x80, s24, s4, $0xb8;
	[tilespmem:$0x1E1E0] =	vst v63  }
0xbc: {  	s20 =	sadd.s32 s6, s20  }
0xbd: {  	[tilespmem:s8], [sflag:$0x1] =	stream.strided.gather [hbm4b:s20+s4], $0xA0, s7, s4, $0x38;
	[tilespmem:$0x1E1E0] =	vst v63  }
0xbe: {  	_ =	swait.ge [sflag:s9], $0xA0  }
0xbf: {  	[sflag:s9] =	ssyncset.done $0x0  }
0xc0: {  	[sflag:s9] =	ssyncadd.s32 $0xFFFFFF60  }
0xc1: {  	_ =	swait.ge [sflag:s25], $0x2800  }
0xc2: {  	[sflag:s25] =	ssyncset.done $0x0  }
0xc3: {  	s19 =	smul.u32 $0x500, s19;
	[sflag:s25] =	ssyncadd.s32 $0xFFFFD800  }
0xc4: {  	[tilespmem:s31], [sflag:$0x3] =	stream.indirect.gather [hbm4b:s1+s4], $0x80, s8, s4, $0xb8;
	[tilespmem:$0x1E1E0] =	vst v63  }
0xc5: {  	s19 =	sadd.s32 s5, s19  }
0xc6: {  	[tilespmem:s11], [sflag:$0x3] =	stream.linear.gather [hbm4b:s19+s3], $0x2800, $0x38;
	[tilespmem:$0x1E1E0] =	vst v63  }
0xc7: {  	_ =	swait.ge [sflag:s30], $0x2800  }
0xc8: {  	[sflag:s30] =	ssyncset.done $0x0  }
0xc9: {  	[sflag:s30] =	ssyncadd.s32 $0xFFFFD800  }
0xca: {  	_ =	swait.ge [sflag:s30], $0x2800  }
0xcb: {  	[sflag:s30] =	ssyncset.done $0x0  }
0xcc: {  	s19 =	simm.s32 $0x16980;
	[sflag:s30] =	ssyncadd.s32 $0xFFFFD800  }
0xcd: {  	[tilespmem:s19+$0xFFFFFFC0] =	vst v0  }
0xce: {  	[tilespmem:s19+$0x30] =	vst v0  }
0xcf: {  	[tilespmem:s19+$0x20] =	vst v0  }
0xd0: {  	[tilespmem:s19+$0x10] =	vst v0  }
0xd1: {  	[tilespmem:s19+$0x0] =	vst v0  }
0xd2: {  	[tilespmem:s19+$0xFFFFFFF0] =	vst v0  }
0xd3: {  	s20 =	simm.s32 $0x0;
	[tilespmem:s19+$0xFFFFFFE0] =	vst v0  }
.LBB2_7:
0xd4: {  	s20 =	sadd.s32 $0x8, s20;
	[tilespmem:s19+$0xFFFFFFD0] =	vst v0;
	s19 =	sadd.s32 $0x80, s19  }
0xd5: {  	[tilespmem:s19+$0xFFFFFFC0] =	vst v0;
	p0 =	slt.u32 s20, $0x278  }
0xd6: {  	[tilespmem:s19+$0x30] =	vst v0  }
.Ltmp2:
0xd7: {  	[tilespmem:s19+$0x20] =	vst v0;
	(pc) =	sbr.rel @p0 .LBB2_7-.Ltmp2, $4  }
0xd8: {  	[tilespmem:s19+$0x10] =	vst v0  }
0xd9: {  	[tilespmem:s19+$0x0] =	vst v0  }
0xda: {  	[tilespmem:s19+$0xFFFFFFF0] =	vst v0  }
0xdb: {  	[tilespmem:s19+$0xFFFFFFE0] =	vst v0  }
0xdc: {  	[tilespmem:s19+$0xFFFFFFD0] =	vst v0  }
0xdd: {  	v1 =	vld [tilespmem:$0x140F0]  }
0xde: {  	v2 =	vld [tilespmem:$0x14100]  }
0xdf: {  	v3 =	vld [tilespmem:$0x14110]  }
0xe0: {  	v4 =	vld [tilespmem:$0x14120]  }
0xe1: {  	v5 =	vld [tilespmem:$0x14130]  }
0xe2: {  	p0 =	seq.s32 s17, $0x3D;
	[tilespmem:$0x1E190] =	vst v1  }
.Ltmp3:
0xe3: {  	[tilespmem:$0x1E1A0] =	vst v2;
	(pc) =	sbr.rel @p0 .LBB2_10-.Ltmp3, $4  }
0xe4: {  	[tilespmem:$0x1E1B0] =	vst v3  }
0xe5: {  	[tilespmem:$0x1E1C0] =	vst v4  }
0xe6: {  	[tilespmem:$0x1E1D0] =	vst v5  }
0xe7: {  	[spmem:s2] =	stream.indirect.scatter.add.f32 [tilespmem:s13], [sflag:$0x6], $0x80, s15, s4, $0xb8;
	[tilespmem:$0x1E1E0] =	vst v63  }
.Ltmp4:
0xe8: {  	s18 =	sadd.s32 s18, s29;
	(pc) =	sbr.rel .LBB2_4-.Ltmp4, $3  }
0xe9: {  	s18 =	smul.u32 $0xA, s18;
	_ =	sdelay $0x1  }
0xea: {  	s17 =	sadd.s32 $0x1, s17;
	s18 =	sadd.s32 s6, s18  }
0xeb: {  	[tilespmem:s10], [sflag:$0x2] =	stream.strided.gather [hbm4b:s18+s4], $0xA0, s7, s4, $0x38;
	[tilespmem:$0x1E1E0] =	vst v63  }
.LBB2_10:
0xec: {  	_ =	swait.ge [sflag:s23], $0x2800  }
0xed: {  	[sflag:s23] =	ssyncset.done $0x0  }
0xee: {  	[sflag:s23] =	ssyncadd.s32 $0xFFFFD800  }
0xef: {  	_ =	swait.ge [sflag:s23], $0x2800  }
0xf0: {  	[sflag:s23] =	ssyncset.done $0x0  }
0xf1: {  	s17 =	simm.s32 $0x14180;
	[sflag:s23] =	ssyncadd.s32 $0xFFFFD800  }
0xf2: {  	[tilespmem:s17+$0xFFFFFFC0] =	vst v0  }
0xf3: {  	[tilespmem:s17+$0x30] =	vst v0  }
0xf4: {  	[tilespmem:s17+$0x20] =	vst v0  }
0xf5: {  	[tilespmem:s17+$0x10] =	vst v0  }
0xf6: {  	[tilespmem:s17+$0x0] =	vst v0  }
0xf7: {  	[tilespmem:s17+$0xFFFFFFF0] =	vst v0  }
0xf8: {  	s18 =	simm.s32 $0x0;
	[tilespmem:s17+$0xFFFFFFE0] =	vst v0  }
.LBB2_11:
0xf9: {  	s18 =	sadd.s32 $0x8, s18;
	[tilespmem:s17+$0xFFFFFFD0] =	vst v0;
	s17 =	sadd.s32 $0x80, s17  }
0xfa: {  	[tilespmem:s17+$0xFFFFFFC0] =	vst v0;
	p0 =	slt.u32 s18, $0x278  }
0xfb: {  	[tilespmem:s17+$0x30] =	vst v0  }
.Ltmp5:
0xfc: {  	[tilespmem:s17+$0x20] =	vst v0;
	(pc) =	sbr.rel @p0 .LBB2_11-.Ltmp5, $4  }
0xfd: {  	[tilespmem:s17+$0x10] =	vst v0  }
0xfe: {  	[tilespmem:s17+$0x0] =	vst v0  }
0xff: {  	[tilespmem:s17+$0xFFFFFFF0] =	vst v0  }
0x100: {  	[tilespmem:s17+$0xFFFFFFE0] =	vst v0  }
0x101: {  	[tilespmem:s17+$0xFFFFFFD0] =	vst v0  }
0x102: {  	v1 =	vld [tilespmem:$0x14050]  }
0x103: {  	v2 =	vld [tilespmem:$0x14060]  }
0x104: {  	v3 =	vld [tilespmem:$0x14070]  }
0x105: {  	v4 =	vld [tilespmem:$0x14080]  }
0x106: {  	v5 =	vld [tilespmem:$0x14090]  }
0x107: {  	[tilespmem:$0x1E140] =	vst v1  }
0x108: {  	[tilespmem:$0x1E150] =	vst v2  }
0x109: {  	[tilespmem:$0x1E160] =	vst v3  }
0x10a: {  	[tilespmem:$0x1E170] =	vst v4  }
0x10b: {  	[tilespmem:$0x1E180] =	vst v5  }
0x10c: {  	[spmem:s2] =	stream.indirect.scatter.add.f32 [tilespmem:s31], [sflag:$0x7], $0x80, s24, s4, $0xb8;
	[tilespmem:$0x1E1E0] =	vst v63  }
0x10d: {  	_ =	swait.ge [sflag:s0], $0x2800  }
0x10e: {  	[sflag:s0] =	ssyncset.done $0x0  }
0x10f: {  	s19 =	simm.s32 $0x6;
	[sflag:s0] =	ssyncadd.s32 $0xFFFFD800  }
0x110: {  	_ =	swait.ge [sflag:s19], $0x2800  }
0x111: {  	[sflag:s19] =	ssyncset.done $0x0  }
0x112: {  	[sflag:s19] =	ssyncadd.s32 $0xFFFFD800  }
0x113: {  	[bflag:$0x0] =	sbarrier.arrive $0xFFFF  }
0x114: {  	[tilespmem:s31], [sflag:$0x7] =	stream.linear.gather [spmem:s21], $0x2800, $0x38;
	[tilespmem:$0x1E1E0] =	vst v63  }
0x115: {  	_ =	swait.ge [sflag:s0], $0x2800  }
0x116: {  	[sflag:s0] =	ssyncset.done $0x0  }
0x117: {  	s20 =	rddreg [dreg:$0x4];
	[sflag:s0] =	ssyncadd.s32 $0xFFFFD800  }
0x118: {  	[hbm4b:s20+s3] =	stream.linear.scatter [tilespmem:s31], [sflag:$0x7], $0x2800, $0x38;
	[tilespmem:$0x1E1E0] =	vst v63  }
0x119: {  	_ =	swait.ge [sflag:s0], $0x2800  }
0x11a: {  	[sflag:s0] =	ssyncset.done $0x0  }
0x11b: {  	[sflag:s0] =	ssyncadd.s32 $0xFFFFD800  }
0x11c: {  	[tilespmem:s31], [sflag:$0x7] =	stream.linear.gather [spmem:s22], $0x2800, $0x38;
	[tilespmem:$0x1E1E0] =	vst v63  }
0x11d: {  	_ =	swait.ge [sflag:s0], $0x2800  }
0x11e: {  	[sflag:s0] =	ssyncset.done $0x0  }
0x11f: {  	s19 =	smov.u32 s21;
	s21 =	rddreg [dreg:$0x5];
	[sflag:s0] =	ssyncadd.s32 $0xFFFFD800  }
0x120: {  	[hbm4b:s21+s3] =	stream.linear.scatter [tilespmem:s31], [sflag:$0x7], $0x2800, $0x38;
	[tilespmem:$0x1E1E0] =	vst v63  }
0x121: {  	_ =	swait.ge [sflag:s0], $0x2800  }
0x122: {  	[sflag:s0] =	ssyncset.done $0x0  }
0x123: {  	s20 =	smov.u32 s22;
	s22 =	rddreg [dreg:$0xc];
	[sflag:s0] =	ssyncadd.s32 $0xFFFFD800  }
0x124: {  	[tilespmem:s31], [sflag:$0x7] =	stream.linear.gather [spmem:s22], $0x2800, $0x38;
	[tilespmem:$0x1E1E0] =	vst v63  }
0x125: {  	_ =	swait.ge [sflag:s0], $0x2800  }
0x126: {  	[sflag:s0] =	ssyncset.done $0x0  }
0x127: {  	s18 =	rddreg [dreg:$0x6];
	[sflag:s0] =	ssyncadd.s32 $0xFFFFD800  }
0x128: {  	[hbm4b:s18+s3] =	stream.linear.scatter [tilespmem:s31], [sflag:$0x7], $0x2800, $0x38;
	[tilespmem:$0x1E1E0] =	vst v63  }
0x129: {  	_ =	swait.ge [sflag:s0], $0x2800  }
0x12a: {  	[sflag:s0] =	ssyncset.done $0x0  }
0x12b: {  	s21 =	rddreg [dreg:$0xd];
	[sflag:s0] =	ssyncadd.s32 $0xFFFFD800  }
0x12c: {  	[tilespmem:s31], [sflag:$0x7] =	stream.linear.gather [spmem:s21], $0x2800, $0x38;
	[tilespmem:$0x1E1E0] =	vst v63  }
0x12d: {  	_ =	swait.ge [sflag:s0], $0x2800  }
0x12e: {  	[sflag:s0] =	ssyncset.done $0x0  }
0x12f: {  	s22 =	rddreg [dreg:$0x7];
	[sflag:s0] =	ssyncadd.s32 $0xFFFFD800  }
0x130: {  	[hbm4b:s22+s3] =	stream.linear.scatter [tilespmem:s31], [sflag:$0x7], $0x2800, $0x38;
	[tilespmem:$0x1E1E0] =	vst v63  }
0x131: {  	_ =	swait.ge [sflag:s0], $0x2800  }
0x132: {  	[sflag:s0] =	ssyncset.done $0x0  }
0x133: {  	s18 =	rddreg [dreg:$0xe];
	[sflag:s0] =	ssyncadd.s32 $0xFFFFD800  }
0x134: {  	[tilespmem:s31], [sflag:$0x7] =	stream.linear.gather [spmem:s18], $0x2800, $0x38;
	[tilespmem:$0x1E1E0] =	vst v63  }
0x135: {  	_ =	swait.ge [sflag:s0], $0x2800  }
0x136: {  	[sflag:s0] =	ssyncset.done $0x0  }
0x137: {  	s21 =	rddreg [dreg:$0x8];
	[sflag:s0] =	ssyncadd.s32 $0xFFFFD800  }
0x138: {  	[hbm4b:s21+s3] =	stream.linear.scatter [tilespmem:s31], [sflag:$0x7], $0x2800, $0x38;
	[tilespmem:$0x1E1E0] =	vst v63  }
0x139: {  	_ =	swait.ge [sflag:s0], $0x2800  }
0x13a: {  	[sflag:s0] =	ssyncset.done $0x0  }
0x13b: {  	s22 =	rddreg [dreg:$0xf];
	[sflag:s0] =	ssyncadd.s32 $0xFFFFD800  }
0x13c: {  	[tilespmem:s31], [sflag:$0x7] =	stream.linear.gather [spmem:s22], $0x2800, $0x38;
	[tilespmem:$0x1E1E0] =	vst v63  }
0x13d: {  	_ =	swait.ge [sflag:s0], $0x2800  }
0x13e: {  	[sflag:s0] =	ssyncset.done $0x0  }
0x13f: {  	s18 =	rddreg [dreg:$0x9];
	[sflag:s0] =	ssyncadd.s32 $0xFFFFD800  }
0x140: {  	[hbm4b:s18+s3] =	stream.linear.scatter [tilespmem:s31], [sflag:$0x7], $0x2800, $0x38;
	[tilespmem:$0x1E1E0] =	vst v63  }
0x141: {  	_ =	swait.ge [sflag:s0], $0x2800  }
0x142: {  	[sflag:s0] =	ssyncset.done $0x0  }
0x143: {  	s21 =	rddreg [dreg:$0x10];
	[sflag:s0] =	ssyncadd.s32 $0xFFFFD800  }
0x144: {  	[tilespmem:s31], [sflag:$0x7] =	stream.linear.gather [spmem:s21], $0x2800, $0x38;
	[tilespmem:$0x1E1E0] =	vst v63  }
0x145: {  	_ =	swait.ge [sflag:s0], $0x2800  }
0x146: {  	[sflag:s0] =	ssyncset.done $0x0  }
0x147: {  	s22 =	rddreg [dreg:$0xa];
	[sflag:s0] =	ssyncadd.s32 $0xFFFFD800  }
0x148: {  	[hbm4b:s22+s3] =	stream.linear.scatter [tilespmem:s31], [sflag:$0x7], $0x2800, $0x38;
	[tilespmem:$0x1E1E0] =	vst v63  }
0x149: {  	_ =	swait.ge [sflag:s0], $0x2800  }
0x14a: {  	[sflag:s0] =	ssyncset.done $0x0  }
0x14b: {  	s18 =	rddreg [dreg:$0x11];
	[sflag:s0] =	ssyncadd.s32 $0xFFFFD800  }
0x14c: {  	[tilespmem:s31], [sflag:$0x7] =	stream.linear.gather [spmem:s18], $0x2800, $0x38;
	[tilespmem:$0x1E1E0] =	vst v63  }
0x14d: {  	_ =	swait.ge [sflag:s0], $0x2800  }
0x14e: {  	[sflag:s0] =	ssyncset.done $0x0  }
0x14f: {  	s21 =	rddreg [dreg:$0xb];
	[sflag:s0] =	ssyncadd.s32 $0xFFFFD800  }
0x150: {  	[hbm4b:s21+s3] =	stream.linear.scatter [tilespmem:s31], [sflag:$0x7], $0x2800, $0x38;
	[tilespmem:$0x1E1E0] =	vst v63  }
0x151: {  	_ =	swait.ge [sflag:s0], $0x2800  }
0x152: {  	s16 =	sadd.s32 $0x1, s16;
	s22 =	rddreg [dreg:$0x15]  }
0x153: {  	p0 =	sne.s32 s16, s22  }
.Ltmp6:
0x154: {  	_ = 	snop;
	(pc) =	sbr.rel @p0 .LBB2_1-.Ltmp6, $3  }
0x155: {  	_ =	sdelay $0x1  }
0x156: {  	[sflag:s0] =	ssyncset.done $0x0  }
0x157: {  	[sflag:s0] =	ssyncadd.s32 $0xFFFFD800  }
0x158: {  	_ =	sfence.sel $0x180000  }
0x159: {  	[bflag:$0x0] =	sbarrier.arrive $0xFFFF  }
0x15a: {  	_ =	strace $0x9000004A  }
0x15b: {  	s0 =	stileid.u32;
	[bflag:$0x2] =	sbarrier.arrive $0xFFFF  }
0x15c: {  	p0 =	sne.s32 s0, $0x0;
	s0 =	rddreg [dreg:$0x3]  }
0x15d: {  	s0 =	sadd.s32 @!p0 $0x100000, s0  }
0x15e: {  	[sflag:s0] =	ssyncadd.tile.s32 @!p0 $0x1;
	_ =	shalt  }
.Lfunc_end2:
_tile_overlayer_lowered:
.L_overlay_start_2:
0x15f: {  	(tag) =	ssettag $0x2  }
0x160: {  	s0 =	rddreg [dreg:$0x0];
	s2 =	stileid.u32  }
0x161: {  	s1 =	rddreg [dreg:$0x1];
	p0 =	sne.s32 s2, $0x0  }
0x162: {  	s3 =	rddreg [dreg:$0x2];
	[bflag:$0x3] =	sbarrier.arrive $0xFFFF;
	s2 =	simm.s32 @!p0 $0x1C07  }
0x163: {  	[timem:s3], [sflag:s2] =	dma.local @!p0 [hbm:s0], s1  }
0x164: {  	s0 =	simm.s32 @!p0 $0x7  }
0x165: {  	_ =	swait.ge @!p0 [sflag:s0], s1  }
0x166: {  	s1 =	ssub.s32 @!p0 $0x0, s1;
	[sflag:s0] =	ssyncset.done @!p0 $0x0  }
0x167: {  	[sflag:s0] =	ssyncadd.s32 @!p0 s1  }
0x168: {  	[bflag:$0x3] =	sbarrier.arrive $0xFFFF  }
0x169: {  	_ =	shalt  }

// kernel: kernel.8.cloned.1.call-start
scs
__scs_entry_jumppad:
0x0: {  	(pc) =	sbr.rel $0x88, $3  }
0x1: {  	(tag) =	ssettag $0x0;
	lr =	simm.s32 $0x1  }
0x2: {  	[smem:$0x3F8C] =	sst lr;
	_ =	strace $0xD0000000  }
0x3: {  	_ = 	snop  }
0x4: {  	_ = 	snop  }
0x5: {  	_ = 	snop  }
0x6: {  	_ = 	snop  }
0x7: {  	_ = 	snop  }
__scs_overlays_trampoline_lowered:
0x8: {  	[smem:$0x3F9B] =	sst s0  }
0x9: {  	[smem:$0x3F9C] =	sst s1  }
0xa: {  	[smem:$0x3F9D] =	sst s2  }
0xb: {  	[smem:$0x3F9E] =	sst s3  }
0xc: {  	[smem:$0x3F9F] =	sst s4  }
0xd: {  	[smem:$0x3FA0] =	sst s5  }
0xe: {  	[smem:$0x3FA1] =	sst s6  }
0xf: {  	[smem:$0x3FA2] =	sst s7  }
0x10: {  	[smem:$0x3FA3] =	sst s8  }
0x11: {  	[smem:$0x3FA4] =	sst s9;
	s0 =	simm.s32 @!p0 $0x0  }
0x12: {  	s1 =	sld [smem:$0x3F8A];
	s0 =	simm.s32 @p0 $0x1  }
0x13: {  	[smem:$0x3FA5] =	sst s0;
	s0 =	simm.s32 @!p1 $0x0  }
0x14: {  	s2 =	sld [smem:$0x3F89];
	s0 =	simm.s32 @p1 $0x1  }
0x15: {  	[smem:$0x3FA6] =	sst s0;
	s0 =	simm.s32 @!p2 $0x0  }
0x16: {  	s3 =	sld [smem:$0x3FDB];
	s0 =	simm.s32 @p2 $0x1  }
0x17: {  	s4 =	simm.s32 $0x1BF5;
	[smem:$0x3FA8] =	sst s0  }
0x18: {  	s0 =	sld [smem:$0x3F8B];
	_ =	swait.ge [sflag:s4], $0x0  }
0x19: {  	s7 =	sld [smem:$0x3F8C]  }
0x1a: {  	s8 =	sadd.s32 $0xFFFFE003, lr  }
0x1b: {  	s9 =	sadd.s32 $0xFFFFFEF7, lr;
	s5 =	simm.s32 $0xFFFFFFFF;
	p2 =	slt.u32 s8, $0xFFFFF086  }
0x1c: {  	p1 =	slt.u32 s9, $0xF7A;
	s5 =	simm.s32 @!p2 $0x0  }
0x1d: {  	s5 =	simm.s32 @p1 $0x1;
	p0 =	seq.s32 s7, s2  }
0x1e: {  	s7 =	smul.u32 @!p0 $0xF7A, s2;
	p2 =	seq.s32 @!p0 s5, $0x0  }
0x1f: {  	s9 =	smul.u32 $0xF7A, s1;
	s8 =	simm.s32 @!p0 $0x1BF5;
	p2 =	por !p2, p0  }
0x20: {  	[sflag:s8] =	ssyncset.s32 @!p0 $0xFFFFF086;
	s6 =	sadd.s32 @!p0 s3, s7;
	s7 =	simm.s32 @!p0 $0x108  }
0x21: {  	s3 =	sadd.s32 s3, s9;
	s6 =	sadd.s32 @!p0 $0x88, s6;
	s7 =	simm.s32 @p2 $0x1082  }
0x22: {  	[simem:s7], [sflag:s8] =	dma.local @!p0 [hbm:s6], $0xF7A  }
0x23: {  	s9 =	sor.u32 $0xD0000000, s2;
	s6 =	simm.s32 $0x108;
	_ =	swait.ge @!p0 [sflag:s8], $0x0  }
0x24: {  	s3 =	sadd.s32 $0x88, s3;
	s6 =	simm.s32 @!p1 $0x1082;
	[sflag:s4] =	ssyncset.s32 $0xFFFFF086  }
0x25: {  	[simem:s6], [sflag:s4] =	dma.local [hbm:s3], $0xF7A  }
0x26: {  	[smem:$0x3F8C] =	sst s1;
	(tag) =	ssettag s2;
	_ =	strace s9  }
0x27: {  	s1 =	sld [smem:$0x3F9C]  }
0x28: {  	s2 =	sld [smem:$0x3F9D]  }
0x29: {  	s4 =	sld [smem:$0x3F9F]  }
0x2a: {  	p0 =	seq.s32 s5, $0x0;
	s5 =	sld [smem:$0x3FA0]  }
0x2b: {  	s6 =	sld [smem:$0x3FA1]  }
0x2c: {  	s7 =	sld [smem:$0x3FA2]  }
0x2d: {  	s3 =	simm.s32 $0x108;
	s8 =	sld [smem:$0x3FA3]  }
0x2e: {  	s3 =	simm.s32 @!p0 $0x1082;
	s9 =	sld [smem:$0x3FA4]  }
0x2f: {  	lr =	sadd.s32 s0, s3;
	s0 =	sld [smem:$0x3F9B]  }
0x30: {  	s3 =	sld [smem:$0x3F9E]  }
0x31: {  	[smem:$0x3FA7] =	sst s10  }
0x32: {  	s10 =	sld [smem:$0x3FA5];
	_ =	sdelay $0x3  }
0x33: {  	p0 =	seq.s32 s10, $0x1;
	s10 =	sld [smem:$0x3FA7];
	_ =	sdelay $0x3  }
0x34: {  	[smem:$0x3FA7] =	sst s10  }
0x35: {  	s10 =	sld [smem:$0x3FA6];
	_ =	sdelay $0x3  }
0x36: {  	p1 =	seq.s32 s10, $0x1;
	s10 =	sld [smem:$0x3FA7];
	_ =	sdelay $0x3  }
0x37: {  	[smem:$0x3FA7] =	sst s10  }
0x38: {  	s10 =	sld [smem:$0x3FA8]  }
0x39: {  	_ = 	snop;
	(pc) =	sbr.ind lr, $3  }
0x3a: {  	_ = 	snop  }
0x3b: {  	_ = 	snop  }
0x3c: {  	p2 =	seq.s32 s10, $0x1;
	s10 =	sld [smem:$0x3FA7]  }
0x3d: {  	_ =	shalt  }
0x3e: {  	_ =	shalt  }
0x3f: {  	_ =	shalt  }
0x40: {  	_ =	shalt  }
0x41: {  	_ =	shalt  }
0x42: {  	_ =	shalt  }
0x43: {  	_ =	shalt  }
0x44: {  	_ =	shalt  }
0x45: {  	_ =	shalt  }
0x46: {  	_ =	shalt  }
0x47: {  	_ =	shalt  }
0x48: {  	_ =	shalt  }
0x49: {  	_ =	shalt  }
0x4a: {  	_ =	shalt  }
0x4b: {  	_ =	shalt  }
0x4c: {  	_ =	shalt  }
0x4d: {  	_ =	shalt  }
0x4e: {  	_ =	shalt  }
0x4f: {  	_ =	shalt  }
0x50: {  	_ =	shalt  }
0x51: {  	_ =	shalt  }
0x52: {  	_ =	shalt  }
0x53: {  	_ =	shalt  }
0x54: {  	_ =	shalt  }
0x55: {  	_ =	shalt  }
0x56: {  	_ =	shalt  }
0x57: {  	_ =	shalt  }
0x58: {  	_ =	shalt  }
0x59: {  	_ =	shalt  }
0x5a: {  	_ =	shalt  }
0x5b: {  	_ =	shalt  }
0x5c: {  	_ =	shalt  }
0x5d: {  	_ =	shalt  }
0x5e: {  	_ =	shalt  }
0x5f: {  	_ =	shalt  }
0x60: {  	_ =	shalt  }
0x61: {  	_ =	shalt  }
0x62: {  	_ =	shalt  }
0x63: {  	_ =	shalt  }
0x64: {  	_ =	shalt  }
0x65: {  	_ =	shalt  }
0x66: {  	_ =	shalt  }
0x67: {  	_ =	shalt  }
0x68: {  	_ =	shalt  }
0x69: {  	_ =	shalt  }
0x6a: {  	_ =	shalt  }
0x6b: {  	_ =	shalt  }
0x6c: {  	_ =	shalt  }
0x6d: {  	_ =	shalt  }
0x6e: {  	_ =	shalt  }
0x6f: {  	_ =	shalt  }
0x70: {  	_ =	shalt  }
0x71: {  	_ =	shalt  }
0x72: {  	_ =	shalt  }
0x73: {  	_ =	shalt  }
0x74: {  	_ =	shalt  }
0x75: {  	_ =	shalt  }
0x76: {  	_ =	shalt  }
0x77: {  	_ =	shalt  }
0x78: {  	_ =	shalt  }
0x79: {  	_ =	shalt  }
0x7a: {  	_ =	shalt  }
0x7b: {  	_ =	shalt  }
0x7c: {  	_ =	shalt  }
0x7d: {  	_ =	shalt  }
0x7e: {  	_ =	shalt  }
0x7f: {  	_ =	shalt  }
0x80: {  	_ =	shalt  }
0x81: {  	_ =	shalt  }
0x82: {  	_ =	shalt  }
0x83: {  	_ =	shalt  }
0x84: {  	_ =	shalt  }
0x85: {  	_ =	shalt  }
0x86: {  	_ =	shalt  }
0x87: {  	_ =	shalt  }
.Lfunc_end0:
.L_simem_size_0:
called_computation_lowered:
.L_overlay_start_0:
0x88: {  	s2 =	sld [smem:$0x3FD9]  }
0x89: {  	s3 =	sld [smem:$0x3FFE];
	_ =	sdelay $0x1  }
0x8a: {  	s1 =	srdreg.scid  }
0x8b: {  	s0 =	sand.u32 $0x1, s1  }
0x8c: {  	s17 =	sshll.u32 s0, $0xA;
	s2 =	sadd.s32 s3, s2  }
0x8d: {  	s2 =	sadd.s32 s2, s17  }
0x8e: {  	[smem:$0x3FB3] =	sst s2  }
0x8f: {  	_ = 	snop  }
0x90: {  	s2 =	sld [smem:$0x3FD0];
	(tm) =	ssettm $0x1  }
0x91: {  	s18 =	sld [smem:$0x3FFB];
	_ =	sdelay $0x3  }
0x92: {  	_ =	strace s18  }
0x93: {  	s3 =	sld [smem:$0x3FFC];
	_ =	sdelay $0x3  }
0x94: {  	_ =	strace s3  }
0x95: {  	s3 =	sld [smem:$0x3FFD];
	_ =	sdelay $0x3  }
0x96: {  	_ =	strace s3  }
0x97: {  	_ =	strace $0x8FFFFFFF  }
0x98: {  	s19 =	sld [smem:$0x3FDB];
	_ =	sdelay $0x1  }
0x99: {  	s4 =	simm.s32 $_scs_section_size  }
0x9a: {  	s5 =	simm.s32 $_size__tile_overlayer_lowered;
	s6 =	simm.s32 $_tile_overlayer_lowered  }
0x9b: {  	s22 =	simm.s32 $0x1BFF;
	s21 =	sshll.u32 s6, $0x1;
	s3 =	sadd.s32 s4, s19  }
0x9c: {  	s7 =	simm.s32 $0x0;
	s20 =	sshll.u32 s5, $0x1;
	s5 =	sadd.s32 s21, s3  }
0x9d: {  	[timem:s7], [sflag:s22] =	dma.local [hbm:s5], s20  }
0x9e: {  	_ =	swait.ge [sflag:s22], s20  }
0x9f: {  	s4 =	ssub.s32 $0x0, s20;
	[sflag:s22] =	ssyncset.done $0x0  }
0xa0: {  	[sflag:s22] =	ssyncadd.s32 s4;
	_ =	sdelay $0x1  }
0xa1: {  	s23 =	simm.s32 $0x1B8B  }
0xa2: {  	_ =	swait.ge [sflag:s23], $0x1  }
0xa3: {  	[sflag:s23] =	ssyncset.done $0x0  }
0xa4: {  	s25 =	simm.s32 $0x1B8E;
	s24 =	sld [smem:$0x3FFE];
	[sflag:s23] =	ssyncadd.s32 $0xFFFFFFFF  }
0xa5: {  	s26 =	simm.s32 $execute0_lowered;
	[smem:$0x3FD2] =	sst s25  }
0xa6: {  	s5 =	sshll.u32 s26, $0x1;
	_ =	strace $0x80000046;
	[dreg:$0x1] =	wrdreg $0xFFFFFFFF  }
0xa7: {  	s28 =	simm.s32 $_size_execute0_lowered;
	s3 =	sadd.s32 s3, s5;
	[dreg:$0x0] =	wrdreg $0x0  }
0xa8: {  	s5 =	sshll.u32 s28, $0x1;
	[dreg:$0x2] =	wrdreg s3  }
0xa9: {  	[dreg:$0x3] =	wrdreg s5  }
0xaa: {  	[dreg:$0x4] =	wrdreg $0xC0  }
0xab: {  	_ =	task [dreg:s7], $0x5FFFF  }
0xac: {  	[dreg:$0x1] =	wrdreg $0xFFFFFFFF  }
0xad: {  	[dreg:$0x0] =	wrdreg $0x60  }
0xae: {  	[dreg:$0x2] =	wrdreg s2  }
0xaf: {  	[dreg:$0x3] =	wrdreg s24  }
0xb0: {  	[dreg:$0x4] =	wrdreg $0x0  }
0xb1: {  	[dreg:$0x5] =	wrdreg $0x9  }
0xb2: {  	_ =	task.clear_ibuf [dreg:s7], $0x6FFFF;
	_ =	strace $0x90000046  }
0xb3: {  	s29 =	simm.s32 $0x9;
	_ =	strace $0x80000048  }
0xb4: {  	_ =	swait.ge [sflag:s29], $0x1  }
0xb5: {  	[sflag:s29] =	ssyncadd.s32 $0xFFFFFFFF  }
0xb6: {  	_ =	strace $0x90000048  }
0xb7: {  	_ =	sfence  }
0xb8: {  	s30 =	sld [smem:$0x0];
	_ =	sdelay $0x2  }
0xb9: {  	s31 =	sshll.u32 s1, $0xD;
	s1 =	sshrl.u32 s1, $0x2  }
0xba: {  	s3 =	sand.u32 $0x4000, s31;
	s1 =	sadd.s32 s1, s30  }
0xbb: {  	s0 =	sor.u32 s3, s0;
	s1 =	sshll.u32 s1, $0x11  }
0xbc: {  	s0 =	sor.u32 s1, s0  }
0xbd: {  	s0 =	sadd.s32 $0x8F2B, s0  }
0xbe: {  	[sflag:s0] =	ssyncadd.remote.s32 $0x1  }
0xbf: {  	_ =	sfence.sel $0xFFFF  }
0xc0: {  	[dreg:$0x0] =	wrdreg $0xFFFFFFFF;
	(pc) =	sbr.abs _section_cstart, $3  }
0xc1: {  	[dreg:$0x1] =	wrdreg $0xFFFFFFFF  }
0xc2: {  	_ =	task.clear_ibuf [dreg:s7], $0x2FFFF;
	_ =	strace $0x9FFFFFFF  }
0xc3: {  	(tm) =	ssettm $0x7FFFFFFF  }
tec
execute0_lowered:
.L_overlay_start_1:
0x0: {  	(tag) =	ssettag $0x1  }
0x1: {  	s1 =	rddreg [dreg:$0x0]  }
0x2: {  	s0 =	rddreg [dreg:$0x1]  }
0x3: {  	s2 =	rddreg [dreg:$0x2];
	s3 =	simm.s32 $0x0  }
0x4: {  	s4 =	srdreg.scid;
	s10 =	stileid.u32;
	s31 =	simm.s32 $0x14140  }
0x5: {  	s30 =	simm.s32 $0x4;
	[smem:$0x7FF] =	sst s3;
	s5 =	sadd.s32 $0x4F9C00, s0  }
0x6: {  	s4 =	sand.u32 $0x1, s4;
	s6 =	sadd.s32 $0x4E6200, s0;
	s9 =	smul.u32 $0x14000, s10  }
0x7: {  	s0 =	sadd.s32 $0x4200, s0;
	_ =	strace $0x80000047;
	s7 =	ssub.s32 $0x2, s4  }
0x8: {  	s23 =	sshll.u32 s4, $0x4;
	s4 =	smul.u32 $0x140000, s4;
	s8 =	sshrl.u32 s7, $0x1  }
0x9: {  	s11 =	sadd.s32 $0x5000, s9;
	s12 =	sadd.s32 $0x7800, s9;
	s13 =	sadd.s32 $0xA000, s9  }
0xa: {  	s14 =	sadd.s32 $0xC800, s9;
	s17 =	sadd.s32 $0xF000, s9;
	s18 =	sadd.s32 $0x11800, s9  }
0xb: {  	s7 =	ssub.s32 s7, s8;
	s8 =	sor.u32 s10, s23;
	s10 =	sor.u32 $0x2800, s9  }
0xc: {  	s15 =	sadd.s32 s9, s4;
	s25 =	sadd.s32 s4, s11;
	s26 =	sadd.s32 s4, s12  }
0xd: {  	s19 =	sadd.s32 s4, s13;
	s22 =	sadd.s32 s4, s14;
	s23 =	sadd.s32 s4, s17  }
0xe: {  	s16 =	sadd.s32 s4, s10;
	s15 =	sshrl.u32 s15, $0x3;
	s19 =	sshrl.u32 s19, $0x3  }
0xf: {  	s4 =	sadd.s32 s4, s18;
	s16 =	sshrl.u32 s16, $0x3;
	s15 =	sadd.s32 s0, s15  }
0x10: {  	s21 =	sadd.s32 s0, s19;
	s4 =	sshrl.u32 s4, $0x3;
	s19 =	sadd.s32 s9, s2  }
0x11: {  	[dreg:$0x4] =	wrdreg s15;
	s24 =	sadd.s32 s0, s16;
	s15 =	sshrl.u32 s25, $0x3  }
0x12: {  	s16 =	sshrl.u32 s26, $0x3;
	[dreg:$0x8] =	wrdreg s21;
	s25 =	smul.u32 $0x7D, s8  }
0x13: {  	s21 =	smul.u32 $0x4E2, s8;
	[dreg:$0x5] =	wrdreg s24;
	s15 =	sadd.s32 s0, s15  }
0x14: {  	s20 =	sadd.s32 s0, s16;
	s16 =	sshrl.u32 s23, $0x3;
	[dreg:$0x6] =	wrdreg s15  }
0x15: {  	s23 =	sadd.s32 s18, s2;
	[dreg:$0x7] =	wrdreg s20;
	s15 =	sshrl.u32 s22, $0x3  }
0x16: {  	s24 =	sadd.s32 s0, s16;
	s20 =	sadd.s32 s10, s2;
	s10 =	sadd.s32 s11, s2  }
0x17: {  	s11 =	sadd.s32 s12, s2;
	s12 =	smul.u32 $0x2710, s8;
	[dreg:$0x11] =	wrdreg s23  }
0x18: {  	s16 =	sadd.s32 s14, s2;
	s22 =	sadd.s32 s17, s2;
	[dreg:$0xa] =	wrdreg s24  }
0x19: {  	s8 =	smul.u32 $0x27100, s8;
	s9 =	sadd.s32 s6, s21;
	[dreg:$0xc] =	wrdreg s10  }
0x1a: {  	s26 =	sadd.s32 $0x1, s25;
	s28 =	sadd.s32 $0x2, s25;
	[dreg:$0xd] =	wrdreg s11  }
0x1b: {  	s29 =	sadd.s32 $0x3, s25;
	s25 =	smax.u32 s7, $0x1;
	[dreg:$0xf] =	wrdreg s16  }
0x1c: {  	s7 =	simm.s32 $0x4E200;
	s14 =	simm.s32 $0x1B940;
	[dreg:$0x10] =	wrdreg s22  }
0x1d: {  	s23 =	simm.s32 $0x3;
	s15 =	sadd.s32 s0, s15;
	[dreg:$0x12] =	wrdreg s9  }
0x1e: {  	s0 =	sadd.s32 s0, s4;
	[dreg:$0x15] =	wrdreg s25;
	s9 =	simm.s32 $0x1  }
0x1f: {  	s10 =	simm.s32 $0x140A0;
	s11 =	simm.s32 $0x19140;
	[dreg:$0x9] =	wrdreg s15  }
0x20: {  	s25 =	simm.s32 $0x5;
	s16 =	simm.s32 $0x0;
	[dreg:$0xb] =	wrdreg s0  }
0x21: {  	s15 =	sadd.s32 s13, s2;
	s4 =	sshrl.u32 s12, $0x3;
	s24 =	sadd.s32 s5, s8  }
0x22: {  	s0 =	simm.s32 $0x7;
	s8 =	simm.s32 $0x14000;
	s12 =	simm.s32 $0x2  }
0x23: {  	s13 =	simm.s32 $0x16940;
	[dreg:$0xe] =	wrdreg s15;
	s4 =	sadd.s32 s6, s4  }
0x24: {  	[dreg:$0x14] =	wrdreg s24;
	s24 =	simm.s32 $0x1E140;
	s4 =	sadd.s32 $0xA, s4  }
0x25: {  	v0 =	vimm.f32 $0.0e+00;
	s15 =	simm.s32 $0x1E190;
	[dreg:$0x13] =	wrdreg s4;
	s4 =	simm.s32 $0x50  }
.LBB2_1:
0x26: {  	s17 =	simm.s32 $0x14240  }
0x27: {  	[tilespmem:s17+$0xFFFFFF00] =	vst v0  }
0x28: {  	[tilespmem:s17+$0xF0] =	vst v0  }
0x29: {  	[tilespmem:s17+$0xE0] =	vst v0  }
0x2a: {  	[tilespmem:s17+$0xD0] =	vst v0  }
0x2b: {  	[tilespmem:s17+$0xC0] =	vst v0  }
0x2c: {  	[tilespmem:s17+$0xB0] =	vst v0  }
0x2d: {  	[tilespmem:s17+$0xA0] =	vst v0  }
0x2e: {  	[tilespmem:s17+$0x90] =	vst v0  }
0x2f: {  	[tilespmem:s17+$0x80] =	vst v0  }
0x30: {  	[tilespmem:s17+$0x70] =	vst v0  }
0x31: {  	[tilespmem:s17+$0x60] =	vst v0  }
0x32: {  	[tilespmem:s17+$0x50] =	vst v0  }
0x33: {  	[tilespmem:s17+$0x40] =	vst v0  }
0x34: {  	[tilespmem:s17+$0x30] =	vst v0  }
0x35: {  	[tilespmem:s17+$0x20] =	vst v0  }
0x36: {  	[tilespmem:s17+$0x10] =	vst v0  }
0x37: {  	[tilespmem:s17+$0x0] =	vst v0  }
0x38: {  	[tilespmem:s17+$0xFFFFFFF0] =	vst v0  }
0x39: {  	[tilespmem:s17+$0xFFFFFFE0] =	vst v0  }
0x3a: {  	[tilespmem:s17+$0xFFFFFFD0] =	vst v0  }
0x3b: {  	[tilespmem:s17+$0xFFFFFFC0] =	vst v0  }
0x3c: {  	[tilespmem:s17+$0xFFFFFFB0] =	vst v0  }
0x3d: {  	[tilespmem:s17+$0xFFFFFFA0] =	vst v0  }
0x3e: {  	[tilespmem:s17+$0xFFFFFF90] =	vst v0  }
0x3f: {  	[tilespmem:s17+$0xFFFFFF80] =	vst v0  }
0x40: {  	[tilespmem:s17+$0xFFFFFF70] =	vst v0  }
0x41: {  	[tilespmem:s17+$0xFFFFFF60] =	vst v0  }
0x42: {  	[tilespmem:s17+$0xFFFFFF50] =	vst v0  }
0x43: {  	[tilespmem:s17+$0xFFFFFF40] =	vst v0  }
0x44: {  	[tilespmem:s17+$0xFFFFFF30] =	vst v0  }
0x45: {  	s18 =	simm.s32 $0x0;
	[tilespmem:s17+$0xFFFFFF20] =	vst v0  }
.LBB2_2:
0x46: {  	s18 =	sadd.s32 $0x4, s18;
	[tilespmem:s17+$0xFFFFFF10] =	vst v0;
	s17 =	sadd.s32 $0x200, s17  }
0x47: {  	[tilespmem:s17+$0xFFFFFF00] =	vst v0;
	p0 =	slt.u32 s18, $0x4C  }
0x48: {  	[tilespmem:s17+$0xF0] =	vst v0  }
0x49: {  	[tilespmem:s17+$0xE0] =	vst v0  }
0x4a: {  	[tilespmem:s17+$0xD0] =	vst v0  }
0x4b: {  	[tilespmem:s17+$0xC0] =	vst v0  }
0x4c: {  	[tilespmem:s17+$0xB0] =	vst v0  }
0x4d: {  	[tilespmem:s17+$0xA0] =	vst v0  }
0x4e: {  	[tilespmem:s17+$0x90] =	vst v0  }
0x4f: {  	[tilespmem:s17+$0x80] =	vst v0  }
0x50: {  	[tilespmem:s17+$0x70] =	vst v0  }
0x51: {  	[tilespmem:s17+$0x60] =	vst v0  }
0x52: {  	[tilespmem:s17+$0x50] =	vst v0  }
0x53: {  	[tilespmem:s17+$0x40] =	vst v0  }
0x54: {  	[tilespmem:s17+$0x30] =	vst v0  }
0x55: {  	[tilespmem:s17+$0x20] =	vst v0  }
0x56: {  	[tilespmem:s17+$0x10] =	vst v0  }
0x57: {  	[tilespmem:s17+$0x0] =	vst v0  }
0x58: {  	[tilespmem:s17+$0xFFFFFFF0] =	vst v0  }
0x59: {  	[tilespmem:s17+$0xFFFFFFE0] =	vst v0  }
0x5a: {  	[tilespmem:s17+$0xFFFFFFD0] =	vst v0  }
0x5b: {  	[tilespmem:s17+$0xFFFFFFC0] =	vst v0  }
0x5c: {  	[tilespmem:s17+$0xFFFFFFB0] =	vst v0  }
0x5d: {  	[tilespmem:s17+$0xFFFFFFA0] =	vst v0  }
0x5e: {  	[tilespmem:s17+$0xFFFFFF90] =	vst v0  }
0x5f: {  	[tilespmem:s17+$0xFFFFFF80] =	vst v0  }
0x60: {  	[tilespmem:s17+$0xFFFFFF70] =	vst v0  }
.Ltmp0:
0x61: {  	[tilespmem:s17+$0xFFFFFF60] =	vst v0;
	(pc) =	sbr.rel @p0 .LBB2_2-.Ltmp0, $4  }
0x62: {  	[tilespmem:s17+$0xFFFFFF50] =	vst v0  }
0x63: {  	[tilespmem:s17+$0xFFFFFF40] =	vst v0  }
0x64: {  	[tilespmem:s17+$0xFFFFFF30] =	vst v0  }
0x65: {  	[tilespmem:s17+$0xFFFFFF20] =	vst v0  }
0x66: {  	[tilespmem:s17+$0xFFFFFF10] =	vst v0  }
0x67: {  	[spmem:s19] =	stream.linear.scatter [tilespmem:s31], [sflag:$0x7], $0x2800, $0x38;
	[tilespmem:$0x1E1E0] =	vst v63  }
0x68: {  	_ =	swait.ge [sflag:s0], $0x2800  }
0x69: {  	[sflag:s0] =	ssyncset.done $0x0  }
0x6a: {  	[sflag:s0] =	ssyncadd.s32 $0xFFFFD800  }
0x6b: {  	[spmem:s20] =	stream.linear.scatter [tilespmem:s31], [sflag:$0x7], $0x2800, $0x38;
	[tilespmem:$0x1E1E0] =	vst v63  }
0x6c: {  	_ =	swait.ge [sflag:s0], $0x2800  }
0x6d: {  	[sflag:s0] =	ssyncset.done $0x0  }
0x6e: {  	s21 =	smov.u32 s19;
	s19 =	rddreg [dreg:$0xc];
	[sflag:s0] =	ssyncadd.s32 $0xFFFFD800  }
0x6f: {  	[spmem:s19] =	stream.linear.scatter [tilespmem:s31], [sflag:$0x7], $0x2800, $0x38;
	[tilespmem:$0x1E1E0] =	vst v63  }
0x70: {  	_ =	swait.ge [sflag:s0], $0x2800  }
0x71: {  	[sflag:s0] =	ssyncset.done $0x0  }
0x72: {  	s22 =	smov.u32 s20;
	s20 =	rddreg [dreg:$0xd];
	[sflag:s0] =	ssyncadd.s32 $0xFFFFD800  }
0x73: {  	[spmem:s20] =	stream.linear.scatter [tilespmem:s31], [sflag:$0x7], $0x2800, $0x38;
	[tilespmem:$0x1E1E0] =	vst v63  }
0x74: {  	_ =	swait.ge [sflag:s0], $0x2800  }
0x75: {  	[sflag:s0] =	ssyncset.done $0x0  }
0x76: {  	s18 =	rddreg [dreg:$0xe];
	[sflag:s0] =	ssyncadd.s32 $0xFFFFD800  }
0x77: {  	[spmem:s18] =	stream.linear.scatter [tilespmem:s31], [sflag:$0x7], $0x2800, $0x38;
	[tilespmem:$0x1E1E0] =	vst v63  }
0x78: {  	_ =	swait.ge [sflag:s0], $0x2800  }
0x79: {  	[sflag:s0] =	ssyncset.done $0x0  }
0x7a: {  	s19 =	rddreg [dreg:$0xf];
	[sflag:s0] =	ssyncadd.s32 $0xFFFFD800  }
0x7b: {  	[spmem:s19] =	stream.linear.scatter [tilespmem:s31], [sflag:$0x7], $0x2800, $0x38;
	[tilespmem:$0x1E1E0] =	vst v63  }
0x7c: {  	_ =	swait.ge [sflag:s0], $0x2800  }
0x7d: {  	[sflag:s0] =	ssyncset.done $0x0  }
0x7e: {  	s20 =	rddreg [dreg:$0x10];
	[sflag:s0] =	ssyncadd.s32 $0xFFFFD800  }
0x7f: {  	[spmem:s20] =	stream.linear.scatter [tilespmem:s31], [sflag:$0x7], $0x2800, $0x38;
	[tilespmem:$0x1E1E0] =	vst v63  }
0x80: {  	_ =	swait.ge [sflag:s0], $0x2800  }
0x81: {  	[sflag:s0] =	ssyncset.done $0x0  }
0x82: {  	s18 =	rddreg [dreg:$0x11];
	[sflag:s0] =	ssyncadd.s32 $0xFFFFD800  }
0x83: {  	[spmem:s18] =	stream.linear.scatter [tilespmem:s31], [sflag:$0x7], $0x2800, $0x38;
	[tilespmem:$0x1E1E0] =	vst v63  }
0x84: {  	_ =	swait.ge [sflag:s0], $0x2800  }
0x85: {  	[sflag:s0] =	ssyncset.done $0x0  }
0x86: {  	[sflag:s0] =	ssyncadd.s32 $0xFFFFD800  }
0x87: {  	[bflag:$0x0] =	sbarrier.arrive $0xFFFF  }
0x88: {  	s19 =	rddreg [dreg:$0x12]  }
0x89: {  	[tilespmem:s8], [sflag:$0x1] =	stream.strided.gather [hbm4b:s19+s4], $0xA0, s7, s4, $0x38;
	[tilespmem:$0x1E1E0] =	vst v63  }
0x8a: {  	_ =	swait.ge [sflag:s9], $0xA0  }
0x8b: {  	[sflag:s9] =	ssyncset.done $0x0  }
0x8c: {  	s20 =	rddreg [dreg:$0x13];
	[sflag:s9] =	ssyncadd.s32 $0xFFFFFF60  }
0x8d: {  	[tilespmem:s10], [sflag:$0x2] =	stream.strided.gather [hbm4b:s20+s4], $0xA0, s7, s4, $0x38;
	[tilespmem:$0x1E1E0] =	vst v63  }
0x8e: {  	_ = 	snop  }
0x8f: {  	[tilespmem:s31], [sflag:$0x3] =	stream.indirect.gather [hbm4b:s1+s4], $0x80, s8, s4, $0xb8;
	[tilespmem:$0x1E1E0] =	vst v63  }
0x90: {  	s17 =	simm.s32 $0x0;
	s18 =	rddreg [dreg:$0x14]  }
0x91: {  	[tilespmem:s11], [sflag:$0x3] =	stream.linear.gather [hbm4b:s18+s17], $0x2800, $0x38;
	[tilespmem:$0x1E1E0] =	vst v63  }
.LBB2_4:
0x92: {  	_ =	swait.ge [sflag:s12], $0xA0  }
0x93: {  	p0 =	seq.s32 s17, $0x0;
	[sflag:s12] =	ssyncset.done $0x0  }
0x94: {  	s19 =	simm.s32 @!p0 $0x6;
	[sflag:s12] =	ssyncadd.s32 $0xFFFFFF60  }
0x95: {  	s18 =	sshll.u32 s17, $0x1;
	_ =	swait.ge @!p0 [sflag:s19], $0x2800  }
0x96: {  	s20 =	sadd.s32 s18, s26;
	[sflag:s19] =	ssyncset.done @!p0 $0x0  }
0x97: {  	s20 =	smul.u32 $0x500, s20;
	[sflag:s19] =	ssyncadd.s32 @!p0 $0xFFFFD800  }
0x98: {  	[tilespmem:s13], [sflag:$0x4] =	stream.indirect.gather [hbm4b:s1+s4], $0x80, s10, s4, $0xb8;
	[tilespmem:$0x1E1E0] =	vst v63  }
0x99: {  	s19 =	sadd.s32 s5, s20  }
0x9a: {  	[tilespmem:s14], [sflag:$0x4] =	stream.linear.gather [hbm4b:s19+s3], $0x2800, $0x38;
	[tilespmem:$0x1E1E0] =	vst v63  }
0x9b: {  	_ =	swait.ge [sflag:s23], $0x2800  }
0x9c: {  	[sflag:s23] =	ssyncset.done $0x0  }
0x9d: {  	[sflag:s23] =	ssyncadd.s32 $0xFFFFD800  }
0x9e: {  	_ =	swait.ge [sflag:s23], $0x2800  }
0x9f: {  	[sflag:s23] =	ssyncset.done $0x0  }
0xa0: {  	s19 =	simm.s32 $0x14180;
	[sflag:s23] =	ssyncadd.s32 $0xFFFFD800  }
0xa1: {  	[tilespmem:s19+$0xFFFFFFC0] =	vst v0  }
0xa2: {  	[tilespmem:s19+$0x30] =	vst v0  }
0xa3: {  	[tilespmem:s19+$0x20] =	vst v0  }
0xa4: {  	[tilespmem:s19+$0x10] =	vst v0  }
0xa5: {  	[tilespmem:s19+$0x0] =	vst v0  }
0xa6: {  	[tilespmem:s19+$0xFFFFFFF0] =	vst v0  }
0xa7: {  	s20 =	simm.s32 $0x0;
	[tilespmem:s19+$0xFFFFFFE0] =	vst v0  }
.LBB2_5:
0xa8: {  	s20 =	sadd.s32 $0x8, s20;
	[tilespmem:s19+$0xFFFFFFD0] =	vst v0;
	s19 =	sadd.s32 $0x80, s19  }
0xa9: {  	[tilespmem:s19+$0xFFFFFFC0] =	vst v0;
	p0 =	slt.u32 s20, $0x278  }
0xaa: {  	[tilespmem:s19+$0x30] =	vst v0  }
.Ltmp1:
0xab: {  	[tilespmem:s19+$0x20] =	vst v0;
	(pc) =	sbr.rel @p0 .LBB2_5-.Ltmp1, $4  }
0xac: {  	[tilespmem:s19+$0x10] =	vst v0  }
0xad: {  	[tilespmem:s19+$0x0] =	vst v0  }
0xae: {  	[tilespmem:s19+$0xFFFFFFF0] =	vst v0  }
0xaf: {  	[tilespmem:s19+$0xFFFFFFE0] =	vst v0  }
0xb0: {  	[tilespmem:s19+$0xFFFFFFD0] =	vst v0  }
0xb1: {  	v1 =	vld [tilespmem:$0x14050]  }
0xb2: {  	v2 =	vld [tilespmem:$0x14060]  }
0xb3: {  	v3 =	vld [tilespmem:$0x14070]  }
0xb4: {  	v4 =	vld [tilespmem:$0x14080]  }
0xb5: {  	v5 =	vld [tilespmem:$0x14090]  }
0xb6: {  	[tilespmem:$0x1E140] =	vst v1  }
0xb7: {  	[tilespmem:$0x1E150] =	vst v2  }
0xb8: {  	[tilespmem:$0x1E160] =	vst v3  }
0xb9: {  	s19 =	sadd.s32 s18, s28;
	[tilespmem:$0x1E170] =	vst v4  }
0xba: {  	s20 =	smul.u32 $0xA, s19;
	[tilespmem:$0x1E180] =	vst v5  }
0xbb: {  	[spmem:s2] =	stream.indirect.scatter.add.f32 [tilespmem:s31], [sflag:$0x5], $0x80, s24, s4, $0xb8;
	[tilespmem:$0x1E1E0] =	vst v63  }
0xbc: {  	s20 =	sadd.s32 s6, s20  }
0xbd: {  	[tilespmem:s8], [sflag:$0x1] =	stream.strided.gather [hbm4b:s20+s4], $0xA0, s7, s4, $0x38;
	[tilespmem:$0x1E1E0] =	vst v63  }
0xbe: {  	_ =	swait.ge [sflag:s9], $0xA0  }
0xbf: {  	[sflag:s9] =	ssyncset.done $0x0  }
0xc0: {  	[sflag:s9] =	ssyncadd.s32 $0xFFFFFF60  }
0xc1: {  	_ =	swait.ge [sflag:s25], $0x2800  }
0xc2: {  	[sflag:s25] =	ssyncset.done $0x0  }
0xc3: {  	s19 =	smul.u32 $0x500, s19;
	[sflag:s25] =	ssyncadd.s32 $0xFFFFD800  }
0xc4: {  	[tilespmem:s31], [sflag:$0x3] =	stream.indirect.gather [hbm4b:s1+s4], $0x80, s8, s4, $0xb8;
	[tilespmem:$0x1E1E0] =	vst v63  }
0xc5: {  	s19 =	sadd.s32 s5, s19  }
0xc6: {  	[tilespmem:s11], [sflag:$0x3] =	stream.linear.gather [hbm4b:s19+s3], $0x2800, $0x38;
	[tilespmem:$0x1E1E0] =	vst v63  }
0xc7: {  	_ =	swait.ge [sflag:s30], $0x2800  }
0xc8: {  	[sflag:s30] =	ssyncset.done $0x0  }
0xc9: {  	[sflag:s30] =	ssyncadd.s32 $0xFFFFD800  }
0xca: {  	_ =	swait.ge [sflag:s30], $0x2800  }
0xcb: {  	[sflag:s30] =	ssyncset.done $0x0  }
0xcc: {  	s19 =	simm.s32 $0x16980;
	[sflag:s30] =	ssyncadd.s32 $0xFFFFD800  }
0xcd: {  	[tilespmem:s19+$0xFFFFFFC0] =	vst v0  }
0xce: {  	[tilespmem:s19+$0x30] =	vst v0  }
0xcf: {  	[tilespmem:s19+$0x20] =	vst v0  }
0xd0: {  	[tilespmem:s19+$0x10] =	vst v0  }
0xd1: {  	[tilespmem:s19+$0x0] =	vst v0  }
0xd2: {  	[tilespmem:s19+$0xFFFFFFF0] =	vst v0  }
0xd3: {  	s20 =	simm.s32 $0x0;
	[tilespmem:s19+$0xFFFFFFE0] =	vst v0  }
.LBB2_7:
0xd4: {  	s20 =	sadd.s32 $0x8, s20;
	[tilespmem:s19+$0xFFFFFFD0] =	vst v0;
	s19 =	sadd.s32 $0x80, s19  }
0xd5: {  	[tilespmem:s19+$0xFFFFFFC0] =	vst v0;
	p0 =	slt.u32 s20, $0x278  }
0xd6: {  	[tilespmem:s19+$0x30] =	vst v0  }
.Ltmp2:
0xd7: {  	[tilespmem:s19+$0x20] =	vst v0;
	(pc) =	sbr.rel @p0 .LBB2_7-.Ltmp2, $4  }
0xd8: {  	[tilespmem:s19+$0x10] =	vst v0  }
0xd9: {  	[tilespmem:s19+$0x0] =	vst v0  }
0xda: {  	[tilespmem:s19+$0xFFFFFFF0] =	vst v0  }
0xdb: {  	[tilespmem:s19+$0xFFFFFFE0] =	vst v0  }
0xdc: {  	[tilespmem:s19+$0xFFFFFFD0] =	vst v0  }
0xdd: {  	v1 =	vld [tilespmem:$0x140F0]  }
0xde: {  	v2 =	vld [tilespmem:$0x14100]  }
0xdf: {  	v3 =	vld [tilespmem:$0x14110]  }
0xe0: {  	v4 =	vld [tilespmem:$0x14120]  }
0xe1: {  	v5 =	vld [tilespmem:$0x14130]  }
0xe2: {  	p0 =	seq.s32 s17, $0x3D;
	[tilespmem:$0x1E190] =	vst v1  }
.Ltmp3:
0xe3: {  	[tilespmem:$0x1E1A0] =	vst v2;
	(pc) =	sbr.rel @p0 .LBB2_10-.Ltmp3, $4  }
0xe4: {  	[tilespmem:$0x1E1B0] =	vst v3  }
0xe5: {  	[tilespmem:$0x1E1C0] =	vst v4  }
0xe6: {  	[tilespmem:$0x1E1D0] =	vst v5  }
0xe7: {  	[spmem:s2] =	stream.indirect.scatter.add.f32 [tilespmem:s13], [sflag:$0x6], $0x80, s15, s4, $0xb8;
	[tilespmem:$0x1E1E0] =	vst v63  }
.Ltmp4:
0xe8: {  	s18 =	sadd.s32 s18, s29;
	(pc) =	sbr.rel .LBB2_4-.Ltmp4, $3  }
0xe9: {  	s18 =	smul.u32 $0xA, s18;
	_ =	sdelay $0x1  }
0xea: {  	s17 =	sadd.s32 $0x1, s17;
	s18 =	sadd.s32 s6, s18  }
0xeb: {  	[tilespmem:s10], [sflag:$0x2] =	stream.strided.gather [hbm4b:s18+s4], $0xA0, s7, s4, $0x38;
	[tilespmem:$0x1E1E0] =	vst v63  }
.LBB2_10:
0xec: {  	_ =	swait.ge [sflag:s23], $0x2800  }
0xed: {  	[sflag:s23] =	ssyncset.done $0x0  }
0xee: {  	[sflag:s23] =	ssyncadd.s32 $0xFFFFD800  }
0xef: {  	_ =	swait.ge [sflag:s23], $0x2800  }
0xf0: {  	[sflag:s23] =	ssyncset.done $0x0  }
0xf1: {  	s17 =	simm.s32 $0x14180;
	[sflag:s23] =	ssyncadd.s32 $0xFFFFD800  }
0xf2: {  	[tilespmem:s17+$0xFFFFFFC0] =	vst v0  }
0xf3: {  	[tilespmem:s17+$0x30] =	vst v0  }
0xf4: {  	[tilespmem:s17+$0x20] =	vst v0  }
0xf5: {  	[tilespmem:s17+$0x10] =	vst v0  }
0xf6: {  	[tilespmem:s17+$0x0] =	vst v0  }
0xf7: {  	[tilespmem:s17+$0xFFFFFFF0] =	vst v0  }
0xf8: {  	s18 =	simm.s32 $0x0;
	[tilespmem:s17+$0xFFFFFFE0] =	vst v0  }
.LBB2_11:
0xf9: {  	s18 =	sadd.s32 $0x8, s18;
	[tilespmem:s17+$0xFFFFFFD0] =	vst v0;
	s17 =	sadd.s32 $0x80, s17  }
0xfa: {  	[tilespmem:s17+$0xFFFFFFC0] =	vst v0;
	p0 =	slt.u32 s18, $0x278  }
0xfb: {  	[tilespmem:s17+$0x30] =	vst v0  }
.Ltmp5:
0xfc: {  	[tilespmem:s17+$0x20] =	vst v0;
	(pc) =	sbr.rel @p0 .LBB2_11-.Ltmp5, $4  }
0xfd: {  	[tilespmem:s17+$0x10] =	vst v0  }
0xfe: {  	[tilespmem:s17+$0x0] =	vst v0  }
0xff: {  	[tilespmem:s17+$0xFFFFFFF0] =	vst v0  }
0x100: {  	[tilespmem:s17+$0xFFFFFFE0] =	vst v0  }
0x101: {  	[tilespmem:s17+$0xFFFFFFD0] =	vst v0  }
0x102: {  	v1 =	vld [tilespmem:$0x14050]  }
0x103: {  	v2 =	vld [tilespmem:$0x14060]  }
0x104: {  	v3 =	vld [tilespmem:$0x14070]  }
0x105: {  	v4 =	vld [tilespmem:$0x14080]  }
0x106: {  	v5 =	vld [tilespmem:$0x14090]  }
0x107: {  	[tilespmem:$0x1E140] =	vst v1  }
0x108: {  	[tilespmem:$0x1E150] =	vst v2  }
0x109: {  	[tilespmem:$0x1E160] =	vst v3  }
0x10a: {  	[tilespmem:$0x1E170] =	vst v4  }
0x10b: {  	[tilespmem:$0x1E180] =	vst v5  }
0x10c: {  	[spmem:s2] =	stream.indirect.scatter.add.f32 [tilespmem:s31], [sflag:$0x7], $0x80, s24, s4, $0xb8;
	[tilespmem:$0x1E1E0] =	vst v63  }
0x10d: {  	_ =	swait.ge [sflag:s0], $0x2800  }
0x10e: {  	[sflag:s0] =	ssyncset.done $0x0  }
0x10f: {  	s19 =	simm.s32 $0x6;
	[sflag:s0] =	ssyncadd.s32 $0xFFFFD800  }
0x110: {  	_ =	swait.ge [sflag:s19], $0x2800  }
0x111: {  	[sflag:s19] =	ssyncset.done $0x0  }
0x112: {  	[sflag:s19] =	ssyncadd.s32 $0xFFFFD800  }
0x113: {  	[bflag:$0x0] =	sbarrier.arrive $0xFFFF  }
0x114: {  	[tilespmem:s31], [sflag:$0x7] =	stream.linear.gather [spmem:s21], $0x2800, $0x38;
	[tilespmem:$0x1E1E0] =	vst v63  }
0x115: {  	_ =	swait.ge [sflag:s0], $0x2800  }
0x116: {  	[sflag:s0] =	ssyncset.done $0x0  }
0x117: {  	s20 =	rddreg [dreg:$0x4];
	[sflag:s0] =	ssyncadd.s32 $0xFFFFD800  }
0x118: {  	[hbm4b:s20+s3] =	stream.linear.scatter [tilespmem:s31], [sflag:$0x7], $0x2800, $0x38;
	[tilespmem:$0x1E1E0] =	vst v63  }
0x119: {  	_ =	swait.ge [sflag:s0], $0x2800  }
0x11a: {  	[sflag:s0] =	ssyncset.done $0x0  }
0x11b: {  	[sflag:s0] =	ssyncadd.s32 $0xFFFFD800  }
0x11c: {  	[tilespmem:s31], [sflag:$0x7] =	stream.linear.gather [spmem:s22], $0x2800, $0x38;
	[tilespmem:$0x1E1E0] =	vst v63  }
0x11d: {  	_ =	swait.ge [sflag:s0], $0x2800  }
0x11e: {  	[sflag:s0] =	ssyncset.done $0x0  }
0x11f: {  	s19 =	smov.u32 s21;
	s21 =	rddreg [dreg:$0x5];
	[sflag:s0] =	ssyncadd.s32 $0xFFFFD800  }
0x120: {  	[hbm4b:s21+s3] =	stream.linear.scatter [tilespmem:s31], [sflag:$0x7], $0x2800, $0x38;
	[tilespmem:$0x1E1E0] =	vst v63  }
0x121: {  	_ =	swait.ge [sflag:s0], $0x2800  }
0x122: {  	[sflag:s0] =	ssyncset.done $0x0  }
0x123: {  	s20 =	smov.u32 s22;
	s22 =	rddreg [dreg:$0xc];
	[sflag:s0] =	ssyncadd.s32 $0xFFFFD800  }
0x124: {  	[tilespmem:s31], [sflag:$0x7] =	stream.linear.gather [spmem:s22], $0x2800, $0x38;
	[tilespmem:$0x1E1E0] =	vst v63  }
0x125: {  	_ =	swait.ge [sflag:s0], $0x2800  }
0x126: {  	[sflag:s0] =	ssyncset.done $0x0  }
0x127: {  	s18 =	rddreg [dreg:$0x6];
	[sflag:s0] =	ssyncadd.s32 $0xFFFFD800  }
0x128: {  	[hbm4b:s18+s3] =	stream.linear.scatter [tilespmem:s31], [sflag:$0x7], $0x2800, $0x38;
	[tilespmem:$0x1E1E0] =	vst v63  }
0x129: {  	_ =	swait.ge [sflag:s0], $0x2800  }
0x12a: {  	[sflag:s0] =	ssyncset.done $0x0  }
0x12b: {  	s21 =	rddreg [dreg:$0xd];
	[sflag:s0] =	ssyncadd.s32 $0xFFFFD800  }
0x12c: {  	[tilespmem:s31], [sflag:$0x7] =	stream.linear.gather [spmem:s21], $0x2800, $0x38;
	[tilespmem:$0x1E1E0] =	vst v63  }
0x12d: {  	_ =	swait.ge [sflag:s0], $0x2800  }
0x12e: {  	[sflag:s0] =	ssyncset.done $0x0  }
0x12f: {  	s22 =	rddreg [dreg:$0x7];
	[sflag:s0] =	ssyncadd.s32 $0xFFFFD800  }
0x130: {  	[hbm4b:s22+s3] =	stream.linear.scatter [tilespmem:s31], [sflag:$0x7], $0x2800, $0x38;
	[tilespmem:$0x1E1E0] =	vst v63  }
0x131: {  	_ =	swait.ge [sflag:s0], $0x2800  }
0x132: {  	[sflag:s0] =	ssyncset.done $0x0  }
0x133: {  	s18 =	rddreg [dreg:$0xe];
	[sflag:s0] =	ssyncadd.s32 $0xFFFFD800  }
0x134: {  	[tilespmem:s31], [sflag:$0x7] =	stream.linear.gather [spmem:s18], $0x2800, $0x38;
	[tilespmem:$0x1E1E0] =	vst v63  }
0x135: {  	_ =	swait.ge [sflag:s0], $0x2800  }
0x136: {  	[sflag:s0] =	ssyncset.done $0x0  }
0x137: {  	s21 =	rddreg [dreg:$0x8];
	[sflag:s0] =	ssyncadd.s32 $0xFFFFD800  }
0x138: {  	[hbm4b:s21+s3] =	stream.linear.scatter [tilespmem:s31], [sflag:$0x7], $0x2800, $0x38;
	[tilespmem:$0x1E1E0] =	vst v63  }
0x139: {  	_ =	swait.ge [sflag:s0], $0x2800  }
0x13a: {  	[sflag:s0] =	ssyncset.done $0x0  }
0x13b: {  	s22 =	rddreg [dreg:$0xf];
	[sflag:s0] =	ssyncadd.s32 $0xFFFFD800  }
0x13c: {  	[tilespmem:s31], [sflag:$0x7] =	stream.linear.gather [spmem:s22], $0x2800, $0x38;
	[tilespmem:$0x1E1E0] =	vst v63  }
0x13d: {  	_ =	swait.ge [sflag:s0], $0x2800  }
0x13e: {  	[sflag:s0] =	ssyncset.done $0x0  }
0x13f: {  	s18 =	rddreg [dreg:$0x9];
	[sflag:s0] =	ssyncadd.s32 $0xFFFFD800  }
0x140: {  	[hbm4b:s18+s3] =	stream.linear.scatter [tilespmem:s31], [sflag:$0x7], $0x2800, $0x38;
	[tilespmem:$0x1E1E0] =	vst v63  }
0x141: {  	_ =	swait.ge [sflag:s0], $0x2800  }
0x142: {  	[sflag:s0] =	ssyncset.done $0x0  }
0x143: {  	s21 =	rddreg [dreg:$0x10];
	[sflag:s0] =	ssyncadd.s32 $0xFFFFD800  }
0x144: {  	[tilespmem:s31], [sflag:$0x7] =	stream.linear.gather [spmem:s21], $0x2800, $0x38;
	[tilespmem:$0x1E1E0] =	vst v63  }
0x145: {  	_ =	swait.ge [sflag:s0], $0x2800  }
0x146: {  	[sflag:s0] =	ssyncset.done $0x0  }
0x147: {  	s22 =	rddreg [dreg:$0xa];
	[sflag:s0] =	ssyncadd.s32 $0xFFFFD800  }
0x148: {  	[hbm4b:s22+s3] =	stream.linear.scatter [tilespmem:s31], [sflag:$0x7], $0x2800, $0x38;
	[tilespmem:$0x1E1E0] =	vst v63  }
0x149: {  	_ =	swait.ge [sflag:s0], $0x2800  }
0x14a: {  	[sflag:s0] =	ssyncset.done $0x0  }
0x14b: {  	s18 =	rddreg [dreg:$0x11];
	[sflag:s0] =	ssyncadd.s32 $0xFFFFD800  }
0x14c: {  	[tilespmem:s31], [sflag:$0x7] =	stream.linear.gather [spmem:s18], $0x2800, $0x38;
	[tilespmem:$0x1E1E0] =	vst v63  }
0x14d: {  	_ =	swait.ge [sflag:s0], $0x2800  }
0x14e: {  	[sflag:s0] =	ssyncset.done $0x0  }
0x14f: {  	s21 =	rddreg [dreg:$0xb];
	[sflag:s0] =	ssyncadd.s32 $0xFFFFD800  }
0x150: {  	[hbm4b:s21+s3] =	stream.linear.scatter [tilespmem:s31], [sflag:$0x7], $0x2800, $0x38;
	[tilespmem:$0x1E1E0] =	vst v63  }
0x151: {  	_ =	swait.ge [sflag:s0], $0x2800  }
0x152: {  	s16 =	sadd.s32 $0x1, s16;
	s22 =	rddreg [dreg:$0x15]  }
0x153: {  	p0 =	sne.s32 s16, s22  }
.Ltmp6:
0x154: {  	_ = 	snop;
	(pc) =	sbr.rel @p0 .LBB2_1-.Ltmp6, $3  }
0x155: {  	_ =	sdelay $0x1  }
0x156: {  	[sflag:s0] =	ssyncset.done $0x0  }
0x157: {  	[sflag:s0] =	ssyncadd.s32 $0xFFFFD800  }
0x158: {  	_ =	sfence.sel $0x180000  }
0x159: {  	[bflag:$0x0] =	sbarrier.arrive $0xFFFF  }
0x15a: {  	_ =	strace $0x90000047  }
0x15b: {  	s0 =	stileid.u32;
	[bflag:$0x2] =	sbarrier.arrive $0xFFFF  }
0x15c: {  	p0 =	sne.s32 s0, $0x0;
	s0 =	rddreg [dreg:$0x3]  }
0x15d: {  	s0 =	sadd.s32 @!p0 $0x100000, s0  }
0x15e: {  	[sflag:s0] =	ssyncadd.tile.s32 @!p0 $0x1;
	_ =	shalt  }
.Lfunc_end2:
_tile_overlayer_lowered:
.L_overlay_start_2:
0x15f: {  	(tag) =	ssettag $0x2  }
0x160: {  	s0 =	rddreg [dreg:$0x0];
	s2 =	stileid.u32  }
0x161: {  	s1 =	rddreg [dreg:$0x1];
	p0 =	sne.s32 s2, $0x0  }
0x162: {  	s3 =	rddreg [dreg:$0x2];
	[bflag:$0x3] =	sbarrier.arrive $0xFFFF;
	s2 =	simm.s32 @!p0 $0x1C07  }
0x163: {  	[timem:s3], [sflag:s2] =	dma.local @!p0 [hbm:s0], s1  }
0x164: {  	s0 =	simm.s32 @!p0 $0x7  }
0x165: {  	_ =	swait.ge @!p0 [sflag:s0], s1  }
0x166: {  	s1 =	ssub.s32 @!p0 $0x0, s1;
	[sflag:s0] =	ssyncset.done @!p0 $0x0  }
0x167: {  	[sflag:s0] =	ssyncadd.s32 @!p0 s1  }
0x168: {  	[bflag:$0x3] =	sbarrier.arrive $0xFFFF  }
0x169: {  	_ =	shalt  }

</sc_bundles>
